<compile_context>
chip_gen: v7x
topology: tpu7x:2x2x1
jax: 0.10.2.dev20260603
libtpu: 0.0.44.dev20260713+nightly
codegen_flags: <defaults>
</compile_context>

<pallas_src>
import functools

import jax
import jax.numpy as jnp
from jax import lax
from jax.experimental import pallas as pl
from jax.experimental.pallas import tpu as pltpu
from jax.experimental.pallas import tpu_sc as plsc

N = 10000
E = 320000
D_IN = 128
D_HID = 16
D_OUT = 128

NC = 2
NS = 16
NW = NC * NS
C = 128
NCHUNK = 80
EPT = NCHUNK * C
E_PAD = EPT * NW
N_P = 10240
RPT = N_P // NS
G = 8
NF = N_P // G
W128 = G * D_HID

_f32 = jnp.float32
_i32 = jnp.int32

_mesh = plsc.VectorSubcoreMesh(core_axis_name="c", subcore_axis_name="s",
                               num_cores=NC, num_subcores=NS)
_sc_params = pltpu.CompilerParams(use_tc_tiling_on_sc=False)



NBUF = 10


@functools.partial(
    pl.kernel,
    out_type=jax.ShapeDtypeStruct((NC * N_P, D_HID), _f32),
    mesh=_mesh,
    scratch_types=[
        pltpu.VMEM((NCHUNK, C), _i32),
        pltpu.VMEM((NCHUNK, C), _i32),
        [pltpu.VMEM((C, D_HID), _f32) for _ in range(NBUF)],
        [pltpu.SemaphoreType.DMA for _ in range(NBUF)],
        [pltpu.SemaphoreType.DMA for _ in range(NBUF)],
        pltpu.VMEM_SHARED((N_P, D_HID), _f32),
    ],
    compiler_params=_sc_params,
)
def _seg_sum(table_hbm, src_hbm, dst_hbm, out_hbm,
             src_v, dst_v, rows, gsem, ssem, acc_sh):
    cid = lax.axis_index("c")
    sid = lax.axis_index("s")
    tid = cid * NS + sid

    @pl.loop(0, C)
    def _(i):
        rows[0][i, :] = jnp.zeros((D_HID,), _f32)

    @pl.loop(0, RPT // C)
    def _(k):
        pltpu.sync_copy(rows[0], acc_sh.at[pl.ds(sid * RPT + k * C, C)])

    pltpu.sync_copy(src_hbm.at[pl.ds(tid * NCHUNK, NCHUNK)], src_v)
    pltpu.sync_copy(dst_hbm.at[pl.ds(tid * NCHUNK, NCHUNK)], dst_v)
    plsc.subcore_barrier()

    def gather(j, b):
        pltpu.async_copy(table_hbm.at[src_v.at[j]], rows[b], gsem[b])

    def wait_gather(j, b):
        pltpu.make_async_copy(table_hbm.at[src_v.at[j]], rows[b],
                              gsem[b]).wait()

    def scatter(j, b):
        pltpu.async_copy(rows[b], acc_sh.at[dst_v.at[j]], ssem[b], add=True)

    def wait_scatter(j, b):
        pltpu.make_async_copy(rows[b], acc_sh.at[dst_v.at[j]],
                              ssem[b]).wait()

    D = NBUF // 2
    for j in range(D):
        gather(j, j)
    for j in range(D):
        wait_gather(j, j)
        scatter(j, j)
        gather(j + D, j + D)

    @pl.loop(D, NCHUNK - D, step=NBUF)
    def _(j0):
        for b in range(NBUF):
            j = j0 + b
            buf = (D + b) % NBUF
            wait_gather(j, buf)
            scatter(j, buf)
            bg = (D + b + D) % NBUF
            wait_scatter(j - D, bg)
            gather(j + D, bg)

    for j in range(NCHUNK - D, NCHUNK):
        wait_gather(j, j % NBUF)
        scatter(j, j % NBUF)
    for j in range(NCHUNK - NBUF, NCHUNK):
        wait_scatter(j, j % NBUF)

    plsc.subcore_barrier()
    pltpu.sync_copy(acc_sh.at[pl.ds(sid * RPT, RPT)],
                    out_hbm.at[pl.ds(cid * N_P + sid * RPT, RPT)])


@functools.partial(
    pl.kernel,
    out_type=jax.ShapeDtypeStruct((NC * N_P, D_HID), _f32),
    mesh=_mesh,
    scratch_types=[
        pltpu.VMEM((NCHUNK, C), _i32),
        pltpu.VMEM((C, D_HID), _f32),
        [pltpu.SemaphoreType.DMA for _ in range(8)],
        pltpu.VMEM_SHARED((N_P, D_HID), _f32),
    ],
    compiler_params=_sc_params,
)
def _count(dst_hbm, out_hbm, dst_v, rows_v, csem, acc_sh):
    cid = lax.axis_index("c")
    sid = lax.axis_index("s")
    tid = cid * NS + sid

    @pl.loop(0, C)
    def _(i):
        rows_v[i, :] = jnp.zeros((D_HID,), _f32)

    @pl.loop(0, RPT // C)
    def _(k):
        pltpu.sync_copy(rows_v, acc_sh.at[pl.ds(sid * RPT + k * C, C)])

    @pl.loop(0, C)
    def _(i):
        rows_v[i, :] = jnp.ones((D_HID,), _f32)

    pltpu.sync_copy(dst_hbm.at[pl.ds(tid * NCHUNK, NCHUNK)], dst_v)
    plsc.subcore_barrier()

    def scatter(j, b):
        pltpu.async_copy(rows_v, acc_sh.at[dst_v.at[j]], csem[b], add=True)

    def wait_scatter(j, b):
        pltpu.make_async_copy(rows_v, acc_sh.at[dst_v.at[j]], csem[b]).wait()

    for j in range(8):
        scatter(j, j)

    @pl.loop(8, NCHUNK, step=8)
    def _(j0):
        for b in range(8):
            j = j0 + b
            wait_scatter(j - 8, b)
            scatter(j, b)

    for j in range(NCHUNK - 8, NCHUNK):
        wait_scatter(j, j % 8)

    plsc.subcore_barrier()
    pltpu.sync_copy(acc_sh.at[pl.ds(sid * RPT, RPT)],
                    out_hbm.at[pl.ds(cid * N_P + sid * RPT, RPT)])



EPB = 81920
NBLK = E_PAD // EPB


def _prep_body(e_ref, src_ref, dst_ref):
    i = pl.program_id(0)
    s = e_ref[0].reshape(EPB // C, C)
    d = e_ref[1].reshape(EPB // C, C)
    row = lax.broadcasted_iota(_i32, (EPB // C, C), 0)
    lane = lax.broadcasted_iota(_i32, (EPB // C, C), 1)
    eid = i * EPB + row * C + lane
    valid = eid < E
    src_ref[...] = jnp.where(valid, s, eid & 8191)
    dst_ref[...] = jnp.where(valid, d, N + (eid & 127))


def _prep(edge_index):
    return pl.pallas_call(
        _prep_body,
        grid=(NBLK,),
        in_specs=[pl.BlockSpec((2, EPB), lambda i: (0, i))],
        out_specs=[pl.BlockSpec((EPB // C, C), lambda i: (i, 0)),
                   pl.BlockSpec((EPB // C, C), lambda i: (i, 0))],
        out_shape=[jax.ShapeDtypeStruct((NW * NCHUNK, C), _i32),
                   jax.ShapeDtypeStruct((NW * NCHUNK, C), _i32)],
    )(edge_index)


def _full(shape):
    return pl.BlockSpec(shape, lambda i: tuple(0 for _ in shape))


def _p2():
    return [pl.BlockSpec((NF, W128), lambda i: (0, 0)),
            pl.BlockSpec((NF, W128), lambda i: (1, 0))]


def _mm1_body(xg_ref, wbd_ref, o_ref):
    o_ref[...] = jnp.dot(xg_ref[...], wbd_ref[...], preferred_element_type=_f32)


def _matmul1(x_g, W_bd):
    return pl.pallas_call(
        _mm1_body,
        grid=(1,),
        in_specs=[_full((NF, G * D_IN)), _full((G * D_IN, W128))],
        out_specs=_full((NF, W128)),
        out_shape=jax.ShapeDtypeStruct((NF, W128), _f32),
    )(x_g, W_bd)


def _scale1_body(cnt0_ref, cnt1_ref, h1_ref, hs_ref, dinv_ref):
    dinv = lax.rsqrt(cnt0_ref[...] + cnt1_ref[...] + 1.0)
    dinv_ref[...] = dinv
    hs_ref[...] = dinv * h1_ref[...]


def _scale1(cnt_f, h1_f):
    return pl.pallas_call(
        _scale1_body,
        grid=(1,),
        in_specs=_p2() + [_full((NF, W128))],
        out_specs=[_full((NF, W128)), _full((NF, W128))],
        out_shape=[jax.ShapeDtypeStruct((NF, W128), _f32),
                   jax.ShapeDtypeStruct((NF, W128), _f32)],
    )(cnt_f, cnt_f, h1_f)


def _scale2_body(s10_ref, s11_ref, h1s_ref, dinv_ref, b1_ref, o_ref):
    out1 = (dinv_ref[...] * (s10_ref[...] + s11_ref[...] + h1s_ref[...])
            + b1_ref[...])
    o_ref[...] = dinv_ref[...] * jnp.maximum(out1, 0.0)


def _scale2(s1_f, h1s_f, dinv_f, b1_t):
    return pl.pallas_call(
        _scale2_body,
        grid=(1,),
        in_specs=_p2() + [_full((NF, W128)), _full((NF, W128)),
                          _full((1, W128))],
        out_specs=_full((NF, W128)),
        out_shape=jax.ShapeDtypeStruct((NF, W128), _f32),
    )(s1_f, s1_f, h1s_f, dinv_f, b1_t)


FBLK = 128


def _final_body(s20_ref, s21_ref, hs_ref, dinv_ref, w2_ref, b2_ref, o_ref):
    u_f = dinv_ref[...] * (s20_ref[...] + s21_ref[...] + hs_ref[...])
    for j in range(G):
        uj = u_f[:, j * D_HID:(j + 1) * D_HID]
        o_ref[j::G, :] = (jnp.dot(uj, w2_ref[...], preferred_element_type=_f32)
                          + b2_ref[...])


def _final(s2_f, hs_f, dinv_f, W2, b2_r):
    return pl.pallas_call(
        _final_body,
        grid=(NF // FBLK,),
        in_specs=[pl.BlockSpec((FBLK, W128), lambda i: (i, 0)),
                  pl.BlockSpec((FBLK, W128), lambda i: (NF // FBLK + i, 0)),
                  pl.BlockSpec((FBLK, W128), lambda i: (i, 0)),
                  pl.BlockSpec((FBLK, W128), lambda i: (i, 0)),
                  pl.BlockSpec((D_HID, D_OUT), lambda i: (0, 0)),
                  pl.BlockSpec((1, D_OUT), lambda i: (0, 0))],
        out_specs=pl.BlockSpec((FBLK * G, D_OUT), lambda i: (i, 0)),
        out_shape=jax.ShapeDtypeStruct((N, D_OUT), _f32),
    )(s2_f, s2_f, hs_f, dinv_f, W2, b2_r)



def _block_diag(W, g):
    a, b = W.shape
    eye = jnp.eye(g, dtype=W.dtype)
    return (eye[:, None, :, None] * W[None, :, None, :]).reshape(g * a, g * b)


def kernel(x, edge_index, W1, b1, W2, b2):
    x = x.astype(_f32)
    src_p, dst_p = _prep(edge_index.astype(_i32))
    x_g = jnp.pad(x.reshape(N // G, G * D_IN), ((0, NF - N // G), (0, 0)))
    W_bd = _block_diag(W1, G)
    b1_t = jnp.tile(b1, G).reshape(1, W128)

    cnt = _count(dst_p)
    cnt_f = cnt.reshape(2 * NF, W128)
    h1_f = _matmul1(x_g, W_bd)
    h1s_f, dinv_f = _scale1(cnt_f, h1_f)
    s1 = _seg_sum(h1s_f.reshape(N_P, D_HID), src_p, dst_p)
    hs_f = _scale2(s1.reshape(2 * NF, W128), h1s_f, dinv_f, b1_t)
    s2 = _seg_sum(hs_f.reshape(N_P, D_HID), src_p, dst_p)
    return _final(s2.reshape(2 * NF, W128), hs_f, dinv_f, W2,
                  b2.reshape(1, D_OUT))

# --- scband reference (transcript-rebuilt; emitter-appended) ---
"""Pipeline reference for scband-gcnsampling-70669391888552 (READ-ONLY COPY).

The authoritative reference and input builder live on the scoring server;
editing this copy changes nothing except your own understanding.
"""

import jax, jax.numpy as jnp
import numpy as np

N = 10000
E = 320000
D_IN = 128
D_HID = 16
D_OUT = 128


def setup_inputs(seed: int = 0) -> dict:
    key = jax.random.key(seed)
    ks = jax.random.split(key, 6)
    x = jax.random.normal(ks[0], (N, D_IN), dtype=jnp.float32)
    edge_index = jax.random.randint(ks[1], (2, E), 0, N)
    W1 = jax.random.normal(ks[2], (D_IN, D_HID), dtype=jnp.float32) * (1.0 / np.sqrt(D_IN))
    b1 = jnp.zeros((D_HID,), dtype=jnp.float32)
    W2 = jax.random.normal(ks[3], (D_HID, D_OUT), dtype=jnp.float32) * (1.0 / np.sqrt(D_HID))
    b2 = jnp.zeros((D_OUT,), dtype=jnp.float32)
    return {"x": x, "edge_index": edge_index, "W1": W1, "b1": b1, "W2": W2, "b2": b2}


def _gcn_layer(x, edge_index, W, b):
    # GCNConv with symmetric normalization and self-loops:
    # out = D^{-1/2} (A + I) D^{-1/2} (x @ W) + b
    n = x.shape[0]
    self_loop = jnp.arange(n, dtype=edge_index.dtype)
    src = jnp.concatenate([edge_index[0], self_loop])
    dst = jnp.concatenate([edge_index[1], self_loop])
    deg = jnp.zeros((n,), dtype=x.dtype).at[dst].add(1.0)
    dinv = jnp.where(deg > 0, deg ** -0.5, 0.0)
    norm = dinv[src] * dinv[dst]
    h = x @ W
    msg = jnp.take(h, src, axis=0) * norm[:, None]
    out = jnp.zeros((n, W.shape[1]), dtype=x.dtype).at[dst].add(msg)
    return out + b


def reference(x, edge_index, W1, b1, W2, b2):
    h = jax.nn.relu(_gcn_layer(x, edge_index, W1, b1))
    # F.dropout(training=self.training) is identity in eval mode
    out = _gcn_layer(h, edge_index, W2, b2)
    return out

if __name__ == "__main__":
    import jax
    _d = setup_inputs()
    print(jax.jit(kernel)(*tuple(_d.values())))

</pallas_src>

<mosaic_0001>
#map = affine_map<(d0, d1) -> (0, 0)>
module attributes {stable_mosaic.version = 14 : i64} {
  func.func @_seg_sum(%arg0: i32, %arg1: i32, %arg2: memref<10240x16xf32, #tpu.memory_space<hbm>>, %arg3: memref<2560x128xi32, #tpu.memory_space<hbm>>, %arg4: memref<2560x128xi32, #tpu.memory_space<hbm>>, %arg5: memref<20480x16xf32, #tpu.memory_space<hbm>>, %arg6: memref<80x128xi32, #tpu.memory_space<vmem>>, %arg7: memref<80x128xi32, #tpu.memory_space<vmem>>, %arg8: memref<128x16xf32, #tpu.memory_space<vmem>>, %arg9: memref<128x16xf32, #tpu.memory_space<vmem>>, %arg10: memref<128x16xf32, #tpu.memory_space<vmem>>, %arg11: memref<128x16xf32, #tpu.memory_space<vmem>>, %arg12: memref<128x16xf32, #tpu.memory_space<vmem>>, %arg13: memref<128x16xf32, #tpu.memory_space<vmem>>, %arg14: memref<128x16xf32, #tpu.memory_space<vmem>>, %arg15: memref<128x16xf32, #tpu.memory_space<vmem>>, %arg16: memref<128x16xf32, #tpu.memory_space<vmem>>, %arg17: memref<128x16xf32, #tpu.memory_space<vmem>>, %arg18: memref<!tpu.dma_semaphore, #tpu.memory_space<semaphore_mem>>, %arg19: memref<!tpu.dma_semaphore, #tpu.memory_space<semaphore_mem>>, %arg20: memref<!tpu.dma_semaphore, #tpu.memory_space<semaphore_mem>>, %arg21: memref<!tpu.dma_semaphore, #tpu.memory_space<semaphore_mem>>, %arg22: memref<!tpu.dma_semaphore, #tpu.memory_space<semaphore_mem>>, %arg23: memref<!tpu.dma_semaphore, #tpu.memory_space<semaphore_mem>>, %arg24: memref<!tpu.dma_semaphore, #tpu.memory_space<semaphore_mem>>, %arg25: memref<!tpu.dma_semaphore, #tpu.memory_space<semaphore_mem>>, %arg26: memref<!tpu.dma_semaphore, #tpu.memory_space<semaphore_mem>>, %arg27: memref<!tpu.dma_semaphore, #tpu.memory_space<semaphore_mem>>, %arg28: memref<!tpu.dma_semaphore, #tpu.memory_space<semaphore_mem>>, %arg29: memref<!tpu.dma_semaphore, #tpu.memory_space<semaphore_mem>>, %arg30: memref<!tpu.dma_semaphore, #tpu.memory_space<semaphore_mem>>, %arg31: memref<!tpu.dma_semaphore, #tpu.memory_space<semaphore_mem>>, %arg32: memref<!tpu.dma_semaphore, #tpu.memory_space<semaphore_mem>>, %arg33: memref<!tpu.dma_semaphore, #tpu.memory_space<semaphore_mem>>, %arg34: memref<!tpu.dma_semaphore, #tpu.memory_space<semaphore_mem>>, %arg35: memref<!tpu.dma_semaphore, #tpu.memory_space<semaphore_mem>>, %arg36: memref<!tpu.dma_semaphore, #tpu.memory_space<semaphore_mem>>, %arg37: memref<!tpu.dma_semaphore, #tpu.memory_space<semaphore_mem>>, %arg38: memref<10240x16xf32, #tpu.memory_space<vmem_shared>>) attributes {dimension_semantics = [#tpu.dimension_semantics<core_parallel>, #tpu.dimension_semantics<subcore_parallel>], iteration_bounds = array<i64: 2, 16>, scalar_prefetch = 0 : i64, scratch_operands = 33 : i64, tpu.core_type = #tpu.core_type<sc_vector_subcore>, window_params = [{transform_indices = #map}, {transform_indices = #map}, {transform_indices = #map}, {transform_indices = #map}]} {
    %mul3A = arith.constant 16 : i32
    %mul3A_0 = arith.muli %arg0, %mul3A : i32
    %add3A = arith.addi %mul3A_0, %arg1 : i32
    %scan3A = arith.constant 0 : i32
    %scan3A_1 = arith.constant 128 : i32
    %scan3A_2 = arith.addi %scan3A, %scan3A_1 : i32
    %scan3A_3 = arith.constant 1 : i32
    scf.for %scan3A_305 = %scan3A to %scan3A_2 step %scan3A_3  : i32 {
      %mul3A_306 = arith.constant 1 : i32
      %mul3A_307 = arith.muli %scan3A_305, %mul3A_306 : i32
      %add3A_308 = arith.constant 0 : i32
      %add3A_309 = arith.addi %add3A_308, %mul3A_307 : i32
      %broadcast_in_dim3A = arith.constant 0.000000e+00 : f32
      %broadcast_in_dim3A_310 = vector.broadcast %broadcast_in_dim3A : f32 to vector<16xf32>
      %swap3A = arith.index_cast %add3A_309 : i32 to index
      %swap3A_311 = arith.constant 0 : index
      %swap3A_312 = tpu.vector_load %arg8[%swap3A, %swap3A_311] {strides = array<i32>} : memref<128x16xf32, #tpu.memory_space<vmem>>, vector<1x16xf32>,
      %swap3A_313 = vector.shape_cast %swap3A_312 : vector<1x16xf32> to vector<16xf32>
      %swap3A_314 = vector.shape_cast %broadcast_in_dim3A_310 : vector<16xf32> to vector<1x16xf32>
      tpu.vector_store %arg8[%swap3A, %swap3A_311], %swap3A_314 {strides = array<i32>} : memref<128x16xf32, #tpu.memory_space<vmem>>, vector<1x16xf32>,
    }
    %scan3A_4 = arith.constant 128 : i32
    %scan3A_5 = arith.constant 0 : i32
    %scan3A_6 = arith.constant 5 : i32
    %scan3A_7 = arith.addi %scan3A_5, %scan3A_6 : i32
    %scan3A_8 = arith.constant 1 : i32
    scf.for %scan3A_305 = %scan3A_5 to %scan3A_7 step %scan3A_8  : i32 {
      %mul3A_306 = arith.constant 1 : i32
      %mul3A_307 = arith.muli %scan3A_305, %mul3A_306 : i32
      %add3A_308 = arith.constant 0 : i32
      %add3A_309 = arith.addi %add3A_308, %mul3A_307 : i32
      %mul3A_310 = arith.constant 640 : i32
      %mul3A_311 = arith.muli %arg1, %mul3A_310 : i32
      %mul3A_312 = arith.constant 128 : i32
      %mul3A_313 = arith.muli %add3A_309, %mul3A_312 : i32
      %add3A_314 = arith.addi %mul3A_311, %mul3A_313 : i32
      "tpu.region"() ({
        %run_scoped3A = tpu.sem_alloc : memref<!tpu.dma_semaphore, #tpu.memory_space<semaphore_mem>>
        %dma_start3A_315 = arith.constant 0 : i32
        %dma_start3A_316 = tpu.memref_slice %arg38[%add3A_314, %dma_start3A_315] : memref<10240x16xf32, #tpu.memory_space<vmem_shared>> -> memref<128x16xf32, #tpu.memory_space<vmem_shared>>
        %dma_start3A_317 = arith.constant 0 : i32
        %dma_start3A_318 = tpu.memref_slice %arg38[%add3A_314, %dma_start3A_317] : memref<10240x16xf32, #tpu.memory_space<vmem_shared>> -> memref<128x16xf32, #tpu.memory_space<vmem_shared>>
        tpu.enqueue_dma source(%arg8 : memref<128x16xf32, #tpu.memory_space<vmem>>) target(%dma_start3A_318 : memref<128x16xf32, #tpu.memory_space<vmem_shared>>) target_semaphore(%run_scoped3A : memref<!tpu.dma_semaphore, #tpu.memory_space<semaphore_mem>>)
        %dma_wait3A_319 = arith.constant 0 : i32
        %dma_wait3A_320 = tpu.memref_slice %arg38[%add3A_314, %dma_wait3A_319] : memref<10240x16xf32, #tpu.memory_space<vmem_shared>> -> memref<128x16xf32, #tpu.memory_space<vmem_shared>>
        %dma_wait3A_321 = arith.constant 0 : i32
        %dma_wait3A_322 = tpu.memref_slice %arg38[%add3A_314, %dma_wait3A_321] : memref<10240x16xf32, #tpu.memory_space<vmem_shared>> -> memref<128x16xf32, #tpu.memory_space<vmem_shared>>
        tpu.wait_dma2 semaphore(%run_scoped3A : memref<!tpu.dma_semaphore, #tpu.memory_space<semaphore_mem>>) src(%arg8 : memref<128x16xf32, #tpu.memory_space<vmem>>) dst(%dma_wait3A_322 : memref<128x16xf32, #tpu.memory_space<vmem_shared>>)
        tpu.yield
      }) : () -> ()
    }
    %scan3A_9 = arith.constant 5 : i32
    %mul3A_10 = arith.constant 80 : i32
    %mul3A_11 = arith.muli %add3A, %mul3A_10 : i32
    "tpu.region"() ({
      %run_scoped3A = tpu.sem_alloc : memref<!tpu.dma_semaphore, #tpu.memory_space<semaphore_mem>>
      %dma_start3A_305 = arith.constant 0 : i32
      %dma_start3A_306 = tpu.memref_slice %arg3[%mul3A_11, %dma_start3A_305] : memref<2560x128xi32, #tpu.memory_space<hbm>> -> memref<80x128xi32, #tpu.memory_space<hbm>>
      %dma_start3A_307 = arith.constant 0 : i32
      %dma_start3A_308 = tpu.memref_slice %arg3[%mul3A_11, %dma_start3A_307] : memref<2560x128xi32, #tpu.memory_space<hbm>> -> memref<80x128xi32, #tpu.memory_space<hbm>>
      tpu.enqueue_dma source(%dma_start3A_308 : memref<80x128xi32, #tpu.memory_space<hbm>>) target(%arg6 : memref<80x128xi32, #tpu.memory_space<vmem>>) target_semaphore(%run_scoped3A : memref<!tpu.dma_semaphore, #tpu.memory_space<semaphore_mem>>)
      %dma_wait3A_309 = arith.constant 0 : i32
      %dma_wait3A_310 = tpu.memref_slice %arg3[%mul3A_11, %dma_wait3A_309] : memref<2560x128xi32, #tpu.memory_space<hbm>> -> memref<80x128xi32, #tpu.memory_space<hbm>>
      %dma_wait3A_311 = arith.constant 0 : i32
      %dma_wait3A_312 = tpu.memref_slice %arg3[%mul3A_11, %dma_wait3A_311] : memref<2560x128xi32, #tpu.memory_space<hbm>> -> memref<80x128xi32, #tpu.memory_space<hbm>>
      tpu.wait_dma2 semaphore(%run_scoped3A : memref<!tpu.dma_semaphore, #tpu.memory_space<semaphore_mem>>) src(%dma_wait3A_312 : memref<80x128xi32, #tpu.memory_space<hbm>>) dst(%arg6 : memref<80x128xi32, #tpu.memory_space<vmem>>)
      tpu.yield
    }) : () -> ()
    %mul3A_12 = arith.constant 80 : i32
    %mul3A_13 = arith.muli %add3A, %mul3A_12 : i32
    "tpu.region"() ({
      %run_scoped3A = tpu.sem_alloc : memref<!tpu.dma_semaphore, #tpu.memory_space<semaphore_mem>>
      %dma_start3A_305 = arith.constant 0 : i32
      %dma_start3A_306 = tpu.memref_slice %arg4[%mul3A_13, %dma_start3A_305] : memref<2560x128xi32, #tpu.memory_space<hbm>> -> memref<80x128xi32, #tpu.memory_space<hbm>>
      %dma_start3A_307 = arith.constant 0 : i32
      %dma_start3A_308 = tpu.memref_slice %arg4[%mul3A_13, %dma_start3A_307] : memref<2560x128xi32, #tpu.memory_space<hbm>> -> memref<80x128xi32, #tpu.memory_space<hbm>>
      tpu.enqueue_dma source(%dma_start3A_308 : memref<80x128xi32, #tpu.memory_space<hbm>>) target(%arg7 : memref<80x128xi32, #tpu.memory_space<vmem>>) target_semaphore(%run_scoped3A : memref<!tpu.dma_semaphore, #tpu.memory_space<semaphore_mem>>)
      %dma_wait3A_309 = arith.constant 0 : i32
      %dma_wait3A_310 = tpu.memref_slice %arg4[%mul3A_13, %dma_wait3A_309] : memref<2560x128xi32, #tpu.memory_space<hbm>> -> memref<80x128xi32, #tpu.memory_space<hbm>>
      %dma_wait3A_311 = arith.constant 0 : i32
      %dma_wait3A_312 = tpu.memref_slice %arg4[%mul3A_13, %dma_wait3A_311] : memref<2560x128xi32, #tpu.memory_space<hbm>> -> memref<80x128xi32, #tpu.memory_space<hbm>>
      tpu.wait_dma2 semaphore(%run_scoped3A : memref<!tpu.dma_semaphore, #tpu.memory_space<semaphore_mem>>) src(%dma_wait3A_312 : memref<80x128xi32, #tpu.memory_space<hbm>>) dst(%arg7 : memref<80x128xi32, #tpu.memory_space<vmem>>)
      tpu.yield
    }) : () -> ()
    %barrier3A = arith.constant 0 : index
    tpu.barrier barrier_id(%barrier3A)
    %dma_start3A = arith.constant 0 : i32
    %dma_start3A_14 = arith.constant 0 : i32
    %dma_start3A_15 = tpu.memref_slice %arg6[%dma_start3A, %dma_start3A_14] : memref<80x128xi32, #tpu.memory_space<vmem>> -> memref<1x128xi32, #tpu.memory_space<vmem>>
    %dma_start3A_16 = tpu.memref_squeeze %dma_start3A_15 : memref<1x128xi32, #tpu.memory_space<vmem>> -> memref<128xi32, #tpu.memory_space<vmem>>
    %dma_start3A_17 = arith.constant 0 : i32
    %dma_start3A_18 = arith.constant 0 : i32
    %dma_start3A_19 = tpu.memref_slice %arg2[%dma_start3A_17, %dma_start3A_18] : memref<10240x16xf32, #tpu.memory_space<hbm>> -> memref<10240x16xf32, #tpu.memory_space<hbm>>
    tpu.enqueue_indirect_dma source(%dma_start3A_19 : memref<10240x16xf32, #tpu.memory_space<hbm>>) target(%arg8 : memref<128x16xf32, #tpu.memory_space<vmem>>) offsets(%dma_start3A_16 : memref<128xi32, #tpu.memory_space<vmem>>) semaphore(%arg18 : memref<!tpu.dma_semaphore, #tpu.memory_space<semaphore_mem>>)
    %dma_start3A_20 = arith.constant 1 : i32
    %dma_start3A_21 = arith.constant 0 : i32
    %dma_start3A_22 = tpu.memref_slice %arg6[%dma_start3A_20, %dma_start3A_21] : memref<80x128xi32, #tpu.memory_space<vmem>> -> memref<1x128xi32, #tpu.memory_space<vmem>>
    %dma_start3A_23 = tpu.memref_squeeze %dma_start3A_22 : memref<1x128xi32, #tpu.memory_space<vmem>> -> memref<128xi32, #tpu.memory_space<vmem>>
    %dma_start3A_24 = arith.constant 0 : i32
    %dma_start3A_25 = arith.constant 0 : i32
    %dma_start3A_26 = tpu.memref_slice %arg2[%dma_start3A_24, %dma_start3A_25] : memref<10240x16xf32, #tpu.memory_space<hbm>> -> memref<10240x16xf32, #tpu.memory_space<hbm>>
    tpu.enqueue_indirect_dma source(%dma_start3A_26 : memref<10240x16xf32, #tpu.memory_space<hbm>>) target(%arg9 : memref<128x16xf32, #tpu.memory_space<vmem>>) offsets(%dma_start3A_23 : memref<128xi32, #tpu.memory_space<vmem>>) semaphore(%arg19 : memref<!tpu.dma_semaphore, #tpu.memory_space<semaphore_mem>>)
    %dma_start3A_27 = arith.constant 2 : i32
    %dma_start3A_28 = arith.constant 0 : i32
    %dma_start3A_29 = tpu.memref_slice %arg6[%dma_start3A_27, %dma_start3A_28] : memref<80x128xi32, #tpu.memory_space<vmem>> -> memref<1x128xi32, #tpu.memory_space<vmem>>
    %dma_start3A_30 = tpu.memref_squeeze %dma_start3A_29 : memref<1x128xi32, #tpu.memory_space<vmem>> -> memref<128xi32, #tpu.memory_space<vmem>>
    %dma_start3A_31 = arith.constant 0 : i32
    %dma_start3A_32 = arith.constant 0 : i32
    %dma_start3A_33 = tpu.memref_slice %arg2[%dma_start3A_31, %dma_start3A_32] : memref<10240x16xf32, #tpu.memory_space<hbm>> -> memref<10240x16xf32, #tpu.memory_space<hbm>>
    tpu.enqueue_indirect_dma source(%dma_start3A_33 : memref<10240x16xf32, #tpu.memory_space<hbm>>) target(%arg10 : memref<128x16xf32, #tpu.memory_space<vmem>>) offsets(%dma_start3A_30 : memref<128xi32, #tpu.memory_space<vmem>>) semaphore(%arg20 : memref<!tpu.dma_semaphore, #tpu.memory_space<semaphore_mem>>)
    %dma_start3A_34 = arith.constant 3 : i32
    %dma_start3A_35 = arith.constant 0 : i32
    %dma_start3A_36 = tpu.memref_slice %arg6[%dma_start3A_34, %dma_start3A_35] : memref<80x128xi32, #tpu.memory_space<vmem>> -> memref<1x128xi32, #tpu.memory_space<vmem>>
    %dma_start3A_37 = tpu.memref_squeeze %dma_start3A_36 : memref<1x128xi32, #tpu.memory_space<vmem>> -> memref<128xi32, #tpu.memory_space<vmem>>
    %dma_start3A_38 = arith.constant 0 : i32
    %dma_start3A_39 = arith.constant 0 : i32
    %dma_start3A_40 = tpu.memref_slice %arg2[%dma_start3A_38, %dma_start3A_39] : memref<10240x16xf32, #tpu.memory_space<hbm>> -> memref<10240x16xf32, #tpu.memory_space<hbm>>
    tpu.enqueue_indirect_dma source(%dma_start3A_40 : memref<10240x16xf32, #tpu.memory_space<hbm>>) target(%arg11 : memref<128x16xf32, #tpu.memory_space<vmem>>) offsets(%dma_start3A_37 : memref<128xi32, #tpu.memory_space<vmem>>) semaphore(%arg21 : memref<!tpu.dma_semaphore, #tpu.memory_space<semaphore_mem>>)
    %dma_start3A_41 = arith.constant 4 : i32
    %dma_start3A_42 = arith.constant 0 : i32
    %dma_start3A_43 = tpu.memref_slice %arg6[%dma_start3A_41, %dma_start3A_42] : memref<80x128xi32, #tpu.memory_space<vmem>> -> memref<1x128xi32, #tpu.memory_space<vmem>>
    %dma_start3A_44 = tpu.memref_squeeze %dma_start3A_43 : memref<1x128xi32, #tpu.memory_space<vmem>> -> memref<128xi32, #tpu.memory_space<vmem>>
    %dma_start3A_45 = arith.constant 0 : i32
    %dma_start3A_46 = arith.constant 0 : i32
    %dma_start3A_47 = tpu.memref_slice %arg2[%dma_start3A_45, %dma_start3A_46] : memref<10240x16xf32, #tpu.memory_space<hbm>> -> memref<10240x16xf32, #tpu.memory_space<hbm>>
    tpu.enqueue_indirect_dma source(%dma_start3A_47 : memref<10240x16xf32, #tpu.memory_space<hbm>>) target(%arg12 : memref<128x16xf32, #tpu.memory_space<vmem>>) offsets(%dma_start3A_44 : memref<128xi32, #tpu.memory_space<vmem>>) semaphore(%arg22 : memref<!tpu.dma_semaphore, #tpu.memory_space<semaphore_mem>>)
    %dma_wait3A = arith.constant 0 : i32
    %dma_wait3A_48 = arith.constant 0 : i32
    %dma_wait3A_49 = tpu.memref_slice %arg6[%dma_wait3A, %dma_wait3A_48] : memref<80x128xi32, #tpu.memory_space<vmem>> -> memref<1x128xi32, #tpu.memory_space<vmem>>
    %dma_wait3A_50 = tpu.memref_squeeze %dma_wait3A_49 : memref<1x128xi32, #tpu.memory_space<vmem>> -> memref<128xi32, #tpu.memory_space<vmem>>
    %dma_wait3A_51 = arith.constant 0 : i32
    %dma_wait3A_52 = arith.constant 0 : i32
    %dma_wait3A_53 = tpu.memref_slice %arg2[%dma_wait3A_51, %dma_wait3A_52] : memref<10240x16xf32, #tpu.memory_space<hbm>> -> memref<10240x16xf32, #tpu.memory_space<hbm>>
    tpu.wait_indirect_dma semaphore(%arg18 : memref<!tpu.dma_semaphore, #tpu.memory_space<semaphore_mem>>) src(%dma_wait3A_53 : memref<10240x16xf32, #tpu.memory_space<hbm>>) dst(%arg8 : memref<128x16xf32, #tpu.memory_space<vmem>>)
    %dma_start3A_54 = arith.constant 0 : i32
    %dma_start3A_55 = arith.constant 0 : i32
    %dma_start3A_56 = tpu.memref_slice %arg7[%dma_start3A_54, %dma_start3A_55] : memref<80x128xi32, #tpu.memory_space<vmem>> -> memref<1x128xi32, #tpu.memory_space<vmem>>
    %dma_start3A_57 = tpu.memref_squeeze %dma_start3A_56 : memref<1x128xi32, #tpu.memory_space<vmem>> -> memref<128xi32, #tpu.memory_space<vmem>>
    %dma_start3A_58 = arith.constant 0 : i32
    %dma_start3A_59 = arith.constant 0 : i32
    %dma_start3A_60 = tpu.memref_slice %arg38[%dma_start3A_58, %dma_start3A_59] : memref<10240x16xf32, #tpu.memory_space<vmem_shared>> -> memref<10240x16xf32, #tpu.memory_space<vmem_shared>>
    tpu.enqueue_indirect_dma source(%arg8 : memref<128x16xf32, #tpu.memory_space<vmem>>) target(%dma_start3A_60 : memref<10240x16xf32, #tpu.memory_space<vmem_shared>>) offsets(%dma_start3A_57 : memref<128xi32, #tpu.memory_space<vmem>>) semaphore(%arg28 : memref<!tpu.dma_semaphore, #tpu.memory_space<semaphore_mem>>) {add = true}
    %dma_start3A_61 = arith.constant 5 : i32
    %dma_start3A_62 = arith.constant 0 : i32
    %dma_start3A_63 = tpu.memref_slice %arg6[%dma_start3A_61, %dma_start3A_62] : memref<80x128xi32, #tpu.memory_space<vmem>> -> memref<1x128xi32, #tpu.memory_space<vmem>>
    %dma_start3A_64 = tpu.memref_squeeze %dma_start3A_63 : memref<1x128xi32, #tpu.memory_space<vmem>> -> memref<128xi32, #tpu.memory_space<vmem>>
    %dma_start3A_65 = arith.constant 0 : i32
    %dma_start3A_66 = arith.constant 0 : i32
    %dma_start3A_67 = tpu.memref_slice %arg2[%dma_start3A_65, %dma_start3A_66] : memref<10240x16xf32, #tpu.memory_space<hbm>> -> memref<10240x16xf32, #tpu.memory_space<hbm>>
    tpu.enqueue_indirect_dma source(%dma_start3A_67 : memref<10240x16xf32, #tpu.memory_space<hbm>>) target(%arg13 : memref<128x16xf32, #tpu.memory_space<vmem>>) offsets(%dma_start3A_64 : memref<128xi32, #tpu.memory_space<vmem>>) semaphore(%arg23 : memref<!tpu.dma_semaphore, #tpu.memory_space<semaphore_mem>>)
    %dma_wait3A_68 = arith.constant 1 : i32
    %dma_wait3A_69 = arith.constant 0 : i32
    %dma_wait3A_70 = tpu.memref_slice %arg6[%dma_wait3A_68, %dma_wait3A_69] : memref<80x128xi32, #tpu.memory_space<vmem>> -> memref<1x128xi32, #tpu.memory_space<vmem>>
    %dma_wait3A_71 = tpu.memref_squeeze %dma_wait3A_70 : memref<1x128xi32, #tpu.memory_space<vmem>> -> memref<128xi32, #tpu.memory_space<vmem>>
    %dma_wait3A_72 = arith.constant 0 : i32
    %dma_wait3A_73 = arith.constant 0 : i32
    %dma_wait3A_74 = tpu.memref_slice %arg2[%dma_wait3A_72, %dma_wait3A_73] : memref<10240x16xf32, #tpu.memory_space<hbm>> -> memref<10240x16xf32, #tpu.memory_space<hbm>>
    tpu.wait_indirect_dma semaphore(%arg19 : memref<!tpu.dma_semaphore, #tpu.memory_space<semaphore_mem>>) src(%dma_wait3A_74 : memref<10240x16xf32, #tpu.memory_space<hbm>>) dst(%arg9 : memref<128x16xf32, #tpu.memory_space<vmem>>)
    %dma_start3A_75 = arith.constant 1 : i32
    %dma_start3A_76 = arith.constant 0 : i32
    %dma_start3A_77 = tpu.memref_slice %arg7[%dma_start3A_75, %dma_start3A_76] : memref<80x128xi32, #tpu.memory_space<vmem>> -> memref<1x128xi32, #tpu.memory_space<vmem>>
    %dma_start3A_78 = tpu.memref_squeeze %dma_start3A_77 : memref<1x128xi32, #tpu.memory_space<vmem>> -> memref<128xi32, #tpu.memory_space<vmem>>
    %dma_start3A_79 = arith.constant 0 : i32
    %dma_start3A_80 = arith.constant 0 : i32
    %dma_start3A_81 = tpu.memref_slice %arg38[%dma_start3A_79, %dma_start3A_80] : memref<10240x16xf32, #tpu.memory_space<vmem_shared>> -> memref<10240x16xf32, #tpu.memory_space<vmem_shared>>
    tpu.enqueue_indirect_dma source(%arg9 : memref<128x16xf32, #tpu.memory_space<vmem>>) target(%dma_start3A_81 : memref<10240x16xf32, #tpu.memory_space<vmem_shared>>) offsets(%dma_start3A_78 : memref<128xi32, #tpu.memory_space<vmem>>) semaphore(%arg29 : memref<!tpu.dma_semaphore, #tpu.memory_space<semaphore_mem>>) {add = true}
    %dma_start3A_82 = arith.constant 6 : i32
    %dma_start3A_83 = arith.constant 0 : i32
    %dma_start3A_84 = tpu.memref_slice %arg6[%dma_start3A_82, %dma_start3A_83] : memref<80x128xi32, #tpu.memory_space<vmem>> -> memref<1x128xi32, #tpu.memory_space<vmem>>
    %dma_start3A_85 = tpu.memref_squeeze %dma_start3A_84 : memref<1x128xi32, #tpu.memory_space<vmem>> -> memref<128xi32, #tpu.memory_space<vmem>>
    %dma_start3A_86 = arith.constant 0 : i32
    %dma_start3A_87 = arith.constant 0 : i32
    %dma_start3A_88 = tpu.memref_slice %arg2[%dma_start3A_86, %dma_start3A_87] : memref<10240x16xf32, #tpu.memory_space<hbm>> -> memref<10240x16xf32, #tpu.memory_space<hbm>>
    tpu.enqueue_indirect_dma source(%dma_start3A_88 : memref<10240x16xf32, #tpu.memory_space<hbm>>) target(%arg14 : memref<128x16xf32, #tpu.memory_space<vmem>>) offsets(%dma_start3A_85 : memref<128xi32, #tpu.memory_space<vmem>>) semaphore(%arg24 : memref<!tpu.dma_semaphore, #tpu.memory_space<semaphore_mem>>)
    %dma_wait3A_89 = arith.constant 2 : i32
    %dma_wait3A_90 = arith.constant 0 : i32
    %dma_wait3A_91 = tpu.memref_slice %arg6[%dma_wait3A_89, %dma_wait3A_90] : memref<80x128xi32, #tpu.memory_space<vmem>> -> memref<1x128xi32, #tpu.memory_space<vmem>>
    %dma_wait3A_92 = tpu.memref_squeeze %dma_wait3A_91 : memref<1x128xi32, #tpu.memory_space<vmem>> -> memref<128xi32, #tpu.memory_space<vmem>>
    %dma_wait3A_93 = arith.constant 0 : i32
    %dma_wait3A_94 = arith.constant 0 : i32
    %dma_wait3A_95 = tpu.memref_slice %arg2[%dma_wait3A_93, %dma_wait3A_94] : memref<10240x16xf32, #tpu.memory_space<hbm>> -> memref<10240x16xf32, #tpu.memory_space<hbm>>
    tpu.wait_indirect_dma semaphore(%arg20 : memref<!tpu.dma_semaphore, #tpu.memory_space<semaphore_mem>>) src(%dma_wait3A_95 : memref<10240x16xf32, #tpu.memory_space<hbm>>) dst(%arg10 : memref<128x16xf32, #tpu.memory_space<vmem>>)
    %dma_start3A_96 = arith.constant 2 : i32
    %dma_start3A_97 = arith.constant 0 : i32
    %dma_start3A_98 = tpu.memref_slice %arg7[%dma_start3A_96, %dma_start3A_97] : memref<80x128xi32, #tpu.memory_space<vmem>> -> memref<1x128xi32, #tpu.memory_space<vmem>>
    %dma_start3A_99 = tpu.memref_squeeze %dma_start3A_98 : memref<1x128xi32, #tpu.memory_space<vmem>> -> memref<128xi32, #tpu.memory_space<vmem>>
    %dma_start3A_100 = arith.constant 0 : i32
    %dma_start3A_101 = arith.constant 0 : i32
    %dma_start3A_102 = tpu.memref_slice %arg38[%dma_start3A_100, %dma_start3A_101] : memref<10240x16xf32, #tpu.memory_space<vmem_shared>> -> memref<10240x16xf32, #tpu.memory_space<vmem_shared>>
    tpu.enqueue_indirect_dma source(%arg10 : memref<128x16xf32, #tpu.memory_space<vmem>>) target(%dma_start3A_102 : memref<10240x16xf32, #tpu.memory_space<vmem_shared>>) offsets(%dma_start3A_99 : memref<128xi32, #tpu.memory_space<vmem>>) semaphore(%arg30 : memref<!tpu.dma_semaphore, #tpu.memory_space<semaphore_mem>>) {add = true}
    %dma_start3A_103 = arith.constant 7 : i32
    %dma_start3A_104 = arith.constant 0 : i32
    %dma_start3A_105 = tpu.memref_slice %arg6[%dma_start3A_103, %dma_start3A_104] : memref<80x128xi32, #tpu.memory_space<vmem>> -> memref<1x128xi32, #tpu.memory_space<vmem>>
    %dma_start3A_106 = tpu.memref_squeeze %dma_start3A_105 : memref<1x128xi32, #tpu.memory_space<vmem>> -> memref<128xi32, #tpu.memory_space<vmem>>
    %dma_start3A_107 = arith.constant 0 : i32
    %dma_start3A_108 = arith.constant 0 : i32
    %dma_start3A_109 = tpu.memref_slice %arg2[%dma_start3A_107, %dma_start3A_108] : memref<10240x16xf32, #tpu.memory_space<hbm>> -> memref<10240x16xf32, #tpu.memory_space<hbm>>
    tpu.enqueue_indirect_dma source(%dma_start3A_109 : memref<10240x16xf32, #tpu.memory_space<hbm>>) target(%arg15 : memref<128x16xf32, #tpu.memory_space<vmem>>) offsets(%dma_start3A_106 : memref<128xi32, #tpu.memory_space<vmem>>) semaphore(%arg25 : memref<!tpu.dma_semaphore, #tpu.memory_space<semaphore_mem>>)
    %dma_wait3A_110 = arith.constant 3 : i32
    %dma_wait3A_111 = arith.constant 0 : i32
    %dma_wait3A_112 = tpu.memref_slice %arg6[%dma_wait3A_110, %dma_wait3A_111] : memref<80x128xi32, #tpu.memory_space<vmem>> -> memref<1x128xi32, #tpu.memory_space<vmem>>
    %dma_wait3A_113 = tpu.memref_squeeze %dma_wait3A_112 : memref<1x128xi32, #tpu.memory_space<vmem>> -> memref<128xi32, #tpu.memory_space<vmem>>
    %dma_wait3A_114 = arith.constant 0 : i32
    %dma_wait3A_115 = arith.constant 0 : i32
    %dma_wait3A_116 = tpu.memref_slice %arg2[%dma_wait3A_114, %dma_wait3A_115] : memref<10240x16xf32, #tpu.memory_space<hbm>> -> memref<10240x16xf32, #tpu.memory_space<hbm>>
    tpu.wait_indirect_dma semaphore(%arg21 : memref<!tpu.dma_semaphore, #tpu.memory_space<semaphore_mem>>) src(%dma_wait3A_116 : memref<10240x16xf32, #tpu.memory_space<hbm>>) dst(%arg11 : memref<128x16xf32, #tpu.memory_space<vmem>>)
    %dma_start3A_117 = arith.constant 3 : i32
    %dma_start3A_118 = arith.constant 0 : i32
    %dma_start3A_119 = tpu.memref_slice %arg7[%dma_start3A_117, %dma_start3A_118] : memref<80x128xi32, #tpu.memory_space<vmem>> -> memref<1x128xi32, #tpu.memory_space<vmem>>
    %dma_start3A_120 = tpu.memref_squeeze %dma_start3A_119 : memref<1x128xi32, #tpu.memory_space<vmem>> -> memref<128xi32, #tpu.memory_space<vmem>>
    %dma_start3A_121 = arith.constant 0 : i32
    %dma_start3A_122 = arith.constant 0 : i32
    %dma_start3A_123 = tpu.memref_slice %arg38[%dma_start3A_121, %dma_start3A_122] : memref<10240x16xf32, #tpu.memory_space<vmem_shared>> -> memref<10240x16xf32, #tpu.memory_space<vmem_shared>>
    tpu.enqueue_indirect_dma source(%arg11 : memref<128x16xf32, #tpu.memory_space<vmem>>) target(%dma_start3A_123 : memref<10240x16xf32, #tpu.memory_space<vmem_shared>>) offsets(%dma_start3A_120 : memref<128xi32, #tpu.memory_space<vmem>>) semaphore(%arg31 : memref<!tpu.dma_semaphore, #tpu.memory_space<semaphore_mem>>) {add = true}
    %dma_start3A_124 = arith.constant 8 : i32
    %dma_start3A_125 = arith.constant 0 : i32
    %dma_start3A_126 = tpu.memref_slice %arg6[%dma_start3A_124, %dma_start3A_125] : memref<80x128xi32, #tpu.memory_space<vmem>> -> memref<1x128xi32, #tpu.memory_space<vmem>>
    %dma_start3A_127 = tpu.memref_squeeze %dma_start3A_126 : memref<1x128xi32, #tpu.memory_space<vmem>> -> memref<128xi32, #tpu.memory_space<vmem>>
    %dma_start3A_128 = arith.constant 0 : i32
    %dma_start3A_129 = arith.constant 0 : i32
    %dma_start3A_130 = tpu.memref_slice %arg2[%dma_start3A_128, %dma_start3A_129] : memref<10240x16xf32, #tpu.memory_space<hbm>> -> memref<10240x16xf32, #tpu.memory_space<hbm>>
    tpu.enqueue_indirect_dma source(%dma_start3A_130 : memref<10240x16xf32, #tpu.memory_space<hbm>>) target(%arg16 : memref<128x16xf32, #tpu.memory_space<vmem>>) offsets(%dma_start3A_127 : memref<128xi32, #tpu.memory_space<vmem>>) semaphore(%arg26 : memref<!tpu.dma_semaphore, #tpu.memory_space<semaphore_mem>>)
    %dma_wait3A_131 = arith.constant 4 : i32
    %dma_wait3A_132 = arith.constant 0 : i32
    %dma_wait3A_133 = tpu.memref_slice %arg6[%dma_wait3A_131, %dma_wait3A_132] : memref<80x128xi32, #tpu.memory_space<vmem>> -> memref<1x128xi32, #tpu.memory_space<vmem>>
    %dma_wait3A_134 = tpu.memref_squeeze %dma_wait3A_133 : memref<1x128xi32, #tpu.memory_space<vmem>> -> memref<128xi32, #tpu.memory_space<vmem>>
    %dma_wait3A_135 = arith.constant 0 : i32
    %dma_wait3A_136 = arith.constant 0 : i32
    %dma_wait3A_137 = tpu.memref_slice %arg2[%dma_wait3A_135, %dma_wait3A_136] : memref<10240x16xf32, #tpu.memory_space<hbm>> -> memref<10240x16xf32, #tpu.memory_space<hbm>>
    tpu.wait_indirect_dma semaphore(%arg22 : memref<!tpu.dma_semaphore, #tpu.memory_space<semaphore_mem>>) src(%dma_wait3A_137 : memref<10240x16xf32, #tpu.memory_space<hbm>>) dst(%arg12 : memref<128x16xf32, #tpu.memory_space<vmem>>)
    %dma_start3A_138 = arith.constant 4 : i32
    %dma_start3A_139 = arith.constant 0 : i32
    %dma_start3A_140 = tpu.memref_slice %arg7[%dma_start3A_138, %dma_start3A_139] : memref<80x128xi32, #tpu.memory_space<vmem>> -> memref<1x128xi32, #tpu.memory_space<vmem>>
    %dma_start3A_141 = tpu.memref_squeeze %dma_start3A_140 : memref<1x128xi32, #tpu.memory_space<vmem>> -> memref<128xi32, #tpu.memory_space<vmem>>
    %dma_start3A_142 = arith.constant 0 : i32
    %dma_start3A_143 = arith.constant 0 : i32
    %dma_start3A_144 = tpu.memref_slice %arg38[%dma_start3A_142, %dma_start3A_143] : memref<10240x16xf32, #tpu.memory_space<vmem_shared>> -> memref<10240x16xf32, #tpu.memory_space<vmem_shared>>
    tpu.enqueue_indirect_dma source(%arg12 : memref<128x16xf32, #tpu.memory_space<vmem>>) target(%dma_start3A_144 : memref<10240x16xf32, #tpu.memory_space<vmem_shared>>) offsets(%dma_start3A_141 : memref<128xi32, #tpu.memory_space<vmem>>) semaphore(%arg32 : memref<!tpu.dma_semaphore, #tpu.memory_space<semaphore_mem>>) {add = true}
    %dma_start3A_145 = arith.constant 9 : i32
    %dma_start3A_146 = arith.constant 0 : i32
    %dma_start3A_147 = tpu.memref_slice %arg6[%dma_start3A_145, %dma_start3A_146] : memref<80x128xi32, #tpu.memory_space<vmem>> -> memref<1x128xi32, #tpu.memory_space<vmem>>
    %dma_start3A_148 = tpu.memref_squeeze %dma_start3A_147 : memref<1x128xi32, #tpu.memory_space<vmem>> -> memref<128xi32, #tpu.memory_space<vmem>>
    %dma_start3A_149 = arith.constant 0 : i32
    %dma_start3A_150 = arith.constant 0 : i32
    %dma_start3A_151 = tpu.memref_slice %arg2[%dma_start3A_149, %dma_start3A_150] : memref<10240x16xf32, #tpu.memory_space<hbm>> -> memref<10240x16xf32, #tpu.memory_space<hbm>>
    tpu.enqueue_indirect_dma source(%dma_start3A_151 : memref<10240x16xf32, #tpu.memory_space<hbm>>) target(%arg17 : memref<128x16xf32, #tpu.memory_space<vmem>>) offsets(%dma_start3A_148 : memref<128xi32, #tpu.memory_space<vmem>>) semaphore(%arg27 : memref<!tpu.dma_semaphore, #tpu.memory_space<semaphore_mem>>)
    %scan3A_152 = arith.constant 0 : i32
    %scan3A_153 = arith.constant 7 : i32
    %scan3A_154 = arith.addi %scan3A_152, %scan3A_153 : i32
    %scan3A_155 = arith.constant 1 : i32
    scf.for %scan3A_305 = %scan3A_152 to %scan3A_154 step %scan3A_155  : i32 {
      %mul3A_306 = arith.constant 10 : i32
      %mul3A_307 = arith.muli %scan3A_305, %mul3A_306 : i32
      %add3A_308 = arith.constant 5 : i32
      %add3A_309 = arith.addi %add3A_308, %mul3A_307 : i32
      %add3A_310 = arith.constant 0 : i32
      %add3A_311 = arith.addi %add3A_309, %add3A_310 : i32
      %dma_wait3A_312 = arith.constant 0 : i32
      %dma_wait3A_313 = tpu.memref_slice %arg6[%add3A_311, %dma_wait3A_312] : memref<80x128xi32, #tpu.memory_space<vmem>> -> memref<1x128xi32, #tpu.memory_space<vmem>>
      %dma_wait3A_314 = tpu.memref_squeeze %dma_wait3A_313 : memref<1x128xi32, #tpu.memory_space<vmem>> -> memref<128xi32, #tpu.memory_space<vmem>>
      %dma_wait3A_315 = arith.constant 0 : i32
      %dma_wait3A_316 = arith.constant 0 : i32
      %dma_wait3A_317 = tpu.memref_slice %arg2[%dma_wait3A_315, %dma_wait3A_316] : memref<10240x16xf32, #tpu.memory_space<hbm>> -> memref<10240x16xf32, #tpu.memory_space<hbm>>
      tpu.wait_indirect_dma semaphore(%arg23 : memref<!tpu.dma_semaphore, #tpu.memory_space<semaphore_mem>>) src(%dma_wait3A_317 : memref<10240x16xf32, #tpu.memory_space<hbm>>) dst(%arg13 : memref<128x16xf32, #tpu.memory_space<vmem>>)
      %dma_start3A_318 = arith.constant 0 : i32
      %dma_start3A_319 = tpu.memref_slice %arg7[%add3A_311, %dma_start3A_318] : memref<80x128xi32, #tpu.memory_space<vmem>> -> memref<1x128xi32, #tpu.memory_space<vmem>>
      %dma_start3A_320 = tpu.memref_squeeze %dma_start3A_319 : memref<1x128xi32, #tpu.memory_space<vmem>> -> memref<128xi32, #tpu.memory_space<vmem>>
      %dma_start3A_321 = arith.constant 0 : i32
      %dma_start3A_322 = arith.constant 0 : i32
      %dma_start3A_323 = tpu.memref_slice %arg38[%dma_start3A_321, %dma_start3A_322] : memref<10240x16xf32, #tpu.memory_space<vmem_shared>> -> memref<10240x16xf32, #tpu.memory_space<vmem_shared>>
      tpu.enqueue_indirect_dma source(%arg13 : memref<128x16xf32, #tpu.memory_space<vmem>>) target(%dma_start3A_323 : memref<10240x16xf32, #tpu.memory_space<vmem_shared>>) offsets(%dma_start3A_320 : memref<128xi32, #tpu.memory_space<vmem>>) semaphore(%arg33 : memref<!tpu.dma_semaphore, #tpu.memory_space<semaphore_mem>>) {add = true}
      %sub3A = arith.constant 5 : i32
      %sub3A_324 = arith.subi %add3A_311, %sub3A : i32
      %dma_wait3A_325 = arith.constant 0 : i32
      %dma_wait3A_326 = tpu.memref_slice %arg7[%sub3A_324, %dma_wait3A_325] : memref<80x128xi32, #tpu.memory_space<vmem>> -> memref<1x128xi32, #tpu.memory_space<vmem>>
      %dma_wait3A_327 = tpu.memref_squeeze %dma_wait3A_326 : memref<1x128xi32, #tpu.memory_space<vmem>> -> memref<128xi32, #tpu.memory_space<vmem>>
      %dma_wait3A_328 = arith.constant 0 : i32
      %dma_wait3A_329 = arith.constant 0 : i32
      %dma_wait3A_330 = tpu.memref_slice %arg38[%dma_wait3A_328, %dma_wait3A_329] : memref<10240x16xf32, #tpu.memory_space<vmem_shared>> -> memref<10240x16xf32, #tpu.memory_space<vmem_shared>>
      tpu.wait_indirect_dma semaphore(%arg28 : memref<!tpu.dma_semaphore, #tpu.memory_space<semaphore_mem>>) src(%arg8 : memref<128x16xf32, #tpu.memory_space<vmem>>) dst(%dma_wait3A_330 : memref<10240x16xf32, #tpu.memory_space<vmem_shared>>)
      %add3A_331 = arith.constant 5 : i32
      %add3A_332 = arith.addi %add3A_311, %add3A_331 : i32
      %dma_start3A_333 = arith.constant 0 : i32
      %dma_start3A_334 = tpu.memref_slice %arg6[%add3A_332, %dma_start3A_333] : memref<80x128xi32, #tpu.memory_space<vmem>> -> memref<1x128xi32, #tpu.memory_space<vmem>>
      %dma_start3A_335 = tpu.memref_squeeze %dma_start3A_334 : memref<1x128xi32, #tpu.memory_space<vmem>> -> memref<128xi32, #tpu.memory_space<vmem>>
      %dma_start3A_336 = arith.constant 0 : i32
      %dma_start3A_337 = arith.constant 0 : i32
      %dma_start3A_338 = tpu.memref_slice %arg2[%dma_start3A_336, %dma_start3A_337] : memref<10240x16xf32, #tpu.memory_space<hbm>> -> memref<10240x16xf32, #tpu.memory_space<hbm>>
      tpu.enqueue_indirect_dma source(%dma_start3A_338 : memref<10240x16xf32, #tpu.memory_space<hbm>>) target(%arg8 : memref<128x16xf32, #tpu.memory_space<vmem>>) offsets(%dma_start3A_335 : memref<128xi32, #tpu.memory_space<vmem>>) semaphore(%arg18 : memref<!tpu.dma_semaphore, #tpu.memory_space<semaphore_mem>>)
      %add3A_339 = arith.constant 1 : i32
      %add3A_340 = arith.addi %add3A_309, %add3A_339 : i32
      %dma_wait3A_341 = arith.constant 0 : i32
      %dma_wait3A_342 = tpu.memref_slice %arg6[%add3A_340, %dma_wait3A_341] : memref<80x128xi32, #tpu.memory_space<vmem>> -> memref<1x128xi32, #tpu.memory_space<vmem>>
      %dma_wait3A_343 = tpu.memref_squeeze %dma_wait3A_342 : memref<1x128xi32, #tpu.memory_space<vmem>> -> memref<128xi32, #tpu.memory_space<vmem>>
      %dma_wait3A_344 = arith.constant 0 : i32
      %dma_wait3A_345 = arith.constant 0 : i32
      %dma_wait3A_346 = tpu.memref_slice %arg2[%dma_wait3A_344, %dma_wait3A_345] : memref<10240x16xf32, #tpu.memory_space<hbm>> -> memref<10240x16xf32, #tpu.memory_space<hbm>>
      tpu.wait_indirect_dma semaphore(%arg24 : memref<!tpu.dma_semaphore, #tpu.memory_space<semaphore_mem>>) src(%dma_wait3A_346 : memref<10240x16xf32, #tpu.memory_space<hbm>>) dst(%arg14 : memref<128x16xf32, #tpu.memory_space<vmem>>)
      %dma_start3A_347 = arith.constant 0 : i32
      %dma_start3A_348 = tpu.memref_slice %arg7[%add3A_340, %dma_start3A_347] : memref<80x128xi32, #tpu.memory_space<vmem>> -> memref<1x128xi32, #tpu.memory_space<vmem>>
      %dma_start3A_349 = tpu.memref_squeeze %dma_start3A_348 : memref<1x128xi32, #tpu.memory_space<vmem>> -> memref<128xi32, #tpu.memory_space<vmem>>
      %dma_start3A_350 = arith.constant 0 : i32
      %dma_start3A_351 = arith.constant 0 : i32
      %dma_start3A_352 = tpu.memref_slice %arg38[%dma_start3A_350, %dma_start3A_351] : memref<10240x16xf32, #tpu.memory_space<vmem_shared>> -> memref<10240x16xf32, #tpu.memory_space<vmem_shared>>
      tpu.enqueue_indirect_dma source(%arg14 : memref<128x16xf32, #tpu.memory_space<vmem>>) target(%dma_start3A_352 : memref<10240x16xf32, #tpu.memory_space<vmem_shared>>) offsets(%dma_start3A_349 : memref<128xi32, #tpu.memory_space<vmem>>) semaphore(%arg34 : memref<!tpu.dma_semaphore, #tpu.memory_space<semaphore_mem>>) {add = true}
      %sub3A_353 = arith.constant 5 : i32
      %sub3A_354 = arith.subi %add3A_340, %sub3A_353 : i32
      %dma_wait3A_355 = arith.constant 0 : i32
      %dma_wait3A_356 = tpu.memref_slice %arg7[%sub3A_354, %dma_wait3A_355] : memref<80x128xi32, #tpu.memory_space<vmem>> -> memref<1x128xi32, #tpu.memory_space<vmem>>
      %dma_wait3A_357 = tpu.memref_squeeze %dma_wait3A_356 : memref<1x128xi32, #tpu.memory_space<vmem>> -> memref<128xi32, #tpu.memory_space<vmem>>
      %dma_wait3A_358 = arith.constant 0 : i32
      %dma_wait3A_359 = arith.constant 0 : i32
      %dma_wait3A_360 = tpu.memref_slice %arg38[%dma_wait3A_358, %dma_wait3A_359] : memref<10240x16xf32, #tpu.memory_space<vmem_shared>> -> memref<10240x16xf32, #tpu.memory_space<vmem_shared>>
      tpu.wait_indirect_dma semaphore(%arg29 : memref<!tpu.dma_semaphore, #tpu.memory_space<semaphore_mem>>) src(%arg9 : memref<128x16xf32, #tpu.memory_space<vmem>>) dst(%dma_wait3A_360 : memref<10240x16xf32, #tpu.memory_space<vmem_shared>>)
      %add3A_361 = arith.constant 5 : i32
      %add3A_362 = arith.addi %add3A_340, %add3A_361 : i32
      %dma_start3A_363 = arith.constant 0 : i32
      %dma_start3A_364 = tpu.memref_slice %arg6[%add3A_362, %dma_start3A_363] : memref<80x128xi32, #tpu.memory_space<vmem>> -> memref<1x128xi32, #tpu.memory_space<vmem>>
      %dma_start3A_365 = tpu.memref_squeeze %dma_start3A_364 : memref<1x128xi32, #tpu.memory_space<vmem>> -> memref<128xi32, #tpu.memory_space<vmem>>
      %dma_start3A_366 = arith.constant 0 : i32
      %dma_start3A_367 = arith.constant 0 : i32
      %dma_start3A_368 = tpu.memref_slice %arg2[%dma_start3A_366, %dma_start3A_367] : memref<10240x16xf32, #tpu.memory_space<hbm>> -> memref<10240x16xf32, #tpu.memory_space<hbm>>
      tpu.enqueue_indirect_dma source(%dma_start3A_368 : memref<10240x16xf32, #tpu.memory_space<hbm>>) target(%arg9 : memref<128x16xf32, #tpu.memory_space<vmem>>) offsets(%dma_start3A_365 : memref<128xi32, #tpu.memory_space<vmem>>) semaphore(%arg19 : memref<!tpu.dma_semaphore, #tpu.memory_space<semaphore_mem>>)
      %add3A_369 = arith.constant 2 : i32
      %add3A_370 = arith.addi %add3A_309, %add3A_369 : i32
      %dma_wait3A_371 = arith.constant 0 : i32
      %dma_wait3A_372 = tpu.memref_slice %arg6[%add3A_370, %dma_wait3A_371] : memref<80x128xi32, #tpu.memory_space<vmem>> -> memref<1x128xi32, #tpu.memory_space<vmem>>
      %dma_wait3A_373 = tpu.memref_squeeze %dma_wait3A_372 : memref<1x128xi32, #tpu.memory_space<vmem>> -> memref<128xi32, #tpu.memory_space<vmem>>
      %dma_wait3A_374 = arith.constant 0 : i32
      %dma_wait3A_375 = arith.constant 0 : i32
      %dma_wait3A_376 = tpu.memref_slice %arg2[%dma_wait3A_374, %dma_wait3A_375] : memref<10240x16xf32, #tpu.memory_space<hbm>> -> memref<10240x16xf32, #tpu.memory_space<hbm>>
      tpu.wait_indirect_dma semaphore(%arg25 : memref<!tpu.dma_semaphore, #tpu.memory_space<semaphore_mem>>) src(%dma_wait3A_376 : memref<10240x16xf32, #tpu.memory_space<hbm>>) dst(%arg15 : memref<128x16xf32, #tpu.memory_space<vmem>>)
      %dma_start3A_377 = arith.constant 0 : i32
      %dma_start3A_378 = tpu.memref_slice %arg7[%add3A_370, %dma_start3A_377] : memref<80x128xi32, #tpu.memory_space<vmem>> -> memref<1x128xi32, #tpu.memory_space<vmem>>
      %dma_start3A_379 = tpu.memref_squeeze %dma_start3A_378 : memref<1x128xi32, #tpu.memory_space<vmem>> -> memref<128xi32, #tpu.memory_space<vmem>>
      %dma_start3A_380 = arith.constant 0 : i32
      %dma_start3A_381 = arith.constant 0 : i32
      %dma_start3A_382 = tpu.memref_slice %arg38[%dma_start3A_380, %dma_start3A_381] : memref<10240x16xf32, #tpu.memory_space<vmem_shared>> -> memref<10240x16xf32, #tpu.memory_space<vmem_shared>>
      tpu.enqueue_indirect_dma source(%arg15 : memref<128x16xf32, #tpu.memory_space<vmem>>) target(%dma_start3A_382 : memref<10240x16xf32, #tpu.memory_space<vmem_shared>>) offsets(%dma_start3A_379 : memref<128xi32, #tpu.memory_space<vmem>>) semaphore(%arg35 : memref<!tpu.dma_semaphore, #tpu.memory_space<semaphore_mem>>) {add = true}
      %sub3A_383 = arith.constant 5 : i32
      %sub3A_384 = arith.subi %add3A_370, %sub3A_383 : i32
      %dma_wait3A_385 = arith.constant 0 : i32
      %dma_wait3A_386 = tpu.memref_slice %arg7[%sub3A_384, %dma_wait3A_385] : memref<80x128xi32, #tpu.memory_space<vmem>> -> memref<1x128xi32, #tpu.memory_space<vmem>>
      %dma_wait3A_387 = tpu.memref_squeeze %dma_wait3A_386 : memref<1x128xi32, #tpu.memory_space<vmem>> -> memref<128xi32, #tpu.memory_space<vmem>>
      %dma_wait3A_388 = arith.constant 0 : i32
      %dma_wait3A_389 = arith.constant 0 : i32
      %dma_wait3A_390 = tpu.memref_slice %arg38[%dma_wait3A_388, %dma_wait3A_389] : memref<10240x16xf32, #tpu.memory_space<vmem_shared>> -> memref<10240x16xf32, #tpu.memory_space<vmem_shared>>
      tpu.wait_indirect_dma semaphore(%arg30 : memref<!tpu.dma_semaphore, #tpu.memory_space<semaphore_mem>>) src(%arg10 : memref<128x16xf32, #tpu.memory_space<vmem>>) dst(%dma_wait3A_390 : memref<10240x16xf32, #tpu.memory_space<vmem_shared>>)
      %add3A_391 = arith.constant 5 : i32
      %add3A_392 = arith.addi %add3A_370, %add3A_391 : i32
      %dma_start3A_393 = arith.constant 0 : i32
      %dma_start3A_394 = tpu.memref_slice %arg6[%add3A_392, %dma_start3A_393] : memref<80x128xi32, #tpu.memory_space<vmem>> -> memref<1x128xi32, #tpu.memory_space<vmem>>
      %dma_start3A_395 = tpu.memref_squeeze %dma_start3A_394 : memref<1x128xi32, #tpu.memory_space<vmem>> -> memref<128xi32, #tpu.memory_space<vmem>>
      %dma_start3A_396 = arith.constant 0 : i32
      %dma_start3A_397 = arith.constant 0 : i32
      %dma_start3A_398 = tpu.memref_slice %arg2[%dma_start3A_396, %dma_start3A_397] : memref<10240x16xf32, #tpu.memory_space<hbm>> -> memref<10240x16xf32, #tpu.memory_space<hbm>>
      tpu.enqueue_indirect_dma source(%dma_start3A_398 : memref<10240x16xf32, #tpu.memory_space<hbm>>) target(%arg10 : memref<128x16xf32, #tpu.memory_space<vmem>>) offsets(%dma_start3A_395 : memref<128xi32, #tpu.memory_space<vmem>>) semaphore(%arg20 : memref<!tpu.dma_semaphore, #tpu.memory_space<semaphore_mem>>)
      %add3A_399 = arith.constant 3 : i32
      %add3A_400 = arith.addi %add3A_309, %add3A_399 : i32
      %dma_wait3A_401 = arith.constant 0 : i32
      %dma_wait3A_402 = tpu.memref_slice %arg6[%add3A_400, %dma_wait3A_401] : memref<80x128xi32, #tpu.memory_space<vmem>> -> memref<1x128xi32, #tpu.memory_space<vmem>>
      %dma_wait3A_403 = tpu.memref_squeeze %dma_wait3A_402 : memref<1x128xi32, #tpu.memory_space<vmem>> -> memref<128xi32, #tpu.memory_space<vmem>>
      %dma_wait3A_404 = arith.constant 0 : i32
      %dma_wait3A_405 = arith.constant 0 : i32
      %dma_wait3A_406 = tpu.memref_slice %arg2[%dma_wait3A_404, %dma_wait3A_405] : memref<10240x16xf32, #tpu.memory_space<hbm>> -> memref<10240x16xf32, #tpu.memory_space<hbm>>
      tpu.wait_indirect_dma semaphore(%arg26 : memref<!tpu.dma_semaphore, #tpu.memory_space<semaphore_mem>>) src(%dma_wait3A_406 : memref<10240x16xf32, #tpu.memory_space<hbm>>) dst(%arg16 : memref<128x16xf32, #tpu.memory_space<vmem>>)
      %dma_start3A_407 = arith.constant 0 : i32
      %dma_start3A_408 = tpu.memref_slice %arg7[%add3A_400, %dma_start3A_407] : memref<80x128xi32, #tpu.memory_space<vmem>> -> memref<1x128xi32, #tpu.memory_space<vmem>>
      %dma_start3A_409 = tpu.memref_squeeze %dma_start3A_408 : memref<1x128xi32, #tpu.memory_space<vmem>> -> memref<128xi32, #tpu.memory_space<vmem>>
      %dma_start3A_410 = arith.constant 0 : i32
      %dma_start3A_411 = arith.constant 0 : i32
      %dma_start3A_412 = tpu.memref_slice %arg38[%dma_start3A_410, %dma_start3A_411] : memref<10240x16xf32, #tpu.memory_space<vmem_shared>> -> memref<10240x16xf32, #tpu.memory_space<vmem_shared>>
      tpu.enqueue_indirect_dma source(%arg16 : memref<128x16xf32, #tpu.memory_space<vmem>>) target(%dma_start3A_412 : memref<10240x16xf32, #tpu.memory_space<vmem_shared>>) offsets(%dma_start3A_409 : memref<128xi32, #tpu.memory_space<vmem>>) semaphore(%arg36 : memref<!tpu.dma_semaphore, #tpu.memory_space<semaphore_mem>>) {add = true}
      %sub3A_413 = arith.constant 5 : i32
      %sub3A_414 = arith.subi %add3A_400, %sub3A_413 : i32
      %dma_wait3A_415 = arith.constant 0 : i32
      %dma_wait3A_416 = tpu.memref_slice %arg7[%sub3A_414, %dma_wait3A_415] : memref<80x128xi32, #tpu.memory_space<vmem>> -> memref<1x128xi32, #tpu.memory_space<vmem>>
      %dma_wait3A_417 = tpu.memref_squeeze %dma_wait3A_416 : memref<1x128xi32, #tpu.memory_space<vmem>> -> memref<128xi32, #tpu.memory_space<vmem>>
      %dma_wait3A_418 = arith.constant 0 : i32
      %dma_wait3A_419 = arith.constant 0 : i32
      %dma_wait3A_420 = tpu.memref_slice %arg38[%dma_wait3A_418, %dma_wait3A_419] : memref<10240x16xf32, #tpu.memory_space<vmem_shared>> -> memref<10240x16xf32, #tpu.memory_space<vmem_shared>>
      tpu.wait_indirect_dma semaphore(%arg31 : memref<!tpu.dma_semaphore, #tpu.memory_space<semaphore_mem>>) src(%arg11 : memref<128x16xf32, #tpu.memory_space<vmem>>) dst(%dma_wait3A_420 : memref<10240x16xf32, #tpu.memory_space<vmem_shared>>)
      %add3A_421 = arith.constant 5 : i32
      %add3A_422 = arith.addi %add3A_400, %add3A_421 : i32
      %dma_start3A_423 = arith.constant 0 : i32
      %dma_start3A_424 = tpu.memref_slice %arg6[%add3A_422, %dma_start3A_423] : memref<80x128xi32, #tpu.memory_space<vmem>> -> memref<1x128xi32, #tpu.memory_space<vmem>>
      %dma_start3A_425 = tpu.memref_squeeze %dma_start3A_424 : memref<1x128xi32, #tpu.memory_space<vmem>> -> memref<128xi32, #tpu.memory_space<vmem>>
      %dma_start3A_426 = arith.constant 0 : i32
      %dma_start3A_427 = arith.constant 0 : i32
      %dma_start3A_428 = tpu.memref_slice %arg2[%dma_start3A_426, %dma_start3A_427] : memref<10240x16xf32, #tpu.memory_space<hbm>> -> memref<10240x16xf32, #tpu.memory_space<hbm>>
      tpu.enqueue_indirect_dma source(%dma_start3A_428 : memref<10240x16xf32, #tpu.memory_space<hbm>>) target(%arg11 : memref<128x16xf32, #tpu.memory_space<vmem>>) offsets(%dma_start3A_425 : memref<128xi32, #tpu.memory_space<vmem>>) semaphore(%arg21 : memref<!tpu.dma_semaphore, #tpu.memory_space<semaphore_mem>>)
      %add3A_429 = arith.constant 4 : i32
      %add3A_430 = arith.addi %add3A_309, %add3A_429 : i32
      %dma_wait3A_431 = arith.constant 0 : i32
      %dma_wait3A_432 = tpu.memref_slice %arg6[%add3A_430, %dma_wait3A_431] : memref<80x128xi32, #tpu.memory_space<vmem>> -> memref<1x128xi32, #tpu.memory_space<vmem>>
      %dma_wait3A_433 = tpu.memref_squeeze %dma_wait3A_432 : memref<1x128xi32, #tpu.memory_space<vmem>> -> memref<128xi32, #tpu.memory_space<vmem>>
      %dma_wait3A_434 = arith.constant 0 : i32
      %dma_wait3A_435 = arith.constant 0 : i32
      %dma_wait3A_436 = tpu.memref_slice %arg2[%dma_wait3A_434, %dma_wait3A_435] : memref<10240x16xf32, #tpu.memory_space<hbm>> -> memref<10240x16xf32, #tpu.memory_space<hbm>>
      tpu.wait_indirect_dma semaphore(%arg27 : memref<!tpu.dma_semaphore, #tpu.memory_space<semaphore_mem>>) src(%dma_wait3A_436 : memref<10240x16xf32, #tpu.memory_space<hbm>>) dst(%arg17 : memref<128x16xf32, #tpu.memory_space<vmem>>)
      %dma_start3A_437 = arith.constant 0 : i32
      %dma_start3A_438 = tpu.memref_slice %arg7[%add3A_430, %dma_start3A_437] : memref<80x128xi32, #tpu.memory_space<vmem>> -> memref<1x128xi32, #tpu.memory_space<vmem>>
      %dma_start3A_439 = tpu.memref_squeeze %dma_start3A_438 : memref<1x128xi32, #tpu.memory_space<vmem>> -> memref<128xi32, #tpu.memory_space<vmem>>
      %dma_start3A_440 = arith.constant 0 : i32
      %dma_start3A_441 = arith.constant 0 : i32
      %dma_start3A_442 = tpu.memref_slice %arg38[%dma_start3A_440, %dma_start3A_441] : memref<10240x16xf32, #tpu.memory_space<vmem_shared>> -> memref<10240x16xf32, #tpu.memory_space<vmem_shared>>
      tpu.enqueue_indirect_dma source(%arg17 : memref<128x16xf32, #tpu.memory_space<vmem>>) target(%dma_start3A_442 : memref<10240x16xf32, #tpu.memory_space<vmem_shared>>) offsets(%dma_start3A_439 : memref<128xi32, #tpu.memory_space<vmem>>) semaphore(%arg37 : memref<!tpu.dma_semaphore, #tpu.memory_space<semaphore_mem>>) {add = true}
      %sub3A_443 = arith.constant 5 : i32
      %sub3A_444 = arith.subi %add3A_430, %sub3A_443 : i32
      %dma_wait3A_445 = arith.constant 0 : i32
      %dma_wait3A_446 = tpu.memref_slice %arg7[%sub3A_444, %dma_wait3A_445] : memref<80x128xi32, #tpu.memory_space<vmem>> -> memref<1x128xi32, #tpu.memory_space<vmem>>
      %dma_wait3A_447 = tpu.memref_squeeze %dma_wait3A_446 : memref<1x128xi32, #tpu.memory_space<vmem>> -> memref<128xi32, #tpu.memory_space<vmem>>
      %dma_wait3A_448 = arith.constant 0 : i32
      %dma_wait3A_449 = arith.constant 0 : i32
      %dma_wait3A_450 = tpu.memref_slice %arg38[%dma_wait3A_448, %dma_wait3A_449] : memref<10240x16xf32, #tpu.memory_space<vmem_shared>> -> memref<10240x16xf32, #tpu.memory_space<vmem_shared>>
      tpu.wait_indirect_dma semaphore(%arg32 : memref<!tpu.dma_semaphore, #tpu.memory_space<semaphore_mem>>) src(%arg12 : memref<128x16xf32, #tpu.memory_space<vmem>>) dst(%dma_wait3A_450 : memref<10240x16xf32, #tpu.memory_space<vmem_shared>>)
      %add3A_451 = arith.constant 5 : i32
      %add3A_452 = arith.addi %add3A_430, %add3A_451 : i32
      %dma_start3A_453 = arith.constant 0 : i32
      %dma_start3A_454 = tpu.memref_slice %arg6[%add3A_452, %dma_start3A_453] : memref<80x128xi32, #tpu.memory_space<vmem>> -> memref<1x128xi32, #tpu.memory_space<vmem>>
      %dma_start3A_455 = tpu.memref_squeeze %dma_start3A_454 : memref<1x128xi32, #tpu.memory_space<vmem>> -> memref<128xi32, #tpu.memory_space<vmem>>
      %dma_start3A_456 = arith.constant 0 : i32
      %dma_start3A_457 = arith.constant 0 : i32
      %dma_start3A_458 = tpu.memref_slice %arg2[%dma_start3A_456, %dma_start3A_457] : memref<10240x16xf32, #tpu.memory_space<hbm>> -> memref<10240x16xf32, #tpu.memory_space<hbm>>
      tpu.enqueue_indirect_dma source(%dma_start3A_458 : memref<10240x16xf32, #tpu.memory_space<hbm>>) target(%arg12 : memref<128x16xf32, #tpu.memory_space<vmem>>) offsets(%dma_start3A_455 : memref<128xi32, #tpu.memory_space<vmem>>) semaphore(%arg22 : memref<!tpu.dma_semaphore, #tpu.memory_space<semaphore_mem>>)
      %add3A_459 = arith.constant 5 : i32
      %add3A_460 = arith.addi %add3A_309, %add3A_459 : i32
      %dma_wait3A_461 = arith.constant 0 : i32
      %dma_wait3A_462 = tpu.memref_slice %arg6[%add3A_460, %dma_wait3A_461] : memref<80x128xi32, #tpu.memory_space<vmem>> -> memref<1x128xi32, #tpu.memory_space<vmem>>
      %dma_wait3A_463 = tpu.memref_squeeze %dma_wait3A_462 : memref<1x128xi32, #tpu.memory_space<vmem>> -> memref<128xi32, #tpu.memory_space<vmem>>
      %dma_wait3A_464 = arith.constant 0 : i32
      %dma_wait3A_465 = arith.constant 0 : i32
      %dma_wait3A_466 = tpu.memref_slice %arg2[%dma_wait3A_464, %dma_wait3A_465] : memref<10240x16xf32, #tpu.memory_space<hbm>> -> memref<10240x16xf32, #tpu.memory_space<hbm>>
      tpu.wait_indirect_dma semaphore(%arg18 : memref<!tpu.dma_semaphore, #tpu.memory_space<semaphore_mem>>) src(%dma_wait3A_466 : memref<10240x16xf32, #tpu.memory_space<hbm>>) dst(%arg8 : memref<128x16xf32, #tpu.memory_space<vmem>>)
      %dma_start3A_467 = arith.constant 0 : i32
      %dma_start3A_468 = tpu.memref_slice %arg7[%add3A_460, %dma_start3A_467] : memref<80x128xi32, #tpu.memory_space<vmem>> -> memref<1x128xi32, #tpu.memory_space<vmem>>
      %dma_start3A_469 = tpu.memref_squeeze %dma_start3A_468 : memref<1x128xi32, #tpu.memory_space<vmem>> -> memref<128xi32, #tpu.memory_space<vmem>>
      %dma_start3A_470 = arith.constant 0 : i32
      %dma_start3A_471 = arith.constant 0 : i32
      %dma_start3A_472 = tpu.memref_slice %arg38[%dma_start3A_470, %dma_start3A_471] : memref<10240x16xf32, #tpu.memory_space<vmem_shared>> -> memref<10240x16xf32, #tpu.memory_space<vmem_shared>>
      tpu.enqueue_indirect_dma source(%arg8 : memref<128x16xf32, #tpu.memory_space<vmem>>) target(%dma_start3A_472 : memref<10240x16xf32, #tpu.memory_space<vmem_shared>>) offsets(%dma_start3A_469 : memref<128xi32, #tpu.memory_space<vmem>>) semaphore(%arg28 : memref<!tpu.dma_semaphore, #tpu.memory_space<semaphore_mem>>) {add = true}
      %sub3A_473 = arith.constant 5 : i32
      %sub3A_474 = arith.subi %add3A_460, %sub3A_473 : i32
      %dma_wait3A_475 = arith.constant 0 : i32
      %dma_wait3A_476 = tpu.memref_slice %arg7[%sub3A_474, %dma_wait3A_475] : memref<80x128xi32, #tpu.memory_space<vmem>> -> memref<1x128xi32, #tpu.memory_space<vmem>>
      %dma_wait3A_477 = tpu.memref_squeeze %dma_wait3A_476 : memref<1x128xi32, #tpu.memory_space<vmem>> -> memref<128xi32, #tpu.memory_space<vmem>>
      %dma_wait3A_478 = arith.constant 0 : i32
      %dma_wait3A_479 = arith.constant 0 : i32
      %dma_wait3A_480 = tpu.memref_slice %arg38[%dma_wait3A_478, %dma_wait3A_479] : memref<10240x16xf32, #tpu.memory_space<vmem_shared>> -> memref<10240x16xf32, #tpu.memory_space<vmem_shared>>
      tpu.wait_indirect_dma semaphore(%arg33 : memref<!tpu.dma_semaphore, #tpu.memory_space<semaphore_mem>>) src(%arg13 : memref<128x16xf32, #tpu.memory_space<vmem>>) dst(%dma_wait3A_480 : memref<10240x16xf32, #tpu.memory_space<vmem_shared>>)
      %add3A_481 = arith.constant 5 : i32
      %add3A_482 = arith.addi %add3A_460, %add3A_481 : i32
      %dma_start3A_483 = arith.constant 0 : i32
      %dma_start3A_484 = tpu.memref_slice %arg6[%add3A_482, %dma_start3A_483] : memref<80x128xi32, #tpu.memory_space<vmem>> -> memref<1x128xi32, #tpu.memory_space<vmem>>
      %dma_start3A_485 = tpu.memref_squeeze %dma_start3A_484 : memref<1x128xi32, #tpu.memory_space<vmem>> -> memref<128xi32, #tpu.memory_space<vmem>>
      %dma_start3A_486 = arith.constant 0 : i32
      %dma_start3A_487 = arith.constant 0 : i32
      %dma_start3A_488 = tpu.memref_slice %arg2[%dma_start3A_486, %dma_start3A_487] : memref<10240x16xf32, #tpu.memory_space<hbm>> -> memref<10240x16xf32, #tpu.memory_space<hbm>>
      tpu.enqueue_indirect_dma source(%dma_start3A_488 : memref<10240x16xf32, #tpu.memory_space<hbm>>) target(%arg13 : memref<128x16xf32, #tpu.memory_space<vmem>>) offsets(%dma_start3A_485 : memref<128xi32, #tpu.memory_space<vmem>>) semaphore(%arg23 : memref<!tpu.dma_semaphore, #tpu.memory_space<semaphore_mem>>)
      %add3A_489 = arith.constant 6 : i32
      %add3A_490 = arith.addi %add3A_309, %add3A_489 : i32
      %dma_wait3A_491 = arith.constant 0 : i32
      %dma_wait3A_492 = tpu.memref_slice %arg6[%add3A_490, %dma_wait3A_491] : memref<80x128xi32, #tpu.memory_space<vmem>> -> memref<1x128xi32, #tpu.memory_space<vmem>>
      %dma_wait3A_493 = tpu.memref_squeeze %dma_wait3A_492 : memref<1x128xi32, #tpu.memory_space<vmem>> -> memref<128xi32, #tpu.memory_space<vmem>>
      %dma_wait3A_494 = arith.constant 0 : i32
      %dma_wait3A_495 = arith.constant 0 : i32
      %dma_wait3A_496 = tpu.memref_slice %arg2[%dma_wait3A_494, %dma_wait3A_495] : memref<10240x16xf32, #tpu.memory_space<hbm>> -> memref<10240x16xf32, #tpu.memory_space<hbm>>
      tpu.wait_indirect_dma semaphore(%arg19 : memref<!tpu.dma_semaphore, #tpu.memory_space<semaphore_mem>>) src(%dma_wait3A_496 : memref<10240x16xf32, #tpu.memory_space<hbm>>) dst(%arg9 : memref<128x16xf32, #tpu.memory_space<vmem>>)
      %dma_start3A_497 = arith.constant 0 : i32
      %dma_start3A_498 = tpu.memref_slice %arg7[%add3A_490, %dma_start3A_497] : memref<80x128xi32, #tpu.memory_space<vmem>> -> memref<1x128xi32, #tpu.memory_space<vmem>>
      %dma_start3A_499 = tpu.memref_squeeze %dma_start3A_498 : memref<1x128xi32, #tpu.memory_space<vmem>> -> memref<128xi32, #tpu.memory_space<vmem>>
      %dma_start3A_500 = arith.constant 0 : i32
      %dma_start3A_501 = arith.constant 0 : i32
      %dma_start3A_502 = tpu.memref_slice %arg38[%dma_start3A_500, %dma_start3A_501] : memref<10240x16xf32, #tpu.memory_space<vmem_shared>> -> memref<10240x16xf32, #tpu.memory_space<vmem_shared>>
      tpu.enqueue_indirect_dma source(%arg9 : memref<128x16xf32, #tpu.memory_space<vmem>>) target(%dma_start3A_502 : memref<10240x16xf32, #tpu.memory_space<vmem_shared>>) offsets(%dma_start3A_499 : memref<128xi32, #tpu.memory_space<vmem>>) semaphore(%arg29 : memref<!tpu.dma_semaphore, #tpu.memory_space<semaphore_mem>>) {add = true}
      %sub3A_503 = arith.constant 5 : i32
      %sub3A_504 = arith.subi %add3A_490, %sub3A_503 : i32
      %dma_wait3A_505 = arith.constant 0 : i32
      %dma_wait3A_506 = tpu.memref_slice %arg7[%sub3A_504, %dma_wait3A_505] : memref<80x128xi32, #tpu.memory_space<vmem>> -> memref<1x128xi32, #tpu.memory_space<vmem>>
      %dma_wait3A_507 = tpu.memref_squeeze %dma_wait3A_506 : memref<1x128xi32, #tpu.memory_space<vmem>> -> memref<128xi32, #tpu.memory_space<vmem>>
      %dma_wait3A_508 = arith.constant 0 : i32
      %dma_wait3A_509 = arith.constant 0 : i32
      %dma_wait3A_510 = tpu.memref_slice %arg38[%dma_wait3A_508, %dma_wait3A_509] : memref<10240x16xf32, #tpu.memory_space<vmem_shared>> -> memref<10240x16xf32, #tpu.memory_space<vmem_shared>>
      tpu.wait_indirect_dma semaphore(%arg34 : memref<!tpu.dma_semaphore, #tpu.memory_space<semaphore_mem>>) src(%arg14 : memref<128x16xf32, #tpu.memory_space<vmem>>) dst(%dma_wait3A_510 : memref<10240x16xf32, #tpu.memory_space<vmem_shared>>)
      %add3A_511 = arith.constant 5 : i32
      %add3A_512 = arith.addi %add3A_490, %add3A_511 : i32
      %dma_start3A_513 = arith.constant 0 : i32
      %dma_start3A_514 = tpu.memref_slice %arg6[%add3A_512, %dma_start3A_513] : memref<80x128xi32, #tpu.memory_space<vmem>> -> memref<1x128xi32, #tpu.memory_space<vmem>>
      %dma_start3A_515 = tpu.memref_squeeze %dma_start3A_514 : memref<1x128xi32, #tpu.memory_space<vmem>> -> memref<128xi32, #tpu.memory_space<vmem>>
      %dma_start3A_516 = arith.constant 0 : i32
      %dma_start3A_517 = arith.constant 0 : i32
      %dma_start3A_518 = tpu.memref_slice %arg2[%dma_start3A_516, %dma_start3A_517] : memref<10240x16xf32, #tpu.memory_space<hbm>> -> memref<10240x16xf32, #tpu.memory_space<hbm>>
      tpu.enqueue_indirect_dma source(%dma_start3A_518 : memref<10240x16xf32, #tpu.memory_space<hbm>>) target(%arg14 : memref<128x16xf32, #tpu.memory_space<vmem>>) offsets(%dma_start3A_515 : memref<128xi32, #tpu.memory_space<vmem>>) semaphore(%arg24 : memref<!tpu.dma_semaphore, #tpu.memory_space<semaphore_mem>>)
      %add3A_519 = arith.constant 7 : i32
      %add3A_520 = arith.addi %add3A_309, %add3A_519 : i32
      %dma_wait3A_521 = arith.constant 0 : i32
      %dma_wait3A_522 = tpu.memref_slice %arg6[%add3A_520, %dma_wait3A_521] : memref<80x128xi32, #tpu.memory_space<vmem>> -> memref<1x128xi32, #tpu.memory_space<vmem>>
      %dma_wait3A_523 = tpu.memref_squeeze %dma_wait3A_522 : memref<1x128xi32, #tpu.memory_space<vmem>> -> memref<128xi32, #tpu.memory_space<vmem>>
      %dma_wait3A_524 = arith.constant 0 : i32
      %dma_wait3A_525 = arith.constant 0 : i32
      %dma_wait3A_526 = tpu.memref_slice %arg2[%dma_wait3A_524, %dma_wait3A_525] : memref<10240x16xf32, #tpu.memory_space<hbm>> -> memref<10240x16xf32, #tpu.memory_space<hbm>>
      tpu.wait_indirect_dma semaphore(%arg20 : memref<!tpu.dma_semaphore, #tpu.memory_space<semaphore_mem>>) src(%dma_wait3A_526 : memref<10240x16xf32, #tpu.memory_space<hbm>>) dst(%arg10 : memref<128x16xf32, #tpu.memory_space<vmem>>)
      %dma_start3A_527 = arith.constant 0 : i32
      %dma_start3A_528 = tpu.memref_slice %arg7[%add3A_520, %dma_start3A_527] : memref<80x128xi32, #tpu.memory_space<vmem>> -> memref<1x128xi32, #tpu.memory_space<vmem>>
      %dma_start3A_529 = tpu.memref_squeeze %dma_start3A_528 : memref<1x128xi32, #tpu.memory_space<vmem>> -> memref<128xi32, #tpu.memory_space<vmem>>
      %dma_start3A_530 = arith.constant 0 : i32
      %dma_start3A_531 = arith.constant 0 : i32
      %dma_start3A_532 = tpu.memref_slice %arg38[%dma_start3A_530, %dma_start3A_531] : memref<10240x16xf32, #tpu.memory_space<vmem_shared>> -> memref<10240x16xf32, #tpu.memory_space<vmem_shared>>
      tpu.enqueue_indirect_dma source(%arg10 : memref<128x16xf32, #tpu.memory_space<vmem>>) target(%dma_start3A_532 : memref<10240x16xf32, #tpu.memory_space<vmem_shared>>) offsets(%dma_start3A_529 : memref<128xi32, #tpu.memory_space<vmem>>) semaphore(%arg30 : memref<!tpu.dma_semaphore, #tpu.memory_space<semaphore_mem>>) {add = true}
      %sub3A_533 = arith.constant 5 : i32
      %sub3A_534 = arith.subi %add3A_520, %sub3A_533 : i32
      %dma_wait3A_535 = arith.constant 0 : i32
      %dma_wait3A_536 = tpu.memref_slice %arg7[%sub3A_534, %dma_wait3A_535] : memref<80x128xi32, #tpu.memory_space<vmem>> -> memref<1x128xi32, #tpu.memory_space<vmem>>
      %dma_wait3A_537 = tpu.memref_squeeze %dma_wait3A_536 : memref<1x128xi32, #tpu.memory_space<vmem>> -> memref<128xi32, #tpu.memory_space<vmem>>
      %dma_wait3A_538 = arith.constant 0 : i32
      %dma_wait3A_539 = arith.constant 0 : i32
      %dma_wait3A_540 = tpu.memref_slice %arg38[%dma_wait3A_538, %dma_wait3A_539] : memref<10240x16xf32, #tpu.memory_space<vmem_shared>> -> memref<10240x16xf32, #tpu.memory_space<vmem_shared>>
      tpu.wait_indirect_dma semaphore(%arg35 : memref<!tpu.dma_semaphore, #tpu.memory_space<semaphore_mem>>) src(%arg15 : memref<128x16xf32, #tpu.memory_space<vmem>>) dst(%dma_wait3A_540 : memref<10240x16xf32, #tpu.memory_space<vmem_shared>>)
      %add3A_541 = arith.constant 5 : i32
      %add3A_542 = arith.addi %add3A_520, %add3A_541 : i32
      %dma_start3A_543 = arith.constant 0 : i32
      %dma_start3A_544 = tpu.memref_slice %arg6[%add3A_542, %dma_start3A_543] : memref<80x128xi32, #tpu.memory_space<vmem>> -> memref<1x128xi32, #tpu.memory_space<vmem>>
      %dma_start3A_545 = tpu.memref_squeeze %dma_start3A_544 : memref<1x128xi32, #tpu.memory_space<vmem>> -> memref<128xi32, #tpu.memory_space<vmem>>
      %dma_start3A_546 = arith.constant 0 : i32
      %dma_start3A_547 = arith.constant 0 : i32
      %dma_start3A_548 = tpu.memref_slice %arg2[%dma_start3A_546, %dma_start3A_547] : memref<10240x16xf32, #tpu.memory_space<hbm>> -> memref<10240x16xf32, #tpu.memory_space<hbm>>
      tpu.enqueue_indirect_dma source(%dma_start3A_548 : memref<10240x16xf32, #tpu.memory_space<hbm>>) target(%arg15 : memref<128x16xf32, #tpu.memory_space<vmem>>) offsets(%dma_start3A_545 : memref<128xi32, #tpu.memory_space<vmem>>) semaphore(%arg25 : memref<!tpu.dma_semaphore, #tpu.memory_space<semaphore_mem>>)
      %add3A_549 = arith.constant 8 : i32
      %add3A_550 = arith.addi %add3A_309, %add3A_549 : i32
      %dma_wait3A_551 = arith.constant 0 : i32
      %dma_wait3A_552 = tpu.memref_slice %arg6[%add3A_550, %dma_wait3A_551] : memref<80x128xi32, #tpu.memory_space<vmem>> -> memref<1x128xi32, #tpu.memory_space<vmem>>
      %dma_wait3A_553 = tpu.memref_squeeze %dma_wait3A_552 : memref<1x128xi32, #tpu.memory_space<vmem>> -> memref<128xi32, #tpu.memory_space<vmem>>
      %dma_wait3A_554 = arith.constant 0 : i32
      %dma_wait3A_555 = arith.constant 0 : i32
      %dma_wait3A_556 = tpu.memref_slice %arg2[%dma_wait3A_554, %dma_wait3A_555] : memref<10240x16xf32, #tpu.memory_space<hbm>> -> memref<10240x16xf32, #tpu.memory_space<hbm>>
      tpu.wait_indirect_dma semaphore(%arg21 : memref<!tpu.dma_semaphore, #tpu.memory_space<semaphore_mem>>) src(%dma_wait3A_556 : memref<10240x16xf32, #tpu.memory_space<hbm>>) dst(%arg11 : memref<128x16xf32, #tpu.memory_space<vmem>>)
      %dma_start3A_557 = arith.constant 0 : i32
      %dma_start3A_558 = tpu.memref_slice %arg7[%add3A_550, %dma_start3A_557] : memref<80x128xi32, #tpu.memory_space<vmem>> -> memref<1x128xi32, #tpu.memory_space<vmem>>
      %dma_start3A_559 = tpu.memref_squeeze %dma_start3A_558 : memref<1x128xi32, #tpu.memory_space<vmem>> -> memref<128xi32, #tpu.memory_space<vmem>>
      %dma_start3A_560 = arith.constant 0 : i32
      %dma_start3A_561 = arith.constant 0 : i32
      %dma_start3A_562 = tpu.memref_slice %arg38[%dma_start3A_560, %dma_start3A_561] : memref<10240x16xf32, #tpu.memory_space<vmem_shared>> -> memref<10240x16xf32, #tpu.memory_space<vmem_shared>>
      tpu.enqueue_indirect_dma source(%arg11 : memref<128x16xf32, #tpu.memory_space<vmem>>) target(%dma_start3A_562 : memref<10240x16xf32, #tpu.memory_space<vmem_shared>>) offsets(%dma_start3A_559 : memref<128xi32, #tpu.memory_space<vmem>>) semaphore(%arg31 : memref<!tpu.dma_semaphore, #tpu.memory_space<semaphore_mem>>) {add = true}
      %sub3A_563 = arith.constant 5 : i32
      %sub3A_564 = arith.subi %add3A_550, %sub3A_563 : i32
      %dma_wait3A_565 = arith.constant 0 : i32
      %dma_wait3A_566 = tpu.memref_slice %arg7[%sub3A_564, %dma_wait3A_565] : memref<80x128xi32, #tpu.memory_space<vmem>> -> memref<1x128xi32, #tpu.memory_space<vmem>>
      %dma_wait3A_567 = tpu.memref_squeeze %dma_wait3A_566 : memref<1x128xi32, #tpu.memory_space<vmem>> -> memref<128xi32, #tpu.memory_space<vmem>>
      %dma_wait3A_568 = arith.constant 0 : i32
      %dma_wait3A_569 = arith.constant 0 : i32
      %dma_wait3A_570 = tpu.memref_slice %arg38[%dma_wait3A_568, %dma_wait3A_569] : memref<10240x16xf32, #tpu.memory_space<vmem_shared>> -> memref<10240x16xf32, #tpu.memory_space<vmem_shared>>
      tpu.wait_indirect_dma semaphore(%arg36 : memref<!tpu.dma_semaphore, #tpu.memory_space<semaphore_mem>>) src(%arg16 : memref<128x16xf32, #tpu.memory_space<vmem>>) dst(%dma_wait3A_570 : memref<10240x16xf32, #tpu.memory_space<vmem_shared>>)
      %add3A_571 = arith.constant 5 : i32
      %add3A_572 = arith.addi %add3A_550, %add3A_571 : i32
      %dma_start3A_573 = arith.constant 0 : i32
      %dma_start3A_574 = tpu.memref_slice %arg6[%add3A_572, %dma_start3A_573] : memref<80x128xi32, #tpu.memory_space<vmem>> -> memref<1x128xi32, #tpu.memory_space<vmem>>
      %dma_start3A_575 = tpu.memref_squeeze %dma_start3A_574 : memref<1x128xi32, #tpu.memory_space<vmem>> -> memref<128xi32, #tpu.memory_space<vmem>>
      %dma_start3A_576 = arith.constant 0 : i32
      %dma_start3A_577 = arith.constant 0 : i32
      %dma_start3A_578 = tpu.memref_slice %arg2[%dma_start3A_576, %dma_start3A_577] : memref<10240x16xf32, #tpu.memory_space<hbm>> -> memref<10240x16xf32, #tpu.memory_space<hbm>>
      tpu.enqueue_indirect_dma source(%dma_start3A_578 : memref<10240x16xf32, #tpu.memory_space<hbm>>) target(%arg16 : memref<128x16xf32, #tpu.memory_space<vmem>>) offsets(%dma_start3A_575 : memref<128xi32, #tpu.memory_space<vmem>>) semaphore(%arg26 : memref<!tpu.dma_semaphore, #tpu.memory_space<semaphore_mem>>)
      %add3A_579 = arith.constant 9 : i32
      %add3A_580 = arith.addi %add3A_309, %add3A_579 : i32
      %dma_wait3A_581 = arith.constant 0 : i32
      %dma_wait3A_582 = tpu.memref_slice %arg6[%add3A_580, %dma_wait3A_581] : memref<80x128xi32, #tpu.memory_space<vmem>> -> memref<1x128xi32, #tpu.memory_space<vmem>>
      %dma_wait3A_583 = tpu.memref_squeeze %dma_wait3A_582 : memref<1x128xi32, #tpu.memory_space<vmem>> -> memref<128xi32, #tpu.memory_space<vmem>>
      %dma_wait3A_584 = arith.constant 0 : i32
      %dma_wait3A_585 = arith.constant 0 : i32
      %dma_wait3A_586 = tpu.memref_slice %arg2[%dma_wait3A_584, %dma_wait3A_585] : memref<10240x16xf32, #tpu.memory_space<hbm>> -> memref<10240x16xf32, #tpu.memory_space<hbm>>
      tpu.wait_indirect_dma semaphore(%arg22 : memref<!tpu.dma_semaphore, #tpu.memory_space<semaphore_mem>>) src(%dma_wait3A_586 : memref<10240x16xf32, #tpu.memory_space<hbm>>) dst(%arg12 : memref<128x16xf32, #tpu.memory_space<vmem>>)
      %dma_start3A_587 = arith.constant 0 : i32
      %dma_start3A_588 = tpu.memref_slice %arg7[%add3A_580, %dma_start3A_587] : memref<80x128xi32, #tpu.memory_space<vmem>> -> memref<1x128xi32, #tpu.memory_space<vmem>>
      %dma_start3A_589 = tpu.memref_squeeze %dma_start3A_588 : memref<1x128xi32, #tpu.memory_space<vmem>> -> memref<128xi32, #tpu.memory_space<vmem>>
      %dma_start3A_590 = arith.constant 0 : i32
      %dma_start3A_591 = arith.constant 0 : i32
      %dma_start3A_592 = tpu.memref_slice %arg38[%dma_start3A_590, %dma_start3A_591] : memref<10240x16xf32, #tpu.memory_space<vmem_shared>> -> memref<10240x16xf32, #tpu.memory_space<vmem_shared>>
      tpu.enqueue_indirect_dma source(%arg12 : memref<128x16xf32, #tpu.memory_space<vmem>>) target(%dma_start3A_592 : memref<10240x16xf32, #tpu.memory_space<vmem_shared>>) offsets(%dma_start3A_589 : memref<128xi32, #tpu.memory_space<vmem>>) semaphore(%arg32 : memref<!tpu.dma_semaphore, #tpu.memory_space<semaphore_mem>>) {add = true}
      %sub3A_593 = arith.constant 5 : i32
      %sub3A_594 = arith.subi %add3A_580, %sub3A_593 : i32
      %dma_wait3A_595 = arith.constant 0 : i32
      %dma_wait3A_596 = tpu.memref_slice %arg7[%sub3A_594, %dma_wait3A_595] : memref<80x128xi32, #tpu.memory_space<vmem>> -> memref<1x128xi32, #tpu.memory_space<vmem>>
      %dma_wait3A_597 = tpu.memref_squeeze %dma_wait3A_596 : memref<1x128xi32, #tpu.memory_space<vmem>> -> memref<128xi32, #tpu.memory_space<vmem>>
      %dma_wait3A_598 = arith.constant 0 : i32
      %dma_wait3A_599 = arith.constant 0 : i32
      %dma_wait3A_600 = tpu.memref_slice %arg38[%dma_wait3A_598, %dma_wait3A_599] : memref<10240x16xf32, #tpu.memory_space<vmem_shared>> -> memref<10240x16xf32, #tpu.memory_space<vmem_shared>>
      tpu.wait_indirect_dma semaphore(%arg37 : memref<!tpu.dma_semaphore, #tpu.memory_space<semaphore_mem>>) src(%arg17 : memref<128x16xf32, #tpu.memory_space<vmem>>) dst(%dma_wait3A_600 : memref<10240x16xf32, #tpu.memory_space<vmem_shared>>)
      %add3A_601 = arith.constant 5 : i32
      %add3A_602 = arith.addi %add3A_580, %add3A_601 : i32
      %dma_start3A_603 = arith.constant 0 : i32
      %dma_start3A_604 = tpu.memref_slice %arg6[%add3A_602, %dma_start3A_603] : memref<80x128xi32, #tpu.memory_space<vmem>> -> memref<1x128xi32, #tpu.memory_space<vmem>>
      %dma_start3A_605 = tpu.memref_squeeze %dma_start3A_604 : memref<1x128xi32, #tpu.memory_space<vmem>> -> memref<128xi32, #tpu.memory_space<vmem>>
      %dma_start3A_606 = arith.constant 0 : i32
      %dma_start3A_607 = arith.constant 0 : i32
      %dma_start3A_608 = tpu.memref_slice %arg2[%dma_start3A_606, %dma_start3A_607] : memref<10240x16xf32, #tpu.memory_space<hbm>> -> memref<10240x16xf32, #tpu.memory_space<hbm>>
      tpu.enqueue_indirect_dma source(%dma_start3A_608 : memref<10240x16xf32, #tpu.memory_space<hbm>>) target(%arg17 : memref<128x16xf32, #tpu.memory_space<vmem>>) offsets(%dma_start3A_605 : memref<128xi32, #tpu.memory_space<vmem>>) semaphore(%arg27 : memref<!tpu.dma_semaphore, #tpu.memory_space<semaphore_mem>>)
    }
    %scan3A_156 = arith.constant 7 : i32
    %dma_wait3A_157 = arith.constant 75 : i32
    %dma_wait3A_158 = arith.constant 0 : i32
    %dma_wait3A_159 = tpu.memref_slice %arg6[%dma_wait3A_157, %dma_wait3A_158] : memref<80x128xi32, #tpu.memory_space<vmem>> -> memref<1x128xi32, #tpu.memory_space<vmem>>
    %dma_wait3A_160 = tpu.memref_squeeze %dma_wait3A_159 : memref<1x128xi32, #tpu.memory_space<vmem>> -> memref<128xi32, #tpu.memory_space<vmem>>
    %dma_wait3A_161 = arith.constant 0 : i32
    %dma_wait3A_162 = arith.constant 0 : i32
    %dma_wait3A_163 = tpu.memref_slice %arg2[%dma_wait3A_161, %dma_wait3A_162] : memref<10240x16xf32, #tpu.memory_space<hbm>> -> memref<10240x16xf32, #tpu.memory_space<hbm>>
    tpu.wait_indirect_dma semaphore(%arg23 : memref<!tpu.dma_semaphore, #tpu.memory_space<semaphore_mem>>) src(%dma_wait3A_163 : memref<10240x16xf32, #tpu.memory_space<hbm>>) dst(%arg13 : memref<128x16xf32, #tpu.memory_space<vmem>>)
    %dma_start3A_164 = arith.constant 75 : i32
    %dma_start3A_165 = arith.constant 0 : i32
    %dma_start3A_166 = tpu.memref_slice %arg7[%dma_start3A_164, %dma_start3A_165] : memref<80x128xi32, #tpu.memory_space<vmem>> -> memref<1x128xi32, #tpu.memory_space<vmem>>
    %dma_start3A_167 = tpu.memref_squeeze %dma_start3A_166 : memref<1x128xi32, #tpu.memory_space<vmem>> -> memref<128xi32, #tpu.memory_space<vmem>>
    %dma_start3A_168 = arith.constant 0 : i32
    %dma_start3A_169 = arith.constant 0 : i32
    %dma_start3A_170 = tpu.memref_slice %arg38[%dma_start3A_168, %dma_start3A_169] : memref<10240x16xf32, #tpu.memory_space<vmem_shared>> -> memref<10240x16xf32, #tpu.memory_space<vmem_shared>>
    tpu.enqueue_indirect_dma source(%arg13 : memref<128x16xf32, #tpu.memory_space<vmem>>) target(%dma_start3A_170 : memref<10240x16xf32, #tpu.memory_space<vmem_shared>>) offsets(%dma_start3A_167 : memref<128xi32, #tpu.memory_space<vmem>>) semaphore(%arg33 : memref<!tpu.dma_semaphore, #tpu.memory_space<semaphore_mem>>) {add = true}
    %dma_wait3A_171 = arith.constant 76 : i32
    %dma_wait3A_172 = arith.constant 0 : i32
    %dma_wait3A_173 = tpu.memref_slice %arg6[%dma_wait3A_171, %dma_wait3A_172] : memref<80x128xi32, #tpu.memory_space<vmem>> -> memref<1x128xi32, #tpu.memory_space<vmem>>
    %dma_wait3A_174 = tpu.memref_squeeze %dma_wait3A_173 : memref<1x128xi32, #tpu.memory_space<vmem>> -> memref<128xi32, #tpu.memory_space<vmem>>
    %dma_wait3A_175 = arith.constant 0 : i32
    %dma_wait3A_176 = arith.constant 0 : i32
    %dma_wait3A_177 = tpu.memref_slice %arg2[%dma_wait3A_175, %dma_wait3A_176] : memref<10240x16xf32, #tpu.memory_space<hbm>> -> memref<10240x16xf32, #tpu.memory_space<hbm>>
    tpu.wait_indirect_dma semaphore(%arg24 : memref<!tpu.dma_semaphore, #tpu.memory_space<semaphore_mem>>) src(%dma_wait3A_177 : memref<10240x16xf32, #tpu.memory_space<hbm>>) dst(%arg14 : memref<128x16xf32, #tpu.memory_space<vmem>>)
    %dma_start3A_178 = arith.constant 76 : i32
    %dma_start3A_179 = arith.constant 0 : i32
    %dma_start3A_180 = tpu.memref_slice %arg7[%dma_start3A_178, %dma_start3A_179] : memref<80x128xi32, #tpu.memory_space<vmem>> -> memref<1x128xi32, #tpu.memory_space<vmem>>
    %dma_start3A_181 = tpu.memref_squeeze %dma_start3A_180 : memref<1x128xi32, #tpu.memory_space<vmem>> -> memref<128xi32, #tpu.memory_space<vmem>>
    %dma_start3A_182 = arith.constant 0 : i32
    %dma_start3A_183 = arith.constant 0 : i32
    %dma_start3A_184 = tpu.memref_slice %arg38[%dma_start3A_182, %dma_start3A_183] : memref<10240x16xf32, #tpu.memory_space<vmem_shared>> -> memref<10240x16xf32, #tpu.memory_space<vmem_shared>>
    tpu.enqueue_indirect_dma source(%arg14 : memref<128x16xf32, #tpu.memory_space<vmem>>) target(%dma_start3A_184 : memref<10240x16xf32, #tpu.memory_space<vmem_shared>>) offsets(%dma_start3A_181 : memref<128xi32, #tpu.memory_space<vmem>>) semaphore(%arg34 : memref<!tpu.dma_semaphore, #tpu.memory_space<semaphore_mem>>) {add = true}
    %dma_wait3A_185 = arith.constant 77 : i32
    %dma_wait3A_186 = arith.constant 0 : i32
    %dma_wait3A_187 = tpu.memref_slice %arg6[%dma_wait3A_185, %dma_wait3A_186] : memref<80x128xi32, #tpu.memory_space<vmem>> -> memref<1x128xi32, #tpu.memory_space<vmem>>
    %dma_wait3A_188 = tpu.memref_squeeze %dma_wait3A_187 : memref<1x128xi32, #tpu.memory_space<vmem>> -> memref<128xi32, #tpu.memory_space<vmem>>
    %dma_wait3A_189 = arith.constant 0 : i32
    %dma_wait3A_190 = arith.constant 0 : i32
    %dma_wait3A_191 = tpu.memref_slice %arg2[%dma_wait3A_189, %dma_wait3A_190] : memref<10240x16xf32, #tpu.memory_space<hbm>> -> memref<10240x16xf32, #tpu.memory_space<hbm>>
    tpu.wait_indirect_dma semaphore(%arg25 : memref<!tpu.dma_semaphore, #tpu.memory_space<semaphore_mem>>) src(%dma_wait3A_191 : memref<10240x16xf32, #tpu.memory_space<hbm>>) dst(%arg15 : memref<128x16xf32, #tpu.memory_space<vmem>>)
    %dma_start3A_192 = arith.constant 77 : i32
    %dma_start3A_193 = arith.constant 0 : i32
    %dma_start3A_194 = tpu.memref_slice %arg7[%dma_start3A_192, %dma_start3A_193] : memref<80x128xi32, #tpu.memory_space<vmem>> -> memref<1x128xi32, #tpu.memory_space<vmem>>
    %dma_start3A_195 = tpu.memref_squeeze %dma_start3A_194 : memref<1x128xi32, #tpu.memory_space<vmem>> -> memref<128xi32, #tpu.memory_space<vmem>>
    %dma_start3A_196 = arith.constant 0 : i32
    %dma_start3A_197 = arith.constant 0 : i32
    %dma_start3A_198 = tpu.memref_slice %arg38[%dma_start3A_196, %dma_start3A_197] : memref<10240x16xf32, #tpu.memory_space<vmem_shared>> -> memref<10240x16xf32, #tpu.memory_space<vmem_shared>>
    tpu.enqueue_indirect_dma source(%arg15 : memref<128x16xf32, #tpu.memory_space<vmem>>) target(%dma_start3A_198 : memref<10240x16xf32, #tpu.memory_space<vmem_shared>>) offsets(%dma_start3A_195 : memref<128xi32, #tpu.memory_space<vmem>>) semaphore(%arg35 : memref<!tpu.dma_semaphore, #tpu.memory_space<semaphore_mem>>) {add = true}
    %dma_wait3A_199 = arith.constant 78 : i32
    %dma_wait3A_200 = arith.constant 0 : i32
    %dma_wait3A_201 = tpu.memref_slice %arg6[%dma_wait3A_199, %dma_wait3A_200] : memref<80x128xi32, #tpu.memory_space<vmem>> -> memref<1x128xi32, #tpu.memory_space<vmem>>
    %dma_wait3A_202 = tpu.memref_squeeze %dma_wait3A_201 : memref<1x128xi32, #tpu.memory_space<vmem>> -> memref<128xi32, #tpu.memory_space<vmem>>
    %dma_wait3A_203 = arith.constant 0 : i32
    %dma_wait3A_204 = arith.constant 0 : i32
    %dma_wait3A_205 = tpu.memref_slice %arg2[%dma_wait3A_203, %dma_wait3A_204] : memref<10240x16xf32, #tpu.memory_space<hbm>> -> memref<10240x16xf32, #tpu.memory_space<hbm>>
    tpu.wait_indirect_dma semaphore(%arg26 : memref<!tpu.dma_semaphore, #tpu.memory_space<semaphore_mem>>) src(%dma_wait3A_205 : memref<10240x16xf32, #tpu.memory_space<hbm>>) dst(%arg16 : memref<128x16xf32, #tpu.memory_space<vmem>>)
    %dma_start3A_206 = arith.constant 78 : i32
    %dma_start3A_207 = arith.constant 0 : i32
    %dma_start3A_208 = tpu.memref_slice %arg7[%dma_start3A_206, %dma_start3A_207] : memref<80x128xi32, #tpu.memory_space<vmem>> -> memref<1x128xi32, #tpu.memory_space<vmem>>
    %dma_start3A_209 = tpu.memref_squeeze %dma_start3A_208 : memref<1x128xi32, #tpu.memory_space<vmem>> -> memref<128xi32, #tpu.memory_space<vmem>>
    %dma_start3A_210 = arith.constant 0 : i32
    %dma_start3A_211 = arith.constant 0 : i32
    %dma_start3A_212 = tpu.memref_slice %arg38[%dma_start3A_210, %dma_start3A_211] : memref<10240x16xf32, #tpu.memory_space<vmem_shared>> -> memref<10240x16xf32, #tpu.memory_space<vmem_shared>>
    tpu.enqueue_indirect_dma source(%arg16 : memref<128x16xf32, #tpu.memory_space<vmem>>) target(%dma_start3A_212 : memref<10240x16xf32, #tpu.memory_space<vmem_shared>>) offsets(%dma_start3A_209 : memref<128xi32, #tpu.memory_space<vmem>>) semaphore(%arg36 : memref<!tpu.dma_semaphore, #tpu.memory_space<semaphore_mem>>) {add = true}
    %dma_wait3A_213 = arith.constant 79 : i32
    %dma_wait3A_214 = arith.constant 0 : i32
    %dma_wait3A_215 = tpu.memref_slice %arg6[%dma_wait3A_213, %dma_wait3A_214] : memref<80x128xi32, #tpu.memory_space<vmem>> -> memref<1x128xi32, #tpu.memory_space<vmem>>
    %dma_wait3A_216 = tpu.memref_squeeze %dma_wait3A_215 : memref<1x128xi32, #tpu.memory_space<vmem>> -> memref<128xi32, #tpu.memory_space<vmem>>
    %dma_wait3A_217 = arith.constant 0 : i32
    %dma_wait3A_218 = arith.constant 0 : i32
    %dma_wait3A_219 = tpu.memref_slice %arg2[%dma_wait3A_217, %dma_wait3A_218] : memref<10240x16xf32, #tpu.memory_space<hbm>> -> memref<10240x16xf32, #tpu.memory_space<hbm>>
    tpu.wait_indirect_dma semaphore(%arg27 : memref<!tpu.dma_semaphore, #tpu.memory_space<semaphore_mem>>) src(%dma_wait3A_219 : memref<10240x16xf32, #tpu.memory_space<hbm>>) dst(%arg17 : memref<128x16xf32, #tpu.memory_space<vmem>>)
    %dma_start3A_220 = arith.constant 79 : i32
    %dma_start3A_221 = arith.constant 0 : i32
    %dma_start3A_222 = tpu.memref_slice %arg7[%dma_start3A_220, %dma_start3A_221] : memref<80x128xi32, #tpu.memory_space<vmem>> -> memref<1x128xi32, #tpu.memory_space<vmem>>
    %dma_start3A_223 = tpu.memref_squeeze %dma_start3A_222 : memref<1x128xi32, #tpu.memory_space<vmem>> -> memref<128xi32, #tpu.memory_space<vmem>>
    %dma_start3A_224 = arith.constant 0 : i32
    %dma_start3A_225 = arith.constant 0 : i32
    %dma_start3A_226 = tpu.memref_slice %arg38[%dma_start3A_224, %dma_start3A_225] : memref<10240x16xf32, #tpu.memory_space<vmem_shared>> -> memref<10240x16xf32, #tpu.memory_space<vmem_shared>>
    tpu.enqueue_indirect_dma source(%arg17 : memref<128x16xf32, #tpu.memory_space<vmem>>) target(%dma_start3A_226 : memref<10240x16xf32, #tpu.memory_space<vmem_shared>>) offsets(%dma_start3A_223 : memref<128xi32, #tpu.memory_space<vmem>>) semaphore(%arg37 : memref<!tpu.dma_semaphore, #tpu.memory_space<semaphore_mem>>) {add = true}
    %dma_wait3A_227 = arith.constant 70 : i32
    %dma_wait3A_228 = arith.constant 0 : i32
    %dma_wait3A_229 = tpu.memref_slice %arg7[%dma_wait3A_227, %dma_wait3A_228] : memref<80x128xi32, #tpu.memory_space<vmem>> -> memref<1x128xi32, #tpu.memory_space<vmem>>
    %dma_wait3A_230 = tpu.memref_squeeze %dma_wait3A_229 : memref<1x128xi32, #tpu.memory_space<vmem>> -> memref<128xi32, #tpu.memory_space<vmem>>
    %dma_wait3A_231 = arith.constant 0 : i32
    %dma_wait3A_232 = arith.constant 0 : i32
    %dma_wait3A_233 = tpu.memref_slice %arg38[%dma_wait3A_231, %dma_wait3A_232] : memref<10240x16xf32, #tpu.memory_space<vmem_shared>> -> memref<10240x16xf32, #tpu.memory_space<vmem_shared>>
    tpu.wait_indirect_dma semaphore(%arg28 : memref<!tpu.dma_semaphore, #tpu.memory_space<semaphore_mem>>) src(%arg8 : memref<128x16xf32, #tpu.memory_space<vmem>>) dst(%dma_wait3A_233 : memref<10240x16xf32, #tpu.memory_space<vmem_shared>>)
    %dma_wait3A_234 = arith.constant 71 : i32
    %dma_wait3A_235 = arith.constant 0 : i32
    %dma_wait3A_236 = tpu.memref_slice %arg7[%dma_wait3A_234, %dma_wait3A_235] : memref<80x128xi32, #tpu.memory_space<vmem>> -> memref<1x128xi32, #tpu.memory_space<vmem>>
    %dma_wait3A_237 = tpu.memref_squeeze %dma_wait3A_236 : memref<1x128xi32, #tpu.memory_space<vmem>> -> memref<128xi32, #tpu.memory_space<vmem>>
    %dma_wait3A_238 = arith.constant 0 : i32
    %dma_wait3A_239 = arith.constant 0 : i32
    %dma_wait3A_240 = tpu.memref_slice %arg38[%dma_wait3A_238, %dma_wait3A_239] : memref<10240x16xf32, #tpu.memory_space<vmem_shared>> -> memref<10240x16xf32, #tpu.memory_space<vmem_shared>>
    tpu.wait_indirect_dma semaphore(%arg29 : memref<!tpu.dma_semaphore, #tpu.memory_space<semaphore_mem>>) src(%arg9 : memref<128x16xf32, #tpu.memory_space<vmem>>) dst(%dma_wait3A_240 : memref<10240x16xf32, #tpu.memory_space<vmem_shared>>)
    %dma_wait3A_241 = arith.constant 72 : i32
    %dma_wait3A_242 = arith.constant 0 : i32
    %dma_wait3A_243 = tpu.memref_slice %arg7[%dma_wait3A_241, %dma_wait3A_242] : memref<80x128xi32, #tpu.memory_space<vmem>> -> memref<1x128xi32, #tpu.memory_space<vmem>>
    %dma_wait3A_244 = tpu.memref_squeeze %dma_wait3A_243 : memref<1x128xi32, #tpu.memory_space<vmem>> -> memref<128xi32, #tpu.memory_space<vmem>>
    %dma_wait3A_245 = arith.constant 0 : i32
    %dma_wait3A_246 = arith.constant 0 : i32
    %dma_wait3A_247 = tpu.memref_slice %arg38[%dma_wait3A_245, %dma_wait3A_246] : memref<10240x16xf32, #tpu.memory_space<vmem_shared>> -> memref<10240x16xf32, #tpu.memory_space<vmem_shared>>
    tpu.wait_indirect_dma semaphore(%arg30 : memref<!tpu.dma_semaphore, #tpu.memory_space<semaphore_mem>>) src(%arg10 : memref<128x16xf32, #tpu.memory_space<vmem>>) dst(%dma_wait3A_247 : memref<10240x16xf32, #tpu.memory_space<vmem_shared>>)
    %dma_wait3A_248 = arith.constant 73 : i32
    %dma_wait3A_249 = arith.constant 0 : i32
    %dma_wait3A_250 = tpu.memref_slice %arg7[%dma_wait3A_248, %dma_wait3A_249] : memref<80x128xi32, #tpu.memory_space<vmem>> -> memref<1x128xi32, #tpu.memory_space<vmem>>
    %dma_wait3A_251 = tpu.memref_squeeze %dma_wait3A_250 : memref<1x128xi32, #tpu.memory_space<vmem>> -> memref<128xi32, #tpu.memory_space<vmem>>
    %dma_wait3A_252 = arith.constant 0 : i32
    %dma_wait3A_253 = arith.constant 0 : i32
    %dma_wait3A_254 = tpu.memref_slice %arg38[%dma_wait3A_252, %dma_wait3A_253] : memref<10240x16xf32, #tpu.memory_space<vmem_shared>> -> memref<10240x16xf32, #tpu.memory_space<vmem_shared>>
    tpu.wait_indirect_dma semaphore(%arg31 : memref<!tpu.dma_semaphore, #tpu.memory_space<semaphore_mem>>) src(%arg11 : memref<128x16xf32, #tpu.memory_space<vmem>>) dst(%dma_wait3A_254 : memref<10240x16xf32, #tpu.memory_space<vmem_shared>>)
    %dma_wait3A_255 = arith.constant 74 : i32
    %dma_wait3A_256 = arith.constant 0 : i32
    %dma_wait3A_257 = tpu.memref_slice %arg7[%dma_wait3A_255, %dma_wait3A_256] : memref<80x128xi32, #tpu.memory_space<vmem>> -> memref<1x128xi32, #tpu.memory_space<vmem>>
    %dma_wait3A_258 = tpu.memref_squeeze %dma_wait3A_257 : memref<1x128xi32, #tpu.memory_space<vmem>> -> memref<128xi32, #tpu.memory_space<vmem>>
    %dma_wait3A_259 = arith.constant 0 : i32
    %dma_wait3A_260 = arith.constant 0 : i32
    %dma_wait3A_261 = tpu.memref_slice %arg38[%dma_wait3A_259, %dma_wait3A_260] : memref<10240x16xf32, #tpu.memory_space<vmem_shared>> -> memref<10240x16xf32, #tpu.memory_space<vmem_shared>>
    tpu.wait_indirect_dma semaphore(%arg32 : memref<!tpu.dma_semaphore, #tpu.memory_space<semaphore_mem>>) src(%arg12 : memref<128x16xf32, #tpu.memory_space<vmem>>) dst(%dma_wait3A_261 : memref<10240x16xf32, #tpu.memory_space<vmem_shared>>)
    %dma_wait3A_262 = arith.constant 75 : i32
    %dma_wait3A_263 = arith.constant 0 : i32
    %dma_wait3A_264 = tpu.memref_slice %arg7[%dma_wait3A_262, %dma_wait3A_263] : memref<80x128xi32, #tpu.memory_space<vmem>> -> memref<1x128xi32, #tpu.memory_space<vmem>>
    %dma_wait3A_265 = tpu.memref_squeeze %dma_wait3A_264 : memref<1x128xi32, #tpu.memory_space<vmem>> -> memref<128xi32, #tpu.memory_space<vmem>>
    %dma_wait3A_266 = arith.constant 0 : i32
    %dma_wait3A_267 = arith.constant 0 : i32
    %dma_wait3A_268 = tpu.memref_slice %arg38[%dma_wait3A_266, %dma_wait3A_267] : memref<10240x16xf32, #tpu.memory_space<vmem_shared>> -> memref<10240x16xf32, #tpu.memory_space<vmem_shared>>
    tpu.wait_indirect_dma semaphore(%arg33 : memref<!tpu.dma_semaphore, #tpu.memory_space<semaphore_mem>>) src(%arg13 : memref<128x16xf32, #tpu.memory_space<vmem>>) dst(%dma_wait3A_268 : memref<10240x16xf32, #tpu.memory_space<vmem_shared>>)
    %dma_wait3A_269 = arith.constant 76 : i32
    %dma_wait3A_270 = arith.constant 0 : i32
    %dma_wait3A_271 = tpu.memref_slice %arg7[%dma_wait3A_269, %dma_wait3A_270] : memref<80x128xi32, #tpu.memory_space<vmem>> -> memref<1x128xi32, #tpu.memory_space<vmem>>
    %dma_wait3A_272 = tpu.memref_squeeze %dma_wait3A_271 : memref<1x128xi32, #tpu.memory_space<vmem>> -> memref<128xi32, #tpu.memory_space<vmem>>
    %dma_wait3A_273 = arith.constant 0 : i32
    %dma_wait3A_274 = arith.constant 0 : i32
    %dma_wait3A_275 = tpu.memref_slice %arg38[%dma_wait3A_273, %dma_wait3A_274] : memref<10240x16xf32, #tpu.memory_space<vmem_shared>> -> memref<10240x16xf32, #tpu.memory_space<vmem_shared>>
    tpu.wait_indirect_dma semaphore(%arg34 : memref<!tpu.dma_semaphore, #tpu.memory_space<semaphore_mem>>) src(%arg14 : memref<128x16xf32, #tpu.memory_space<vmem>>) dst(%dma_wait3A_275 : memref<10240x16xf32, #tpu.memory_space<vmem_shared>>)
    %dma_wait3A_276 = arith.constant 77 : i32
    %dma_wait3A_277 = arith.constant 0 : i32
    %dma_wait3A_278 = tpu.memref_slice %arg7[%dma_wait3A_276, %dma_wait3A_277] : memref<80x128xi32, #tpu.memory_space<vmem>> -> memref<1x128xi32, #tpu.memory_space<vmem>>
    %dma_wait3A_279 = tpu.memref_squeeze %dma_wait3A_278 : memref<1x128xi32, #tpu.memory_space<vmem>> -> memref<128xi32, #tpu.memory_space<vmem>>
    %dma_wait3A_280 = arith.constant 0 : i32
    %dma_wait3A_281 = arith.constant 0 : i32
    %dma_wait3A_282 = tpu.memref_slice %arg38[%dma_wait3A_280, %dma_wait3A_281] : memref<10240x16xf32, #tpu.memory_space<vmem_shared>> -> memref<10240x16xf32, #tpu.memory_space<vmem_shared>>
    tpu.wait_indirect_dma semaphore(%arg35 : memref<!tpu.dma_semaphore, #tpu.memory_space<semaphore_mem>>) src(%arg15 : memref<128x16xf32, #tpu.memory_space<vmem>>) dst(%dma_wait3A_282 : memref<10240x16xf32, #tpu.memory_space<vmem_shared>>)
    %dma_wait3A_283 = arith.constant 78 : i32
    %dma_wait3A_284 = arith.constant 0 : i32
    %dma_wait3A_285 = tpu.memref_slice %arg7[%dma_wait3A_283, %dma_wait3A_284] : memref<80x128xi32, #tpu.memory_space<vmem>> -> memref<1x128xi32, #tpu.memory_space<vmem>>
    %dma_wait3A_286 = tpu.memref_squeeze %dma_wait3A_285 : memref<1x128xi32, #tpu.memory_space<vmem>> -> memref<128xi32, #tpu.memory_space<vmem>>
    %dma_wait3A_287 = arith.constant 0 : i32
    %dma_wait3A_288 = arith.constant 0 : i32
    %dma_wait3A_289 = tpu.memref_slice %arg38[%dma_wait3A_287, %dma_wait3A_288] : memref<10240x16xf32, #tpu.memory_space<vmem_shared>> -> memref<10240x16xf32, #tpu.memory_space<vmem_shared>>
    tpu.wait_indirect_dma semaphore(%arg36 : memref<!tpu.dma_semaphore, #tpu.memory_space<semaphore_mem>>) src(%arg16 : memref<128x16xf32, #tpu.memory_space<vmem>>) dst(%dma_wait3A_289 : memref<10240x16xf32, #tpu.memory_space<vmem_shared>>)
    %dma_wait3A_290 = arith.constant 79 : i32
    %dma_wait3A_291 = arith.constant 0 : i32
    %dma_wait3A_292 = tpu.memref_slice %arg7[%dma_wait3A_290, %dma_wait3A_291] : memref<80x128xi32, #tpu.memory_space<vmem>> -> memref<1x128xi32, #tpu.memory_space<vmem>>
    %dma_wait3A_293 = tpu.memref_squeeze %dma_wait3A_292 : memref<1x128xi32, #tpu.memory_space<vmem>> -> memref<128xi32, #tpu.memory_space<vmem>>
    %dma_wait3A_294 = arith.constant 0 : i32
    %dma_wait3A_295 = arith.constant 0 : i32
    %dma_wait3A_296 = tpu.memref_slice %arg38[%dma_wait3A_294, %dma_wait3A_295] : memref<10240x16xf32, #tpu.memory_space<vmem_shared>> -> memref<10240x16xf32, #tpu.memory_space<vmem_shared>>
    tpu.wait_indirect_dma semaphore(%arg37 : memref<!tpu.dma_semaphore, #tpu.memory_space<semaphore_mem>>) src(%arg17 : memref<128x16xf32, #tpu.memory_space<vmem>>) dst(%dma_wait3A_296 : memref<10240x16xf32, #tpu.memory_space<vmem_shared>>)
    %barrier3A_297 = arith.constant 0 : index
    tpu.barrier barrier_id(%barrier3A_297)
    %mul3A_298 = arith.constant 640 : i32
    %mul3A_299 = arith.muli %arg1, %mul3A_298 : i32
    %mul3A_300 = arith.constant 10240 : i32
    %mul3A_301 = arith.muli %arg0, %mul3A_300 : i32
    %mul3A_302 = arith.constant 640 : i32
    %mul3A_303 = arith.muli %arg1, %mul3A_302 : i32
    %add3A_304 = arith.addi %mul3A_301, %mul3A_303 : i32
    "tpu.region"() ({
      %run_scoped3A = tpu.sem_alloc : memref<!tpu.dma_semaphore, #tpu.memory_space<semaphore_mem>>
      %dma_start3A_305 = arith.constant 0 : i32
      %dma_start3A_306 = tpu.memref_slice %arg5[%add3A_304, %dma_start3A_305] : memref<20480x16xf32, #tpu.memory_space<hbm>> -> memref<640x16xf32, #tpu.memory_space<hbm>>
      %dma_start3A_307 = arith.constant 0 : i32
      %dma_start3A_308 = tpu.memref_slice %arg38[%mul3A_299, %dma_start3A_307] : memref<10240x16xf32, #tpu.memory_space<vmem_shared>> -> memref<640x16xf32, #tpu.memory_space<vmem_shared>>
      tpu.enqueue_dma source(%dma_start3A_308 : memref<640x16xf32, #tpu.memory_space<vmem_shared>>) target(%dma_start3A_306 : memref<640x16xf32, #tpu.memory_space<hbm>>) target_semaphore(%run_scoped3A : memref<!tpu.dma_semaphore, #tpu.memory_space<semaphore_mem>>)
      %dma_wait3A_309 = arith.constant 0 : i32
      %dma_wait3A_310 = tpu.memref_slice %arg5[%add3A_304, %dma_wait3A_309] : memref<20480x16xf32, #tpu.memory_space<hbm>> -> memref<640x16xf32, #tpu.memory_space<hbm>>
      %dma_wait3A_311 = arith.constant 0 : i32
      %dma_wait3A_312 = tpu.memref_slice %arg38[%mul3A_299, %dma_wait3A_311] : memref<10240x16xf32, #tpu.memory_space<vmem_shared>> -> memref<640x16xf32, #tpu.memory_space<vmem_shared>>
      tpu.wait_dma2 semaphore(%run_scoped3A : memref<!tpu.dma_semaphore, #tpu.memory_space<semaphore_mem>>) src(%dma_wait3A_312 : memref<640x16xf32, #tpu.memory_space<vmem_shared>>) dst(%dma_wait3A_310 : memref<640x16xf32, #tpu.memory_space<hbm>>)
      tpu.yield
    }) : () -> ()
    return
  }
}

#map = affine_map<(d0, d1) -> (0, 0)>
module attributes {stable_mosaic.version = 14 : i64} {
  func.func @_count(%arg0: i32, %arg1: i32, %arg2: memref<2560x128xi32, #tpu.memory_space<hbm>>, %arg3: memref<20480x16xf32, #tpu.memory_space<hbm>>, %arg4: memref<80x128xi32, #tpu.memory_space<vmem>>, %arg5: memref<128x16xf32, #tpu.memory_space<vmem>>, %arg6: memref<!tpu.dma_semaphore, #tpu.memory_space<semaphore_mem>>, %arg7: memref<!tpu.dma_semaphore, #tpu.memory_space<semaphore_mem>>, %arg8: memref<!tpu.dma_semaphore, #tpu.memory_space<semaphore_mem>>, %arg9: memref<!tpu.dma_semaphore, #tpu.memory_space<semaphore_mem>>, %arg10: memref<!tpu.dma_semaphore, #tpu.memory_space<semaphore_mem>>, %arg11: memref<!tpu.dma_semaphore, #tpu.memory_space<semaphore_mem>>, %arg12: memref<!tpu.dma_semaphore, #tpu.memory_space<semaphore_mem>>, %arg13: memref<!tpu.dma_semaphore, #tpu.memory_space<semaphore_mem>>, %arg14: memref<10240x16xf32, #tpu.memory_space<vmem_shared>>) attributes {dimension_semantics = [#tpu.dimension_semantics<core_parallel>, #tpu.dimension_semantics<subcore_parallel>], iteration_bounds = array<i64: 2, 16>, scalar_prefetch = 0 : i64, scratch_operands = 11 : i64, tpu.core_type = #tpu.core_type<sc_vector_subcore>, window_params = [{transform_indices = #map}, {transform_indices = #map}]} {
    %mul3A = arith.constant 16 : i32
    %mul3A_0 = arith.muli %arg0, %mul3A : i32
    %add3A = arith.addi %mul3A_0, %arg1 : i32
    %scan3A = arith.constant 0 : i32
    %scan3A_1 = arith.constant 128 : i32
    %scan3A_2 = arith.addi %scan3A, %scan3A_1 : i32
    %scan3A_3 = arith.constant 1 : i32
    scf.for %scan3A_140 = %scan3A to %scan3A_2 step %scan3A_3  : i32 {
      %mul3A_141 = arith.constant 1 : i32
      %mul3A_142 = arith.muli %scan3A_140, %mul3A_141 : i32
      %add3A_143 = arith.constant 0 : i32
      %add3A_144 = arith.addi %add3A_143, %mul3A_142 : i32
      %broadcast_in_dim3A = arith.constant 0.000000e+00 : f32
      %broadcast_in_dim3A_145 = vector.broadcast %broadcast_in_dim3A : f32 to vector<16xf32>
      %swap3A = arith.index_cast %add3A_144 : i32 to index
      %swap3A_146 = arith.constant 0 : index
      %swap3A_147 = tpu.vector_load %arg5[%swap3A, %swap3A_146] {strides = array<i32>} : memref<128x16xf32, #tpu.memory_space<vmem>>, vector<1x16xf32>,
      %swap3A_148 = vector.shape_cast %swap3A_147 : vector<1x16xf32> to vector<16xf32>
      %swap3A_149 = vector.shape_cast %broadcast_in_dim3A_145 : vector<16xf32> to vector<1x16xf32>
      tpu.vector_store %arg5[%swap3A, %swap3A_146], %swap3A_149 {strides = array<i32>} : memref<128x16xf32, #tpu.memory_space<vmem>>, vector<1x16xf32>,
    }
    %scan3A_4 = arith.constant 128 : i32
    %scan3A_5 = arith.constant 0 : i32
    %scan3A_6 = arith.constant 5 : i32
    %scan3A_7 = arith.addi %scan3A_5, %scan3A_6 : i32
    %scan3A_8 = arith.constant 1 : i32
    scf.for %scan3A_140 = %scan3A_5 to %scan3A_7 step %scan3A_8  : i32 {
      %mul3A_141 = arith.constant 1 : i32
      %mul3A_142 = arith.muli %scan3A_140, %mul3A_141 : i32
      %add3A_143 = arith.constant 0 : i32
      %add3A_144 = arith.addi %add3A_143, %mul3A_142 : i32
      %mul3A_145 = arith.constant 640 : i32
      %mul3A_146 = arith.muli %arg1, %mul3A_145 : i32
      %mul3A_147 = arith.constant 128 : i32
      %mul3A_148 = arith.muli %add3A_144, %mul3A_147 : i32
      %add3A_149 = arith.addi %mul3A_146, %mul3A_148 : i32
      "tpu.region"() ({
        %run_scoped3A = tpu.sem_alloc : memref<!tpu.dma_semaphore, #tpu.memory_space<semaphore_mem>>
        %dma_start3A_150 = arith.constant 0 : i32
        %dma_start3A_151 = tpu.memref_slice %arg14[%add3A_149, %dma_start3A_150] : memref<10240x16xf32, #tpu.memory_space<vmem_shared>> -> memref<128x16xf32, #tpu.memory_space<vmem_shared>>
        %dma_start3A_152 = arith.constant 0 : i32
        %dma_start3A_153 = tpu.memref_slice %arg14[%add3A_149, %dma_start3A_152] : memref<10240x16xf32, #tpu.memory_space<vmem_shared>> -> memref<128x16xf32, #tpu.memory_space<vmem_shared>>
        tpu.enqueue_dma source(%arg5 : memref<128x16xf32, #tpu.memory_space<vmem>>) target(%dma_start3A_153 : memref<128x16xf32, #tpu.memory_space<vmem_shared>>) target_semaphore(%run_scoped3A : memref<!tpu.dma_semaphore, #tpu.memory_space<semaphore_mem>>)
        %dma_wait3A_154 = arith.constant 0 : i32
        %dma_wait3A_155 = tpu.memref_slice %arg14[%add3A_149, %dma_wait3A_154] : memref<10240x16xf32, #tpu.memory_space<vmem_shared>> -> memref<128x16xf32, #tpu.memory_space<vmem_shared>>
        %dma_wait3A_156 = arith.constant 0 : i32
        %dma_wait3A_157 = tpu.memref_slice %arg14[%add3A_149, %dma_wait3A_156] : memref<10240x16xf32, #tpu.memory_space<vmem_shared>> -> memref<128x16xf32, #tpu.memory_space<vmem_shared>>
        tpu.wait_dma2 semaphore(%run_scoped3A : memref<!tpu.dma_semaphore, #tpu.memory_space<semaphore_mem>>) src(%arg5 : memref<128x16xf32, #tpu.memory_space<vmem>>) dst(%dma_wait3A_157 : memref<128x16xf32, #tpu.memory_space<vmem_shared>>)
        tpu.yield
      }) : () -> ()
    }
    %scan3A_9 = arith.constant 5 : i32
    %scan3A_10 = arith.constant 0 : i32
    %scan3A_11 = arith.constant 128 : i32
    %scan3A_12 = arith.addi %scan3A_10, %scan3A_11 : i32
    %scan3A_13 = arith.constant 1 : i32
    scf.for %scan3A_140 = %scan3A_10 to %scan3A_12 step %scan3A_13  : i32 {
      %mul3A_141 = arith.constant 1 : i32
      %mul3A_142 = arith.muli %scan3A_140, %mul3A_141 : i32
      %add3A_143 = arith.constant 0 : i32
      %add3A_144 = arith.addi %add3A_143, %mul3A_142 : i32
      %broadcast_in_dim3A = arith.constant 1.000000e+00 : f32
      %broadcast_in_dim3A_145 = vector.broadcast %broadcast_in_dim3A : f32 to vector<16xf32>
      %swap3A = arith.index_cast %add3A_144 : i32 to index
      %swap3A_146 = arith.constant 0 : index
      %swap3A_147 = tpu.vector_load %arg5[%swap3A, %swap3A_146] {strides = array<i32>} : memref<128x16xf32, #tpu.memory_space<vmem>>, vector<1x16xf32>,
      %swap3A_148 = vector.shape_cast %swap3A_147 : vector<1x16xf32> to vector<16xf32>
      %swap3A_149 = vector.shape_cast %broadcast_in_dim3A_145 : vector<16xf32> to vector<1x16xf32>
      tpu.vector_store %arg5[%swap3A, %swap3A_146], %swap3A_149 {strides = array<i32>} : memref<128x16xf32, #tpu.memory_space<vmem>>, vector<1x16xf32>,
    }
    %scan3A_14 = arith.constant 128 : i32
    %mul3A_15 = arith.constant 80 : i32
    %mul3A_16 = arith.muli %add3A, %mul3A_15 : i32
    "tpu.region"() ({
      %run_scoped3A = tpu.sem_alloc : memref<!tpu.dma_semaphore, #tpu.memory_space<semaphore_mem>>
      %dma_start3A_140 = arith.constant 0 : i32
      %dma_start3A_141 = tpu.memref_slice %arg2[%mul3A_16, %dma_start3A_140] : memref<2560x128xi32, #tpu.memory_space<hbm>> -> memref<80x128xi32, #tpu.memory_space<hbm>>
      %dma_start3A_142 = arith.constant 0 : i32
      %dma_start3A_143 = tpu.memref_slice %arg2[%mul3A_16, %dma_start3A_142] : memref<2560x128xi32, #tpu.memory_space<hbm>> -> memref<80x128xi32, #tpu.memory_space<hbm>>
      tpu.enqueue_dma source(%dma_start3A_143 : memref<80x128xi32, #tpu.memory_space<hbm>>) target(%arg4 : memref<80x128xi32, #tpu.memory_space<vmem>>) target_semaphore(%run_scoped3A : memref<!tpu.dma_semaphore, #tpu.memory_space<semaphore_mem>>)
      %dma_wait3A_144 = arith.constant 0 : i32
      %dma_wait3A_145 = tpu.memref_slice %arg2[%mul3A_16, %dma_wait3A_144] : memref<2560x128xi32, #tpu.memory_space<hbm>> -> memref<80x128xi32, #tpu.memory_space<hbm>>
      %dma_wait3A_146 = arith.constant 0 : i32
      %dma_wait3A_147 = tpu.memref_slice %arg2[%mul3A_16, %dma_wait3A_146] : memref<2560x128xi32, #tpu.memory_space<hbm>> -> memref<80x128xi32, #tpu.memory_space<hbm>>
      tpu.wait_dma2 semaphore(%run_scoped3A : memref<!tpu.dma_semaphore, #tpu.memory_space<semaphore_mem>>) src(%dma_wait3A_147 : memref<80x128xi32, #tpu.memory_space<hbm>>) dst(%arg4 : memref<80x128xi32, #tpu.memory_space<vmem>>)
      tpu.yield
    }) : () -> ()
    %barrier3A = arith.constant 0 : index
    tpu.barrier barrier_id(%barrier3A)
    %dma_start3A = arith.constant 0 : i32
    %dma_start3A_17 = arith.constant 0 : i32
    %dma_start3A_18 = tpu.memref_slice %arg4[%dma_start3A, %dma_start3A_17] : memref<80x128xi32, #tpu.memory_space<vmem>> -> memref<1x128xi32, #tpu.memory_space<vmem>>
    %dma_start3A_19 = tpu.memref_squeeze %dma_start3A_18 : memref<1x128xi32, #tpu.memory_space<vmem>> -> memref<128xi32, #tpu.memory_space<vmem>>
    %dma_start3A_20 = arith.constant 0 : i32
    %dma_start3A_21 = arith.constant 0 : i32
    %dma_start3A_22 = tpu.memref_slice %arg14[%dma_start3A_20, %dma_start3A_21] : memref<10240x16xf32, #tpu.memory_space<vmem_shared>> -> memref<10240x16xf32, #tpu.memory_space<vmem_shared>>
    tpu.enqueue_indirect_dma source(%arg5 : memref<128x16xf32, #tpu.memory_space<vmem>>) target(%dma_start3A_22 : memref<10240x16xf32, #tpu.memory_space<vmem_shared>>) offsets(%dma_start3A_19 : memref<128xi32, #tpu.memory_space<vmem>>) semaphore(%arg6 : memref<!tpu.dma_semaphore, #tpu.memory_space<semaphore_mem>>) {add = true}
    %dma_start3A_23 = arith.constant 1 : i32
    %dma_start3A_24 = arith.constant 0 : i32
    %dma_start3A_25 = tpu.memref_slice %arg4[%dma_start3A_23, %dma_start3A_24] : memref<80x128xi32, #tpu.memory_space<vmem>> -> memref<1x128xi32, #tpu.memory_space<vmem>>
    %dma_start3A_26 = tpu.memref_squeeze %dma_start3A_25 : memref<1x128xi32, #tpu.memory_space<vmem>> -> memref<128xi32, #tpu.memory_space<vmem>>
    %dma_start3A_27 = arith.constant 0 : i32
    %dma_start3A_28 = arith.constant 0 : i32
    %dma_start3A_29 = tpu.memref_slice %arg14[%dma_start3A_27, %dma_start3A_28] : memref<10240x16xf32, #tpu.memory_space<vmem_shared>> -> memref<10240x16xf32, #tpu.memory_space<vmem_shared>>
    tpu.enqueue_indirect_dma source(%arg5 : memref<128x16xf32, #tpu.memory_space<vmem>>) target(%dma_start3A_29 : memref<10240x16xf32, #tpu.memory_space<vmem_shared>>) offsets(%dma_start3A_26 : memref<128xi32, #tpu.memory_space<vmem>>) semaphore(%arg7 : memref<!tpu.dma_semaphore, #tpu.memory_space<semaphore_mem>>) {add = true}
    %dma_start3A_30 = arith.constant 2 : i32
    %dma_start3A_31 = arith.constant 0 : i32
    %dma_start3A_32 = tpu.memref_slice %arg4[%dma_start3A_30, %dma_start3A_31] : memref<80x128xi32, #tpu.memory_space<vmem>> -> memref<1x128xi32, #tpu.memory_space<vmem>>
    %dma_start3A_33 = tpu.memref_squeeze %dma_start3A_32 : memref<1x128xi32, #tpu.memory_space<vmem>> -> memref<128xi32, #tpu.memory_space<vmem>>
    %dma_start3A_34 = arith.constant 0 : i32
    %dma_start3A_35 = arith.constant 0 : i32
    %dma_start3A_36 = tpu.memref_slice %arg14[%dma_start3A_34, %dma_start3A_35] : memref<10240x16xf32, #tpu.memory_space<vmem_shared>> -> memref<10240x16xf32, #tpu.memory_space<vmem_shared>>
    tpu.enqueue_indirect_dma source(%arg5 : memref<128x16xf32, #tpu.memory_space<vmem>>) target(%dma_start3A_36 : memref<10240x16xf32, #tpu.memory_space<vmem_shared>>) offsets(%dma_start3A_33 : memref<128xi32, #tpu.memory_space<vmem>>) semaphore(%arg8 : memref<!tpu.dma_semaphore, #tpu.memory_space<semaphore_mem>>) {add = true}
    %dma_start3A_37 = arith.constant 3 : i32
    %dma_start3A_38 = arith.constant 0 : i32
    %dma_start3A_39 = tpu.memref_slice %arg4[%dma_start3A_37, %dma_start3A_38] : memref<80x128xi32, #tpu.memory_space<vmem>> -> memref<1x128xi32, #tpu.memory_space<vmem>>
    %dma_start3A_40 = tpu.memref_squeeze %dma_start3A_39 : memref<1x128xi32, #tpu.memory_space<vmem>> -> memref<128xi32, #tpu.memory_space<vmem>>
    %dma_start3A_41 = arith.constant 0 : i32
    %dma_start3A_42 = arith.constant 0 : i32
    %dma_start3A_43 = tpu.memref_slice %arg14[%dma_start3A_41, %dma_start3A_42] : memref<10240x16xf32, #tpu.memory_space<vmem_shared>> -> memref<10240x16xf32, #tpu.memory_space<vmem_shared>>
    tpu.enqueue_indirect_dma source(%arg5 : memref<128x16xf32, #tpu.memory_space<vmem>>) target(%dma_start3A_43 : memref<10240x16xf32, #tpu.memory_space<vmem_shared>>) offsets(%dma_start3A_40 : memref<128xi32, #tpu.memory_space<vmem>>) semaphore(%arg9 : memref<!tpu.dma_semaphore, #tpu.memory_space<semaphore_mem>>) {add = true}
    %dma_start3A_44 = arith.constant 4 : i32
    %dma_start3A_45 = arith.constant 0 : i32
    %dma_start3A_46 = tpu.memref_slice %arg4[%dma_start3A_44, %dma_start3A_45] : memref<80x128xi32, #tpu.memory_space<vmem>> -> memref<1x128xi32, #tpu.memory_space<vmem>>
    %dma_start3A_47 = tpu.memref_squeeze %dma_start3A_46 : memref<1x128xi32, #tpu.memory_space<vmem>> -> memref<128xi32, #tpu.memory_space<vmem>>
    %dma_start3A_48 = arith.constant 0 : i32
    %dma_start3A_49 = arith.constant 0 : i32
    %dma_start3A_50 = tpu.memref_slice %arg14[%dma_start3A_48, %dma_start3A_49] : memref<10240x16xf32, #tpu.memory_space<vmem_shared>> -> memref<10240x16xf32, #tpu.memory_space<vmem_shared>>
    tpu.enqueue_indirect_dma source(%arg5 : memref<128x16xf32, #tpu.memory_space<vmem>>) target(%dma_start3A_50 : memref<10240x16xf32, #tpu.memory_space<vmem_shared>>) offsets(%dma_start3A_47 : memref<128xi32, #tpu.memory_space<vmem>>) semaphore(%arg10 : memref<!tpu.dma_semaphore, #tpu.memory_space<semaphore_mem>>) {add = true}
    %dma_start3A_51 = arith.constant 5 : i32
    %dma_start3A_52 = arith.constant 0 : i32
    %dma_start3A_53 = tpu.memref_slice %arg4[%dma_start3A_51, %dma_start3A_52] : memref<80x128xi32, #tpu.memory_space<vmem>> -> memref<1x128xi32, #tpu.memory_space<vmem>>
    %dma_start3A_54 = tpu.memref_squeeze %dma_start3A_53 : memref<1x128xi32, #tpu.memory_space<vmem>> -> memref<128xi32, #tpu.memory_space<vmem>>
    %dma_start3A_55 = arith.constant 0 : i32
    %dma_start3A_56 = arith.constant 0 : i32
    %dma_start3A_57 = tpu.memref_slice %arg14[%dma_start3A_55, %dma_start3A_56] : memref<10240x16xf32, #tpu.memory_space<vmem_shared>> -> memref<10240x16xf32, #tpu.memory_space<vmem_shared>>
    tpu.enqueue_indirect_dma source(%arg5 : memref<128x16xf32, #tpu.memory_space<vmem>>) target(%dma_start3A_57 : memref<10240x16xf32, #tpu.memory_space<vmem_shared>>) offsets(%dma_start3A_54 : memref<128xi32, #tpu.memory_space<vmem>>) semaphore(%arg11 : memref<!tpu.dma_semaphore, #tpu.memory_space<semaphore_mem>>) {add = true}
    %dma_start3A_58 = arith.constant 6 : i32
    %dma_start3A_59 = arith.constant 0 : i32
    %dma_start3A_60 = tpu.memref_slice %arg4[%dma_start3A_58, %dma_start3A_59] : memref<80x128xi32, #tpu.memory_space<vmem>> -> memref<1x128xi32, #tpu.memory_space<vmem>>
    %dma_start3A_61 = tpu.memref_squeeze %dma_start3A_60 : memref<1x128xi32, #tpu.memory_space<vmem>> -> memref<128xi32, #tpu.memory_space<vmem>>
    %dma_start3A_62 = arith.constant 0 : i32
    %dma_start3A_63 = arith.constant 0 : i32
    %dma_start3A_64 = tpu.memref_slice %arg14[%dma_start3A_62, %dma_start3A_63] : memref<10240x16xf32, #tpu.memory_space<vmem_shared>> -> memref<10240x16xf32, #tpu.memory_space<vmem_shared>>
    tpu.enqueue_indirect_dma source(%arg5 : memref<128x16xf32, #tpu.memory_space<vmem>>) target(%dma_start3A_64 : memref<10240x16xf32, #tpu.memory_space<vmem_shared>>) offsets(%dma_start3A_61 : memref<128xi32, #tpu.memory_space<vmem>>) semaphore(%arg12 : memref<!tpu.dma_semaphore, #tpu.memory_space<semaphore_mem>>) {add = true}
    %dma_start3A_65 = arith.constant 7 : i32
    %dma_start3A_66 = arith.constant 0 : i32
    %dma_start3A_67 = tpu.memref_slice %arg4[%dma_start3A_65, %dma_start3A_66] : memref<80x128xi32, #tpu.memory_space<vmem>> -> memref<1x128xi32, #tpu.memory_space<vmem>>
    %dma_start3A_68 = tpu.memref_squeeze %dma_start3A_67 : memref<1x128xi32, #tpu.memory_space<vmem>> -> memref<128xi32, #tpu.memory_space<vmem>>
    %dma_start3A_69 = arith.constant 0 : i32
    %dma_start3A_70 = arith.constant 0 : i32
    %dma_start3A_71 = tpu.memref_slice %arg14[%dma_start3A_69, %dma_start3A_70] : memref<10240x16xf32, #tpu.memory_space<vmem_shared>> -> memref<10240x16xf32, #tpu.memory_space<vmem_shared>>
    tpu.enqueue_indirect_dma source(%arg5 : memref<128x16xf32, #tpu.memory_space<vmem>>) target(%dma_start3A_71 : memref<10240x16xf32, #tpu.memory_space<vmem_shared>>) offsets(%dma_start3A_68 : memref<128xi32, #tpu.memory_space<vmem>>) semaphore(%arg13 : memref<!tpu.dma_semaphore, #tpu.memory_space<semaphore_mem>>) {add = true}
    %scan3A_72 = arith.constant 0 : i32
    %scan3A_73 = arith.constant 9 : i32
    %scan3A_74 = arith.addi %scan3A_72, %scan3A_73 : i32
    %scan3A_75 = arith.constant 1 : i32
    scf.for %scan3A_140 = %scan3A_72 to %scan3A_74 step %scan3A_75  : i32 {
      %mul3A_141 = arith.constant 8 : i32
      %mul3A_142 = arith.muli %scan3A_140, %mul3A_141 : i32
      %add3A_143 = arith.constant 8 : i32
      %add3A_144 = arith.addi %add3A_143, %mul3A_142 : i32
      %add3A_145 = arith.constant 0 : i32
      %add3A_146 = arith.addi %add3A_144, %add3A_145 : i32
      %sub3A = arith.constant 8 : i32
      %sub3A_147 = arith.subi %add3A_146, %sub3A : i32
      %dma_wait3A_148 = arith.constant 0 : i32
      %dma_wait3A_149 = tpu.memref_slice %arg4[%sub3A_147, %dma_wait3A_148] : memref<80x128xi32, #tpu.memory_space<vmem>> -> memref<1x128xi32, #tpu.memory_space<vmem>>
      %dma_wait3A_150 = tpu.memref_squeeze %dma_wait3A_149 : memref<1x128xi32, #tpu.memory_space<vmem>> -> memref<128xi32, #tpu.memory_space<vmem>>
      %dma_wait3A_151 = arith.constant 0 : i32
      %dma_wait3A_152 = arith.constant 0 : i32
      %dma_wait3A_153 = tpu.memref_slice %arg14[%dma_wait3A_151, %dma_wait3A_152] : memref<10240x16xf32, #tpu.memory_space<vmem_shared>> -> memref<10240x16xf32, #tpu.memory_space<vmem_shared>>
      tpu.wait_indirect_dma semaphore(%arg6 : memref<!tpu.dma_semaphore, #tpu.memory_space<semaphore_mem>>) src(%arg5 : memref<128x16xf32, #tpu.memory_space<vmem>>) dst(%dma_wait3A_153 : memref<10240x16xf32, #tpu.memory_space<vmem_shared>>)
      %dma_start3A_154 = arith.constant 0 : i32
      %dma_start3A_155 = tpu.memref_slice %arg4[%add3A_146, %dma_start3A_154] : memref<80x128xi32, #tpu.memory_space<vmem>> -> memref<1x128xi32, #tpu.memory_space<vmem>>
      %dma_start3A_156 = tpu.memref_squeeze %dma_start3A_155 : memref<1x128xi32, #tpu.memory_space<vmem>> -> memref<128xi32, #tpu.memory_space<vmem>>
      %dma_start3A_157 = arith.constant 0 : i32
      %dma_start3A_158 = arith.constant 0 : i32
      %dma_start3A_159 = tpu.memref_slice %arg14[%dma_start3A_157, %dma_start3A_158] : memref<10240x16xf32, #tpu.memory_space<vmem_shared>> -> memref<10240x16xf32, #tpu.memory_space<vmem_shared>>
      tpu.enqueue_indirect_dma source(%arg5 : memref<128x16xf32, #tpu.memory_space<vmem>>) target(%dma_start3A_159 : memref<10240x16xf32, #tpu.memory_space<vmem_shared>>) offsets(%dma_start3A_156 : memref<128xi32, #tpu.memory_space<vmem>>) semaphore(%arg6 : memref<!tpu.dma_semaphore, #tpu.memory_space<semaphore_mem>>) {add = true}
      %add3A_160 = arith.constant 1 : i32
      %add3A_161 = arith.addi %add3A_144, %add3A_160 : i32
      %sub3A_162 = arith.constant 8 : i32
      %sub3A_163 = arith.subi %add3A_161, %sub3A_162 : i32
      %dma_wait3A_164 = arith.constant 0 : i32
      %dma_wait3A_165 = tpu.memref_slice %arg4[%sub3A_163, %dma_wait3A_164] : memref<80x128xi32, #tpu.memory_space<vmem>> -> memref<1x128xi32, #tpu.memory_space<vmem>>
      %dma_wait3A_166 = tpu.memref_squeeze %dma_wait3A_165 : memref<1x128xi32, #tpu.memory_space<vmem>> -> memref<128xi32, #tpu.memory_space<vmem>>
      %dma_wait3A_167 = arith.constant 0 : i32
      %dma_wait3A_168 = arith.constant 0 : i32
      %dma_wait3A_169 = tpu.memref_slice %arg14[%dma_wait3A_167, %dma_wait3A_168] : memref<10240x16xf32, #tpu.memory_space<vmem_shared>> -> memref<10240x16xf32, #tpu.memory_space<vmem_shared>>
      tpu.wait_indirect_dma semaphore(%arg7 : memref<!tpu.dma_semaphore, #tpu.memory_space<semaphore_mem>>) src(%arg5 : memref<128x16xf32, #tpu.memory_space<vmem>>) dst(%dma_wait3A_169 : memref<10240x16xf32, #tpu.memory_space<vmem_shared>>)
      %dma_start3A_170 = arith.constant 0 : i32
      %dma_start3A_171 = tpu.memref_slice %arg4[%add3A_161, %dma_start3A_170] : memref<80x128xi32, #tpu.memory_space<vmem>> -> memref<1x128xi32, #tpu.memory_space<vmem>>
      %dma_start3A_172 = tpu.memref_squeeze %dma_start3A_171 : memref<1x128xi32, #tpu.memory_space<vmem>> -> memref<128xi32, #tpu.memory_space<vmem>>
      %dma_start3A_173 = arith.constant 0 : i32
      %dma_start3A_174 = arith.constant 0 : i32
      %dma_start3A_175 = tpu.memref_slice %arg14[%dma_start3A_173, %dma_start3A_174] : memref<10240x16xf32, #tpu.memory_space<vmem_shared>> -> memref<10240x16xf32, #tpu.memory_space<vmem_shared>>
      tpu.enqueue_indirect_dma source(%arg5 : memref<128x16xf32, #tpu.memory_space<vmem>>) target(%dma_start3A_175 : memref<10240x16xf32, #tpu.memory_space<vmem_shared>>) offsets(%dma_start3A_172 : memref<128xi32, #tpu.memory_space<vmem>>) semaphore(%arg7 : memref<!tpu.dma_semaphore, #tpu.memory_space<semaphore_mem>>) {add = true}
      %add3A_176 = arith.constant 2 : i32
      %add3A_177 = arith.addi %add3A_144, %add3A_176 : i32
      %sub3A_178 = arith.constant 8 : i32
      %sub3A_179 = arith.subi %add3A_177, %sub3A_178 : i32
      %dma_wait3A_180 = arith.constant 0 : i32
      %dma_wait3A_181 = tpu.memref_slice %arg4[%sub3A_179, %dma_wait3A_180] : memref<80x128xi32, #tpu.memory_space<vmem>> -> memref<1x128xi32, #tpu.memory_space<vmem>>
      %dma_wait3A_182 = tpu.memref_squeeze %dma_wait3A_181 : memref<1x128xi32, #tpu.memory_space<vmem>> -> memref<128xi32, #tpu.memory_space<vmem>>
      %dma_wait3A_183 = arith.constant 0 : i32
      %dma_wait3A_184 = arith.constant 0 : i32
      %dma_wait3A_185 = tpu.memref_slice %arg14[%dma_wait3A_183, %dma_wait3A_184] : memref<10240x16xf32, #tpu.memory_space<vmem_shared>> -> memref<10240x16xf32, #tpu.memory_space<vmem_shared>>
      tpu.wait_indirect_dma semaphore(%arg8 : memref<!tpu.dma_semaphore, #tpu.memory_space<semaphore_mem>>) src(%arg5 : memref<128x16xf32, #tpu.memory_space<vmem>>) dst(%dma_wait3A_185 : memref<10240x16xf32, #tpu.memory_space<vmem_shared>>)
      %dma_start3A_186 = arith.constant 0 : i32
      %dma_start3A_187 = tpu.memref_slice %arg4[%add3A_177, %dma_start3A_186] : memref<80x128xi32, #tpu.memory_space<vmem>> -> memref<1x128xi32, #tpu.memory_space<vmem>>
      %dma_start3A_188 = tpu.memref_squeeze %dma_start3A_187 : memref<1x128xi32, #tpu.memory_space<vmem>> -> memref<128xi32, #tpu.memory_space<vmem>>
      %dma_start3A_189 = arith.constant 0 : i32
      %dma_start3A_190 = arith.constant 0 : i32
      %dma_start3A_191 = tpu.memref_slice %arg14[%dma_start3A_189, %dma_start3A_190] : memref<10240x16xf32, #tpu.memory_space<vmem_shared>> -> memref<10240x16xf32, #tpu.memory_space<vmem_shared>>
      tpu.enqueue_indirect_dma source(%arg5 : memref<128x16xf32, #tpu.memory_space<vmem>>) target(%dma_start3A_191 : memref<10240x16xf32, #tpu.memory_space<vmem_shared>>) offsets(%dma_start3A_188 : memref<128xi32, #tpu.memory_space<vmem>>) semaphore(%arg8 : memref<!tpu.dma_semaphore, #tpu.memory_space<semaphore_mem>>) {add = true}
      %add3A_192 = arith.constant 3 : i32
      %add3A_193 = arith.addi %add3A_144, %add3A_192 : i32
      %sub3A_194 = arith.constant 8 : i32
      %sub3A_195 = arith.subi %add3A_193, %sub3A_194 : i32
      %dma_wait3A_196 = arith.constant 0 : i32
      %dma_wait3A_197 = tpu.memref_slice %arg4[%sub3A_195, %dma_wait3A_196] : memref<80x128xi32, #tpu.memory_space<vmem>> -> memref<1x128xi32, #tpu.memory_space<vmem>>
      %dma_wait3A_198 = tpu.memref_squeeze %dma_wait3A_197 : memref<1x128xi32, #tpu.memory_space<vmem>> -> memref<128xi32, #tpu.memory_space<vmem>>
      %dma_wait3A_199 = arith.constant 0 : i32
      %dma_wait3A_200 = arith.constant 0 : i32
      %dma_wait3A_201 = tpu.memref_slice %arg14[%dma_wait3A_199, %dma_wait3A_200] : memref<10240x16xf32, #tpu.memory_space<vmem_shared>> -> memref<10240x16xf32, #tpu.memory_space<vmem_shared>>
      tpu.wait_indirect_dma semaphore(%arg9 : memref<!tpu.dma_semaphore, #tpu.memory_space<semaphore_mem>>) src(%arg5 : memref<128x16xf32, #tpu.memory_space<vmem>>) dst(%dma_wait3A_201 : memref<10240x16xf32, #tpu.memory_space<vmem_shared>>)
      %dma_start3A_202 = arith.constant 0 : i32
      %dma_start3A_203 = tpu.memref_slice %arg4[%add3A_193, %dma_start3A_202] : memref<80x128xi32, #tpu.memory_space<vmem>> -> memref<1x128xi32, #tpu.memory_space<vmem>>
      %dma_start3A_204 = tpu.memref_squeeze %dma_start3A_203 : memref<1x128xi32, #tpu.memory_space<vmem>> -> memref<128xi32, #tpu.memory_space<vmem>>
      %dma_start3A_205 = arith.constant 0 : i32
      %dma_start3A_206 = arith.constant 0 : i32
      %dma_start3A_207 = tpu.memref_slice %arg14[%dma_start3A_205, %dma_start3A_206] : memref<10240x16xf32, #tpu.memory_space<vmem_shared>> -> memref<10240x16xf32, #tpu.memory_space<vmem_shared>>
      tpu.enqueue_indirect_dma source(%arg5 : memref<128x16xf32, #tpu.memory_space<vmem>>) target(%dma_start3A_207 : memref<10240x16xf32, #tpu.memory_space<vmem_shared>>) offsets(%dma_start3A_204 : memref<128xi32, #tpu.memory_space<vmem>>) semaphore(%arg9 : memref<!tpu.dma_semaphore, #tpu.memory_space<semaphore_mem>>) {add = true}
      %add3A_208 = arith.constant 4 : i32
      %add3A_209 = arith.addi %add3A_144, %add3A_208 : i32
      %sub3A_210 = arith.constant 8 : i32
      %sub3A_211 = arith.subi %add3A_209, %sub3A_210 : i32
      %dma_wait3A_212 = arith.constant 0 : i32
      %dma_wait3A_213 = tpu.memref_slice %arg4[%sub3A_211, %dma_wait3A_212] : memref<80x128xi32, #tpu.memory_space<vmem>> -> memref<1x128xi32, #tpu.memory_space<vmem>>
      %dma_wait3A_214 = tpu.memref_squeeze %dma_wait3A_213 : memref<1x128xi32, #tpu.memory_space<vmem>> -> memref<128xi32, #tpu.memory_space<vmem>>
      %dma_wait3A_215 = arith.constant 0 : i32
      %dma_wait3A_216 = arith.constant 0 : i32
      %dma_wait3A_217 = tpu.memref_slice %arg14[%dma_wait3A_215, %dma_wait3A_216] : memref<10240x16xf32, #tpu.memory_space<vmem_shared>> -> memref<10240x16xf32, #tpu.memory_space<vmem_shared>>
      tpu.wait_indirect_dma semaphore(%arg10 : memref<!tpu.dma_semaphore, #tpu.memory_space<semaphore_mem>>) src(%arg5 : memref<128x16xf32, #tpu.memory_space<vmem>>) dst(%dma_wait3A_217 : memref<10240x16xf32, #tpu.memory_space<vmem_shared>>)
      %dma_start3A_218 = arith.constant 0 : i32
      %dma_start3A_219 = tpu.memref_slice %arg4[%add3A_209, %dma_start3A_218] : memref<80x128xi32, #tpu.memory_space<vmem>> -> memref<1x128xi32, #tpu.memory_space<vmem>>
      %dma_start3A_220 = tpu.memref_squeeze %dma_start3A_219 : memref<1x128xi32, #tpu.memory_space<vmem>> -> memref<128xi32, #tpu.memory_space<vmem>>
      %dma_start3A_221 = arith.constant 0 : i32
      %dma_start3A_222 = arith.constant 0 : i32
      %dma_start3A_223 = tpu.memref_slice %arg14[%dma_start3A_221, %dma_start3A_222] : memref<10240x16xf32, #tpu.memory_space<vmem_shared>> -> memref<10240x16xf32, #tpu.memory_space<vmem_shared>>
      tpu.enqueue_indirect_dma source(%arg5 : memref<128x16xf32, #tpu.memory_space<vmem>>) target(%dma_start3A_223 : memref<10240x16xf32, #tpu.memory_space<vmem_shared>>) offsets(%dma_start3A_220 : memref<128xi32, #tpu.memory_space<vmem>>) semaphore(%arg10 : memref<!tpu.dma_semaphore, #tpu.memory_space<semaphore_mem>>) {add = true}
      %add3A_224 = arith.constant 5 : i32
      %add3A_225 = arith.addi %add3A_144, %add3A_224 : i32
      %sub3A_226 = arith.constant 8 : i32
      %sub3A_227 = arith.subi %add3A_225, %sub3A_226 : i32
      %dma_wait3A_228 = arith.constant 0 : i32
      %dma_wait3A_229 = tpu.memref_slice %arg4[%sub3A_227, %dma_wait3A_228] : memref<80x128xi32, #tpu.memory_space<vmem>> -> memref<1x128xi32, #tpu.memory_space<vmem>>
      %dma_wait3A_230 = tpu.memref_squeeze %dma_wait3A_229 : memref<1x128xi32, #tpu.memory_space<vmem>> -> memref<128xi32, #tpu.memory_space<vmem>>
      %dma_wait3A_231 = arith.constant 0 : i32
      %dma_wait3A_232 = arith.constant 0 : i32
      %dma_wait3A_233 = tpu.memref_slice %arg14[%dma_wait3A_231, %dma_wait3A_232] : memref<10240x16xf32, #tpu.memory_space<vmem_shared>> -> memref<10240x16xf32, #tpu.memory_space<vmem_shared>>
      tpu.wait_indirect_dma semaphore(%arg11 : memref<!tpu.dma_semaphore, #tpu.memory_space<semaphore_mem>>) src(%arg5 : memref<128x16xf32, #tpu.memory_space<vmem>>) dst(%dma_wait3A_233 : memref<10240x16xf32, #tpu.memory_space<vmem_shared>>)
      %dma_start3A_234 = arith.constant 0 : i32
      %dma_start3A_235 = tpu.memref_slice %arg4[%add3A_225, %dma_start3A_234] : memref<80x128xi32, #tpu.memory_space<vmem>> -> memref<1x128xi32, #tpu.memory_space<vmem>>
      %dma_start3A_236 = tpu.memref_squeeze %dma_start3A_235 : memref<1x128xi32, #tpu.memory_space<vmem>> -> memref<128xi32, #tpu.memory_space<vmem>>
      %dma_start3A_237 = arith.constant 0 : i32
      %dma_start3A_238 = arith.constant 0 : i32
      %dma_start3A_239 = tpu.memref_slice %arg14[%dma_start3A_237, %dma_start3A_238] : memref<10240x16xf32, #tpu.memory_space<vmem_shared>> -> memref<10240x16xf32, #tpu.memory_space<vmem_shared>>
      tpu.enqueue_indirect_dma source(%arg5 : memref<128x16xf32, #tpu.memory_space<vmem>>) target(%dma_start3A_239 : memref<10240x16xf32, #tpu.memory_space<vmem_shared>>) offsets(%dma_start3A_236 : memref<128xi32, #tpu.memory_space<vmem>>) semaphore(%arg11 : memref<!tpu.dma_semaphore, #tpu.memory_space<semaphore_mem>>) {add = true}
      %add3A_240 = arith.constant 6 : i32
      %add3A_241 = arith.addi %add3A_144, %add3A_240 : i32
      %sub3A_242 = arith.constant 8 : i32
      %sub3A_243 = arith.subi %add3A_241, %sub3A_242 : i32
      %dma_wait3A_244 = arith.constant 0 : i32
      %dma_wait3A_245 = tpu.memref_slice %arg4[%sub3A_243, %dma_wait3A_244] : memref<80x128xi32, #tpu.memory_space<vmem>> -> memref<1x128xi32, #tpu.memory_space<vmem>>
      %dma_wait3A_246 = tpu.memref_squeeze %dma_wait3A_245 : memref<1x128xi32, #tpu.memory_space<vmem>> -> memref<128xi32, #tpu.memory_space<vmem>>
      %dma_wait3A_247 = arith.constant 0 : i32
      %dma_wait3A_248 = arith.constant 0 : i32
      %dma_wait3A_249 = tpu.memref_slice %arg14[%dma_wait3A_247, %dma_wait3A_248] : memref<10240x16xf32, #tpu.memory_space<vmem_shared>> -> memref<10240x16xf32, #tpu.memory_space<vmem_shared>>
      tpu.wait_indirect_dma semaphore(%arg12 : memref<!tpu.dma_semaphore, #tpu.memory_space<semaphore_mem>>) src(%arg5 : memref<128x16xf32, #tpu.memory_space<vmem>>) dst(%dma_wait3A_249 : memref<10240x16xf32, #tpu.memory_space<vmem_shared>>)
      %dma_start3A_250 = arith.constant 0 : i32
      %dma_start3A_251 = tpu.memref_slice %arg4[%add3A_241, %dma_start3A_250] : memref<80x128xi32, #tpu.memory_space<vmem>> -> memref<1x128xi32, #tpu.memory_space<vmem>>
      %dma_start3A_252 = tpu.memref_squeeze %dma_start3A_251 : memref<1x128xi32, #tpu.memory_space<vmem>> -> memref<128xi32, #tpu.memory_space<vmem>>
      %dma_start3A_253 = arith.constant 0 : i32
      %dma_start3A_254 = arith.constant 0 : i32
      %dma_start3A_255 = tpu.memref_slice %arg14[%dma_start3A_253, %dma_start3A_254] : memref<10240x16xf32, #tpu.memory_space<vmem_shared>> -> memref<10240x16xf32, #tpu.memory_space<vmem_shared>>
      tpu.enqueue_indirect_dma source(%arg5 : memref<128x16xf32, #tpu.memory_space<vmem>>) target(%dma_start3A_255 : memref<10240x16xf32, #tpu.memory_space<vmem_shared>>) offsets(%dma_start3A_252 : memref<128xi32, #tpu.memory_space<vmem>>) semaphore(%arg12 : memref<!tpu.dma_semaphore, #tpu.memory_space<semaphore_mem>>) {add = true}
      %add3A_256 = arith.constant 7 : i32
      %add3A_257 = arith.addi %add3A_144, %add3A_256 : i32
      %sub3A_258 = arith.constant 8 : i32
      %sub3A_259 = arith.subi %add3A_257, %sub3A_258 : i32
      %dma_wait3A_260 = arith.constant 0 : i32
      %dma_wait3A_261 = tpu.memref_slice %arg4[%sub3A_259, %dma_wait3A_260] : memref<80x128xi32, #tpu.memory_space<vmem>> -> memref<1x128xi32, #tpu.memory_space<vmem>>
      %dma_wait3A_262 = tpu.memref_squeeze %dma_wait3A_261 : memref<1x128xi32, #tpu.memory_space<vmem>> -> memref<128xi32, #tpu.memory_space<vmem>>
      %dma_wait3A_263 = arith.constant 0 : i32
      %dma_wait3A_264 = arith.constant 0 : i32
      %dma_wait3A_265 = tpu.memref_slice %arg14[%dma_wait3A_263, %dma_wait3A_264] : memref<10240x16xf32, #tpu.memory_space<vmem_shared>> -> memref<10240x16xf32, #tpu.memory_space<vmem_shared>>
      tpu.wait_indirect_dma semaphore(%arg13 : memref<!tpu.dma_semaphore, #tpu.memory_space<semaphore_mem>>) src(%arg5 : memref<128x16xf32, #tpu.memory_space<vmem>>) dst(%dma_wait3A_265 : memref<10240x16xf32, #tpu.memory_space<vmem_shared>>)
      %dma_start3A_266 = arith.constant 0 : i32
      %dma_start3A_267 = tpu.memref_slice %arg4[%add3A_257, %dma_start3A_266] : memref<80x128xi32, #tpu.memory_space<vmem>> -> memref<1x128xi32, #tpu.memory_space<vmem>>
      %dma_start3A_268 = tpu.memref_squeeze %dma_start3A_267 : memref<1x128xi32, #tpu.memory_space<vmem>> -> memref<128xi32, #tpu.memory_space<vmem>>
      %dma_start3A_269 = arith.constant 0 : i32
      %dma_start3A_270 = arith.constant 0 : i32
      %dma_start3A_271 = tpu.memref_slice %arg14[%dma_start3A_269, %dma_start3A_270] : memref<10240x16xf32, #tpu.memory_space<vmem_shared>> -> memref<10240x16xf32, #tpu.memory_space<vmem_shared>>
      tpu.enqueue_indirect_dma source(%arg5 : memref<128x16xf32, #tpu.memory_space<vmem>>) target(%dma_start3A_271 : memref<10240x16xf32, #tpu.memory_space<vmem_shared>>) offsets(%dma_start3A_268 : memref<128xi32, #tpu.memory_space<vmem>>) semaphore(%arg13 : memref<!tpu.dma_semaphore, #tpu.memory_space<semaphore_mem>>) {add = true}
    }
    %scan3A_76 = arith.constant 9 : i32
    %dma_wait3A = arith.constant 72 : i32
    %dma_wait3A_77 = arith.constant 0 : i32
    %dma_wait3A_78 = tpu.memref_slice %arg4[%dma_wait3A, %dma_wait3A_77] : memref<80x128xi32, #tpu.memory_space<vmem>> -> memref<1x128xi32, #tpu.memory_space<vmem>>
    %dma_wait3A_79 = tpu.memref_squeeze %dma_wait3A_78 : memref<1x128xi32, #tpu.memory_space<vmem>> -> memref<128xi32, #tpu.memory_space<vmem>>
    %dma_wait3A_80 = arith.constant 0 : i32
    %dma_wait3A_81 = arith.constant 0 : i32
    %dma_wait3A_82 = tpu.memref_slice %arg14[%dma_wait3A_80, %dma_wait3A_81] : memref<10240x16xf32, #tpu.memory_space<vmem_shared>> -> memref<10240x16xf32, #tpu.memory_space<vmem_shared>>
    tpu.wait_indirect_dma semaphore(%arg6 : memref<!tpu.dma_semaphore, #tpu.memory_space<semaphore_mem>>) src(%arg5 : memref<128x16xf32, #tpu.memory_space<vmem>>) dst(%dma_wait3A_82 : memref<10240x16xf32, #tpu.memory_space<vmem_shared>>)
    %dma_wait3A_83 = arith.constant 73 : i32
    %dma_wait3A_84 = arith.constant 0 : i32
    %dma_wait3A_85 = tpu.memref_slice %arg4[%dma_wait3A_83, %dma_wait3A_84] : memref<80x128xi32, #tpu.memory_space<vmem>> -> memref<1x128xi32, #tpu.memory_space<vmem>>
    %dma_wait3A_86 = tpu.memref_squeeze %dma_wait3A_85 : memref<1x128xi32, #tpu.memory_space<vmem>> -> memref<128xi32, #tpu.memory_space<vmem>>
    %dma_wait3A_87 = arith.constant 0 : i32
    %dma_wait3A_88 = arith.constant 0 : i32
    %dma_wait3A_89 = tpu.memref_slice %arg14[%dma_wait3A_87, %dma_wait3A_88] : memref<10240x16xf32, #tpu.memory_space<vmem_shared>> -> memref<10240x16xf32, #tpu.memory_space<vmem_shared>>
    tpu.wait_indirect_dma semaphore(%arg7 : memref<!tpu.dma_semaphore, #tpu.memory_space<semaphore_mem>>) src(%arg5 : memref<128x16xf32, #tpu.memory_space<vmem>>) dst(%dma_wait3A_89 : memref<10240x16xf32, #tpu.memory_space<vmem_shared>>)
    %dma_wait3A_90 = arith.constant 74 : i32
    %dma_wait3A_91 = arith.constant 0 : i32
    %dma_wait3A_92 = tpu.memref_slice %arg4[%dma_wait3A_90, %dma_wait3A_91] : memref<80x128xi32, #tpu.memory_space<vmem>> -> memref<1x128xi32, #tpu.memory_space<vmem>>
    %dma_wait3A_93 = tpu.memref_squeeze %dma_wait3A_92 : memref<1x128xi32, #tpu.memory_space<vmem>> -> memref<128xi32, #tpu.memory_space<vmem>>
    %dma_wait3A_94 = arith.constant 0 : i32
    %dma_wait3A_95 = arith.constant 0 : i32
    %dma_wait3A_96 = tpu.memref_slice %arg14[%dma_wait3A_94, %dma_wait3A_95] : memref<10240x16xf32, #tpu.memory_space<vmem_shared>> -> memref<10240x16xf32, #tpu.memory_space<vmem_shared>>
    tpu.wait_indirect_dma semaphore(%arg8 : memref<!tpu.dma_semaphore, #tpu.memory_space<semaphore_mem>>) src(%arg5 : memref<128x16xf32, #tpu.memory_space<vmem>>) dst(%dma_wait3A_96 : memref<10240x16xf32, #tpu.memory_space<vmem_shared>>)
    %dma_wait3A_97 = arith.constant 75 : i32
    %dma_wait3A_98 = arith.constant 0 : i32
    %dma_wait3A_99 = tpu.memref_slice %arg4[%dma_wait3A_97, %dma_wait3A_98] : memref<80x128xi32, #tpu.memory_space<vmem>> -> memref<1x128xi32, #tpu.memory_space<vmem>>
    %dma_wait3A_100 = tpu.memref_squeeze %dma_wait3A_99 : memref<1x128xi32, #tpu.memory_space<vmem>> -> memref<128xi32, #tpu.memory_space<vmem>>
    %dma_wait3A_101 = arith.constant 0 : i32
    %dma_wait3A_102 = arith.constant 0 : i32
    %dma_wait3A_103 = tpu.memref_slice %arg14[%dma_wait3A_101, %dma_wait3A_102] : memref<10240x16xf32, #tpu.memory_space<vmem_shared>> -> memref<10240x16xf32, #tpu.memory_space<vmem_shared>>
    tpu.wait_indirect_dma semaphore(%arg9 : memref<!tpu.dma_semaphore, #tpu.memory_space<semaphore_mem>>) src(%arg5 : memref<128x16xf32, #tpu.memory_space<vmem>>) dst(%dma_wait3A_103 : memref<10240x16xf32, #tpu.memory_space<vmem_shared>>)
    %dma_wait3A_104 = arith.constant 76 : i32
    %dma_wait3A_105 = arith.constant 0 : i32
    %dma_wait3A_106 = tpu.memref_slice %arg4[%dma_wait3A_104, %dma_wait3A_105] : memref<80x128xi32, #tpu.memory_space<vmem>> -> memref<1x128xi32, #tpu.memory_space<vmem>>
    %dma_wait3A_107 = tpu.memref_squeeze %dma_wait3A_106 : memref<1x128xi32, #tpu.memory_space<vmem>> -> memref<128xi32, #tpu.memory_space<vmem>>
    %dma_wait3A_108 = arith.constant 0 : i32
    %dma_wait3A_109 = arith.constant 0 : i32
    %dma_wait3A_110 = tpu.memref_slice %arg14[%dma_wait3A_108, %dma_wait3A_109] : memref<10240x16xf32, #tpu.memory_space<vmem_shared>> -> memref<10240x16xf32, #tpu.memory_space<vmem_shared>>
    tpu.wait_indirect_dma semaphore(%arg10 : memref<!tpu.dma_semaphore, #tpu.memory_space<semaphore_mem>>) src(%arg5 : memref<128x16xf32, #tpu.memory_space<vmem>>) dst(%dma_wait3A_110 : memref<10240x16xf32, #tpu.memory_space<vmem_shared>>)
    %dma_wait3A_111 = arith.constant 77 : i32
    %dma_wait3A_112 = arith.constant 0 : i32
    %dma_wait3A_113 = tpu.memref_slice %arg4[%dma_wait3A_111, %dma_wait3A_112] : memref<80x128xi32, #tpu.memory_space<vmem>> -> memref<1x128xi32, #tpu.memory_space<vmem>>
    %dma_wait3A_114 = tpu.memref_squeeze %dma_wait3A_113 : memref<1x128xi32, #tpu.memory_space<vmem>> -> memref<128xi32, #tpu.memory_space<vmem>>
    %dma_wait3A_115 = arith.constant 0 : i32
    %dma_wait3A_116 = arith.constant 0 : i32
    %dma_wait3A_117 = tpu.memref_slice %arg14[%dma_wait3A_115, %dma_wait3A_116] : memref<10240x16xf32, #tpu.memory_space<vmem_shared>> -> memref<10240x16xf32, #tpu.memory_space<vmem_shared>>
    tpu.wait_indirect_dma semaphore(%arg11 : memref<!tpu.dma_semaphore, #tpu.memory_space<semaphore_mem>>) src(%arg5 : memref<128x16xf32, #tpu.memory_space<vmem>>) dst(%dma_wait3A_117 : memref<10240x16xf32, #tpu.memory_space<vmem_shared>>)
    %dma_wait3A_118 = arith.constant 78 : i32
    %dma_wait3A_119 = arith.constant 0 : i32
    %dma_wait3A_120 = tpu.memref_slice %arg4[%dma_wait3A_118, %dma_wait3A_119] : memref<80x128xi32, #tpu.memory_space<vmem>> -> memref<1x128xi32, #tpu.memory_space<vmem>>
    %dma_wait3A_121 = tpu.memref_squeeze %dma_wait3A_120 : memref<1x128xi32, #tpu.memory_space<vmem>> -> memref<128xi32, #tpu.memory_space<vmem>>
    %dma_wait3A_122 = arith.constant 0 : i32
    %dma_wait3A_123 = arith.constant 0 : i32
    %dma_wait3A_124 = tpu.memref_slice %arg14[%dma_wait3A_122, %dma_wait3A_123] : memref<10240x16xf32, #tpu.memory_space<vmem_shared>> -> memref<10240x16xf32, #tpu.memory_space<vmem_shared>>
    tpu.wait_indirect_dma semaphore(%arg12 : memref<!tpu.dma_semaphore, #tpu.memory_space<semaphore_mem>>) src(%arg5 : memref<128x16xf32, #tpu.memory_space<vmem>>) dst(%dma_wait3A_124 : memref<10240x16xf32, #tpu.memory_space<vmem_shared>>)
    %dma_wait3A_125 = arith.constant 79 : i32
    %dma_wait3A_126 = arith.constant 0 : i32
    %dma_wait3A_127 = tpu.memref_slice %arg4[%dma_wait3A_125, %dma_wait3A_126] : memref<80x128xi32, #tpu.memory_space<vmem>> -> memref<1x128xi32, #tpu.memory_space<vmem>>
    %dma_wait3A_128 = tpu.memref_squeeze %dma_wait3A_127 : memref<1x128xi32, #tpu.memory_space<vmem>> -> memref<128xi32, #tpu.memory_space<vmem>>
    %dma_wait3A_129 = arith.constant 0 : i32
    %dma_wait3A_130 = arith.constant 0 : i32
    %dma_wait3A_131 = tpu.memref_slice %arg14[%dma_wait3A_129, %dma_wait3A_130] : memref<10240x16xf32, #tpu.memory_space<vmem_shared>> -> memref<10240x16xf32, #tpu.memory_space<vmem_shared>>
    tpu.wait_indirect_dma semaphore(%arg13 : memref<!tpu.dma_semaphore, #tpu.memory_space<semaphore_mem>>) src(%arg5 : memref<128x16xf32, #tpu.memory_space<vmem>>) dst(%dma_wait3A_131 : memref<10240x16xf32, #tpu.memory_space<vmem_shared>>)
    %barrier3A_132 = arith.constant 0 : index
    tpu.barrier barrier_id(%barrier3A_132)
    %mul3A_133 = arith.constant 640 : i32
    %mul3A_134 = arith.muli %arg1, %mul3A_133 : i32
    %mul3A_135 = arith.constant 10240 : i32
    %mul3A_136 = arith.muli %arg0, %mul3A_135 : i32
    %mul3A_137 = arith.constant 640 : i32
    %mul3A_138 = arith.muli %arg1, %mul3A_137 : i32
    %add3A_139 = arith.addi %mul3A_136, %mul3A_138 : i32
    "tpu.region"() ({
      %run_scoped3A = tpu.sem_alloc : memref<!tpu.dma_semaphore, #tpu.memory_space<semaphore_mem>>
      %dma_start3A_140 = arith.constant 0 : i32
      %dma_start3A_141 = tpu.memref_slice %arg3[%add3A_139, %dma_start3A_140] : memref<20480x16xf32, #tpu.memory_space<hbm>> -> memref<640x16xf32, #tpu.memory_space<hbm>>
      %dma_start3A_142 = arith.constant 0 : i32
      %dma_start3A_143 = tpu.memref_slice %arg14[%mul3A_134, %dma_start3A_142] : memref<10240x16xf32, #tpu.memory_space<vmem_shared>> -> memref<640x16xf32, #tpu.memory_space<vmem_shared>>
      tpu.enqueue_dma source(%dma_start3A_143 : memref<640x16xf32, #tpu.memory_space<vmem_shared>>) target(%dma_start3A_141 : memref<640x16xf32, #tpu.memory_space<hbm>>) target_semaphore(%run_scoped3A : memref<!tpu.dma_semaphore, #tpu.memory_space<semaphore_mem>>)
      %dma_wait3A_144 = arith.constant 0 : i32
      %dma_wait3A_145 = tpu.memref_slice %arg3[%add3A_139, %dma_wait3A_144] : memref<20480x16xf32, #tpu.memory_space<hbm>> -> memref<640x16xf32, #tpu.memory_space<hbm>>
      %dma_wait3A_146 = arith.constant 0 : i32
      %dma_wait3A_147 = tpu.memref_slice %arg14[%mul3A_134, %dma_wait3A_146] : memref<10240x16xf32, #tpu.memory_space<vmem_shared>> -> memref<640x16xf32, #tpu.memory_space<vmem_shared>>
      tpu.wait_dma2 semaphore(%run_scoped3A : memref<!tpu.dma_semaphore, #tpu.memory_space<semaphore_mem>>) src(%dma_wait3A_147 : memref<640x16xf32, #tpu.memory_space<vmem_shared>>) dst(%dma_wait3A_145 : memref<640x16xf32, #tpu.memory_space<hbm>>)
      tpu.yield
    }) : () -> ()
    return
  }
}

#map = affine_map<(d0, d1) -> (0, 0)>
module attributes {stable_mosaic.version = 14 : i64} {
  func.func @_seg_sum(%arg0: i32, %arg1: i32, %arg2: memref<10240x16xf32, #tpu.memory_space<hbm>>, %arg3: memref<2560x128xi32, #tpu.memory_space<hbm>>, %arg4: memref<2560x128xi32, #tpu.memory_space<hbm>>, %arg5: memref<20480x16xf32, #tpu.memory_space<hbm>>, %arg6: memref<80x128xi32, #tpu.memory_space<vmem>>, %arg7: memref<80x128xi32, #tpu.memory_space<vmem>>, %arg8: memref<128x16xf32, #tpu.memory_space<vmem>>, %arg9: memref<128x16xf32, #tpu.memory_space<vmem>>, %arg10: memref<128x16xf32, #tpu.memory_space<vmem>>, %arg11: memref<128x16xf32, #tpu.memory_space<vmem>>, %arg12: memref<128x16xf32, #tpu.memory_space<vmem>>, %arg13: memref<128x16xf32, #tpu.memory_space<vmem>>, %arg14: memref<128x16xf32, #tpu.memory_space<vmem>>, %arg15: memref<128x16xf32, #tpu.memory_space<vmem>>, %arg16: memref<128x16xf32, #tpu.memory_space<vmem>>, %arg17: memref<128x16xf32, #tpu.memory_space<vmem>>, %arg18: memref<!tpu.dma_semaphore, #tpu.memory_space<semaphore_mem>>, %arg19: memref<!tpu.dma_semaphore, #tpu.memory_space<semaphore_mem>>, %arg20: memref<!tpu.dma_semaphore, #tpu.memory_space<semaphore_mem>>, %arg21: memref<!tpu.dma_semaphore, #tpu.memory_space<semaphore_mem>>, %arg22: memref<!tpu.dma_semaphore, #tpu.memory_space<semaphore_mem>>, %arg23: memref<!tpu.dma_semaphore, #tpu.memory_space<semaphore_mem>>, %arg24: memref<!tpu.dma_semaphore, #tpu.memory_space<semaphore_mem>>, %arg25: memref<!tpu.dma_semaphore, #tpu.memory_space<semaphore_mem>>, %arg26: memref<!tpu.dma_semaphore, #tpu.memory_space<semaphore_mem>>, %arg27: memref<!tpu.dma_semaphore, #tpu.memory_space<semaphore_mem>>, %arg28: memref<!tpu.dma_semaphore, #tpu.memory_space<semaphore_mem>>, %arg29: memref<!tpu.dma_semaphore, #tpu.memory_space<semaphore_mem>>, %arg30: memref<!tpu.dma_semaphore, #tpu.memory_space<semaphore_mem>>, %arg31: memref<!tpu.dma_semaphore, #tpu.memory_space<semaphore_mem>>, %arg32: memref<!tpu.dma_semaphore, #tpu.memory_space<semaphore_mem>>, %arg33: memref<!tpu.dma_semaphore, #tpu.memory_space<semaphore_mem>>, %arg34: memref<!tpu.dma_semaphore, #tpu.memory_space<semaphore_mem>>, %arg35: memref<!tpu.dma_semaphore, #tpu.memory_space<semaphore_mem>>, %arg36: memref<!tpu.dma_semaphore, #tpu.memory_space<semaphore_mem>>, %arg37: memref<!tpu.dma_semaphore, #tpu.memory_space<semaphore_mem>>, %arg38: memref<10240x16xf32, #tpu.memory_space<vmem_shared>>) attributes {dimension_semantics = [#tpu.dimension_semantics<core_parallel>, #tpu.dimension_semantics<subcore_parallel>], iteration_bounds = array<i64: 2, 16>, scalar_prefetch = 0 : i64, scratch_operands = 33 : i64, tpu.core_type = #tpu.core_type<sc_vector_subcore>, window_params = [{transform_indices = #map}, {transform_indices = #map}, {transform_indices = #map}, {transform_indices = #map}]} {
    %mul3A = arith.constant 16 : i32
    %mul3A_0 = arith.muli %arg0, %mul3A : i32
    %add3A = arith.addi %mul3A_0, %arg1 : i32
    %scan3A = arith.constant 0 : i32
    %scan3A_1 = arith.constant 128 : i32
    %scan3A_2 = arith.addi %scan3A, %scan3A_1 : i32
    %scan3A_3 = arith.constant 1 : i32
    scf.for %scan3A_305 = %scan3A to %scan3A_2 step %scan3A_3  : i32 {
      %mul3A_306 = arith.constant 1 : i32
      %mul3A_307 = arith.muli %scan3A_305, %mul3A_306 : i32
      %add3A_308 = arith.constant 0 : i32
      %add3A_309 = arith.addi %add3A_308, %mul3A_307 : i32
      %broadcast_in_dim3A = arith.constant 0.000000e+00 : f32
      %broadcast_in_dim3A_310 = vector.broadcast %broadcast_in_dim3A : f32 to vector<16xf32>
      %swap3A = arith.index_cast %add3A_309 : i32 to index
      %swap3A_311 = arith.constant 0 : index
      %swap3A_312 = tpu.vector_load %arg8[%swap3A, %swap3A_311] {strides = array<i32>} : memref<128x16xf32, #tpu.memory_space<vmem>>, vector<1x16xf32>,
      %swap3A_313 = vector.shape_cast %swap3A_312 : vector<1x16xf32> to vector<16xf32>
      %swap3A_314 = vector.shape_cast %broadcast_in_dim3A_310 : vector<16xf32> to vector<1x16xf32>
      tpu.vector_store %arg8[%swap3A, %swap3A_311], %swap3A_314 {strides = array<i32>} : memref<128x16xf32, #tpu.memory_space<vmem>>, vector<1x16xf32>,
    }
    %scan3A_4 = arith.constant 128 : i32
    %scan3A_5 = arith.constant 0 : i32
    %scan3A_6 = arith.constant 5 : i32
    %scan3A_7 = arith.addi %scan3A_5, %scan3A_6 : i32
    %scan3A_8 = arith.constant 1 : i32
    scf.for %scan3A_305 = %scan3A_5 to %scan3A_7 step %scan3A_8  : i32 {
      %mul3A_306 = arith.constant 1 : i32
      %mul3A_307 = arith.muli %scan3A_305, %mul3A_306 : i32
      %add3A_308 = arith.constant 0 : i32
      %add3A_309 = arith.addi %add3A_308, %mul3A_307 : i32
      %mul3A_310 = arith.constant 640 : i32
      %mul3A_311 = arith.muli %arg1, %mul3A_310 : i32
      %mul3A_312 = arith.constant 128 : i32
      %mul3A_313 = arith.muli %add3A_309, %mul3A_312 : i32
      %add3A_314 = arith.addi %mul3A_311, %mul3A_313 : i32
      "tpu.region"() ({
        %run_scoped3A = tpu.sem_alloc : memref<!tpu.dma_semaphore, #tpu.memory_space<semaphore_mem>>
        %dma_start3A_315 = arith.constant 0 : i32
        %dma_start3A_316 = tpu.memref_slice %arg38[%add3A_314, %dma_start3A_315] : memref<10240x16xf32, #tpu.memory_space<vmem_shared>> -> memref<128x16xf32, #tpu.memory_space<vmem_shared>>
        %dma_start3A_317 = arith.constant 0 : i32
        %dma_start3A_318 = tpu.memref_slice %arg38[%add3A_314, %dma_start3A_317] : memref<10240x16xf32, #tpu.memory_space<vmem_shared>> -> memref<128x16xf32, #tpu.memory_space<vmem_shared>>
        tpu.enqueue_dma source(%arg8 : memref<128x16xf32, #tpu.memory_space<vmem>>) target(%dma_start3A_318 : memref<128x16xf32, #tpu.memory_space<vmem_shared>>) target_semaphore(%run_scoped3A : memref<!tpu.dma_semaphore, #tpu.memory_space<semaphore_mem>>)
        %dma_wait3A_319 = arith.constant 0 : i32
        %dma_wait3A_320 = tpu.memref_slice %arg38[%add3A_314, %dma_wait3A_319] : memref<10240x16xf32, #tpu.memory_space<vmem_shared>> -> memref<128x16xf32, #tpu.memory_space<vmem_shared>>
        %dma_wait3A_321 = arith.constant 0 : i32
        %dma_wait3A_322 = tpu.memref_slice %arg38[%add3A_314, %dma_wait3A_321] : memref<10240x16xf32, #tpu.memory_space<vmem_shared>> -> memref<128x16xf32, #tpu.memory_space<vmem_shared>>
        tpu.wait_dma2 semaphore(%run_scoped3A : memref<!tpu.dma_semaphore, #tpu.memory_space<semaphore_mem>>) src(%arg8 : memref<128x16xf32, #tpu.memory_space<vmem>>) dst(%dma_wait3A_322 : memref<128x16xf32, #tpu.memory_space<vmem_shared>>)
        tpu.yield
      }) : () -> ()
    }
    %scan3A_9 = arith.constant 5 : i32
    %mul3A_10 = arith.constant 80 : i32
    %mul3A_11 = arith.muli %add3A, %mul3A_10 : i32
    "tpu.region"() ({
      %run_scoped3A = tpu.sem_alloc : memref<!tpu.dma_semaphore, #tpu.memory_space<semaphore_mem>>
      %dma_start3A_305 = arith.constant 0 : i32
      %dma_start3A_306 = tpu.memref_slice %arg3[%mul3A_11, %dma_start3A_305] : memref<2560x128xi32, #tpu.memory_space<hbm>> -> memref<80x128xi32, #tpu.memory_space<hbm>>
      %dma_start3A_307 = arith.constant 0 : i32
      %dma_start3A_308 = tpu.memref_slice %arg3[%mul3A_11, %dma_start3A_307] : memref<2560x128xi32, #tpu.memory_space<hbm>> -> memref<80x128xi32, #tpu.memory_space<hbm>>
      tpu.enqueue_dma source(%dma_start3A_308 : memref<80x128xi32, #tpu.memory_space<hbm>>) target(%arg6 : memref<80x128xi32, #tpu.memory_space<vmem>>) target_semaphore(%run_scoped3A : memref<!tpu.dma_semaphore, #tpu.memory_space<semaphore_mem>>)
      %dma_wait3A_309 = arith.constant 0 : i32
      %dma_wait3A_310 = tpu.memref_slice %arg3[%mul3A_11, %dma_wait3A_309] : memref<2560x128xi32, #tpu.memory_space<hbm>> -> memref<80x128xi32, #tpu.memory_space<hbm>>
      %dma_wait3A_311 = arith.constant 0 : i32
      %dma_wait3A_312 = tpu.memref_slice %arg3[%mul3A_11, %dma_wait3A_311] : memref<2560x128xi32, #tpu.memory_space<hbm>> -> memref<80x128xi32, #tpu.memory_space<hbm>>
      tpu.wait_dma2 semaphore(%run_scoped3A : memref<!tpu.dma_semaphore, #tpu.memory_space<semaphore_mem>>) src(%dma_wait3A_312 : memref<80x128xi32, #tpu.memory_space<hbm>>) dst(%arg6 : memref<80x128xi32, #tpu.memory_space<vmem>>)
      tpu.yield
    }) : () -> ()
    %mul3A_12 = arith.constant 80 : i32
    %mul3A_13 = arith.muli %add3A, %mul3A_12 : i32
    "tpu.region"() ({
      %run_scoped3A = tpu.sem_alloc : memref<!tpu.dma_semaphore, #tpu.memory_space<semaphore_mem>>
      %dma_start3A_305 = arith.constant 0 : i32
      %dma_start3A_306 = tpu.memref_slice %arg4[%mul3A_13, %dma_start3A_305] : memref<2560x128xi32, #tpu.memory_space<hbm>> -> memref<80x128xi32, #tpu.memory_space<hbm>>
      %dma_start3A_307 = arith.constant 0 : i32
      %dma_start3A_308 = tpu.memref_slice %arg4[%mul3A_13, %dma_start3A_307] : memref<2560x128xi32, #tpu.memory_space<hbm>> -> memref<80x128xi32, #tpu.memory_space<hbm>>
      tpu.enqueue_dma source(%dma_start3A_308 : memref<80x128xi32, #tpu.memory_space<hbm>>) target(%arg7 : memref<80x128xi32, #tpu.memory_space<vmem>>) target_semaphore(%run_scoped3A : memref<!tpu.dma_semaphore, #tpu.memory_space<semaphore_mem>>)
      %dma_wait3A_309 = arith.constant 0 : i32
      %dma_wait3A_310 = tpu.memref_slice %arg4[%mul3A_13, %dma_wait3A_309] : memref<2560x128xi32, #tpu.memory_space<hbm>> -> memref<80x128xi32, #tpu.memory_space<hbm>>
      %dma_wait3A_311 = arith.constant 0 : i32
      %dma_wait3A_312 = tpu.memref_slice %arg4[%mul3A_13, %dma_wait3A_311] : memref<2560x128xi32, #tpu.memory_space<hbm>> -> memref<80x128xi32, #tpu.memory_space<hbm>>
      tpu.wait_dma2 semaphore(%run_scoped3A : memref<!tpu.dma_semaphore, #tpu.memory_space<semaphore_mem>>) src(%dma_wait3A_312 : memref<80x128xi32, #tpu.memory_space<hbm>>) dst(%arg7 : memref<80x128xi32, #tpu.memory_space<vmem>>)
      tpu.yield
    }) : () -> ()
    %barrier3A = arith.constant 0 : index
    tpu.barrier barrier_id(%barrier3A)
    %dma_start3A = arith.constant 0 : i32
    %dma_start3A_14 = arith.constant 0 : i32
    %dma_start3A_15 = tpu.memref_slice %arg6[%dma_start3A, %dma_start3A_14] : memref<80x128xi32, #tpu.memory_space<vmem>> -> memref<1x128xi32, #tpu.memory_space<vmem>>
    %dma_start3A_16 = tpu.memref_squeeze %dma_start3A_15 : memref<1x128xi32, #tpu.memory_space<vmem>> -> memref<128xi32, #tpu.memory_space<vmem>>
    %dma_start3A_17 = arith.constant 0 : i32
    %dma_start3A_18 = arith.constant 0 : i32
    %dma_start3A_19 = tpu.memref_slice %arg2[%dma_start3A_17, %dma_start3A_18] : memref<10240x16xf32, #tpu.memory_space<hbm>> -> memref<10240x16xf32, #tpu.memory_space<hbm>>
    tpu.enqueue_indirect_dma source(%dma_start3A_19 : memref<10240x16xf32, #tpu.memory_space<hbm>>) target(%arg8 : memref<128x16xf32, #tpu.memory_space<vmem>>) offsets(%dma_start3A_16 : memref<128xi32, #tpu.memory_space<vmem>>) semaphore(%arg18 : memref<!tpu.dma_semaphore, #tpu.memory_space<semaphore_mem>>)
    %dma_start3A_20 = arith.constant 1 : i32
    %dma_start3A_21 = arith.constant 0 : i32
    %dma_start3A_22 = tpu.memref_slice %arg6[%dma_start3A_20, %dma_start3A_21] : memref<80x128xi32, #tpu.memory_space<vmem>> -> memref<1x128xi32, #tpu.memory_space<vmem>>
    %dma_start3A_23 = tpu.memref_squeeze %dma_start3A_22 : memref<1x128xi32, #tpu.memory_space<vmem>> -> memref<128xi32, #tpu.memory_space<vmem>>
    %dma_start3A_24 = arith.constant 0 : i32
    %dma_start3A_25 = arith.constant 0 : i32
    %dma_start3A_26 = tpu.memref_slice %arg2[%dma_start3A_24, %dma_start3A_25] : memref<10240x16xf32, #tpu.memory_space<hbm>> -> memref<10240x16xf32, #tpu.memory_space<hbm>>
    tpu.enqueue_indirect_dma source(%dma_start3A_26 : memref<10240x16xf32, #tpu.memory_space<hbm>>) target(%arg9 : memref<128x16xf32, #tpu.memory_space<vmem>>) offsets(%dma_start3A_23 : memref<128xi32, #tpu.memory_space<vmem>>) semaphore(%arg19 : memref<!tpu.dma_semaphore, #tpu.memory_space<semaphore_mem>>)
    %dma_start3A_27 = arith.constant 2 : i32
    %dma_start3A_28 = arith.constant 0 : i32
    %dma_start3A_29 = tpu.memref_slice %arg6[%dma_start3A_27, %dma_start3A_28] : memref<80x128xi32, #tpu.memory_space<vmem>> -> memref<1x128xi32, #tpu.memory_space<vmem>>
    %dma_start3A_30 = tpu.memref_squeeze %dma_start3A_29 : memref<1x128xi32, #tpu.memory_space<vmem>> -> memref<128xi32, #tpu.memory_space<vmem>>
    %dma_start3A_31 = arith.constant 0 : i32
    %dma_start3A_32 = arith.constant 0 : i32
    %dma_start3A_33 = tpu.memref_slice %arg2[%dma_start3A_31, %dma_start3A_32] : memref<10240x16xf32, #tpu.memory_space<hbm>> -> memref<10240x16xf32, #tpu.memory_space<hbm>>
    tpu.enqueue_indirect_dma source(%dma_start3A_33 : memref<10240x16xf32, #tpu.memory_space<hbm>>) target(%arg10 : memref<128x16xf32, #tpu.memory_space<vmem>>) offsets(%dma_start3A_30 : memref<128xi32, #tpu.memory_space<vmem>>) semaphore(%arg20 : memref<!tpu.dma_semaphore, #tpu.memory_space<semaphore_mem>>)
    %dma_start3A_34 = arith.constant 3 : i32
    %dma_start3A_35 = arith.constant 0 : i32
    %dma_start3A_36 = tpu.memref_slice %arg6[%dma_start3A_34, %dma_start3A_35] : memref<80x128xi32, #tpu.memory_space<vmem>> -> memref<1x128xi32, #tpu.memory_space<vmem>>
    %dma_start3A_37 = tpu.memref_squeeze %dma_start3A_36 : memref<1x128xi32, #tpu.memory_space<vmem>> -> memref<128xi32, #tpu.memory_space<vmem>>
    %dma_start3A_38 = arith.constant 0 : i32
    %dma_start3A_39 = arith.constant 0 : i32
    %dma_start3A_40 = tpu.memref_slice %arg2[%dma_start3A_38, %dma_start3A_39] : memref<10240x16xf32, #tpu.memory_space<hbm>> -> memref<10240x16xf32, #tpu.memory_space<hbm>>
    tpu.enqueue_indirect_dma source(%dma_start3A_40 : memref<10240x16xf32, #tpu.memory_space<hbm>>) target(%arg11 : memref<128x16xf32, #tpu.memory_space<vmem>>) offsets(%dma_start3A_37 : memref<128xi32, #tpu.memory_space<vmem>>) semaphore(%arg21 : memref<!tpu.dma_semaphore, #tpu.memory_space<semaphore_mem>>)
    %dma_start3A_41 = arith.constant 4 : i32
    %dma_start3A_42 = arith.constant 0 : i32
    %dma_start3A_43 = tpu.memref_slice %arg6[%dma_start3A_41, %dma_start3A_42] : memref<80x128xi32, #tpu.memory_space<vmem>> -> memref<1x128xi32, #tpu.memory_space<vmem>>
    %dma_start3A_44 = tpu.memref_squeeze %dma_start3A_43 : memref<1x128xi32, #tpu.memory_space<vmem>> -> memref<128xi32, #tpu.memory_space<vmem>>
    %dma_start3A_45 = arith.constant 0 : i32
    %dma_start3A_46 = arith.constant 0 : i32
    %dma_start3A_47 = tpu.memref_slice %arg2[%dma_start3A_45, %dma_start3A_46] : memref<10240x16xf32, #tpu.memory_space<hbm>> -> memref<10240x16xf32, #tpu.memory_space<hbm>>
    tpu.enqueue_indirect_dma source(%dma_start3A_47 : memref<10240x16xf32, #tpu.memory_space<hbm>>) target(%arg12 : memref<128x16xf32, #tpu.memory_space<vmem>>) offsets(%dma_start3A_44 : memref<128xi32, #tpu.memory_space<vmem>>) semaphore(%arg22 : memref<!tpu.dma_semaphore, #tpu.memory_space<semaphore_mem>>)
    %dma_wait3A = arith.constant 0 : i32
    %dma_wait3A_48 = arith.constant 0 : i32
    %dma_wait3A_49 = tpu.memref_slice %arg6[%dma_wait3A, %dma_wait3A_48] : memref<80x128xi32, #tpu.memory_space<vmem>> -> memref<1x128xi32, #tpu.memory_space<vmem>>
    %dma_wait3A_50 = tpu.memref_squeeze %dma_wait3A_49 : memref<1x128xi32, #tpu.memory_space<vmem>> -> memref<128xi32, #tpu.memory_space<vmem>>
    %dma_wait3A_51 = arith.constant 0 : i32
    %dma_wait3A_52 = arith.constant 0 : i32
    %dma_wait3A_53 = tpu.memref_slice %arg2[%dma_wait3A_51, %dma_wait3A_52] : memref<10240x16xf32, #tpu.memory_space<hbm>> -> memref<10240x16xf32, #tpu.memory_space<hbm>>
    tpu.wait_indirect_dma semaphore(%arg18 : memref<!tpu.dma_semaphore, #tpu.memory_space<semaphore_mem>>) src(%dma_wait3A_53 : memref<10240x16xf32, #tpu.memory_space<hbm>>) dst(%arg8 : memref<128x16xf32, #tpu.memory_space<vmem>>)
    %dma_start3A_54 = arith.constant 0 : i32
    %dma_start3A_55 = arith.constant 0 : i32
    %dma_start3A_56 = tpu.memref_slice %arg7[%dma_start3A_54, %dma_start3A_55] : memref<80x128xi32, #tpu.memory_space<vmem>> -> memref<1x128xi32, #tpu.memory_space<vmem>>
    %dma_start3A_57 = tpu.memref_squeeze %dma_start3A_56 : memref<1x128xi32, #tpu.memory_space<vmem>> -> memref<128xi32, #tpu.memory_space<vmem>>
    %dma_start3A_58 = arith.constant 0 : i32
    %dma_start3A_59 = arith.constant 0 : i32
    %dma_start3A_60 = tpu.memref_slice %arg38[%dma_start3A_58, %dma_start3A_59] : memref<10240x16xf32, #tpu.memory_space<vmem_shared>> -> memref<10240x16xf32, #tpu.memory_space<vmem_shared>>
    tpu.enqueue_indirect_dma source(%arg8 : memref<128x16xf32, #tpu.memory_space<vmem>>) target(%dma_start3A_60 : memref<10240x16xf32, #tpu.memory_space<vmem_shared>>) offsets(%dma_start3A_57 : memref<128xi32, #tpu.memory_space<vmem>>) semaphore(%arg28 : memref<!tpu.dma_semaphore, #tpu.memory_space<semaphore_mem>>) {add = true}
    %dma_start3A_61 = arith.constant 5 : i32
    %dma_start3A_62 = arith.constant 0 : i32
    %dma_start3A_63 = tpu.memref_slice %arg6[%dma_start3A_61, %dma_start3A_62] : memref<80x128xi32, #tpu.memory_space<vmem>> -> memref<1x128xi32, #tpu.memory_space<vmem>>
    %dma_start3A_64 = tpu.memref_squeeze %dma_start3A_63 : memref<1x128xi32, #tpu.memory_space<vmem>> -> memref<128xi32, #tpu.memory_space<vmem>>
    %dma_start3A_65 = arith.constant 0 : i32
    %dma_start3A_66 = arith.constant 0 : i32
    %dma_start3A_67 = tpu.memref_slice %arg2[%dma_start3A_65, %dma_start3A_66] : memref<10240x16xf32, #tpu.memory_space<hbm>> -> memref<10240x16xf32, #tpu.memory_space<hbm>>
    tpu.enqueue_indirect_dma source(%dma_start3A_67 : memref<10240x16xf32, #tpu.memory_space<hbm>>) target(%arg13 : memref<128x16xf32, #tpu.memory_space<vmem>>) offsets(%dma_start3A_64 : memref<128xi32, #tpu.memory_space<vmem>>) semaphore(%arg23 : memref<!tpu.dma_semaphore, #tpu.memory_space<semaphore_mem>>)
    %dma_wait3A_68 = arith.constant 1 : i32
    %dma_wait3A_69 = arith.constant 0 : i32
    %dma_wait3A_70 = tpu.memref_slice %arg6[%dma_wait3A_68, %dma_wait3A_69] : memref<80x128xi32, #tpu.memory_space<vmem>> -> memref<1x128xi32, #tpu.memory_space<vmem>>
    %dma_wait3A_71 = tpu.memref_squeeze %dma_wait3A_70 : memref<1x128xi32, #tpu.memory_space<vmem>> -> memref<128xi32, #tpu.memory_space<vmem>>
    %dma_wait3A_72 = arith.constant 0 : i32
    %dma_wait3A_73 = arith.constant 0 : i32
    %dma_wait3A_74 = tpu.memref_slice %arg2[%dma_wait3A_72, %dma_wait3A_73] : memref<10240x16xf32, #tpu.memory_space<hbm>> -> memref<10240x16xf32, #tpu.memory_space<hbm>>
    tpu.wait_indirect_dma semaphore(%arg19 : memref<!tpu.dma_semaphore, #tpu.memory_space<semaphore_mem>>) src(%dma_wait3A_74 : memref<10240x16xf32, #tpu.memory_space<hbm>>) dst(%arg9 : memref<128x16xf32, #tpu.memory_space<vmem>>)
    %dma_start3A_75 = arith.constant 1 : i32
    %dma_start3A_76 = arith.constant 0 : i32
    %dma_start3A_77 = tpu.memref_slice %arg7[%dma_start3A_75, %dma_start3A_76] : memref<80x128xi32, #tpu.memory_space<vmem>> -> memref<1x128xi32, #tpu.memory_space<vmem>>
    %dma_start3A_78 = tpu.memref_squeeze %dma_start3A_77 : memref<1x128xi32, #tpu.memory_space<vmem>> -> memref<128xi32, #tpu.memory_space<vmem>>
    %dma_start3A_79 = arith.constant 0 : i32
    %dma_start3A_80 = arith.constant 0 : i32
    %dma_start3A_81 = tpu.memref_slice %arg38[%dma_start3A_79, %dma_start3A_80] : memref<10240x16xf32, #tpu.memory_space<vmem_shared>> -> memref<10240x16xf32, #tpu.memory_space<vmem_shared>>
    tpu.enqueue_indirect_dma source(%arg9 : memref<128x16xf32, #tpu.memory_space<vmem>>) target(%dma_start3A_81 : memref<10240x16xf32, #tpu.memory_space<vmem_shared>>) offsets(%dma_start3A_78 : memref<128xi32, #tpu.memory_space<vmem>>) semaphore(%arg29 : memref<!tpu.dma_semaphore, #tpu.memory_space<semaphore_mem>>) {add = true}
    %dma_start3A_82 = arith.constant 6 : i32
    %dma_start3A_83 = arith.constant 0 : i32
    %dma_start3A_84 = tpu.memref_slice %arg6[%dma_start3A_82, %dma_start3A_83] : memref<80x128xi32, #tpu.memory_space<vmem>> -> memref<1x128xi32, #tpu.memory_space<vmem>>
    %dma_start3A_85 = tpu.memref_squeeze %dma_start3A_84 : memref<1x128xi32, #tpu.memory_space<vmem>> -> memref<128xi32, #tpu.memory_space<vmem>>
    %dma_start3A_86 = arith.constant 0 : i32
    %dma_start3A_87 = arith.constant 0 : i32
    %dma_start3A_88 = tpu.memref_slice %arg2[%dma_start3A_86, %dma_start3A_87] : memref<10240x16xf32, #tpu.memory_space<hbm>> -> memref<10240x16xf32, #tpu.memory_space<hbm>>
    tpu.enqueue_indirect_dma source(%dma_start3A_88 : memref<10240x16xf32, #tpu.memory_space<hbm>>) target(%arg14 : memref<128x16xf32, #tpu.memory_space<vmem>>) offsets(%dma_start3A_85 : memref<128xi32, #tpu.memory_space<vmem>>) semaphore(%arg24 : memref<!tpu.dma_semaphore, #tpu.memory_space<semaphore_mem>>)
    %dma_wait3A_89 = arith.constant 2 : i32
    %dma_wait3A_90 = arith.constant 0 : i32
    %dma_wait3A_91 = tpu.memref_slice %arg6[%dma_wait3A_89, %dma_wait3A_90] : memref<80x128xi32, #tpu.memory_space<vmem>> -> memref<1x128xi32, #tpu.memory_space<vmem>>
    %dma_wait3A_92 = tpu.memref_squeeze %dma_wait3A_91 : memref<1x128xi32, #tpu.memory_space<vmem>> -> memref<128xi32, #tpu.memory_space<vmem>>
    %dma_wait3A_93 = arith.constant 0 : i32
    %dma_wait3A_94 = arith.constant 0 : i32
    %dma_wait3A_95 = tpu.memref_slice %arg2[%dma_wait3A_93, %dma_wait3A_94] : memref<10240x16xf32, #tpu.memory_space<hbm>> -> memref<10240x16xf32, #tpu.memory_space<hbm>>
    tpu.wait_indirect_dma semaphore(%arg20 : memref<!tpu.dma_semaphore, #tpu.memory_space<semaphore_mem>>) src(%dma_wait3A_95 : memref<10240x16xf32, #tpu.memory_space<hbm>>) dst(%arg10 : memref<128x16xf32, #tpu.memory_space<vmem>>)
    %dma_start3A_96 = arith.constant 2 : i32
    %dma_start3A_97 = arith.constant 0 : i32
    %dma_start3A_98 = tpu.memref_slice %arg7[%dma_start3A_96, %dma_start3A_97] : memref<80x128xi32, #tpu.memory_space<vmem>> -> memref<1x128xi32, #tpu.memory_space<vmem>>
    %dma_start3A_99 = tpu.memref_squeeze %dma_start3A_98 : memref<1x128xi32, #tpu.memory_space<vmem>> -> memref<128xi32, #tpu.memory_space<vmem>>
    %dma_start3A_100 = arith.constant 0 : i32
    %dma_start3A_101 = arith.constant 0 : i32
    %dma_start3A_102 = tpu.memref_slice %arg38[%dma_start3A_100, %dma_start3A_101] : memref<10240x16xf32, #tpu.memory_space<vmem_shared>> -> memref<10240x16xf32, #tpu.memory_space<vmem_shared>>
    tpu.enqueue_indirect_dma source(%arg10 : memref<128x16xf32, #tpu.memory_space<vmem>>) target(%dma_start3A_102 : memref<10240x16xf32, #tpu.memory_space<vmem_shared>>) offsets(%dma_start3A_99 : memref<128xi32, #tpu.memory_space<vmem>>) semaphore(%arg30 : memref<!tpu.dma_semaphore, #tpu.memory_space<semaphore_mem>>) {add = true}
    %dma_start3A_103 = arith.constant 7 : i32
    %dma_start3A_104 = arith.constant 0 : i32
    %dma_start3A_105 = tpu.memref_slice %arg6[%dma_start3A_103, %dma_start3A_104] : memref<80x128xi32, #tpu.memory_space<vmem>> -> memref<1x128xi32, #tpu.memory_space<vmem>>
    %dma_start3A_106 = tpu.memref_squeeze %dma_start3A_105 : memref<1x128xi32, #tpu.memory_space<vmem>> -> memref<128xi32, #tpu.memory_space<vmem>>
    %dma_start3A_107 = arith.constant 0 : i32
    %dma_start3A_108 = arith.constant 0 : i32
    %dma_start3A_109 = tpu.memref_slice %arg2[%dma_start3A_107, %dma_start3A_108] : memref<10240x16xf32, #tpu.memory_space<hbm>> -> memref<10240x16xf32, #tpu.memory_space<hbm>>
    tpu.enqueue_indirect_dma source(%dma_start3A_109 : memref<10240x16xf32, #tpu.memory_space<hbm>>) target(%arg15 : memref<128x16xf32, #tpu.memory_space<vmem>>) offsets(%dma_start3A_106 : memref<128xi32, #tpu.memory_space<vmem>>) semaphore(%arg25 : memref<!tpu.dma_semaphore, #tpu.memory_space<semaphore_mem>>)
    %dma_wait3A_110 = arith.constant 3 : i32
    %dma_wait3A_111 = arith.constant 0 : i32
    %dma_wait3A_112 = tpu.memref_slice %arg6[%dma_wait3A_110, %dma_wait3A_111] : memref<80x128xi32, #tpu.memory_space<vmem>> -> memref<1x128xi32, #tpu.memory_space<vmem>>
    %dma_wait3A_113 = tpu.memref_squeeze %dma_wait3A_112 : memref<1x128xi32, #tpu.memory_space<vmem>> -> memref<128xi32, #tpu.memory_space<vmem>>
    %dma_wait3A_114 = arith.constant 0 : i32
    %dma_wait3A_115 = arith.constant 0 : i32
    %dma_wait3A_116 = tpu.memref_slice %arg2[%dma_wait3A_114, %dma_wait3A_115] : memref<10240x16xf32, #tpu.memory_space<hbm>> -> memref<10240x16xf32, #tpu.memory_space<hbm>>
    tpu.wait_indirect_dma semaphore(%arg21 : memref<!tpu.dma_semaphore, #tpu.memory_space<semaphore_mem>>) src(%dma_wait3A_116 : memref<10240x16xf32, #tpu.memory_space<hbm>>) dst(%arg11 : memref<128x16xf32, #tpu.memory_space<vmem>>)
    %dma_start3A_117 = arith.constant 3 : i32
    %dma_start3A_118 = arith.constant 0 : i32
    %dma_start3A_119 = tpu.memref_slice %arg7[%dma_start3A_117, %dma_start3A_118] : memref<80x128xi32, #tpu.memory_space<vmem>> -> memref<1x128xi32, #tpu.memory_space<vmem>>
    %dma_start3A_120 = tpu.memref_squeeze %dma_start3A_119 : memref<1x128xi32, #tpu.memory_space<vmem>> -> memref<128xi32, #tpu.memory_space<vmem>>
    %dma_start3A_121 = arith.constant 0 : i32
    %dma_start3A_122 = arith.constant 0 : i32
    %dma_start3A_123 = tpu.memref_slice %arg38[%dma_start3A_121, %dma_start3A_122] : memref<10240x16xf32, #tpu.memory_space<vmem_shared>> -> memref<10240x16xf32, #tpu.memory_space<vmem_shared>>
    tpu.enqueue_indirect_dma source(%arg11 : memref<128x16xf32, #tpu.memory_space<vmem>>) target(%dma_start3A_123 : memref<10240x16xf32, #tpu.memory_space<vmem_shared>>) offsets(%dma_start3A_120 : memref<128xi32, #tpu.memory_space<vmem>>) semaphore(%arg31 : memref<!tpu.dma_semaphore, #tpu.memory_space<semaphore_mem>>) {add = true}
    %dma_start3A_124 = arith.constant 8 : i32
    %dma_start3A_125 = arith.constant 0 : i32
    %dma_start3A_126 = tpu.memref_slice %arg6[%dma_start3A_124, %dma_start3A_125] : memref<80x128xi32, #tpu.memory_space<vmem>> -> memref<1x128xi32, #tpu.memory_space<vmem>>
    %dma_start3A_127 = tpu.memref_squeeze %dma_start3A_126 : memref<1x128xi32, #tpu.memory_space<vmem>> -> memref<128xi32, #tpu.memory_space<vmem>>
    %dma_start3A_128 = arith.constant 0 : i32
    %dma_start3A_129 = arith.constant 0 : i32
    %dma_start3A_130 = tpu.memref_slice %arg2[%dma_start3A_128, %dma_start3A_129] : memref<10240x16xf32, #tpu.memory_space<hbm>> -> memref<10240x16xf32, #tpu.memory_space<hbm>>
    tpu.enqueue_indirect_dma source(%dma_start3A_130 : memref<10240x16xf32, #tpu.memory_space<hbm>>) target(%arg16 : memref<128x16xf32, #tpu.memory_space<vmem>>) offsets(%dma_start3A_127 : memref<128xi32, #tpu.memory_space<vmem>>) semaphore(%arg26 : memref<!tpu.dma_semaphore, #tpu.memory_space<semaphore_mem>>)
    %dma_wait3A_131 = arith.constant 4 : i32
    %dma_wait3A_132 = arith.constant 0 : i32
    %dma_wait3A_133 = tpu.memref_slice %arg6[%dma_wait3A_131, %dma_wait3A_132] : memref<80x128xi32, #tpu.memory_space<vmem>> -> memref<1x128xi32, #tpu.memory_space<vmem>>
    %dma_wait3A_134 = tpu.memref_squeeze %dma_wait3A_133 : memref<1x128xi32, #tpu.memory_space<vmem>> -> memref<128xi32, #tpu.memory_space<vmem>>
    %dma_wait3A_135 = arith.constant 0 : i32
    %dma_wait3A_136 = arith.constant 0 : i32
    %dma_wait3A_137 = tpu.memref_slice %arg2[%dma_wait3A_135, %dma_wait3A_136] : memref<10240x16xf32, #tpu.memory_space<hbm>> -> memref<10240x16xf32, #tpu.memory_space<hbm>>
    tpu.wait_indirect_dma semaphore(%arg22 : memref<!tpu.dma_semaphore, #tpu.memory_space<semaphore_mem>>) src(%dma_wait3A_137 : memref<10240x16xf32, #tpu.memory_space<hbm>>) dst(%arg12 : memref<128x16xf32, #tpu.memory_space<vmem>>)
    %dma_start3A_138 = arith.constant 4 : i32
    %dma_start3A_139 = arith.constant 0 : i32
    %dma_start3A_140 = tpu.memref_slice %arg7[%dma_start3A_138, %dma_start3A_139] : memref<80x128xi32, #tpu.memory_space<vmem>> -> memref<1x128xi32, #tpu.memory_space<vmem>>
    %dma_start3A_141 = tpu.memref_squeeze %dma_start3A_140 : memref<1x128xi32, #tpu.memory_space<vmem>> -> memref<128xi32, #tpu.memory_space<vmem>>
    %dma_start3A_142 = arith.constant 0 : i32
    %dma_start3A_143 = arith.constant 0 : i32
    %dma_start3A_144 = tpu.memref_slice %arg38[%dma_start3A_142, %dma_start3A_143] : memref<10240x16xf32, #tpu.memory_space<vmem_shared>> -> memref<10240x16xf32, #tpu.memory_space<vmem_shared>>
    tpu.enqueue_indirect_dma source(%arg12 : memref<128x16xf32, #tpu.memory_space<vmem>>) target(%dma_start3A_144 : memref<10240x16xf32, #tpu.memory_space<vmem_shared>>) offsets(%dma_start3A_141 : memref<128xi32, #tpu.memory_space<vmem>>) semaphore(%arg32 : memref<!tpu.dma_semaphore, #tpu.memory_space<semaphore_mem>>) {add = true}
    %dma_start3A_145 = arith.constant 9 : i32
    %dma_start3A_146 = arith.constant 0 : i32
    %dma_start3A_147 = tpu.memref_slice %arg6[%dma_start3A_145, %dma_start3A_146] : memref<80x128xi32, #tpu.memory_space<vmem>> -> memref<1x128xi32, #tpu.memory_space<vmem>>
    %dma_start3A_148 = tpu.memref_squeeze %dma_start3A_147 : memref<1x128xi32, #tpu.memory_space<vmem>> -> memref<128xi32, #tpu.memory_space<vmem>>
    %dma_start3A_149 = arith.constant 0 : i32
    %dma_start3A_150 = arith.constant 0 : i32
    %dma_start3A_151 = tpu.memref_slice %arg2[%dma_start3A_149, %dma_start3A_150] : memref<10240x16xf32, #tpu.memory_space<hbm>> -> memref<10240x16xf32, #tpu.memory_space<hbm>>
    tpu.enqueue_indirect_dma source(%dma_start3A_151 : memref<10240x16xf32, #tpu.memory_space<hbm>>) target(%arg17 : memref<128x16xf32, #tpu.memory_space<vmem>>) offsets(%dma_start3A_148 : memref<128xi32, #tpu.memory_space<vmem>>) semaphore(%arg27 : memref<!tpu.dma_semaphore, #tpu.memory_space<semaphore_mem>>)
    %scan3A_152 = arith.constant 0 : i32
    %scan3A_153 = arith.constant 7 : i32
    %scan3A_154 = arith.addi %scan3A_152, %scan3A_153 : i32
    %scan3A_155 = arith.constant 1 : i32
    scf.for %scan3A_305 = %scan3A_152 to %scan3A_154 step %scan3A_155  : i32 {
      %mul3A_306 = arith.constant 10 : i32
      %mul3A_307 = arith.muli %scan3A_305, %mul3A_306 : i32
      %add3A_308 = arith.constant 5 : i32
      %add3A_309 = arith.addi %add3A_308, %mul3A_307 : i32
      %add3A_310 = arith.constant 0 : i32
      %add3A_311 = arith.addi %add3A_309, %add3A_310 : i32
      %dma_wait3A_312 = arith.constant 0 : i32
      %dma_wait3A_313 = tpu.memref_slice %arg6[%add3A_311, %dma_wait3A_312] : memref<80x128xi32, #tpu.memory_space<vmem>> -> memref<1x128xi32, #tpu.memory_space<vmem>>
      %dma_wait3A_314 = tpu.memref_squeeze %dma_wait3A_313 : memref<1x128xi32, #tpu.memory_space<vmem>> -> memref<128xi32, #tpu.memory_space<vmem>>
      %dma_wait3A_315 = arith.constant 0 : i32
      %dma_wait3A_316 = arith.constant 0 : i32
      %dma_wait3A_317 = tpu.memref_slice %arg2[%dma_wait3A_315, %dma_wait3A_316] : memref<10240x16xf32, #tpu.memory_space<hbm>> -> memref<10240x16xf32, #tpu.memory_space<hbm>>
      tpu.wait_indirect_dma semaphore(%arg23 : memref<!tpu.dma_semaphore, #tpu.memory_space<semaphore_mem>>) src(%dma_wait3A_317 : memref<10240x16xf32, #tpu.memory_space<hbm>>) dst(%arg13 : memref<128x16xf32, #tpu.memory_space<vmem>>)
      %dma_start3A_318 = arith.constant 0 : i32
      %dma_start3A_319 = tpu.memref_slice %arg7[%add3A_311, %dma_start3A_318] : memref<80x128xi32, #tpu.memory_space<vmem>> -> memref<1x128xi32, #tpu.memory_space<vmem>>
      %dma_start3A_320 = tpu.memref_squeeze %dma_start3A_319 : memref<1x128xi32, #tpu.memory_space<vmem>> -> memref<128xi32, #tpu.memory_space<vmem>>
      %dma_start3A_321 = arith.constant 0 : i32
      %dma_start3A_322 = arith.constant 0 : i32
      %dma_start3A_323 = tpu.memref_slice %arg38[%dma_start3A_321, %dma_start3A_322] : memref<10240x16xf32, #tpu.memory_space<vmem_shared>> -> memref<10240x16xf32, #tpu.memory_space<vmem_shared>>
      tpu.enqueue_indirect_dma source(%arg13 : memref<128x16xf32, #tpu.memory_space<vmem>>) target(%dma_start3A_323 : memref<10240x16xf32, #tpu.memory_space<vmem_shared>>) offsets(%dma_start3A_320 : memref<128xi32, #tpu.memory_space<vmem>>) semaphore(%arg33 : memref<!tpu.dma_semaphore, #tpu.memory_space<semaphore_mem>>) {add = true}
      %sub3A = arith.constant 5 : i32
      %sub3A_324 = arith.subi %add3A_311, %sub3A : i32
      %dma_wait3A_325 = arith.constant 0 : i32
      %dma_wait3A_326 = tpu.memref_slice %arg7[%sub3A_324, %dma_wait3A_325] : memref<80x128xi32, #tpu.memory_space<vmem>> -> memref<1x128xi32, #tpu.memory_space<vmem>>
      %dma_wait3A_327 = tpu.memref_squeeze %dma_wait3A_326 : memref<1x128xi32, #tpu.memory_space<vmem>> -> memref<128xi32, #tpu.memory_space<vmem>>
      %dma_wait3A_328 = arith.constant 0 : i32
      %dma_wait3A_329 = arith.constant 0 : i32
      %dma_wait3A_330 = tpu.memref_slice %arg38[%dma_wait3A_328, %dma_wait3A_329] : memref<10240x16xf32, #tpu.memory_space<vmem_shared>> -> memref<10240x16xf32, #tpu.memory_space<vmem_shared>>
      tpu.wait_indirect_dma semaphore(%arg28 : memref<!tpu.dma_semaphore, #tpu.memory_space<semaphore_mem>>) src(%arg8 : memref<128x16xf32, #tpu.memory_space<vmem>>) dst(%dma_wait3A_330 : memref<10240x16xf32, #tpu.memory_space<vmem_shared>>)
      %add3A_331 = arith.constant 5 : i32
      %add3A_332 = arith.addi %add3A_311, %add3A_331 : i32
      %dma_start3A_333 = arith.constant 0 : i32
      %dma_start3A_334 = tpu.memref_slice %arg6[%add3A_332, %dma_start3A_333] : memref<80x128xi32, #tpu.memory_space<vmem>> -> memref<1x128xi32, #tpu.memory_space<vmem>>
      %dma_start3A_335 = tpu.memref_squeeze %dma_start3A_334 : memref<1x128xi32, #tpu.memory_space<vmem>> -> memref<128xi32, #tpu.memory_space<vmem>>
      %dma_start3A_336 = arith.constant 0 : i32
      %dma_start3A_337 = arith.constant 0 : i32
      %dma_start3A_338 = tpu.memref_slice %arg2[%dma_start3A_336, %dma_start3A_337] : memref<10240x16xf32, #tpu.memory_space<hbm>> -> memref<10240x16xf32, #tpu.memory_space<hbm>>
      tpu.enqueue_indirect_dma source(%dma_start3A_338 : memref<10240x16xf32, #tpu.memory_space<hbm>>) target(%arg8 : memref<128x16xf32, #tpu.memory_space<vmem>>) offsets(%dma_start3A_335 : memref<128xi32, #tpu.memory_space<vmem>>) semaphore(%arg18 : memref<!tpu.dma_semaphore, #tpu.memory_space<semaphore_mem>>)
      %add3A_339 = arith.constant 1 : i32
      %add3A_340 = arith.addi %add3A_309, %add3A_339 : i32
      %dma_wait3A_341 = arith.constant 0 : i32
      %dma_wait3A_342 = tpu.memref_slice %arg6[%add3A_340, %dma_wait3A_341] : memref<80x128xi32, #tpu.memory_space<vmem>> -> memref<1x128xi32, #tpu.memory_space<vmem>>
      %dma_wait3A_343 = tpu.memref_squeeze %dma_wait3A_342 : memref<1x128xi32, #tpu.memory_space<vmem>> -> memref<128xi32, #tpu.memory_space<vmem>>
      %dma_wait3A_344 = arith.constant 0 : i32
      %dma_wait3A_345 = arith.constant 0 : i32
      %dma_wait3A_346 = tpu.memref_slice %arg2[%dma_wait3A_344, %dma_wait3A_345] : memref<10240x16xf32, #tpu.memory_space<hbm>> -> memref<10240x16xf32, #tpu.memory_space<hbm>>
      tpu.wait_indirect_dma semaphore(%arg24 : memref<!tpu.dma_semaphore, #tpu.memory_space<semaphore_mem>>) src(%dma_wait3A_346 : memref<10240x16xf32, #tpu.memory_space<hbm>>) dst(%arg14 : memref<128x16xf32, #tpu.memory_space<vmem>>)
      %dma_start3A_347 = arith.constant 0 : i32
      %dma_start3A_348 = tpu.memref_slice %arg7[%add3A_340, %dma_start3A_347] : memref<80x128xi32, #tpu.memory_space<vmem>> -> memref<1x128xi32, #tpu.memory_space<vmem>>
      %dma_start3A_349 = tpu.memref_squeeze %dma_start3A_348 : memref<1x128xi32, #tpu.memory_space<vmem>> -> memref<128xi32, #tpu.memory_space<vmem>>
      %dma_start3A_350 = arith.constant 0 : i32
      %dma_start3A_351 = arith.constant 0 : i32
      %dma_start3A_352 = tpu.memref_slice %arg38[%dma_start3A_350, %dma_start3A_351] : memref<10240x16xf32, #tpu.memory_space<vmem_shared>> -> memref<10240x16xf32, #tpu.memory_space<vmem_shared>>
      tpu.enqueue_indirect_dma source(%arg14 : memref<128x16xf32, #tpu.memory_space<vmem>>) target(%dma_start3A_352 : memref<10240x16xf32, #tpu.memory_space<vmem_shared>>) offsets(%dma_start3A_349 : memref<128xi32, #tpu.memory_space<vmem>>) semaphore(%arg34 : memref<!tpu.dma_semaphore, #tpu.memory_space<semaphore_mem>>) {add = true}
      %sub3A_353 = arith.constant 5 : i32
      %sub3A_354 = arith.subi %add3A_340, %sub3A_353 : i32
      %dma_wait3A_355 = arith.constant 0 : i32
      %dma_wait3A_356 = tpu.memref_slice %arg7[%sub3A_354, %dma_wait3A_355] : memref<80x128xi32, #tpu.memory_space<vmem>> -> memref<1x128xi32, #tpu.memory_space<vmem>>
      %dma_wait3A_357 = tpu.memref_squeeze %dma_wait3A_356 : memref<1x128xi32, #tpu.memory_space<vmem>> -> memref<128xi32, #tpu.memory_space<vmem>>
      %dma_wait3A_358 = arith.constant 0 : i32
      %dma_wait3A_359 = arith.constant 0 : i32
      %dma_wait3A_360 = tpu.memref_slice %arg38[%dma_wait3A_358, %dma_wait3A_359] : memref<10240x16xf32, #tpu.memory_space<vmem_shared>> -> memref<10240x16xf32, #tpu.memory_space<vmem_shared>>
      tpu.wait_indirect_dma semaphore(%arg29 : memref<!tpu.dma_semaphore, #tpu.memory_space<semaphore_mem>>) src(%arg9 : memref<128x16xf32, #tpu.memory_space<vmem>>) dst(%dma_wait3A_360 : memref<10240x16xf32, #tpu.memory_space<vmem_shared>>)
      %add3A_361 = arith.constant 5 : i32
      %add3A_362 = arith.addi %add3A_340, %add3A_361 : i32
      %dma_start3A_363 = arith.constant 0 : i32
      %dma_start3A_364 = tpu.memref_slice %arg6[%add3A_362, %dma_start3A_363] : memref<80x128xi32, #tpu.memory_space<vmem>> -> memref<1x128xi32, #tpu.memory_space<vmem>>
      %dma_start3A_365 = tpu.memref_squeeze %dma_start3A_364 : memref<1x128xi32, #tpu.memory_space<vmem>> -> memref<128xi32, #tpu.memory_space<vmem>>
      %dma_start3A_366 = arith.constant 0 : i32
      %dma_start3A_367 = arith.constant 0 : i32
      %dma_start3A_368 = tpu.memref_slice %arg2[%dma_start3A_366, %dma_start3A_367] : memref<10240x16xf32, #tpu.memory_space<hbm>> -> memref<10240x16xf32, #tpu.memory_space<hbm>>
      tpu.enqueue_indirect_dma source(%dma_start3A_368 : memref<10240x16xf32, #tpu.memory_space<hbm>>) target(%arg9 : memref<128x16xf32, #tpu.memory_space<vmem>>) offsets(%dma_start3A_365 : memref<128xi32, #tpu.memory_space<vmem>>) semaphore(%arg19 : memref<!tpu.dma_semaphore, #tpu.memory_space<semaphore_mem>>)
      %add3A_369 = arith.constant 2 : i32
      %add3A_370 = arith.addi %add3A_309, %add3A_369 : i32
      %dma_wait3A_371 = arith.constant 0 : i32
      %dma_wait3A_372 = tpu.memref_slice %arg6[%add3A_370, %dma_wait3A_371] : memref<80x128xi32, #tpu.memory_space<vmem>> -> memref<1x128xi32, #tpu.memory_space<vmem>>
      %dma_wait3A_373 = tpu.memref_squeeze %dma_wait3A_372 : memref<1x128xi32, #tpu.memory_space<vmem>> -> memref<128xi32, #tpu.memory_space<vmem>>
      %dma_wait3A_374 = arith.constant 0 : i32
      %dma_wait3A_375 = arith.constant 0 : i32
      %dma_wait3A_376 = tpu.memref_slice %arg2[%dma_wait3A_374, %dma_wait3A_375] : memref<10240x16xf32, #tpu.memory_space<hbm>> -> memref<10240x16xf32, #tpu.memory_space<hbm>>
      tpu.wait_indirect_dma semaphore(%arg25 : memref<!tpu.dma_semaphore, #tpu.memory_space<semaphore_mem>>) src(%dma_wait3A_376 : memref<10240x16xf32, #tpu.memory_space<hbm>>) dst(%arg15 : memref<128x16xf32, #tpu.memory_space<vmem>>)
      %dma_start3A_377 = arith.constant 0 : i32
      %dma_start3A_378 = tpu.memref_slice %arg7[%add3A_370, %dma_start3A_377] : memref<80x128xi32, #tpu.memory_space<vmem>> -> memref<1x128xi32, #tpu.memory_space<vmem>>
      %dma_start3A_379 = tpu.memref_squeeze %dma_start3A_378 : memref<1x128xi32, #tpu.memory_space<vmem>> -> memref<128xi32, #tpu.memory_space<vmem>>
      %dma_start3A_380 = arith.constant 0 : i32
      %dma_start3A_381 = arith.constant 0 : i32
      %dma_start3A_382 = tpu.memref_slice %arg38[%dma_start3A_380, %dma_start3A_381] : memref<10240x16xf32, #tpu.memory_space<vmem_shared>> -> memref<10240x16xf32, #tpu.memory_space<vmem_shared>>
      tpu.enqueue_indirect_dma source(%arg15 : memref<128x16xf32, #tpu.memory_space<vmem>>) target(%dma_start3A_382 : memref<10240x16xf32, #tpu.memory_space<vmem_shared>>) offsets(%dma_start3A_379 : memref<128xi32, #tpu.memory_space<vmem>>) semaphore(%arg35 : memref<!tpu.dma_semaphore, #tpu.memory_space<semaphore_mem>>) {add = true}
      %sub3A_383 = arith.constant 5 : i32
      %sub3A_384 = arith.subi %add3A_370, %sub3A_383 : i32
      %dma_wait3A_385 = arith.constant 0 : i32
      %dma_wait3A_386 = tpu.memref_slice %arg7[%sub3A_384, %dma_wait3A_385] : memref<80x128xi32, #tpu.memory_space<vmem>> -> memref<1x128xi32, #tpu.memory_space<vmem>>
      %dma_wait3A_387 = tpu.memref_squeeze %dma_wait3A_386 : memref<1x128xi32, #tpu.memory_space<vmem>> -> memref<128xi32, #tpu.memory_space<vmem>>
      %dma_wait3A_388 = arith.constant 0 : i32
      %dma_wait3A_389 = arith.constant 0 : i32
      %dma_wait3A_390 = tpu.memref_slice %arg38[%dma_wait3A_388, %dma_wait3A_389] : memref<10240x16xf32, #tpu.memory_space<vmem_shared>> -> memref<10240x16xf32, #tpu.memory_space<vmem_shared>>
      tpu.wait_indirect_dma semaphore(%arg30 : memref<!tpu.dma_semaphore, #tpu.memory_space<semaphore_mem>>) src(%arg10 : memref<128x16xf32, #tpu.memory_space<vmem>>) dst(%dma_wait3A_390 : memref<10240x16xf32, #tpu.memory_space<vmem_shared>>)
      %add3A_391 = arith.constant 5 : i32
      %add3A_392 = arith.addi %add3A_370, %add3A_391 : i32
      %dma_start3A_393 = arith.constant 0 : i32
      %dma_start3A_394 = tpu.memref_slice %arg6[%add3A_392, %dma_start3A_393] : memref<80x128xi32, #tpu.memory_space<vmem>> -> memref<1x128xi32, #tpu.memory_space<vmem>>
      %dma_start3A_395 = tpu.memref_squeeze %dma_start3A_394 : memref<1x128xi32, #tpu.memory_space<vmem>> -> memref<128xi32, #tpu.memory_space<vmem>>
      %dma_start3A_396 = arith.constant 0 : i32
      %dma_start3A_397 = arith.constant 0 : i32
      %dma_start3A_398 = tpu.memref_slice %arg2[%dma_start3A_396, %dma_start3A_397] : memref<10240x16xf32, #tpu.memory_space<hbm>> -> memref<10240x16xf32, #tpu.memory_space<hbm>>
      tpu.enqueue_indirect_dma source(%dma_start3A_398 : memref<10240x16xf32, #tpu.memory_space<hbm>>) target(%arg10 : memref<128x16xf32, #tpu.memory_space<vmem>>) offsets(%dma_start3A_395 : memref<128xi32, #tpu.memory_space<vmem>>) semaphore(%arg20 : memref<!tpu.dma_semaphore, #tpu.memory_space<semaphore_mem>>)
      %add3A_399 = arith.constant 3 : i32
      %add3A_400 = arith.addi %add3A_309, %add3A_399 : i32
      %dma_wait3A_401 = arith.constant 0 : i32
      %dma_wait3A_402 = tpu.memref_slice %arg6[%add3A_400, %dma_wait3A_401] : memref<80x128xi32, #tpu.memory_space<vmem>> -> memref<1x128xi32, #tpu.memory_space<vmem>>
      %dma_wait3A_403 = tpu.memref_squeeze %dma_wait3A_402 : memref<1x128xi32, #tpu.memory_space<vmem>> -> memref<128xi32, #tpu.memory_space<vmem>>
      %dma_wait3A_404 = arith.constant 0 : i32
      %dma_wait3A_405 = arith.constant 0 : i32
      %dma_wait3A_406 = tpu.memref_slice %arg2[%dma_wait3A_404, %dma_wait3A_405] : memref<10240x16xf32, #tpu.memory_space<hbm>> -> memref<10240x16xf32, #tpu.memory_space<hbm>>
      tpu.wait_indirect_dma semaphore(%arg26 : memref<!tpu.dma_semaphore, #tpu.memory_space<semaphore_mem>>) src(%dma_wait3A_406 : memref<10240x16xf32, #tpu.memory_space<hbm>>) dst(%arg16 : memref<128x16xf32, #tpu.memory_space<vmem>>)
      %dma_start3A_407 = arith.constant 0 : i32
      %dma_start3A_408 = tpu.memref_slice %arg7[%add3A_400, %dma_start3A_407] : memref<80x128xi32, #tpu.memory_space<vmem>> -> memref<1x128xi32, #tpu.memory_space<vmem>>
      %dma_start3A_409 = tpu.memref_squeeze %dma_start3A_408 : memref<1x128xi32, #tpu.memory_space<vmem>> -> memref<128xi32, #tpu.memory_space<vmem>>
      %dma_start3A_410 = arith.constant 0 : i32
      %dma_start3A_411 = arith.constant 0 : i32
      %dma_start3A_412 = tpu.memref_slice %arg38[%dma_start3A_410, %dma_start3A_411] : memref<10240x16xf32, #tpu.memory_space<vmem_shared>> -> memref<10240x16xf32, #tpu.memory_space<vmem_shared>>
      tpu.enqueue_indirect_dma source(%arg16 : memref<128x16xf32, #tpu.memory_space<vmem>>) target(%dma_start3A_412 : memref<10240x16xf32, #tpu.memory_space<vmem_shared>>) offsets(%dma_start3A_409 : memref<128xi32, #tpu.memory_space<vmem>>) semaphore(%arg36 : memref<!tpu.dma_semaphore, #tpu.memory_space<semaphore_mem>>) {add = true}
      %sub3A_413 = arith.constant 5 : i32
      %sub3A_414 = arith.subi %add3A_400, %sub3A_413 : i32
      %dma_wait3A_415 = arith.constant 0 : i32
      %dma_wait3A_416 = tpu.memref_slice %arg7[%sub3A_414, %dma_wait3A_415] : memref<80x128xi32, #tpu.memory_space<vmem>> -> memref<1x128xi32, #tpu.memory_space<vmem>>
      %dma_wait3A_417 = tpu.memref_squeeze %dma_wait3A_416 : memref<1x128xi32, #tpu.memory_space<vmem>> -> memref<128xi32, #tpu.memory_space<vmem>>
      %dma_wait3A_418 = arith.constant 0 : i32
      %dma_wait3A_419 = arith.constant 0 : i32
      %dma_wait3A_420 = tpu.memref_slice %arg38[%dma_wait3A_418, %dma_wait3A_419] : memref<10240x16xf32, #tpu.memory_space<vmem_shared>> -> memref<10240x16xf32, #tpu.memory_space<vmem_shared>>
      tpu.wait_indirect_dma semaphore(%arg31 : memref<!tpu.dma_semaphore, #tpu.memory_space<semaphore_mem>>) src(%arg11 : memref<128x16xf32, #tpu.memory_space<vmem>>) dst(%dma_wait3A_420 : memref<10240x16xf32, #tpu.memory_space<vmem_shared>>)
      %add3A_421 = arith.constant 5 : i32
      %add3A_422 = arith.addi %add3A_400, %add3A_421 : i32
      %dma_start3A_423 = arith.constant 0 : i32
      %dma_start3A_424 = tpu.memref_slice %arg6[%add3A_422, %dma_start3A_423] : memref<80x128xi32, #tpu.memory_space<vmem>> -> memref<1x128xi32, #tpu.memory_space<vmem>>
      %dma_start3A_425 = tpu.memref_squeeze %dma_start3A_424 : memref<1x128xi32, #tpu.memory_space<vmem>> -> memref<128xi32, #tpu.memory_space<vmem>>
      %dma_start3A_426 = arith.constant 0 : i32
      %dma_start3A_427 = arith.constant 0 : i32
      %dma_start3A_428 = tpu.memref_slice %arg2[%dma_start3A_426, %dma_start3A_427] : memref<10240x16xf32, #tpu.memory_space<hbm>> -> memref<10240x16xf32, #tpu.memory_space<hbm>>
      tpu.enqueue_indirect_dma source(%dma_start3A_428 : memref<10240x16xf32, #tpu.memory_space<hbm>>) target(%arg11 : memref<128x16xf32, #tpu.memory_space<vmem>>) offsets(%dma_start3A_425 : memref<128xi32, #tpu.memory_space<vmem>>) semaphore(%arg21 : memref<!tpu.dma_semaphore, #tpu.memory_space<semaphore_mem>>)
      %add3A_429 = arith.constant 4 : i32
      %add3A_430 = arith.addi %add3A_309, %add3A_429 : i32
      %dma_wait3A_431 = arith.constant 0 : i32
      %dma_wait3A_432 = tpu.memref_slice %arg6[%add3A_430, %dma_wait3A_431] : memref<80x128xi32, #tpu.memory_space<vmem>> -> memref<1x128xi32, #tpu.memory_space<vmem>>
      %dma_wait3A_433 = tpu.memref_squeeze %dma_wait3A_432 : memref<1x128xi32, #tpu.memory_space<vmem>> -> memref<128xi32, #tpu.memory_space<vmem>>
      %dma_wait3A_434 = arith.constant 0 : i32
      %dma_wait3A_435 = arith.constant 0 : i32
      %dma_wait3A_436 = tpu.memref_slice %arg2[%dma_wait3A_434, %dma_wait3A_435] : memref<10240x16xf32, #tpu.memory_space<hbm>> -> memref<10240x16xf32, #tpu.memory_space<hbm>>
      tpu.wait_indirect_dma semaphore(%arg27 : memref<!tpu.dma_semaphore, #tpu.memory_space<semaphore_mem>>) src(%dma_wait3A_436 : memref<10240x16xf32, #tpu.memory_space<hbm>>) dst(%arg17 : memref<128x16xf32, #tpu.memory_space<vmem>>)
      %dma_start3A_437 = arith.constant 0 : i32
      %dma_start3A_438 = tpu.memref_slice %arg7[%add3A_430, %dma_start3A_437] : memref<80x128xi32, #tpu.memory_space<vmem>> -> memref<1x128xi32, #tpu.memory_space<vmem>>
      %dma_start3A_439 = tpu.memref_squeeze %dma_start3A_438 : memref<1x128xi32, #tpu.memory_space<vmem>> -> memref<128xi32, #tpu.memory_space<vmem>>
      %dma_start3A_440 = arith.constant 0 : i32
      %dma_start3A_441 = arith.constant 0 : i32
      %dma_start3A_442 = tpu.memref_slice %arg38[%dma_start3A_440, %dma_start3A_441] : memref<10240x16xf32, #tpu.memory_space<vmem_shared>> -> memref<10240x16xf32, #tpu.memory_space<vmem_shared>>
      tpu.enqueue_indirect_dma source(%arg17 : memref<128x16xf32, #tpu.memory_space<vmem>>) target(%dma_start3A_442 : memref<10240x16xf32, #tpu.memory_space<vmem_shared>>) offsets(%dma_start3A_439 : memref<128xi32, #tpu.memory_space<vmem>>) semaphore(%arg37 : memref<!tpu.dma_semaphore, #tpu.memory_space<semaphore_mem>>) {add = true}
      %sub3A_443 = arith.constant 5 : i32
      %sub3A_444 = arith.subi %add3A_430, %sub3A_443 : i32
      %dma_wait3A_445 = arith.constant 0 : i32
      %dma_wait3A_446 = tpu.memref_slice %arg7[%sub3A_444, %dma_wait3A_445] : memref<80x128xi32, #tpu.memory_space<vmem>> -> memref<1x128xi32, #tpu.memory_space<vmem>>
      %dma_wait3A_447 = tpu.memref_squeeze %dma_wait3A_446 : memref<1x128xi32, #tpu.memory_space<vmem>> -> memref<128xi32, #tpu.memory_space<vmem>>
      %dma_wait3A_448 = arith.constant 0 : i32
      %dma_wait3A_449 = arith.constant 0 : i32
      %dma_wait3A_450 = tpu.memref_slice %arg38[%dma_wait3A_448, %dma_wait3A_449] : memref<10240x16xf32, #tpu.memory_space<vmem_shared>> -> memref<10240x16xf32, #tpu.memory_space<vmem_shared>>
      tpu.wait_indirect_dma semaphore(%arg32 : memref<!tpu.dma_semaphore, #tpu.memory_space<semaphore_mem>>) src(%arg12 : memref<128x16xf32, #tpu.memory_space<vmem>>) dst(%dma_wait3A_450 : memref<10240x16xf32, #tpu.memory_space<vmem_shared>>)
      %add3A_451 = arith.constant 5 : i32
      %add3A_452 = arith.addi %add3A_430, %add3A_451 : i32
      %dma_start3A_453 = arith.constant 0 : i32
      %dma_start3A_454 = tpu.memref_slice %arg6[%add3A_452, %dma_start3A_453] : memref<80x128xi32, #tpu.memory_space<vmem>> -> memref<1x128xi32, #tpu.memory_space<vmem>>
      %dma_start3A_455 = tpu.memref_squeeze %dma_start3A_454 : memref<1x128xi32, #tpu.memory_space<vmem>> -> memref<128xi32, #tpu.memory_space<vmem>>
      %dma_start3A_456 = arith.constant 0 : i32
      %dma_start3A_457 = arith.constant 0 : i32
      %dma_start3A_458 = tpu.memref_slice %arg2[%dma_start3A_456, %dma_start3A_457] : memref<10240x16xf32, #tpu.memory_space<hbm>> -> memref<10240x16xf32, #tpu.memory_space<hbm>>
      tpu.enqueue_indirect_dma source(%dma_start3A_458 : memref<10240x16xf32, #tpu.memory_space<hbm>>) target(%arg12 : memref<128x16xf32, #tpu.memory_space<vmem>>) offsets(%dma_start3A_455 : memref<128xi32, #tpu.memory_space<vmem>>) semaphore(%arg22 : memref<!tpu.dma_semaphore, #tpu.memory_space<semaphore_mem>>)
      %add3A_459 = arith.constant 5 : i32
      %add3A_460 = arith.addi %add3A_309, %add3A_459 : i32
      %dma_wait3A_461 = arith.constant 0 : i32
      %dma_wait3A_462 = tpu.memref_slice %arg6[%add3A_460, %dma_wait3A_461] : memref<80x128xi32, #tpu.memory_space<vmem>> -> memref<1x128xi32, #tpu.memory_space<vmem>>
      %dma_wait3A_463 = tpu.memref_squeeze %dma_wait3A_462 : memref<1x128xi32, #tpu.memory_space<vmem>> -> memref<128xi32, #tpu.memory_space<vmem>>
      %dma_wait3A_464 = arith.constant 0 : i32
      %dma_wait3A_465 = arith.constant 0 : i32
      %dma_wait3A_466 = tpu.memref_slice %arg2[%dma_wait3A_464, %dma_wait3A_465] : memref<10240x16xf32, #tpu.memory_space<hbm>> -> memref<10240x16xf32, #tpu.memory_space<hbm>>
      tpu.wait_indirect_dma semaphore(%arg18 : memref<!tpu.dma_semaphore, #tpu.memory_space<semaphore_mem>>) src(%dma_wait3A_466 : memref<10240x16xf32, #tpu.memory_space<hbm>>) dst(%arg8 : memref<128x16xf32, #tpu.memory_space<vmem>>)
      %dma_start3A_467 = arith.constant 0 : i32
      %dma_start3A_468 = tpu.memref_slice %arg7[%add3A_460, %dma_start3A_467] : memref<80x128xi32, #tpu.memory_space<vmem>> -> memref<1x128xi32, #tpu.memory_space<vmem>>
      %dma_start3A_469 = tpu.memref_squeeze %dma_start3A_468 : memref<1x128xi32, #tpu.memory_space<vmem>> -> memref<128xi32, #tpu.memory_space<vmem>>
      %dma_start3A_470 = arith.constant 0 : i32
      %dma_start3A_471 = arith.constant 0 : i32
      %dma_start3A_472 = tpu.memref_slice %arg38[%dma_start3A_470, %dma_start3A_471] : memref<10240x16xf32, #tpu.memory_space<vmem_shared>> -> memref<10240x16xf32, #tpu.memory_space<vmem_shared>>
      tpu.enqueue_indirect_dma source(%arg8 : memref<128x16xf32, #tpu.memory_space<vmem>>) target(%dma_start3A_472 : memref<10240x16xf32, #tpu.memory_space<vmem_shared>>) offsets(%dma_start3A_469 : memref<128xi32, #tpu.memory_space<vmem>>) semaphore(%arg28 : memref<!tpu.dma_semaphore, #tpu.memory_space<semaphore_mem>>) {add = true}
      %sub3A_473 = arith.constant 5 : i32
      %sub3A_474 = arith.subi %add3A_460, %sub3A_473 : i32
      %dma_wait3A_475 = arith.constant 0 : i32
      %dma_wait3A_476 = tpu.memref_slice %arg7[%sub3A_474, %dma_wait3A_475] : memref<80x128xi32, #tpu.memory_space<vmem>> -> memref<1x128xi32, #tpu.memory_space<vmem>>
      %dma_wait3A_477 = tpu.memref_squeeze %dma_wait3A_476 : memref<1x128xi32, #tpu.memory_space<vmem>> -> memref<128xi32, #tpu.memory_space<vmem>>
      %dma_wait3A_478 = arith.constant 0 : i32
      %dma_wait3A_479 = arith.constant 0 : i32
      %dma_wait3A_480 = tpu.memref_slice %arg38[%dma_wait3A_478, %dma_wait3A_479] : memref<10240x16xf32, #tpu.memory_space<vmem_shared>> -> memref<10240x16xf32, #tpu.memory_space<vmem_shared>>
      tpu.wait_indirect_dma semaphore(%arg33 : memref<!tpu.dma_semaphore, #tpu.memory_space<semaphore_mem>>) src(%arg13 : memref<128x16xf32, #tpu.memory_space<vmem>>) dst(%dma_wait3A_480 : memref<10240x16xf32, #tpu.memory_space<vmem_shared>>)
      %add3A_481 = arith.constant 5 : i32
      %add3A_482 = arith.addi %add3A_460, %add3A_481 : i32
      %dma_start3A_483 = arith.constant 0 : i32
      %dma_start3A_484 = tpu.memref_slice %arg6[%add3A_482, %dma_start3A_483] : memref<80x128xi32, #tpu.memory_space<vmem>> -> memref<1x128xi32, #tpu.memory_space<vmem>>
      %dma_start3A_485 = tpu.memref_squeeze %dma_start3A_484 : memref<1x128xi32, #tpu.memory_space<vmem>> -> memref<128xi32, #tpu.memory_space<vmem>>
      %dma_start3A_486 = arith.constant 0 : i32
      %dma_start3A_487 = arith.constant 0 : i32
      %dma_start3A_488 = tpu.memref_slice %arg2[%dma_start3A_486, %dma_start3A_487] : memref<10240x16xf32, #tpu.memory_space<hbm>> -> memref<10240x16xf32, #tpu.memory_space<hbm>>
      tpu.enqueue_indirect_dma source(%dma_start3A_488 : memref<10240x16xf32, #tpu.memory_space<hbm>>) target(%arg13 : memref<128x16xf32, #tpu.memory_space<vmem>>) offsets(%dma_start3A_485 : memref<128xi32, #tpu.memory_space<vmem>>) semaphore(%arg23 : memref<!tpu.dma_semaphore, #tpu.memory_space<semaphore_mem>>)
      %add3A_489 = arith.constant 6 : i32
      %add3A_490 = arith.addi %add3A_309, %add3A_489 : i32
      %dma_wait3A_491 = arith.constant 0 : i32
      %dma_wait3A_492 = tpu.memref_slice %arg6[%add3A_490, %dma_wait3A_491] : memref<80x128xi32, #tpu.memory_space<vmem>> -> memref<1x128xi32, #tpu.memory_space<vmem>>
      %dma_wait3A_493 = tpu.memref_squeeze %dma_wait3A_492 : memref<1x128xi32, #tpu.memory_space<vmem>> -> memref<128xi32, #tpu.memory_space<vmem>>
      %dma_wait3A_494 = arith.constant 0 : i32
      %dma_wait3A_495 = arith.constant 0 : i32
      %dma_wait3A_496 = tpu.memref_slice %arg2[%dma_wait3A_494, %dma_wait3A_495] : memref<10240x16xf32, #tpu.memory_space<hbm>> -> memref<10240x16xf32, #tpu.memory_space<hbm>>
      tpu.wait_indirect_dma semaphore(%arg19 : memref<!tpu.dma_semaphore, #tpu.memory_space<semaphore_mem>>) src(%dma_wait3A_496 : memref<10240x16xf32, #tpu.memory_space<hbm>>) dst(%arg9 : memref<128x16xf32, #tpu.memory_space<vmem>>)
      %dma_start3A_497 = arith.constant 0 : i32
      %dma_start3A_498 = tpu.memref_slice %arg7[%add3A_490, %dma_start3A_497] : memref<80x128xi32, #tpu.memory_space<vmem>> -> memref<1x128xi32, #tpu.memory_space<vmem>>
      %dma_start3A_499 = tpu.memref_squeeze %dma_start3A_498 : memref<1x128xi32, #tpu.memory_space<vmem>> -> memref<128xi32, #tpu.memory_space<vmem>>
      %dma_start3A_500 = arith.constant 0 : i32
      %dma_start3A_501 = arith.constant 0 : i32
      %dma_start3A_502 = tpu.memref_slice %arg38[%dma_start3A_500, %dma_start3A_501] : memref<10240x16xf32, #tpu.memory_space<vmem_shared>> -> memref<10240x16xf32, #tpu.memory_space<vmem_shared>>
      tpu.enqueue_indirect_dma source(%arg9 : memref<128x16xf32, #tpu.memory_space<vmem>>) target(%dma_start3A_502 : memref<10240x16xf32, #tpu.memory_space<vmem_shared>>) offsets(%dma_start3A_499 : memref<128xi32, #tpu.memory_space<vmem>>) semaphore(%arg29 : memref<!tpu.dma_semaphore, #tpu.memory_space<semaphore_mem>>) {add = true}
      %sub3A_503 = arith.constant 5 : i32
      %sub3A_504 = arith.subi %add3A_490, %sub3A_503 : i32
      %dma_wait3A_505 = arith.constant 0 : i32
      %dma_wait3A_506 = tpu.memref_slice %arg7[%sub3A_504, %dma_wait3A_505] : memref<80x128xi32, #tpu.memory_space<vmem>> -> memref<1x128xi32, #tpu.memory_space<vmem>>
      %dma_wait3A_507 = tpu.memref_squeeze %dma_wait3A_506 : memref<1x128xi32, #tpu.memory_space<vmem>> -> memref<128xi32, #tpu.memory_space<vmem>>
      %dma_wait3A_508 = arith.constant 0 : i32
      %dma_wait3A_509 = arith.constant 0 : i32
      %dma_wait3A_510 = tpu.memref_slice %arg38[%dma_wait3A_508, %dma_wait3A_509] : memref<10240x16xf32, #tpu.memory_space<vmem_shared>> -> memref<10240x16xf32, #tpu.memory_space<vmem_shared>>
      tpu.wait_indirect_dma semaphore(%arg34 : memref<!tpu.dma_semaphore, #tpu.memory_space<semaphore_mem>>) src(%arg14 : memref<128x16xf32, #tpu.memory_space<vmem>>) dst(%dma_wait3A_510 : memref<10240x16xf32, #tpu.memory_space<vmem_shared>>)
      %add3A_511 = arith.constant 5 : i32
      %add3A_512 = arith.addi %add3A_490, %add3A_511 : i32
      %dma_start3A_513 = arith.constant 0 : i32
      %dma_start3A_514 = tpu.memref_slice %arg6[%add3A_512, %dma_start3A_513] : memref<80x128xi32, #tpu.memory_space<vmem>> -> memref<1x128xi32, #tpu.memory_space<vmem>>
      %dma_start3A_515 = tpu.memref_squeeze %dma_start3A_514 : memref<1x128xi32, #tpu.memory_space<vmem>> -> memref<128xi32, #tpu.memory_space<vmem>>
      %dma_start3A_516 = arith.constant 0 : i32
      %dma_start3A_517 = arith.constant 0 : i32
      %dma_start3A_518 = tpu.memref_slice %arg2[%dma_start3A_516, %dma_start3A_517] : memref<10240x16xf32, #tpu.memory_space<hbm>> -> memref<10240x16xf32, #tpu.memory_space<hbm>>
      tpu.enqueue_indirect_dma source(%dma_start3A_518 : memref<10240x16xf32, #tpu.memory_space<hbm>>) target(%arg14 : memref<128x16xf32, #tpu.memory_space<vmem>>) offsets(%dma_start3A_515 : memref<128xi32, #tpu.memory_space<vmem>>) semaphore(%arg24 : memref<!tpu.dma_semaphore, #tpu.memory_space<semaphore_mem>>)
      %add3A_519 = arith.constant 7 : i32
      %add3A_520 = arith.addi %add3A_309, %add3A_519 : i32
      %dma_wait3A_521 = arith.constant 0 : i32
      %dma_wait3A_522 = tpu.memref_slice %arg6[%add3A_520, %dma_wait3A_521] : memref<80x128xi32, #tpu.memory_space<vmem>> -> memref<1x128xi32, #tpu.memory_space<vmem>>
      %dma_wait3A_523 = tpu.memref_squeeze %dma_wait3A_522 : memref<1x128xi32, #tpu.memory_space<vmem>> -> memref<128xi32, #tpu.memory_space<vmem>>
      %dma_wait3A_524 = arith.constant 0 : i32
      %dma_wait3A_525 = arith.constant 0 : i32
      %dma_wait3A_526 = tpu.memref_slice %arg2[%dma_wait3A_524, %dma_wait3A_525] : memref<10240x16xf32, #tpu.memory_space<hbm>> -> memref<10240x16xf32, #tpu.memory_space<hbm>>
      tpu.wait_indirect_dma semaphore(%arg20 : memref<!tpu.dma_semaphore, #tpu.memory_space<semaphore_mem>>) src(%dma_wait3A_526 : memref<10240x16xf32, #tpu.memory_space<hbm>>) dst(%arg10 : memref<128x16xf32, #tpu.memory_space<vmem>>)
      %dma_start3A_527 = arith.constant 0 : i32
      %dma_start3A_528 = tpu.memref_slice %arg7[%add3A_520, %dma_start3A_527] : memref<80x128xi32, #tpu.memory_space<vmem>> -> memref<1x128xi32, #tpu.memory_space<vmem>>
      %dma_start3A_529 = tpu.memref_squeeze %dma_start3A_528 : memref<1x128xi32, #tpu.memory_space<vmem>> -> memref<128xi32, #tpu.memory_space<vmem>>
      %dma_start3A_530 = arith.constant 0 : i32
      %dma_start3A_531 = arith.constant 0 : i32
      %dma_start3A_532 = tpu.memref_slice %arg38[%dma_start3A_530, %dma_start3A_531] : memref<10240x16xf32, #tpu.memory_space<vmem_shared>> -> memref<10240x16xf32, #tpu.memory_space<vmem_shared>>
      tpu.enqueue_indirect_dma source(%arg10 : memref<128x16xf32, #tpu.memory_space<vmem>>) target(%dma_start3A_532 : memref<10240x16xf32, #tpu.memory_space<vmem_shared>>) offsets(%dma_start3A_529 : memref<128xi32, #tpu.memory_space<vmem>>) semaphore(%arg30 : memref<!tpu.dma_semaphore, #tpu.memory_space<semaphore_mem>>) {add = true}
      %sub3A_533 = arith.constant 5 : i32
      %sub3A_534 = arith.subi %add3A_520, %sub3A_533 : i32
      %dma_wait3A_535 = arith.constant 0 : i32
      %dma_wait3A_536 = tpu.memref_slice %arg7[%sub3A_534, %dma_wait3A_535] : memref<80x128xi32, #tpu.memory_space<vmem>> -> memref<1x128xi32, #tpu.memory_space<vmem>>
      %dma_wait3A_537 = tpu.memref_squeeze %dma_wait3A_536 : memref<1x128xi32, #tpu.memory_space<vmem>> -> memref<128xi32, #tpu.memory_space<vmem>>
      %dma_wait3A_538 = arith.constant 0 : i32
      %dma_wait3A_539 = arith.constant 0 : i32
      %dma_wait3A_540 = tpu.memref_slice %arg38[%dma_wait3A_538, %dma_wait3A_539] : memref<10240x16xf32, #tpu.memory_space<vmem_shared>> -> memref<10240x16xf32, #tpu.memory_space<vmem_shared>>
      tpu.wait_indirect_dma semaphore(%arg35 : memref<!tpu.dma_semaphore, #tpu.memory_space<semaphore_mem>>) src(%arg15 : memref<128x16xf32, #tpu.memory_space<vmem>>) dst(%dma_wait3A_540 : memref<10240x16xf32, #tpu.memory_space<vmem_shared>>)
      %add3A_541 = arith.constant 5 : i32
      %add3A_542 = arith.addi %add3A_520, %add3A_541 : i32
      %dma_start3A_543 = arith.constant 0 : i32
      %dma_start3A_544 = tpu.memref_slice %arg6[%add3A_542, %dma_start3A_543] : memref<80x128xi32, #tpu.memory_space<vmem>> -> memref<1x128xi32, #tpu.memory_space<vmem>>
      %dma_start3A_545 = tpu.memref_squeeze %dma_start3A_544 : memref<1x128xi32, #tpu.memory_space<vmem>> -> memref<128xi32, #tpu.memory_space<vmem>>
      %dma_start3A_546 = arith.constant 0 : i32
      %dma_start3A_547 = arith.constant 0 : i32
      %dma_start3A_548 = tpu.memref_slice %arg2[%dma_start3A_546, %dma_start3A_547] : memref<10240x16xf32, #tpu.memory_space<hbm>> -> memref<10240x16xf32, #tpu.memory_space<hbm>>
      tpu.enqueue_indirect_dma source(%dma_start3A_548 : memref<10240x16xf32, #tpu.memory_space<hbm>>) target(%arg15 : memref<128x16xf32, #tpu.memory_space<vmem>>) offsets(%dma_start3A_545 : memref<128xi32, #tpu.memory_space<vmem>>) semaphore(%arg25 : memref<!tpu.dma_semaphore, #tpu.memory_space<semaphore_mem>>)
      %add3A_549 = arith.constant 8 : i32
      %add3A_550 = arith.addi %add3A_309, %add3A_549 : i32
      %dma_wait3A_551 = arith.constant 0 : i32
      %dma_wait3A_552 = tpu.memref_slice %arg6[%add3A_550, %dma_wait3A_551] : memref<80x128xi32, #tpu.memory_space<vmem>> -> memref<1x128xi32, #tpu.memory_space<vmem>>
      %dma_wait3A_553 = tpu.memref_squeeze %dma_wait3A_552 : memref<1x128xi32, #tpu.memory_space<vmem>> -> memref<128xi32, #tpu.memory_space<vmem>>
      %dma_wait3A_554 = arith.constant 0 : i32
      %dma_wait3A_555 = arith.constant 0 : i32
      %dma_wait3A_556 = tpu.memref_slice %arg2[%dma_wait3A_554, %dma_wait3A_555] : memref<10240x16xf32, #tpu.memory_space<hbm>> -> memref<10240x16xf32, #tpu.memory_space<hbm>>
      tpu.wait_indirect_dma semaphore(%arg21 : memref<!tpu.dma_semaphore, #tpu.memory_space<semaphore_mem>>) src(%dma_wait3A_556 : memref<10240x16xf32, #tpu.memory_space<hbm>>) dst(%arg11 : memref<128x16xf32, #tpu.memory_space<vmem>>)
      %dma_start3A_557 = arith.constant 0 : i32
      %dma_start3A_558 = tpu.memref_slice %arg7[%add3A_550, %dma_start3A_557] : memref<80x128xi32, #tpu.memory_space<vmem>> -> memref<1x128xi32, #tpu.memory_space<vmem>>
      %dma_start3A_559 = tpu.memref_squeeze %dma_start3A_558 : memref<1x128xi32, #tpu.memory_space<vmem>> -> memref<128xi32, #tpu.memory_space<vmem>>
      %dma_start3A_560 = arith.constant 0 : i32
      %dma_start3A_561 = arith.constant 0 : i32
      %dma_start3A_562 = tpu.memref_slice %arg38[%dma_start3A_560, %dma_start3A_561] : memref<10240x16xf32, #tpu.memory_space<vmem_shared>> -> memref<10240x16xf32, #tpu.memory_space<vmem_shared>>
      tpu.enqueue_indirect_dma source(%arg11 : memref<128x16xf32, #tpu.memory_space<vmem>>) target(%dma_start3A_562 : memref<10240x16xf32, #tpu.memory_space<vmem_shared>>) offsets(%dma_start3A_559 : memref<128xi32, #tpu.memory_space<vmem>>) semaphore(%arg31 : memref<!tpu.dma_semaphore, #tpu.memory_space<semaphore_mem>>) {add = true}
      %sub3A_563 = arith.constant 5 : i32
      %sub3A_564 = arith.subi %add3A_550, %sub3A_563 : i32
      %dma_wait3A_565 = arith.constant 0 : i32
      %dma_wait3A_566 = tpu.memref_slice %arg7[%sub3A_564, %dma_wait3A_565] : memref<80x128xi32, #tpu.memory_space<vmem>> -> memref<1x128xi32, #tpu.memory_space<vmem>>
      %dma_wait3A_567 = tpu.memref_squeeze %dma_wait3A_566 : memref<1x128xi32, #tpu.memory_space<vmem>> -> memref<128xi32, #tpu.memory_space<vmem>>
      %dma_wait3A_568 = arith.constant 0 : i32
      %dma_wait3A_569 = arith.constant 0 : i32
      %dma_wait3A_570 = tpu.memref_slice %arg38[%dma_wait3A_568, %dma_wait3A_569] : memref<10240x16xf32, #tpu.memory_space<vmem_shared>> -> memref<10240x16xf32, #tpu.memory_space<vmem_shared>>
      tpu.wait_indirect_dma semaphore(%arg36 : memref<!tpu.dma_semaphore, #tpu.memory_space<semaphore_mem>>) src(%arg16 : memref<128x16xf32, #tpu.memory_space<vmem>>) dst(%dma_wait3A_570 : memref<10240x16xf32, #tpu.memory_space<vmem_shared>>)
      %add3A_571 = arith.constant 5 : i32
      %add3A_572 = arith.addi %add3A_550, %add3A_571 : i32
      %dma_start3A_573 = arith.constant 0 : i32
      %dma_start3A_574 = tpu.memref_slice %arg6[%add3A_572, %dma_start3A_573] : memref<80x128xi32, #tpu.memory_space<vmem>> -> memref<1x128xi32, #tpu.memory_space<vmem>>
      %dma_start3A_575 = tpu.memref_squeeze %dma_start3A_574 : memref<1x128xi32, #tpu.memory_space<vmem>> -> memref<128xi32, #tpu.memory_space<vmem>>
      %dma_start3A_576 = arith.constant 0 : i32
      %dma_start3A_577 = arith.constant 0 : i32
      %dma_start3A_578 = tpu.memref_slice %arg2[%dma_start3A_576, %dma_start3A_577] : memref<10240x16xf32, #tpu.memory_space<hbm>> -> memref<10240x16xf32, #tpu.memory_space<hbm>>
      tpu.enqueue_indirect_dma source(%dma_start3A_578 : memref<10240x16xf32, #tpu.memory_space<hbm>>) target(%arg16 : memref<128x16xf32, #tpu.memory_space<vmem>>) offsets(%dma_start3A_575 : memref<128xi32, #tpu.memory_space<vmem>>) semaphore(%arg26 : memref<!tpu.dma_semaphore, #tpu.memory_space<semaphore_mem>>)
      %add3A_579 = arith.constant 9 : i32
      %add3A_580 = arith.addi %add3A_309, %add3A_579 : i32
      %dma_wait3A_581 = arith.constant 0 : i32
      %dma_wait3A_582 = tpu.memref_slice %arg6[%add3A_580, %dma_wait3A_581] : memref<80x128xi32, #tpu.memory_space<vmem>> -> memref<1x128xi32, #tpu.memory_space<vmem>>
      %dma_wait3A_583 = tpu.memref_squeeze %dma_wait3A_582 : memref<1x128xi32, #tpu.memory_space<vmem>> -> memref<128xi32, #tpu.memory_space<vmem>>
      %dma_wait3A_584 = arith.constant 0 : i32
      %dma_wait3A_585 = arith.constant 0 : i32
      %dma_wait3A_586 = tpu.memref_slice %arg2[%dma_wait3A_584, %dma_wait3A_585] : memref<10240x16xf32, #tpu.memory_space<hbm>> -> memref<10240x16xf32, #tpu.memory_space<hbm>>
      tpu.wait_indirect_dma semaphore(%arg22 : memref<!tpu.dma_semaphore, #tpu.memory_space<semaphore_mem>>) src(%dma_wait3A_586 : memref<10240x16xf32, #tpu.memory_space<hbm>>) dst(%arg12 : memref<128x16xf32, #tpu.memory_space<vmem>>)
      %dma_start3A_587 = arith.constant 0 : i32
      %dma_start3A_588 = tpu.memref_slice %arg7[%add3A_580, %dma_start3A_587] : memref<80x128xi32, #tpu.memory_space<vmem>> -> memref<1x128xi32, #tpu.memory_space<vmem>>
      %dma_start3A_589 = tpu.memref_squeeze %dma_start3A_588 : memref<1x128xi32, #tpu.memory_space<vmem>> -> memref<128xi32, #tpu.memory_space<vmem>>
      %dma_start3A_590 = arith.constant 0 : i32
      %dma_start3A_591 = arith.constant 0 : i32
      %dma_start3A_592 = tpu.memref_slice %arg38[%dma_start3A_590, %dma_start3A_591] : memref<10240x16xf32, #tpu.memory_space<vmem_shared>> -> memref<10240x16xf32, #tpu.memory_space<vmem_shared>>
      tpu.enqueue_indirect_dma source(%arg12 : memref<128x16xf32, #tpu.memory_space<vmem>>) target(%dma_start3A_592 : memref<10240x16xf32, #tpu.memory_space<vmem_shared>>) offsets(%dma_start3A_589 : memref<128xi32, #tpu.memory_space<vmem>>) semaphore(%arg32 : memref<!tpu.dma_semaphore, #tpu.memory_space<semaphore_mem>>) {add = true}
      %sub3A_593 = arith.constant 5 : i32
      %sub3A_594 = arith.subi %add3A_580, %sub3A_593 : i32
      %dma_wait3A_595 = arith.constant 0 : i32
      %dma_wait3A_596 = tpu.memref_slice %arg7[%sub3A_594, %dma_wait3A_595] : memref<80x128xi32, #tpu.memory_space<vmem>> -> memref<1x128xi32, #tpu.memory_space<vmem>>
      %dma_wait3A_597 = tpu.memref_squeeze %dma_wait3A_596 : memref<1x128xi32, #tpu.memory_space<vmem>> -> memref<128xi32, #tpu.memory_space<vmem>>
      %dma_wait3A_598 = arith.constant 0 : i32
      %dma_wait3A_599 = arith.constant 0 : i32
      %dma_wait3A_600 = tpu.memref_slice %arg38[%dma_wait3A_598, %dma_wait3A_599] : memref<10240x16xf32, #tpu.memory_space<vmem_shared>> -> memref<10240x16xf32, #tpu.memory_space<vmem_shared>>
      tpu.wait_indirect_dma semaphore(%arg37 : memref<!tpu.dma_semaphore, #tpu.memory_space<semaphore_mem>>) src(%arg17 : memref<128x16xf32, #tpu.memory_space<vmem>>) dst(%dma_wait3A_600 : memref<10240x16xf32, #tpu.memory_space<vmem_shared>>)
      %add3A_601 = arith.constant 5 : i32
      %add3A_602 = arith.addi %add3A_580, %add3A_601 : i32
      %dma_start3A_603 = arith.constant 0 : i32
      %dma_start3A_604 = tpu.memref_slice %arg6[%add3A_602, %dma_start3A_603] : memref<80x128xi32, #tpu.memory_space<vmem>> -> memref<1x128xi32, #tpu.memory_space<vmem>>
      %dma_start3A_605 = tpu.memref_squeeze %dma_start3A_604 : memref<1x128xi32, #tpu.memory_space<vmem>> -> memref<128xi32, #tpu.memory_space<vmem>>
      %dma_start3A_606 = arith.constant 0 : i32
      %dma_start3A_607 = arith.constant 0 : i32
      %dma_start3A_608 = tpu.memref_slice %arg2[%dma_start3A_606, %dma_start3A_607] : memref<10240x16xf32, #tpu.memory_space<hbm>> -> memref<10240x16xf32, #tpu.memory_space<hbm>>
      tpu.enqueue_indirect_dma source(%dma_start3A_608 : memref<10240x16xf32, #tpu.memory_space<hbm>>) target(%arg17 : memref<128x16xf32, #tpu.memory_space<vmem>>) offsets(%dma_start3A_605 : memref<128xi32, #tpu.memory_space<vmem>>) semaphore(%arg27 : memref<!tpu.dma_semaphore, #tpu.memory_space<semaphore_mem>>)
    }
    %scan3A_156 = arith.constant 7 : i32
    %dma_wait3A_157 = arith.constant 75 : i32
    %dma_wait3A_158 = arith.constant 0 : i32
    %dma_wait3A_159 = tpu.memref_slice %arg6[%dma_wait3A_157, %dma_wait3A_158] : memref<80x128xi32, #tpu.memory_space<vmem>> -> memref<1x128xi32, #tpu.memory_space<vmem>>
    %dma_wait3A_160 = tpu.memref_squeeze %dma_wait3A_159 : memref<1x128xi32, #tpu.memory_space<vmem>> -> memref<128xi32, #tpu.memory_space<vmem>>
    %dma_wait3A_161 = arith.constant 0 : i32
    %dma_wait3A_162 = arith.constant 0 : i32
    %dma_wait3A_163 = tpu.memref_slice %arg2[%dma_wait3A_161, %dma_wait3A_162] : memref<10240x16xf32, #tpu.memory_space<hbm>> -> memref<10240x16xf32, #tpu.memory_space<hbm>>
    tpu.wait_indirect_dma semaphore(%arg23 : memref<!tpu.dma_semaphore, #tpu.memory_space<semaphore_mem>>) src(%dma_wait3A_163 : memref<10240x16xf32, #tpu.memory_space<hbm>>) dst(%arg13 : memref<128x16xf32, #tpu.memory_space<vmem>>)
    %dma_start3A_164 = arith.constant 75 : i32
    %dma_start3A_165 = arith.constant 0 : i32
    %dma_start3A_166 = tpu.memref_slice %arg7[%dma_start3A_164, %dma_start3A_165] : memref<80x128xi32, #tpu.memory_space<vmem>> -> memref<1x128xi32, #tpu.memory_space<vmem>>
    %dma_start3A_167 = tpu.memref_squeeze %dma_start3A_166 : memref<1x128xi32, #tpu.memory_space<vmem>> -> memref<128xi32, #tpu.memory_space<vmem>>
    %dma_start3A_168 = arith.constant 0 : i32
    %dma_start3A_169 = arith.constant 0 : i32
    %dma_start3A_170 = tpu.memref_slice %arg38[%dma_start3A_168, %dma_start3A_169] : memref<10240x16xf32, #tpu.memory_space<vmem_shared>> -> memref<10240x16xf32, #tpu.memory_space<vmem_shared>>
    tpu.enqueue_indirect_dma source(%arg13 : memref<128x16xf32, #tpu.memory_space<vmem>>) target(%dma_start3A_170 : memref<10240x16xf32, #tpu.memory_space<vmem_shared>>) offsets(%dma_start3A_167 : memref<128xi32, #tpu.memory_space<vmem>>) semaphore(%arg33 : memref<!tpu.dma_semaphore, #tpu.memory_space<semaphore_mem>>) {add = true}
    %dma_wait3A_171 = arith.constant 76 : i32
    %dma_wait3A_172 = arith.constant 0 : i32
    %dma_wait3A_173 = tpu.memref_slice %arg6[%dma_wait3A_171, %dma_wait3A_172] : memref<80x128xi32, #tpu.memory_space<vmem>> -> memref<1x128xi32, #tpu.memory_space<vmem>>
    %dma_wait3A_174 = tpu.memref_squeeze %dma_wait3A_173 : memref<1x128xi32, #tpu.memory_space<vmem>> -> memref<128xi32, #tpu.memory_space<vmem>>
    %dma_wait3A_175 = arith.constant 0 : i32
    %dma_wait3A_176 = arith.constant 0 : i32
    %dma_wait3A_177 = tpu.memref_slice %arg2[%dma_wait3A_175, %dma_wait3A_176] : memref<10240x16xf32, #tpu.memory_space<hbm>> -> memref<10240x16xf32, #tpu.memory_space<hbm>>
    tpu.wait_indirect_dma semaphore(%arg24 : memref<!tpu.dma_semaphore, #tpu.memory_space<semaphore_mem>>) src(%dma_wait3A_177 : memref<10240x16xf32, #tpu.memory_space<hbm>>) dst(%arg14 : memref<128x16xf32, #tpu.memory_space<vmem>>)
    %dma_start3A_178 = arith.constant 76 : i32
    %dma_start3A_179 = arith.constant 0 : i32
    %dma_start3A_180 = tpu.memref_slice %arg7[%dma_start3A_178, %dma_start3A_179] : memref<80x128xi32, #tpu.memory_space<vmem>> -> memref<1x128xi32, #tpu.memory_space<vmem>>
    %dma_start3A_181 = tpu.memref_squeeze %dma_start3A_180 : memref<1x128xi32, #tpu.memory_space<vmem>> -> memref<128xi32, #tpu.memory_space<vmem>>
    %dma_start3A_182 = arith.constant 0 : i32
    %dma_start3A_183 = arith.constant 0 : i32
    %dma_start3A_184 = tpu.memref_slice %arg38[%dma_start3A_182, %dma_start3A_183] : memref<10240x16xf32, #tpu.memory_space<vmem_shared>> -> memref<10240x16xf32, #tpu.memory_space<vmem_shared>>
    tpu.enqueue_indirect_dma source(%arg14 : memref<128x16xf32, #tpu.memory_space<vmem>>) target(%dma_start3A_184 : memref<10240x16xf32, #tpu.memory_space<vmem_shared>>) offsets(%dma_start3A_181 : memref<128xi32, #tpu.memory_space<vmem>>) semaphore(%arg34 : memref<!tpu.dma_semaphore, #tpu.memory_space<semaphore_mem>>) {add = true}
    %dma_wait3A_185 = arith.constant 77 : i32
    %dma_wait3A_186 = arith.constant 0 : i32
    %dma_wait3A_187 = tpu.memref_slice %arg6[%dma_wait3A_185, %dma_wait3A_186] : memref<80x128xi32, #tpu.memory_space<vmem>> -> memref<1x128xi32, #tpu.memory_space<vmem>>
    %dma_wait3A_188 = tpu.memref_squeeze %dma_wait3A_187 : memref<1x128xi32, #tpu.memory_space<vmem>> -> memref<128xi32, #tpu.memory_space<vmem>>
    %dma_wait3A_189 = arith.constant 0 : i32
    %dma_wait3A_190 = arith.constant 0 : i32
    %dma_wait3A_191 = tpu.memref_slice %arg2[%dma_wait3A_189, %dma_wait3A_190] : memref<10240x16xf32, #tpu.memory_space<hbm>> -> memref<10240x16xf32, #tpu.memory_space<hbm>>
    tpu.wait_indirect_dma semaphore(%arg25 : memref<!tpu.dma_semaphore, #tpu.memory_space<semaphore_mem>>) src(%dma_wait3A_191 : memref<10240x16xf32, #tpu.memory_space<hbm>>) dst(%arg15 : memref<128x16xf32, #tpu.memory_space<vmem>>)
    %dma_start3A_192 = arith.constant 77 : i32
    %dma_start3A_193 = arith.constant 0 : i32
    %dma_start3A_194 = tpu.memref_slice %arg7[%dma_start3A_192, %dma_start3A_193] : memref<80x128xi32, #tpu.memory_space<vmem>> -> memref<1x128xi32, #tpu.memory_space<vmem>>
    %dma_start3A_195 = tpu.memref_squeeze %dma_start3A_194 : memref<1x128xi32, #tpu.memory_space<vmem>> -> memref<128xi32, #tpu.memory_space<vmem>>
    %dma_start3A_196 = arith.constant 0 : i32
    %dma_start3A_197 = arith.constant 0 : i32
    %dma_start3A_198 = tpu.memref_slice %arg38[%dma_start3A_196, %dma_start3A_197] : memref<10240x16xf32, #tpu.memory_space<vmem_shared>> -> memref<10240x16xf32, #tpu.memory_space<vmem_shared>>
    tpu.enqueue_indirect_dma source(%arg15 : memref<128x16xf32, #tpu.memory_space<vmem>>) target(%dma_start3A_198 : memref<10240x16xf32, #tpu.memory_space<vmem_shared>>) offsets(%dma_start3A_195 : memref<128xi32, #tpu.memory_space<vmem>>) semaphore(%arg35 : memref<!tpu.dma_semaphore, #tpu.memory_space<semaphore_mem>>) {add = true}
    %dma_wait3A_199 = arith.constant 78 : i32
    %dma_wait3A_200 = arith.constant 0 : i32
    %dma_wait3A_201 = tpu.memref_slice %arg6[%dma_wait3A_199, %dma_wait3A_200] : memref<80x128xi32, #tpu.memory_space<vmem>> -> memref<1x128xi32, #tpu.memory_space<vmem>>
    %dma_wait3A_202 = tpu.memref_squeeze %dma_wait3A_201 : memref<1x128xi32, #tpu.memory_space<vmem>> -> memref<128xi32, #tpu.memory_space<vmem>>
    %dma_wait3A_203 = arith.constant 0 : i32
    %dma_wait3A_204 = arith.constant 0 : i32
    %dma_wait3A_205 = tpu.memref_slice %arg2[%dma_wait3A_203, %dma_wait3A_204] : memref<10240x16xf32, #tpu.memory_space<hbm>> -> memref<10240x16xf32, #tpu.memory_space<hbm>>
    tpu.wait_indirect_dma semaphore(%arg26 : memref<!tpu.dma_semaphore, #tpu.memory_space<semaphore_mem>>) src(%dma_wait3A_205 : memref<10240x16xf32, #tpu.memory_space<hbm>>) dst(%arg16 : memref<128x16xf32, #tpu.memory_space<vmem>>)
    %dma_start3A_206 = arith.constant 78 : i32
    %dma_start3A_207 = arith.constant 0 : i32
    %dma_start3A_208 = tpu.memref_slice %arg7[%dma_start3A_206, %dma_start3A_207] : memref<80x128xi32, #tpu.memory_space<vmem>> -> memref<1x128xi32, #tpu.memory_space<vmem>>
    %dma_start3A_209 = tpu.memref_squeeze %dma_start3A_208 : memref<1x128xi32, #tpu.memory_space<vmem>> -> memref<128xi32, #tpu.memory_space<vmem>>
    %dma_start3A_210 = arith.constant 0 : i32
    %dma_start3A_211 = arith.constant 0 : i32
    %dma_start3A_212 = tpu.memref_slice %arg38[%dma_start3A_210, %dma_start3A_211] : memref<10240x16xf32, #tpu.memory_space<vmem_shared>> -> memref<10240x16xf32, #tpu.memory_space<vmem_shared>>
    tpu.enqueue_indirect_dma source(%arg16 : memref<128x16xf32, #tpu.memory_space<vmem>>) target(%dma_start3A_212 : memref<10240x16xf32, #tpu.memory_space<vmem_shared>>) offsets(%dma_start3A_209 : memref<128xi32, #tpu.memory_space<vmem>>) semaphore(%arg36 : memref<!tpu.dma_semaphore, #tpu.memory_space<semaphore_mem>>) {add = true}
    %dma_wait3A_213 = arith.constant 79 : i32
    %dma_wait3A_214 = arith.constant 0 : i32
    %dma_wait3A_215 = tpu.memref_slice %arg6[%dma_wait3A_213, %dma_wait3A_214] : memref<80x128xi32, #tpu.memory_space<vmem>> -> memref<1x128xi32, #tpu.memory_space<vmem>>
    %dma_wait3A_216 = tpu.memref_squeeze %dma_wait3A_215 : memref<1x128xi32, #tpu.memory_space<vmem>> -> memref<128xi32, #tpu.memory_space<vmem>>
    %dma_wait3A_217 = arith.constant 0 : i32
    %dma_wait3A_218 = arith.constant 0 : i32
    %dma_wait3A_219 = tpu.memref_slice %arg2[%dma_wait3A_217, %dma_wait3A_218] : memref<10240x16xf32, #tpu.memory_space<hbm>> -> memref<10240x16xf32, #tpu.memory_space<hbm>>
    tpu.wait_indirect_dma semaphore(%arg27 : memref<!tpu.dma_semaphore, #tpu.memory_space<semaphore_mem>>) src(%dma_wait3A_219 : memref<10240x16xf32, #tpu.memory_space<hbm>>) dst(%arg17 : memref<128x16xf32, #tpu.memory_space<vmem>>)
    %dma_start3A_220 = arith.constant 79 : i32
    %dma_start3A_221 = arith.constant 0 : i32
    %dma_start3A_222 = tpu.memref_slice %arg7[%dma_start3A_220, %dma_start3A_221] : memref<80x128xi32, #tpu.memory_space<vmem>> -> memref<1x128xi32, #tpu.memory_space<vmem>>
    %dma_start3A_223 = tpu.memref_squeeze %dma_start3A_222 : memref<1x128xi32, #tpu.memory_space<vmem>> -> memref<128xi32, #tpu.memory_space<vmem>>
    %dma_start3A_224 = arith.constant 0 : i32
    %dma_start3A_225 = arith.constant 0 : i32
    %dma_start3A_226 = tpu.memref_slice %arg38[%dma_start3A_224, %dma_start3A_225] : memref<10240x16xf32, #tpu.memory_space<vmem_shared>> -> memref<10240x16xf32, #tpu.memory_space<vmem_shared>>
    tpu.enqueue_indirect_dma source(%arg17 : memref<128x16xf32, #tpu.memory_space<vmem>>) target(%dma_start3A_226 : memref<10240x16xf32, #tpu.memory_space<vmem_shared>>) offsets(%dma_start3A_223 : memref<128xi32, #tpu.memory_space<vmem>>) semaphore(%arg37 : memref<!tpu.dma_semaphore, #tpu.memory_space<semaphore_mem>>) {add = true}
    %dma_wait3A_227 = arith.constant 70 : i32
    %dma_wait3A_228 = arith.constant 0 : i32
    %dma_wait3A_229 = tpu.memref_slice %arg7[%dma_wait3A_227, %dma_wait3A_228] : memref<80x128xi32, #tpu.memory_space<vmem>> -> memref<1x128xi32, #tpu.memory_space<vmem>>
    %dma_wait3A_230 = tpu.memref_squeeze %dma_wait3A_229 : memref<1x128xi32, #tpu.memory_space<vmem>> -> memref<128xi32, #tpu.memory_space<vmem>>
    %dma_wait3A_231 = arith.constant 0 : i32
    %dma_wait3A_232 = arith.constant 0 : i32
    %dma_wait3A_233 = tpu.memref_slice %arg38[%dma_wait3A_231, %dma_wait3A_232] : memref<10240x16xf32, #tpu.memory_space<vmem_shared>> -> memref<10240x16xf32, #tpu.memory_space<vmem_shared>>
    tpu.wait_indirect_dma semaphore(%arg28 : memref<!tpu.dma_semaphore, #tpu.memory_space<semaphore_mem>>) src(%arg8 : memref<128x16xf32, #tpu.memory_space<vmem>>) dst(%dma_wait3A_233 : memref<10240x16xf32, #tpu.memory_space<vmem_shared>>)
    %dma_wait3A_234 = arith.constant 71 : i32
    %dma_wait3A_235 = arith.constant 0 : i32
    %dma_wait3A_236 = tpu.memref_slice %arg7[%dma_wait3A_234, %dma_wait3A_235] : memref<80x128xi32, #tpu.memory_space<vmem>> -> memref<1x128xi32, #tpu.memory_space<vmem>>
    %dma_wait3A_237 = tpu.memref_squeeze %dma_wait3A_236 : memref<1x128xi32, #tpu.memory_space<vmem>> -> memref<128xi32, #tpu.memory_space<vmem>>
    %dma_wait3A_238 = arith.constant 0 : i32
    %dma_wait3A_239 = arith.constant 0 : i32
    %dma_wait3A_240 = tpu.memref_slice %arg38[%dma_wait3A_238, %dma_wait3A_239] : memref<10240x16xf32, #tpu.memory_space<vmem_shared>> -> memref<10240x16xf32, #tpu.memory_space<vmem_shared>>
    tpu.wait_indirect_dma semaphore(%arg29 : memref<!tpu.dma_semaphore, #tpu.memory_space<semaphore_mem>>) src(%arg9 : memref<128x16xf32, #tpu.memory_space<vmem>>) dst(%dma_wait3A_240 : memref<10240x16xf32, #tpu.memory_space<vmem_shared>>)
    %dma_wait3A_241 = arith.constant 72 : i32
    %dma_wait3A_242 = arith.constant 0 : i32
    %dma_wait3A_243 = tpu.memref_slice %arg7[%dma_wait3A_241, %dma_wait3A_242] : memref<80x128xi32, #tpu.memory_space<vmem>> -> memref<1x128xi32, #tpu.memory_space<vmem>>
    %dma_wait3A_244 = tpu.memref_squeeze %dma_wait3A_243 : memref<1x128xi32, #tpu.memory_space<vmem>> -> memref<128xi32, #tpu.memory_space<vmem>>
    %dma_wait3A_245 = arith.constant 0 : i32
    %dma_wait3A_246 = arith.constant 0 : i32
    %dma_wait3A_247 = tpu.memref_slice %arg38[%dma_wait3A_245, %dma_wait3A_246] : memref<10240x16xf32, #tpu.memory_space<vmem_shared>> -> memref<10240x16xf32, #tpu.memory_space<vmem_shared>>
    tpu.wait_indirect_dma semaphore(%arg30 : memref<!tpu.dma_semaphore, #tpu.memory_space<semaphore_mem>>) src(%arg10 : memref<128x16xf32, #tpu.memory_space<vmem>>) dst(%dma_wait3A_247 : memref<10240x16xf32, #tpu.memory_space<vmem_shared>>)
    %dma_wait3A_248 = arith.constant 73 : i32
    %dma_wait3A_249 = arith.constant 0 : i32
    %dma_wait3A_250 = tpu.memref_slice %arg7[%dma_wait3A_248, %dma_wait3A_249] : memref<80x128xi32, #tpu.memory_space<vmem>> -> memref<1x128xi32, #tpu.memory_space<vmem>>
    %dma_wait3A_251 = tpu.memref_squeeze %dma_wait3A_250 : memref<1x128xi32, #tpu.memory_space<vmem>> -> memref<128xi32, #tpu.memory_space<vmem>>
    %dma_wait3A_252 = arith.constant 0 : i32
    %dma_wait3A_253 = arith.constant 0 : i32
    %dma_wait3A_254 = tpu.memref_slice %arg38[%dma_wait3A_252, %dma_wait3A_253] : memref<10240x16xf32, #tpu.memory_space<vmem_shared>> -> memref<10240x16xf32, #tpu.memory_space<vmem_shared>>
    tpu.wait_indirect_dma semaphore(%arg31 : memref<!tpu.dma_semaphore, #tpu.memory_space<semaphore_mem>>) src(%arg11 : memref<128x16xf32, #tpu.memory_space<vmem>>) dst(%dma_wait3A_254 : memref<10240x16xf32, #tpu.memory_space<vmem_shared>>)
    %dma_wait3A_255 = arith.constant 74 : i32
    %dma_wait3A_256 = arith.constant 0 : i32
    %dma_wait3A_257 = tpu.memref_slice %arg7[%dma_wait3A_255, %dma_wait3A_256] : memref<80x128xi32, #tpu.memory_space<vmem>> -> memref<1x128xi32, #tpu.memory_space<vmem>>
    %dma_wait3A_258 = tpu.memref_squeeze %dma_wait3A_257 : memref<1x128xi32, #tpu.memory_space<vmem>> -> memref<128xi32, #tpu.memory_space<vmem>>
    %dma_wait3A_259 = arith.constant 0 : i32
    %dma_wait3A_260 = arith.constant 0 : i32
    %dma_wait3A_261 = tpu.memref_slice %arg38[%dma_wait3A_259, %dma_wait3A_260] : memref<10240x16xf32, #tpu.memory_space<vmem_shared>> -> memref<10240x16xf32, #tpu.memory_space<vmem_shared>>
    tpu.wait_indirect_dma semaphore(%arg32 : memref<!tpu.dma_semaphore, #tpu.memory_space<semaphore_mem>>) src(%arg12 : memref<128x16xf32, #tpu.memory_space<vmem>>) dst(%dma_wait3A_261 : memref<10240x16xf32, #tpu.memory_space<vmem_shared>>)
    %dma_wait3A_262 = arith.constant 75 : i32
    %dma_wait3A_263 = arith.constant 0 : i32
    %dma_wait3A_264 = tpu.memref_slice %arg7[%dma_wait3A_262, %dma_wait3A_263] : memref<80x128xi32, #tpu.memory_space<vmem>> -> memref<1x128xi32, #tpu.memory_space<vmem>>
    %dma_wait3A_265 = tpu.memref_squeeze %dma_wait3A_264 : memref<1x128xi32, #tpu.memory_space<vmem>> -> memref<128xi32, #tpu.memory_space<vmem>>
    %dma_wait3A_266 = arith.constant 0 : i32
    %dma_wait3A_267 = arith.constant 0 : i32
    %dma_wait3A_268 = tpu.memref_slice %arg38[%dma_wait3A_266, %dma_wait3A_267] : memref<10240x16xf32, #tpu.memory_space<vmem_shared>> -> memref<10240x16xf32, #tpu.memory_space<vmem_shared>>
    tpu.wait_indirect_dma semaphore(%arg33 : memref<!tpu.dma_semaphore, #tpu.memory_space<semaphore_mem>>) src(%arg13 : memref<128x16xf32, #tpu.memory_space<vmem>>) dst(%dma_wait3A_268 : memref<10240x16xf32, #tpu.memory_space<vmem_shared>>)
    %dma_wait3A_269 = arith.constant 76 : i32
    %dma_wait3A_270 = arith.constant 0 : i32
    %dma_wait3A_271 = tpu.memref_slice %arg7[%dma_wait3A_269, %dma_wait3A_270] : memref<80x128xi32, #tpu.memory_space<vmem>> -> memref<1x128xi32, #tpu.memory_space<vmem>>
    %dma_wait3A_272 = tpu.memref_squeeze %dma_wait3A_271 : memref<1x128xi32, #tpu.memory_space<vmem>> -> memref<128xi32, #tpu.memory_space<vmem>>
    %dma_wait3A_273 = arith.constant 0 : i32
    %dma_wait3A_274 = arith.constant 0 : i32
    %dma_wait3A_275 = tpu.memref_slice %arg38[%dma_wait3A_273, %dma_wait3A_274] : memref<10240x16xf32, #tpu.memory_space<vmem_shared>> -> memref<10240x16xf32, #tpu.memory_space<vmem_shared>>
    tpu.wait_indirect_dma semaphore(%arg34 : memref<!tpu.dma_semaphore, #tpu.memory_space<semaphore_mem>>) src(%arg14 : memref<128x16xf32, #tpu.memory_space<vmem>>) dst(%dma_wait3A_275 : memref<10240x16xf32, #tpu.memory_space<vmem_shared>>)
    %dma_wait3A_276 = arith.constant 77 : i32
    %dma_wait3A_277 = arith.constant 0 : i32
    %dma_wait3A_278 = tpu.memref_slice %arg7[%dma_wait3A_276, %dma_wait3A_277] : memref<80x128xi32, #tpu.memory_space<vmem>> -> memref<1x128xi32, #tpu.memory_space<vmem>>
    %dma_wait3A_279 = tpu.memref_squeeze %dma_wait3A_278 : memref<1x128xi32, #tpu.memory_space<vmem>> -> memref<128xi32, #tpu.memory_space<vmem>>
    %dma_wait3A_280 = arith.constant 0 : i32
    %dma_wait3A_281 = arith.constant 0 : i32
    %dma_wait3A_282 = tpu.memref_slice %arg38[%dma_wait3A_280, %dma_wait3A_281] : memref<10240x16xf32, #tpu.memory_space<vmem_shared>> -> memref<10240x16xf32, #tpu.memory_space<vmem_shared>>
    tpu.wait_indirect_dma semaphore(%arg35 : memref<!tpu.dma_semaphore, #tpu.memory_space<semaphore_mem>>) src(%arg15 : memref<128x16xf32, #tpu.memory_space<vmem>>) dst(%dma_wait3A_282 : memref<10240x16xf32, #tpu.memory_space<vmem_shared>>)
    %dma_wait3A_283 = arith.constant 78 : i32
    %dma_wait3A_284 = arith.constant 0 : i32
    %dma_wait3A_285 = tpu.memref_slice %arg7[%dma_wait3A_283, %dma_wait3A_284] : memref<80x128xi32, #tpu.memory_space<vmem>> -> memref<1x128xi32, #tpu.memory_space<vmem>>
    %dma_wait3A_286 = tpu.memref_squeeze %dma_wait3A_285 : memref<1x128xi32, #tpu.memory_space<vmem>> -> memref<128xi32, #tpu.memory_space<vmem>>
    %dma_wait3A_287 = arith.constant 0 : i32
    %dma_wait3A_288 = arith.constant 0 : i32
    %dma_wait3A_289 = tpu.memref_slice %arg38[%dma_wait3A_287, %dma_wait3A_288] : memref<10240x16xf32, #tpu.memory_space<vmem_shared>> -> memref<10240x16xf32, #tpu.memory_space<vmem_shared>>
    tpu.wait_indirect_dma semaphore(%arg36 : memref<!tpu.dma_semaphore, #tpu.memory_space<semaphore_mem>>) src(%arg16 : memref<128x16xf32, #tpu.memory_space<vmem>>) dst(%dma_wait3A_289 : memref<10240x16xf32, #tpu.memory_space<vmem_shared>>)
    %dma_wait3A_290 = arith.constant 79 : i32
    %dma_wait3A_291 = arith.constant 0 : i32
    %dma_wait3A_292 = tpu.memref_slice %arg7[%dma_wait3A_290, %dma_wait3A_291] : memref<80x128xi32, #tpu.memory_space<vmem>> -> memref<1x128xi32, #tpu.memory_space<vmem>>
    %dma_wait3A_293 = tpu.memref_squeeze %dma_wait3A_292 : memref<1x128xi32, #tpu.memory_space<vmem>> -> memref<128xi32, #tpu.memory_space<vmem>>
    %dma_wait3A_294 = arith.constant 0 : i32
    %dma_wait3A_295 = arith.constant 0 : i32
    %dma_wait3A_296 = tpu.memref_slice %arg38[%dma_wait3A_294, %dma_wait3A_295] : memref<10240x16xf32, #tpu.memory_space<vmem_shared>> -> memref<10240x16xf32, #tpu.memory_space<vmem_shared>>
    tpu.wait_indirect_dma semaphore(%arg37 : memref<!tpu.dma_semaphore, #tpu.memory_space<semaphore_mem>>) src(%arg17 : memref<128x16xf32, #tpu.memory_space<vmem>>) dst(%dma_wait3A_296 : memref<10240x16xf32, #tpu.memory_space<vmem_shared>>)
    %barrier3A_297 = arith.constant 0 : index
    tpu.barrier barrier_id(%barrier3A_297)
    %mul3A_298 = arith.constant 640 : i32
    %mul3A_299 = arith.muli %arg1, %mul3A_298 : i32
    %mul3A_300 = arith.constant 10240 : i32
    %mul3A_301 = arith.muli %arg0, %mul3A_300 : i32
    %mul3A_302 = arith.constant 640 : i32
    %mul3A_303 = arith.muli %arg1, %mul3A_302 : i32
    %add3A_304 = arith.addi %mul3A_301, %mul3A_303 : i32
    "tpu.region"() ({
      %run_scoped3A = tpu.sem_alloc : memref<!tpu.dma_semaphore, #tpu.memory_space<semaphore_mem>>
      %dma_start3A_305 = arith.constant 0 : i32
      %dma_start3A_306 = tpu.memref_slice %arg5[%add3A_304, %dma_start3A_305] : memref<20480x16xf32, #tpu.memory_space<hbm>> -> memref<640x16xf32, #tpu.memory_space<hbm>>
      %dma_start3A_307 = arith.constant 0 : i32
      %dma_start3A_308 = tpu.memref_slice %arg38[%mul3A_299, %dma_start3A_307] : memref<10240x16xf32, #tpu.memory_space<vmem_shared>> -> memref<640x16xf32, #tpu.memory_space<vmem_shared>>
      tpu.enqueue_dma source(%dma_start3A_308 : memref<640x16xf32, #tpu.memory_space<vmem_shared>>) target(%dma_start3A_306 : memref<640x16xf32, #tpu.memory_space<hbm>>) target_semaphore(%run_scoped3A : memref<!tpu.dma_semaphore, #tpu.memory_space<semaphore_mem>>)
      %dma_wait3A_309 = arith.constant 0 : i32
      %dma_wait3A_310 = tpu.memref_slice %arg5[%add3A_304, %dma_wait3A_309] : memref<20480x16xf32, #tpu.memory_space<hbm>> -> memref<640x16xf32, #tpu.memory_space<hbm>>
      %dma_wait3A_311 = arith.constant 0 : i32
      %dma_wait3A_312 = tpu.memref_slice %arg38[%mul3A_299, %dma_wait3A_311] : memref<10240x16xf32, #tpu.memory_space<vmem_shared>> -> memref<640x16xf32, #tpu.memory_space<vmem_shared>>
      tpu.wait_dma2 semaphore(%run_scoped3A : memref<!tpu.dma_semaphore, #tpu.memory_space<semaphore_mem>>) src(%dma_wait3A_312 : memref<640x16xf32, #tpu.memory_space<vmem_shared>>) dst(%dma_wait3A_310 : memref<640x16xf32, #tpu.memory_space<hbm>>)
      tpu.yield
    }) : () -> ()
    return
  }
}

module attributes {stable_mosaic.version = 14 : i64} {
  func.func @_prep_body(%arg0: i32, %arg1: memref<2x81920xi32, #tpu.memory_space<vmem>>, %arg2: memref<640x128xi32, #tpu.memory_space<vmem>>, %arg3: memref<640x128xi32, #tpu.memory_space<vmem>>) attributes {dimension_semantics = [#tpu.dimension_semantics<arbitrary>], iteration_bounds = array<i64: 4>, scalar_prefetch = 0 : i64, scratch_operands = 0 : i64, tpu.core_type = #tpu.core_type<tc>, window_params = [{transform_indices = @transform_0, window_bounds = array<i64: 2, 81920>}, {transform_indices = @transform_1, window_bounds = array<i64: 640, 128>}, {transform_indices = @transform_2, window_bounds = array<i64: 640, 128>}]} {
    %get3A = arith.constant 0 : index
    %get3A_0 = arith.constant 0 : index
    %get3A_1 = vector.load %arg1[%get3A, %get3A_0] : memref<2x81920xi32, #tpu.memory_space<vmem>>, vector<1x81920xi32>
    %get3A_2 = vector.shape_cast %get3A_1 : vector<1x81920xi32> to vector<81920xi32>
    %reshape3A = vector.shape_cast %get3A_2 : vector<81920xi32> to vector<640x128xi32>
    %get3A_3 = arith.constant 1 : index
    %get3A_4 = arith.constant 0 : index
    %get3A_5 = vector.load %arg1[%get3A_3, %get3A_4] : memref<2x81920xi32, #tpu.memory_space<vmem>>, vector<1x81920xi32>
    %get3A_6 = vector.shape_cast %get3A_5 : vector<1x81920xi32> to vector<81920xi32>
    %reshape3A_7 = vector.shape_cast %get3A_6 : vector<81920xi32> to vector<640x128xi32>
    %iota3A = tpu.iota {dimensions = array<i32: 0>} : vector<640x128xi32>
    %iota3A_8 = tpu.iota {dimensions = array<i32: 1>} : vector<640x128xi32>
    %mul3A = arith.constant 81920 : i32
    %mul3A_9 = arith.muli %arg0, %mul3A : i32
    %mul3A_10 = arith.constant 128 : i32
    %mul3A_11 = vector.broadcast %mul3A_10 : i32 to vector<640x128xi32>
    %mul3A_12 = arith.muli %iota3A, %mul3A_11 : vector<640x128xi32>
    %add3A = vector.broadcast %mul3A_9 : i32 to vector<640x128xi32>
    %add3A_13 = arith.addi %add3A, %mul3A_12 : vector<640x128xi32>
    %add3A_14 = arith.addi %add3A_13, %iota3A_8 : vector<640x128xi32>
    %lt3A = arith.constant 320000 : i32
    %lt3A_15 = vector.broadcast %lt3A : i32 to vector<640x128xi32>
    %lt3A_16 = arith.cmpi slt, %add3A_14, %lt3A_15 : vector<640x128xi32>
    %and3A = arith.constant 8191 : i32
    %and3A_17 = vector.broadcast %and3A : i32 to vector<640x128xi32>
    %and3A_18 = arith.andi %add3A_14, %and3A_17 : vector<640x128xi32>
    %select_n3A = arith.select %lt3A_16, %reshape3A, %and3A_18 : vector<640x128xi1>, vector<640x128xi32>
    %swap3A = arith.constant 0 : index
    %swap3A_19 = arith.constant 0 : index
    %swap3A_20 = vector.load %arg2[%swap3A, %swap3A_19] : memref<640x128xi32, #tpu.memory_space<vmem>>, vector<640x128xi32>
    tpu.vector_store %arg2[%swap3A, %swap3A_19], %select_n3A {strides = array<i32>} : memref<640x128xi32, #tpu.memory_space<vmem>>, vector<640x128xi32>,
    %and3A_21 = arith.constant 127 : i32
    %and3A_22 = vector.broadcast %and3A_21 : i32 to vector<640x128xi32>
    %and3A_23 = arith.andi %add3A_14, %and3A_22 : vector<640x128xi32>
    %add3A_24 = arith.constant 10000 : i32
    %add3A_25 = vector.broadcast %add3A_24 : i32 to vector<640x128xi32>
    %add3A_26 = arith.addi %add3A_25, %and3A_23 : vector<640x128xi32>
    %select_n3A_27 = arith.select %lt3A_16, %reshape3A_7, %add3A_26 : vector<640x128xi1>, vector<640x128xi32>
    %swap3A_28 = arith.constant 0 : index
    %swap3A_29 = arith.constant 0 : index
    %swap3A_30 = vector.load %arg3[%swap3A_28, %swap3A_29] : memref<640x128xi32, #tpu.memory_space<vmem>>, vector<640x128xi32>
    tpu.vector_store %arg3[%swap3A_28, %swap3A_29], %select_n3A_27 {strides = array<i32>} : memref<640x128xi32, #tpu.memory_space<vmem>>, vector<640x128xi32>,
    return
  }
  func.func @transform_0(%arg0: i32) -> (i32, i32) {
    %c0_i32 = arith.constant 0 : i32
    %c0_i32_0 = arith.constant 0 : i32
    return %c0_i32, %arg0 : i32, i32
  }
  func.func @transform_1(%arg0: i32) -> (i32, i32) {
    %c0_i32 = arith.constant 0 : i32
    %c0_i32_0 = arith.constant 0 : i32
    return %arg0, %c0_i32 : i32, i32
  }
  func.func @transform_2(%arg0: i32) -> (i32, i32) {
    %c0_i32 = arith.constant 0 : i32
    %c0_i32_0 = arith.constant 0 : i32
    return %arg0, %c0_i32 : i32, i32
  }
}

module attributes {stable_mosaic.version = 14 : i64} {
  func.func @_mm1_body(%arg0: i32, %arg1: memref<1280x1024xf32, #tpu.memory_space<vmem>>, %arg2: memref<1024x128xf32, #tpu.memory_space<vmem>>, %arg3: memref<1280x128xf32, #tpu.memory_space<vmem>>) attributes {dimension_semantics = [#tpu.dimension_semantics<arbitrary>], iteration_bounds = array<i64: 1>, scalar_prefetch = 0 : i64, scratch_operands = 0 : i64, tpu.core_type = #tpu.core_type<tc>, window_params = [{pipeline_mode = #tpu.pipeline_mode<synchronous>, transform_indices = @transform_0, window_bounds = array<i64: 1280, 1024>}, {pipeline_mode = #tpu.pipeline_mode<synchronous>, transform_indices = @transform_1, window_bounds = array<i64: 1024, 128>}, {pipeline_mode = #tpu.pipeline_mode<synchronous>, transform_indices = @transform_2, window_bounds = array<i64: 1280, 128>}]} {
    %get3A = arith.constant 0 : index
    %get3A_0 = arith.constant 0 : index
    %get3A_1 = vector.load %arg1[%get3A, %get3A_0] : memref<1280x1024xf32, #tpu.memory_space<vmem>>, vector<1280x1024xf32>
    %get3A_2 = arith.constant 0 : index
    %get3A_3 = arith.constant 0 : index
    %get3A_4 = vector.load %arg2[%get3A_2, %get3A_3] : memref<1024x128xf32, #tpu.memory_space<vmem>>, vector<1024x128xf32>
    %dot_general3A = arith.constant dense<0.000000e+00> : vector<1280x128xf32>
    %dot_general3A_5 = tpu.matmul %get3A_1, %get3A_4, %dot_general3A {dimension_numbers = #tpu.dot_dimension_numbers<[1], [0], [0], [1], [0, 0, 1, 1], [], []>, transpose_lhs_hint = false} : vector<1280x1024xf32>, vector<1024x128xf32>, vector<1280x128xf32> -> vector<1280x128xf32>
    %swap3A = arith.constant 0 : index
    %swap3A_6 = arith.constant 0 : index
    %swap3A_7 = vector.load %arg3[%swap3A, %swap3A_6] : memref<1280x128xf32, #tpu.memory_space<vmem>>, vector<1280x128xf32>
    tpu.vector_store %arg3[%swap3A, %swap3A_6], %dot_general3A_5 {strides = array<i32>} : memref<1280x128xf32, #tpu.memory_space<vmem>>, vector<1280x128xf32>,
    return
  }
  func.func @transform_0(%arg0: i32) -> (i32, i32) {
    %c0_i32 = arith.constant 0 : i32
    %c0_i32_0 = arith.constant 0 : i32
    %c0_i32_1 = arith.constant 0 : i32
    return %c0_i32, %c0_i32_0 : i32, i32
  }
  func.func @transform_1(%arg0: i32) -> (i32, i32) {
    %c0_i32 = arith.constant 0 : i32
    %c0_i32_0 = arith.constant 0 : i32
    %c0_i32_1 = arith.constant 0 : i32
    return %c0_i32, %c0_i32_0 : i32, i32
  }
  func.func @transform_2(%arg0: i32) -> (i32, i32) {
    %c0_i32 = arith.constant 0 : i32
    %c0_i32_0 = arith.constant 0 : i32
    %c0_i32_1 = arith.constant 0 : i32
    return %c0_i32, %c0_i32_0 : i32, i32
  }
}

module attributes {stable_mosaic.version = 14 : i64} {
  func.func @_scale1_body(%arg0: i32, %arg1: memref<1280x128xf32, #tpu.memory_space<vmem>>, %arg2: memref<1280x128xf32, #tpu.memory_space<vmem>>, %arg3: memref<1280x128xf32, #tpu.memory_space<vmem>>, %arg4: memref<1280x128xf32, #tpu.memory_space<vmem>>, %arg5: memref<1280x128xf32, #tpu.memory_space<vmem>>) attributes {dimension_semantics = [#tpu.dimension_semantics<arbitrary>], iteration_bounds = array<i64: 1>, scalar_prefetch = 0 : i64, scratch_operands = 0 : i64, tpu.core_type = #tpu.core_type<tc>, window_params = [{transform_indices = @transform_0, window_bounds = array<i64: 1280, 128>}, {transform_indices = @transform_1, window_bounds = array<i64: 1280, 128>}, {pipeline_mode = #tpu.pipeline_mode<synchronous>, transform_indices = @transform_2, window_bounds = array<i64: 1280, 128>}, {pipeline_mode = #tpu.pipeline_mode<synchronous>, transform_indices = @transform_3, window_bounds = array<i64: 1280, 128>}, {pipeline_mode = #tpu.pipeline_mode<synchronous>, transform_indices = @transform_4, window_bounds = array<i64: 1280, 128>}]} {
    %get3A = arith.constant 0 : index
    %get3A_0 = arith.constant 0 : index
    %get3A_1 = vector.load %arg1[%get3A, %get3A_0] : memref<1280x128xf32, #tpu.memory_space<vmem>>, vector<1280x128xf32>
    %get3A_2 = arith.constant 0 : index
    %get3A_3 = arith.constant 0 : index
    %get3A_4 = vector.load %arg2[%get3A_2, %get3A_3] : memref<1280x128xf32, #tpu.memory_space<vmem>>, vector<1280x128xf32>
    %add3A = arith.addf %get3A_1, %get3A_4 : vector<1280x128xf32>
    %add3A_5 = arith.constant 1.000000e+00 : f32
    %add3A_6 = vector.broadcast %add3A_5 : f32 to vector<1280x128xf32>
    %add3A_7 = arith.addf %add3A, %add3A_6 : vector<1280x128xf32>
    %rsqrt3A = math.rsqrt %add3A_7 : vector<1280x128xf32>
    %swap3A = arith.constant 0 : index
    %swap3A_8 = arith.constant 0 : index
    %swap3A_9 = vector.load %arg5[%swap3A, %swap3A_8] : memref<1280x128xf32, #tpu.memory_space<vmem>>, vector<1280x128xf32>
    tpu.vector_store %arg5[%swap3A, %swap3A_8], %rsqrt3A {strides = array<i32>} : memref<1280x128xf32, #tpu.memory_space<vmem>>, vector<1280x128xf32>,
    %get3A_10 = arith.constant 0 : index
    %get3A_11 = arith.constant 0 : index
    %get3A_12 = vector.load %arg3[%get3A_10, %get3A_11] : memref<1280x128xf32, #tpu.memory_space<vmem>>, vector<1280x128xf32>
    %mul3A = arith.mulf %rsqrt3A, %get3A_12 : vector<1280x128xf32>
    %swap3A_13 = arith.constant 0 : index
    %swap3A_14 = arith.constant 0 : index
    %swap3A_15 = vector.load %arg4[%swap3A_13, %swap3A_14] : memref<1280x128xf32, #tpu.memory_space<vmem>>, vector<1280x128xf32>
    tpu.vector_store %arg4[%swap3A_13, %swap3A_14], %mul3A {strides = array<i32>} : memref<1280x128xf32, #tpu.memory_space<vmem>>, vector<1280x128xf32>,
    return
  }
  func.func @transform_0(%arg0: i32) -> (i32, i32) {
    %c0_i32 = arith.constant 0 : i32
    %c0_i32_0 = arith.constant 0 : i32
    %c0_i32_1 = arith.constant 0 : i32
    return %c0_i32, %c0_i32_0 : i32, i32
  }
  func.func @transform_1(%arg0: i32) -> (i32, i32) {
    %c1_i32 = arith.constant 1 : i32
    %c0_i32 = arith.constant 0 : i32
    %c0_i32_0 = arith.constant 0 : i32
    return %c1_i32, %c0_i32 : i32, i32
  }
  func.func @transform_2(%arg0: i32) -> (i32, i32) {
    %c0_i32 = arith.constant 0 : i32
    %c0_i32_0 = arith.constant 0 : i32
    %c0_i32_1 = arith.constant 0 : i32
    return %c0_i32, %c0_i32_0 : i32, i32
  }
  func.func @transform_3(%arg0: i32) -> (i32, i32) {
    %c0_i32 = arith.constant 0 : i32
    %c0_i32_0 = arith.constant 0 : i32
    %c0_i32_1 = arith.constant 0 : i32
    return %c0_i32, %c0_i32_0 : i32, i32
  }
  func.func @transform_4(%arg0: i32) -> (i32, i32) {
    %c0_i32 = arith.constant 0 : i32
    %c0_i32_0 = arith.constant 0 : i32
    %c0_i32_1 = arith.constant 0 : i32
    return %c0_i32, %c0_i32_0 : i32, i32
  }
}

module attributes {stable_mosaic.version = 14 : i64} {
  func.func @_scale2_body(%arg0: i32, %arg1: memref<1280x128xf32, #tpu.memory_space<vmem>>, %arg2: memref<1280x128xf32, #tpu.memory_space<vmem>>, %arg3: memref<1280x128xf32, #tpu.memory_space<vmem>>, %arg4: memref<1280x128xf32, #tpu.memory_space<vmem>>, %arg5: memref<1x128xf32, #tpu.memory_space<vmem>>, %arg6: memref<1280x128xf32, #tpu.memory_space<vmem>>) attributes {dimension_semantics = [#tpu.dimension_semantics<arbitrary>], iteration_bounds = array<i64: 1>, scalar_prefetch = 0 : i64, scratch_operands = 0 : i64, tpu.core_type = #tpu.core_type<tc>, window_params = [{transform_indices = @transform_0, window_bounds = array<i64: 1280, 128>}, {transform_indices = @transform_1, window_bounds = array<i64: 1280, 128>}, {pipeline_mode = #tpu.pipeline_mode<synchronous>, transform_indices = @transform_2, window_bounds = array<i64: 1280, 128>}, {pipeline_mode = #tpu.pipeline_mode<synchronous>, transform_indices = @transform_3, window_bounds = array<i64: 1280, 128>}, {pipeline_mode = #tpu.pipeline_mode<synchronous>, transform_indices = @transform_4, window_bounds = array<i64: 1, 128>}, {pipeline_mode = #tpu.pipeline_mode<synchronous>, transform_indices = @transform_5, window_bounds = array<i64: 1280, 128>}]} {
    %get3A = arith.constant 0 : index
    %get3A_0 = arith.constant 0 : index
    %get3A_1 = vector.load %arg4[%get3A, %get3A_0] : memref<1280x128xf32, #tpu.memory_space<vmem>>, vector<1280x128xf32>
    %get3A_2 = arith.constant 0 : index
    %get3A_3 = arith.constant 0 : index
    %get3A_4 = vector.load %arg1[%get3A_2, %get3A_3] : memref<1280x128xf32, #tpu.memory_space<vmem>>, vector<1280x128xf32>
    %get3A_5 = arith.constant 0 : index
    %get3A_6 = arith.constant 0 : index
    %get3A_7 = vector.load %arg2[%get3A_5, %get3A_6] : memref<1280x128xf32, #tpu.memory_space<vmem>>, vector<1280x128xf32>
    %add3A = arith.addf %get3A_4, %get3A_7 : vector<1280x128xf32>
    %get3A_8 = arith.constant 0 : index
    %get3A_9 = arith.constant 0 : index
    %get3A_10 = vector.load %arg3[%get3A_8, %get3A_9] : memref<1280x128xf32, #tpu.memory_space<vmem>>, vector<1280x128xf32>
    %add3A_11 = arith.addf %add3A, %get3A_10 : vector<1280x128xf32>
    %mul3A = arith.mulf %get3A_1, %add3A_11 : vector<1280x128xf32>
    %get3A_12 = arith.constant 0 : index
    %get3A_13 = arith.constant 0 : index
    %get3A_14 = vector.load %arg5[%get3A_12, %get3A_13] : memref<1x128xf32, #tpu.memory_space<vmem>>, vector<1x128xf32>
    %add3A_15 = vector.broadcast %get3A_14 : vector<1x128xf32> to vector<1280x128xf32>
    %add3A_16 = arith.addf %mul3A, %add3A_15 : vector<1280x128xf32>
    %get3A_17 = arith.constant 0 : index
    %get3A_18 = arith.constant 0 : index
    %get3A_19 = vector.load %arg4[%get3A_17, %get3A_18] : memref<1280x128xf32, #tpu.memory_space<vmem>>, vector<1280x128xf32>
    %max3A = arith.constant 0.000000e+00 : f32
    %max3A_20 = vector.broadcast %max3A : f32 to vector<1280x128xf32>
    %max3A_21 = arith.maximumf %add3A_16, %max3A_20 : vector<1280x128xf32>
    %mul3A_22 = arith.mulf %get3A_19, %max3A_21 : vector<1280x128xf32>
    %swap3A = arith.constant 0 : index
    %swap3A_23 = arith.constant 0 : index
    %swap3A_24 = vector.load %arg6[%swap3A, %swap3A_23] : memref<1280x128xf32, #tpu.memory_space<vmem>>, vector<1280x128xf32>
    tpu.vector_store %arg6[%swap3A, %swap3A_23], %mul3A_22 {strides = array<i32>} : memref<1280x128xf32, #tpu.memory_space<vmem>>, vector<1280x128xf32>,
    return
  }
  func.func @transform_0(%arg0: i32) -> (i32, i32) {
    %c0_i32 = arith.constant 0 : i32
    %c0_i32_0 = arith.constant 0 : i32
    %c0_i32_1 = arith.constant 0 : i32
    return %c0_i32, %c0_i32_0 : i32, i32
  }
  func.func @transform_1(%arg0: i32) -> (i32, i32) {
    %c1_i32 = arith.constant 1 : i32
    %c0_i32 = arith.constant 0 : i32
    %c0_i32_0 = arith.constant 0 : i32
    return %c1_i32, %c0_i32 : i32, i32
  }
  func.func @transform_2(%arg0: i32) -> (i32, i32) {
    %c0_i32 = arith.constant 0 : i32
    %c0_i32_0 = arith.constant 0 : i32
    %c0_i32_1 = arith.constant 0 : i32
    return %c0_i32, %c0_i32_0 : i32, i32
  }
  func.func @transform_3(%arg0: i32) -> (i32, i32) {
    %c0_i32 = arith.constant 0 : i32
    %c0_i32_0 = arith.constant 0 : i32
    %c0_i32_1 = arith.constant 0 : i32
    return %c0_i32, %c0_i32_0 : i32, i32
  }
  func.func @transform_4(%arg0: i32) -> (i32, i32) {
    %c0_i32 = arith.constant 0 : i32
    %c0_i32_0 = arith.constant 0 : i32
    %c0_i32_1 = arith.constant 0 : i32
    return %c0_i32, %c0_i32_0 : i32, i32
  }
  func.func @transform_5(%arg0: i32) -> (i32, i32) {
    %c0_i32 = arith.constant 0 : i32
    %c0_i32_0 = arith.constant 0 : i32
    %c0_i32_1 = arith.constant 0 : i32
    return %c0_i32, %c0_i32_0 : i32, i32
  }
}

module attributes {stable_mosaic.version = 14 : i64} {
  func.func @_final_body(%arg0: i32, %arg1: memref<128x128xf32, #tpu.memory_space<vmem>>, %arg2: memref<128x128xf32, #tpu.memory_space<vmem>>, %arg3: memref<128x128xf32, #tpu.memory_space<vmem>>, %arg4: memref<128x128xf32, #tpu.memory_space<vmem>>, %arg5: memref<16x128xf32, #tpu.memory_space<vmem>>, %arg6: memref<1x128xf32, #tpu.memory_space<vmem>>, %arg7: memref<1024x128xf32, #tpu.memory_space<vmem>>) attributes {dimension_semantics = [#tpu.dimension_semantics<arbitrary>], iteration_bounds = array<i64: 10>, scalar_prefetch = 0 : i64, scratch_operands = 0 : i64, tpu.core_type = #tpu.core_type<tc>, window_params = [{transform_indices = @transform_0, window_bounds = array<i64: 128, 128>}, {transform_indices = @transform_1, window_bounds = array<i64: 128, 128>}, {transform_indices = @transform_2, window_bounds = array<i64: 128, 128>}, {transform_indices = @transform_3, window_bounds = array<i64: 128, 128>}, {pipeline_mode = #tpu.pipeline_mode<synchronous>, transform_indices = @transform_4, window_bounds = array<i64: 16, 128>}, {pipeline_mode = #tpu.pipeline_mode<synchronous>, transform_indices = @transform_5, window_bounds = array<i64: 1, 128>}, {transform_indices = @transform_6, window_bounds = array<i64: 1024, 128>}]} {
    %get3A = arith.constant 0 : index
    %get3A_0 = arith.constant 0 : index
    %get3A_1 = vector.load %arg4[%get3A, %get3A_0] : memref<128x128xf32, #tpu.memory_space<vmem>>, vector<128x128xf32>
    %get3A_2 = arith.constant 0 : index
    %get3A_3 = arith.constant 0 : index
    %get3A_4 = vector.load %arg1[%get3A_2, %get3A_3] : memref<128x128xf32, #tpu.memory_space<vmem>>, vector<128x128xf32>
    %get3A_5 = arith.constant 0 : index
    %get3A_6 = arith.constant 0 : index
    %get3A_7 = vector.load %arg2[%get3A_5, %get3A_6] : memref<128x128xf32, #tpu.memory_space<vmem>>, vector<128x128xf32>
    %add3A = arith.addf %get3A_4, %get3A_7 : vector<128x128xf32>
    %get3A_8 = arith.constant 0 : index
    %get3A_9 = arith.constant 0 : index
    %get3A_10 = vector.load %arg3[%get3A_8, %get3A_9] : memref<128x128xf32, #tpu.memory_space<vmem>>, vector<128x128xf32>
    %add3A_11 = arith.addf %add3A, %get3A_10 : vector<128x128xf32>
    %mul3A = arith.mulf %get3A_1, %add3A_11 : vector<128x128xf32>
    %slice3A = vector.extract_strided_slice %mul3A {offsets = [0, 0], sizes = [128, 16], strides = [1, 1]} : vector<128x128xf32> to vector<128x16xf32>
    %get3A_12 = arith.constant 0 : index
    %get3A_13 = arith.constant 0 : index
    %get3A_14 = vector.load %arg5[%get3A_12, %get3A_13] : memref<16x128xf32, #tpu.memory_space<vmem>>, vector<16x128xf32>
    %dot_general3A = arith.constant dense<0.000000e+00> : vector<128x128xf32>
    %dot_general3A_15 = tpu.matmul %slice3A, %get3A_14, %dot_general3A {dimension_numbers = #tpu.dot_dimension_numbers<[1], [0], [0], [1], [0, 0, 1, 1], [], []>, transpose_lhs_hint = false} : vector<128x16xf32>, vector<16x128xf32>, vector<128x128xf32> -> vector<128x128xf32>
    %get3A_16 = arith.constant 0 : index
    %get3A_17 = arith.constant 0 : index
    %get3A_18 = vector.load %arg6[%get3A_16, %get3A_17] : memref<1x128xf32, #tpu.memory_space<vmem>>, vector<1x128xf32>
    %add3A_19 = vector.broadcast %get3A_18 : vector<1x128xf32> to vector<128x128xf32>
    %add3A_20 = arith.addf %dot_general3A_15, %add3A_19 : vector<128x128xf32>
    %swap3A = arith.constant 0 : index
    %swap3A_21 = arith.constant 0 : index
    %swap3A_22 = tpu.strided_load %arg7[%swap3A, %swap3A_21] {strides = array<i32: 8, 1>} : memref<1024x128xf32, #tpu.memory_space<vmem>>, vector<128x128xf32>
    tpu.strided_store %arg7[%swap3A, %swap3A_21], %add3A_20 {strides = array<i32: 8, 1>} : memref<1024x128xf32, #tpu.memory_space<vmem>>, vector<128x128xf32>
    %slice3A_23 = vector.extract_strided_slice %mul3A {offsets = [0, 16], sizes = [128, 16], strides = [1, 1]} : vector<128x128xf32> to vector<128x16xf32>
    %get3A_24 = arith.constant 0 : index
    %get3A_25 = arith.constant 0 : index
    %get3A_26 = vector.load %arg5[%get3A_24, %get3A_25] : memref<16x128xf32, #tpu.memory_space<vmem>>, vector<16x128xf32>
    %dot_general3A_27 = arith.constant dense<0.000000e+00> : vector<128x128xf32>
    %dot_general3A_28 = tpu.matmul %slice3A_23, %get3A_26, %dot_general3A_27 {dimension_numbers = #tpu.dot_dimension_numbers<[1], [0], [0], [1], [0, 0, 1, 1], [], []>, transpose_lhs_hint = false} : vector<128x16xf32>, vector<16x128xf32>, vector<128x128xf32> -> vector<128x128xf32>
    %get3A_29 = arith.constant 0 : index
    %get3A_30 = arith.constant 0 : index
    %get3A_31 = vector.load %arg6[%get3A_29, %get3A_30] : memref<1x128xf32, #tpu.memory_space<vmem>>, vector<1x128xf32>
    %add3A_32 = vector.broadcast %get3A_31 : vector<1x128xf32> to vector<128x128xf32>
    %add3A_33 = arith.addf %dot_general3A_28, %add3A_32 : vector<128x128xf32>
    %swap3A_34 = arith.constant 1 : index
    %swap3A_35 = arith.constant 0 : index
    %swap3A_36 = tpu.strided_load %arg7[%swap3A_34, %swap3A_35] {strides = array<i32: 8, 1>} : memref<1024x128xf32, #tpu.memory_space<vmem>>, vector<128x128xf32>
    tpu.strided_store %arg7[%swap3A_34, %swap3A_35], %add3A_33 {strides = array<i32: 8, 1>} : memref<1024x128xf32, #tpu.memory_space<vmem>>, vector<128x128xf32>
    %slice3A_37 = vector.extract_strided_slice %mul3A {offsets = [0, 32], sizes = [128, 16], strides = [1, 1]} : vector<128x128xf32> to vector<128x16xf32>
    %get3A_38 = arith.constant 0 : index
    %get3A_39 = arith.constant 0 : index
    %get3A_40 = vector.load %arg5[%get3A_38, %get3A_39] : memref<16x128xf32, #tpu.memory_space<vmem>>, vector<16x128xf32>
    %dot_general3A_41 = arith.constant dense<0.000000e+00> : vector<128x128xf32>
    %dot_general3A_42 = tpu.matmul %slice3A_37, %get3A_40, %dot_general3A_41 {dimension_numbers = #tpu.dot_dimension_numbers<[1], [0], [0], [1], [0, 0, 1, 1], [], []>, transpose_lhs_hint = false} : vector<128x16xf32>, vector<16x128xf32>, vector<128x128xf32> -> vector<128x128xf32>
    %get3A_43 = arith.constant 0 : index
    %get3A_44 = arith.constant 0 : index
    %get3A_45 = vector.load %arg6[%get3A_43, %get3A_44] : memref<1x128xf32, #tpu.memory_space<vmem>>, vector<1x128xf32>
    %add3A_46 = vector.broadcast %get3A_45 : vector<1x128xf32> to vector<128x128xf32>
    %add3A_47 = arith.addf %dot_general3A_42, %add3A_46 : vector<128x128xf32>
    %swap3A_48 = arith.constant 2 : index
    %swap3A_49 = arith.constant 0 : index
    %swap3A_50 = tpu.strided_load %arg7[%swap3A_48, %swap3A_49] {strides = array<i32: 8, 1>} : memref<1024x128xf32, #tpu.memory_space<vmem>>, vector<128x128xf32>
    tpu.strided_store %arg7[%swap3A_48, %swap3A_49], %add3A_47 {strides = array<i32: 8, 1>} : memref<1024x128xf32, #tpu.memory_space<vmem>>, vector<128x128xf32>
    %slice3A_51 = vector.extract_strided_slice %mul3A {offsets = [0, 48], sizes = [128, 16], strides = [1, 1]} : vector<128x128xf32> to vector<128x16xf32>
    %get3A_52 = arith.constant 0 : index
    %get3A_53 = arith.constant 0 : index
    %get3A_54 = vector.load %arg5[%get3A_52, %get3A_53] : memref<16x128xf32, #tpu.memory_space<vmem>>, vector<16x128xf32>
    %dot_general3A_55 = arith.constant dense<0.000000e+00> : vector<128x128xf32>
    %dot_general3A_56 = tpu.matmul %slice3A_51, %get3A_54, %dot_general3A_55 {dimension_numbers = #tpu.dot_dimension_numbers<[1], [0], [0], [1], [0, 0, 1, 1], [], []>, transpose_lhs_hint = false} : vector<128x16xf32>, vector<16x128xf32>, vector<128x128xf32> -> vector<128x128xf32>
    %get3A_57 = arith.constant 0 : index
    %get3A_58 = arith.constant 0 : index
    %get3A_59 = vector.load %arg6[%get3A_57, %get3A_58] : memref<1x128xf32, #tpu.memory_space<vmem>>, vector<1x128xf32>
    %add3A_60 = vector.broadcast %get3A_59 : vector<1x128xf32> to vector<128x128xf32>
    %add3A_61 = arith.addf %dot_general3A_56, %add3A_60 : vector<128x128xf32>
    %swap3A_62 = arith.constant 3 : index
    %swap3A_63 = arith.constant 0 : index
    %swap3A_64 = tpu.strided_load %arg7[%swap3A_62, %swap3A_63] {strides = array<i32: 8, 1>} : memref<1024x128xf32, #tpu.memory_space<vmem>>, vector<128x128xf32>
    tpu.strided_store %arg7[%swap3A_62, %swap3A_63], %add3A_61 {strides = array<i32: 8, 1>} : memref<1024x128xf32, #tpu.memory_space<vmem>>, vector<128x128xf32>
    %slice3A_65 = vector.extract_strided_slice %mul3A {offsets = [0, 64], sizes = [128, 16], strides = [1, 1]} : vector<128x128xf32> to vector<128x16xf32>
    %get3A_66 = arith.constant 0 : index
    %get3A_67 = arith.constant 0 : index
    %get3A_68 = vector.load %arg5[%get3A_66, %get3A_67] : memref<16x128xf32, #tpu.memory_space<vmem>>, vector<16x128xf32>
    %dot_general3A_69 = arith.constant dense<0.000000e+00> : vector<128x128xf32>
    %dot_general3A_70 = tpu.matmul %slice3A_65, %get3A_68, %dot_general3A_69 {dimension_numbers = #tpu.dot_dimension_numbers<[1], [0], [0], [1], [0, 0, 1, 1], [], []>, transpose_lhs_hint = false} : vector<128x16xf32>, vector<16x128xf32>, vector<128x128xf32> -> vector<128x128xf32>
    %get3A_71 = arith.constant 0 : index
    %get3A_72 = arith.constant 0 : index
    %get3A_73 = vector.load %arg6[%get3A_71, %get3A_72] : memref<1x128xf32, #tpu.memory_space<vmem>>, vector<1x128xf32>
    %add3A_74 = vector.broadcast %get3A_73 : vector<1x128xf32> to vector<128x128xf32>
    %add3A_75 = arith.addf %dot_general3A_70, %add3A_74 : vector<128x128xf32>
    %swap3A_76 = arith.constant 4 : index
    %swap3A_77 = arith.constant 0 : index
    %swap3A_78 = tpu.strided_load %arg7[%swap3A_76, %swap3A_77] {strides = array<i32: 8, 1>} : memref<1024x128xf32, #tpu.memory_space<vmem>>, vector<128x128xf32>
    tpu.strided_store %arg7[%swap3A_76, %swap3A_77], %add3A_75 {strides = array<i32: 8, 1>} : memref<1024x128xf32, #tpu.memory_space<vmem>>, vector<128x128xf32>
    %slice3A_79 = vector.extract_strided_slice %mul3A {offsets = [0, 80], sizes = [128, 16], strides = [1, 1]} : vector<128x128xf32> to vector<128x16xf32>
    %get3A_80 = arith.constant 0 : index
    %get3A_81 = arith.constant 0 : index
    %get3A_82 = vector.load %arg5[%get3A_80, %get3A_81] : memref<16x128xf32, #tpu.memory_space<vmem>>, vector<16x128xf32>
    %dot_general3A_83 = arith.constant dense<0.000000e+00> : vector<128x128xf32>
    %dot_general3A_84 = tpu.matmul %slice3A_79, %get3A_82, %dot_general3A_83 {dimension_numbers = #tpu.dot_dimension_numbers<[1], [0], [0], [1], [0, 0, 1, 1], [], []>, transpose_lhs_hint = false} : vector<128x16xf32>, vector<16x128xf32>, vector<128x128xf32> -> vector<128x128xf32>
    %get3A_85 = arith.constant 0 : index
    %get3A_86 = arith.constant 0 : index
    %get3A_87 = vector.load %arg6[%get3A_85, %get3A_86] : memref<1x128xf32, #tpu.memory_space<vmem>>, vector<1x128xf32>
    %add3A_88 = vector.broadcast %get3A_87 : vector<1x128xf32> to vector<128x128xf32>
    %add3A_89 = arith.addf %dot_general3A_84, %add3A_88 : vector<128x128xf32>
    %swap3A_90 = arith.constant 5 : index
    %swap3A_91 = arith.constant 0 : index
    %swap3A_92 = tpu.strided_load %arg7[%swap3A_90, %swap3A_91] {strides = array<i32: 8, 1>} : memref<1024x128xf32, #tpu.memory_space<vmem>>, vector<128x128xf32>
    tpu.strided_store %arg7[%swap3A_90, %swap3A_91], %add3A_89 {strides = array<i32: 8, 1>} : memref<1024x128xf32, #tpu.memory_space<vmem>>, vector<128x128xf32>
    %slice3A_93 = vector.extract_strided_slice %mul3A {offsets = [0, 96], sizes = [128, 16], strides = [1, 1]} : vector<128x128xf32> to vector<128x16xf32>
    %get3A_94 = arith.constant 0 : index
    %get3A_95 = arith.constant 0 : index
    %get3A_96 = vector.load %arg5[%get3A_94, %get3A_95] : memref<16x128xf32, #tpu.memory_space<vmem>>, vector<16x128xf32>
    %dot_general3A_97 = arith.constant dense<0.000000e+00> : vector<128x128xf32>
    %dot_general3A_98 = tpu.matmul %slice3A_93, %get3A_96, %dot_general3A_97 {dimension_numbers = #tpu.dot_dimension_numbers<[1], [0], [0], [1], [0, 0, 1, 1], [], []>, transpose_lhs_hint = false} : vector<128x16xf32>, vector<16x128xf32>, vector<128x128xf32> -> vector<128x128xf32>
    %get3A_99 = arith.constant 0 : index
    %get3A_100 = arith.constant 0 : index
    %get3A_101 = vector.load %arg6[%get3A_99, %get3A_100] : memref<1x128xf32, #tpu.memory_space<vmem>>, vector<1x128xf32>
    %add3A_102 = vector.broadcast %get3A_101 : vector<1x128xf32> to vector<128x128xf32>
    %add3A_103 = arith.addf %dot_general3A_98, %add3A_102 : vector<128x128xf32>
    %swap3A_104 = arith.constant 6 : index
    %swap3A_105 = arith.constant 0 : index
    %swap3A_106 = tpu.strided_load %arg7[%swap3A_104, %swap3A_105] {strides = array<i32: 8, 1>} : memref<1024x128xf32, #tpu.memory_space<vmem>>, vector<128x128xf32>
    tpu.strided_store %arg7[%swap3A_104, %swap3A_105], %add3A_103 {strides = array<i32: 8, 1>} : memref<1024x128xf32, #tpu.memory_space<vmem>>, vector<128x128xf32>
    %slice3A_107 = vector.extract_strided_slice %mul3A {offsets = [0, 112], sizes = [128, 16], strides = [1, 1]} : vector<128x128xf32> to vector<128x16xf32>
    %get3A_108 = arith.constant 0 : index
    %get3A_109 = arith.constant 0 : index
    %get3A_110 = vector.load %arg5[%get3A_108, %get3A_109] : memref<16x128xf32, #tpu.memory_space<vmem>>, vector<16x128xf32>
    %dot_general3A_111 = arith.constant dense<0.000000e+00> : vector<128x128xf32>
    %dot_general3A_112 = tpu.matmul %slice3A_107, %get3A_110, %dot_general3A_111 {dimension_numbers = #tpu.dot_dimension_numbers<[1], [0], [0], [1], [0, 0, 1, 1], [], []>, transpose_lhs_hint = false} : vector<128x16xf32>, vector<16x128xf32>, vector<128x128xf32> -> vector<128x128xf32>
    %get3A_113 = arith.constant 0 : index
    %get3A_114 = arith.constant 0 : index
    %get3A_115 = vector.load %arg6[%get3A_113, %get3A_114] : memref<1x128xf32, #tpu.memory_space<vmem>>, vector<1x128xf32>
    %add3A_116 = vector.broadcast %get3A_115 : vector<1x128xf32> to vector<128x128xf32>
    %add3A_117 = arith.addf %dot_general3A_112, %add3A_116 : vector<128x128xf32>
    %swap3A_118 = arith.constant 7 : index
    %swap3A_119 = arith.constant 0 : index
    %swap3A_120 = tpu.strided_load %arg7[%swap3A_118, %swap3A_119] {strides = array<i32: 8, 1>} : memref<1024x128xf32, #tpu.memory_space<vmem>>, vector<128x128xf32>
    tpu.strided_store %arg7[%swap3A_118, %swap3A_119], %add3A_117 {strides = array<i32: 8, 1>} : memref<1024x128xf32, #tpu.memory_space<vmem>>, vector<128x128xf32>
    return
  }
  func.func @transform_0(%arg0: i32) -> (i32, i32) {
    %c0_i32 = arith.constant 0 : i32
    %c0_i32_0 = arith.constant 0 : i32
    return %arg0, %c0_i32 : i32, i32
  }
  func.func @transform_1(%arg0: i32) -> (i32, i32) {
    %add3A = arith.constant 10 : i32
    %add3A_0 = arith.addi %add3A, %arg0 : i32
    %c0_i32 = arith.constant 0 : i32
    %c0_i32_1 = arith.constant 0 : i32
    return %add3A_0, %c0_i32 : i32, i32
  }
  func.func @transform_2(%arg0: i32) -> (i32, i32) {
    %c0_i32 = arith.constant 0 : i32
    %c0_i32_0 = arith.constant 0 : i32
    return %arg0, %c0_i32 : i32, i32
  }
  func.func @transform_3(%arg0: i32) -> (i32, i32) {
    %c0_i32 = arith.constant 0 : i32
    %c0_i32_0 = arith.constant 0 : i32
    return %arg0, %c0_i32 : i32, i32
  }
  func.func @transform_4(%arg0: i32) -> (i32, i32) {
    %c0_i32 = arith.constant 0 : i32
    %c0_i32_0 = arith.constant 0 : i32
    %c0_i32_1 = arith.constant 0 : i32
    return %c0_i32, %c0_i32_0 : i32, i32
  }
  func.func @transform_5(%arg0: i32) -> (i32, i32) {
    %c0_i32 = arith.constant 0 : i32
    %c0_i32_0 = arith.constant 0 : i32
    %c0_i32_1 = arith.constant 0 : i32
    return %c0_i32, %c0_i32_0 : i32, i32
  }
  func.func @transform_6(%arg0: i32) -> (i32, i32) {
    %c0_i32 = arith.constant 0 : i32
    %c0_i32_0 = arith.constant 0 : i32
    return %arg0, %c0_i32 : i32, i32
  }
}

</mosaic_0001>

<sc_bundles>
// kernel: kernel.10.cloned.1.call-start
scs
__scs_entry_jumppad:
0x0: {  	(pc) =	sbr.rel $0x88, $3  }
0x1: {  	(tag) =	ssettag $0x0;
	lr =	simm.s32 $0x1  }
0x2: {  	[smem:$0x3F9B] =	sst lr;
	_ =	strace $0xD0000000  }
0x3: {  	_ = 	snop  }
0x4: {  	_ = 	snop  }
0x5: {  	_ = 	snop  }
0x6: {  	_ = 	snop  }
0x7: {  	_ = 	snop  }
__scs_overlays_trampoline_lowered:
0x8: {  	[smem:$0x3FAA] =	sst s0  }
0x9: {  	[smem:$0x3FAB] =	sst s1  }
0xa: {  	[smem:$0x3FAC] =	sst s2  }
0xb: {  	[smem:$0x3FAD] =	sst s3  }
0xc: {  	[smem:$0x3FAE] =	sst s4  }
0xd: {  	[smem:$0x3FAF] =	sst s5  }
0xe: {  	[smem:$0x3FB0] =	sst s6  }
0xf: {  	[smem:$0x3FB1] =	sst s7  }
0x10: {  	[smem:$0x3FB2] =	sst s8  }
0x11: {  	[smem:$0x3FB3] =	sst s9;
	s0 =	simm.s32 @!p0 $0x0  }
0x12: {  	s1 =	sld [smem:$0x3F99];
	s0 =	simm.s32 @p0 $0x1  }
0x13: {  	[smem:$0x3FB4] =	sst s0;
	s0 =	simm.s32 @!p1 $0x0  }
0x14: {  	s2 =	sld [smem:$0x3F98];
	s0 =	simm.s32 @p1 $0x1  }
0x15: {  	[smem:$0x3FB5] =	sst s0;
	s0 =	simm.s32 @!p2 $0x0  }
0x16: {  	s3 =	sld [smem:$0x3FDB];
	s0 =	simm.s32 @p2 $0x1  }
0x17: {  	s4 =	simm.s32 $0x1BF5;
	[smem:$0x3FB7] =	sst s0  }
0x18: {  	s0 =	sld [smem:$0x3F9A];
	_ =	swait.ge [sflag:s4], $0x0  }
0x19: {  	s7 =	sld [smem:$0x3F9B]  }
0x1a: {  	s8 =	sadd.s32 $0xFFFFE003, lr  }
0x1b: {  	s9 =	sadd.s32 $0xFFFFFEF7, lr;
	s5 =	simm.s32 $0xFFFFFFFF;
	p2 =	slt.u32 s8, $0xFFFFF086  }
0x1c: {  	p1 =	slt.u32 s9, $0xF7A;
	s5 =	simm.s32 @!p2 $0x0  }
0x1d: {  	s5 =	simm.s32 @p1 $0x1;
	p0 =	seq.s32 s7, s2  }
0x1e: {  	s7 =	smul.u32 @!p0 $0xF7A, s2;
	p2 =	seq.s32 @!p0 s5, $0x0  }
0x1f: {  	s9 =	smul.u32 $0xF7A, s1;
	s8 =	simm.s32 @!p0 $0x1BF5;
	p2 =	por !p2, p0  }
0x20: {  	[sflag:s8] =	ssyncset.s32 @!p0 $0xFFFFF086;
	s6 =	sadd.s32 @!p0 s3, s7;
	s7 =	simm.s32 @!p0 $0x108  }
0x21: {  	s3 =	sadd.s32 s3, s9;
	s6 =	sadd.s32 @!p0 $0x88, s6;
	s7 =	simm.s32 @p2 $0x1082  }
0x22: {  	[simem:s7], [sflag:s8] =	dma.local @!p0 [hbm:s6], $0xF7A  }
0x23: {  	s9 =	sor.u32 $0xD0000000, s2;
	s6 =	simm.s32 $0x108;
	_ =	swait.ge @!p0 [sflag:s8], $0x0  }
0x24: {  	s3 =	sadd.s32 $0x88, s3;
	s6 =	simm.s32 @!p1 $0x1082;
	[sflag:s4] =	ssyncset.s32 $0xFFFFF086  }
0x25: {  	[simem:s6], [sflag:s4] =	dma.local [hbm:s3], $0xF7A  }
0x26: {  	[smem:$0x3F9B] =	sst s1;
	(tag) =	ssettag s2;
	_ =	strace s9  }
0x27: {  	s1 =	sld [smem:$0x3FAB]  }
0x28: {  	s2 =	sld [smem:$0x3FAC]  }
0x29: {  	s4 =	sld [smem:$0x3FAE]  }
0x2a: {  	p0 =	seq.s32 s5, $0x0;
	s5 =	sld [smem:$0x3FAF]  }
0x2b: {  	s6 =	sld [smem:$0x3FB0]  }
0x2c: {  	s7 =	sld [smem:$0x3FB1]  }
0x2d: {  	s3 =	simm.s32 $0x108;
	s8 =	sld [smem:$0x3FB2]  }
0x2e: {  	s3 =	simm.s32 @!p0 $0x1082;
	s9 =	sld [smem:$0x3FB3]  }
0x2f: {  	lr =	sadd.s32 s0, s3;
	s0 =	sld [smem:$0x3FAA]  }
0x30: {  	s3 =	sld [smem:$0x3FAD]  }
0x31: {  	[smem:$0x3FB6] =	sst s10  }
0x32: {  	s10 =	sld [smem:$0x3FB4];
	_ =	sdelay $0x3  }
0x33: {  	p0 =	seq.s32 s10, $0x1;
	s10 =	sld [smem:$0x3FB6];
	_ =	sdelay $0x3  }
0x34: {  	[smem:$0x3FB6] =	sst s10  }
0x35: {  	s10 =	sld [smem:$0x3FB5];
	_ =	sdelay $0x3  }
0x36: {  	p1 =	seq.s32 s10, $0x1;
	s10 =	sld [smem:$0x3FB6];
	_ =	sdelay $0x3  }
0x37: {  	[smem:$0x3FB6] =	sst s10  }
0x38: {  	s10 =	sld [smem:$0x3FB7]  }
0x39: {  	_ = 	snop;
	(pc) =	sbr.ind lr, $3  }
0x3a: {  	_ = 	snop  }
0x3b: {  	_ = 	snop  }
0x3c: {  	p2 =	seq.s32 s10, $0x1;
	s10 =	sld [smem:$0x3FB6]  }
0x3d: {  	_ =	shalt  }
0x3e: {  	_ =	shalt  }
0x3f: {  	_ =	shalt  }
0x40: {  	_ =	shalt  }
0x41: {  	_ =	shalt  }
0x42: {  	_ =	shalt  }
0x43: {  	_ =	shalt  }
0x44: {  	_ =	shalt  }
0x45: {  	_ =	shalt  }
0x46: {  	_ =	shalt  }
0x47: {  	_ =	shalt  }
0x48: {  	_ =	shalt  }
0x49: {  	_ =	shalt  }
0x4a: {  	_ =	shalt  }
0x4b: {  	_ =	shalt  }
0x4c: {  	_ =	shalt  }
0x4d: {  	_ =	shalt  }
0x4e: {  	_ =	shalt  }
0x4f: {  	_ =	shalt  }
0x50: {  	_ =	shalt  }
0x51: {  	_ =	shalt  }
0x52: {  	_ =	shalt  }
0x53: {  	_ =	shalt  }
0x54: {  	_ =	shalt  }
0x55: {  	_ =	shalt  }
0x56: {  	_ =	shalt  }
0x57: {  	_ =	shalt  }
0x58: {  	_ =	shalt  }
0x59: {  	_ =	shalt  }
0x5a: {  	_ =	shalt  }
0x5b: {  	_ =	shalt  }
0x5c: {  	_ =	shalt  }
0x5d: {  	_ =	shalt  }
0x5e: {  	_ =	shalt  }
0x5f: {  	_ =	shalt  }
0x60: {  	_ =	shalt  }
0x61: {  	_ =	shalt  }
0x62: {  	_ =	shalt  }
0x63: {  	_ =	shalt  }
0x64: {  	_ =	shalt  }
0x65: {  	_ =	shalt  }
0x66: {  	_ =	shalt  }
0x67: {  	_ =	shalt  }
0x68: {  	_ =	shalt  }
0x69: {  	_ =	shalt  }
0x6a: {  	_ =	shalt  }
0x6b: {  	_ =	shalt  }
0x6c: {  	_ =	shalt  }
0x6d: {  	_ =	shalt  }
0x6e: {  	_ =	shalt  }
0x6f: {  	_ =	shalt  }
0x70: {  	_ =	shalt  }
0x71: {  	_ =	shalt  }
0x72: {  	_ =	shalt  }
0x73: {  	_ =	shalt  }
0x74: {  	_ =	shalt  }
0x75: {  	_ =	shalt  }
0x76: {  	_ =	shalt  }
0x77: {  	_ =	shalt  }
0x78: {  	_ =	shalt  }
0x79: {  	_ =	shalt  }
0x7a: {  	_ =	shalt  }
0x7b: {  	_ =	shalt  }
0x7c: {  	_ =	shalt  }
0x7d: {  	_ =	shalt  }
0x7e: {  	_ =	shalt  }
0x7f: {  	_ =	shalt  }
0x80: {  	_ =	shalt  }
0x81: {  	_ =	shalt  }
0x82: {  	_ =	shalt  }
0x83: {  	_ =	shalt  }
0x84: {  	_ =	shalt  }
0x85: {  	_ =	shalt  }
0x86: {  	_ =	shalt  }
0x87: {  	_ =	shalt  }
.Lfunc_end0:
.L_simem_size_0:
called_computation_lowered:
.L_overlay_start_0:
0x88: {  	s2 =	sld [smem:$0x3FD9]  }
0x89: {  	s3 =	sld [smem:$0x3FFE];
	_ =	sdelay $0x1  }
0x8a: {  	s1 =	srdreg.scid  }
0x8b: {  	s0 =	sand.u32 $0x1, s1  }
0x8c: {  	s17 =	sshll.u32 s0, $0xA;
	s2 =	sadd.s32 s3, s2  }
0x8d: {  	s2 =	sadd.s32 s2, s17  }
0x8e: {  	[smem:$0x3FC2] =	sst s2  }
0x8f: {  	_ = 	snop  }
0x90: {  	s2 =	sld [smem:$0x3FD0];
	(tm) =	ssettm $0x1  }
0x91: {  	s18 =	sld [smem:$0x3FFB];
	_ =	sdelay $0x3  }
0x92: {  	_ =	strace s18  }
0x93: {  	s3 =	sld [smem:$0x3FFC];
	_ =	sdelay $0x3  }
0x94: {  	_ =	strace s3  }
0x95: {  	s3 =	sld [smem:$0x3FFD];
	_ =	sdelay $0x3  }
0x96: {  	_ =	strace s3  }
0x97: {  	_ =	strace $0x8FFFFFFF  }
0x98: {  	s19 =	sld [smem:$0x3FDB];
	_ =	sdelay $0x1  }
0x99: {  	s4 =	simm.s32 $_scs_section_size  }
0x9a: {  	s5 =	simm.s32 $_size__tile_overlayer_lowered;
	s6 =	simm.s32 $_tile_overlayer_lowered  }
0x9b: {  	s22 =	simm.s32 $0x1BFF;
	s21 =	sshll.u32 s6, $0x1;
	s3 =	sadd.s32 s4, s19  }
0x9c: {  	s7 =	simm.s32 $0x0;
	s20 =	sshll.u32 s5, $0x1;
	s5 =	sadd.s32 s21, s3  }
0x9d: {  	[timem:s7], [sflag:s22] =	dma.local [hbm:s5], s20  }
0x9e: {  	_ =	swait.ge [sflag:s22], s20  }
0x9f: {  	s4 =	ssub.s32 $0x0, s20;
	[sflag:s22] =	ssyncset.done $0x0  }
0xa0: {  	[sflag:s22] =	ssyncadd.s32 s4;
	_ =	sdelay $0x1  }
0xa1: {  	s23 =	simm.s32 $0x1B8B  }
0xa2: {  	_ =	swait.ge [sflag:s23], $0x1  }
0xa3: {  	[sflag:s23] =	ssyncset.done $0x0  }
0xa4: {  	s25 =	simm.s32 $0x1B8E;
	s24 =	sld [smem:$0x3FFE];
	[sflag:s23] =	ssyncadd.s32 $0xFFFFFFFF  }
0xa5: {  	s26 =	simm.s32 $execute0_lowered;
	[smem:$0x3FD2] =	sst s25  }
0xa6: {  	s5 =	sshll.u32 s26, $0x1;
	_ =	strace $0x80000046;
	[dreg:$0x1] =	wrdreg $0xFFFFFFFF  }
0xa7: {  	s28 =	simm.s32 $_size_execute0_lowered;
	s3 =	sadd.s32 s3, s5;
	[dreg:$0x0] =	wrdreg $0x0  }
0xa8: {  	s5 =	sshll.u32 s28, $0x1;
	[dreg:$0x2] =	wrdreg s3  }
0xa9: {  	[dreg:$0x3] =	wrdreg s5  }
0xaa: {  	[dreg:$0x4] =	wrdreg $0xC0  }
0xab: {  	_ =	task [dreg:s7], $0x5FFFF  }
0xac: {  	[dreg:$0x1] =	wrdreg $0xFFFFFFFF  }
0xad: {  	[dreg:$0x0] =	wrdreg $0x60  }
0xae: {  	[dreg:$0x2] =	wrdreg s2  }
0xaf: {  	[dreg:$0x3] =	wrdreg s24  }
0xb0: {  	[dreg:$0x4] =	wrdreg $0x30000  }
0xb1: {  	[dreg:$0x5] =	wrdreg $0x9  }
0xb2: {  	_ =	task.clear_ibuf [dreg:s7], $0x6FFFF;
	_ =	strace $0x90000046  }
0xb3: {  	s29 =	simm.s32 $0x9;
	_ =	strace $0x80000048  }
0xb4: {  	_ =	swait.ge [sflag:s29], $0x1  }
0xb5: {  	[sflag:s29] =	ssyncadd.s32 $0xFFFFFFFF  }
0xb6: {  	_ =	strace $0x90000048  }
0xb7: {  	_ =	sfence  }
0xb8: {  	s30 =	sld [smem:$0x0];
	_ =	sdelay $0x2  }
0xb9: {  	s31 =	sshll.u32 s1, $0xD;
	s1 =	sshrl.u32 s1, $0x2  }
0xba: {  	s3 =	sand.u32 $0x4000, s31;
	s1 =	sadd.s32 s1, s30  }
0xbb: {  	s0 =	sor.u32 s3, s0;
	s1 =	sshll.u32 s1, $0x11  }
0xbc: {  	s0 =	sor.u32 s1, s0  }
0xbd: {  	s0 =	sadd.s32 $0x8F2B, s0  }
0xbe: {  	[sflag:s0] =	ssyncadd.remote.s32 $0x1  }
0xbf: {  	_ =	sfence.sel $0xFFFF  }
0xc0: {  	[dreg:$0x0] =	wrdreg $0xFFFFFFFF;
	(pc) =	sbr.abs _section_cstart, $3  }
0xc1: {  	[dreg:$0x1] =	wrdreg $0xFFFFFFFF  }
0xc2: {  	_ =	task.clear_ibuf [dreg:s7], $0x2FFFF;
	_ =	strace $0x9FFFFFFF  }
0xc3: {  	(tm) =	ssettm $0x7FFFFFFF  }
tec
execute0_lowered:
.L_overlay_start_1:
0x0: {  	(tag) =	ssettag $0x1  }
0x1: {  	s5 =	rddreg [dreg:$0x0]  }
0x2: {  	s4 =	rddreg [dreg:$0x1]  }
0x3: {  	s1 =	rddreg [dreg:$0x2];
	s2 =	srdreg.scid  }
0x4: {  	s3 =	simm.s32 $0x0;
	s12 =	simm.s32 $0x2800;
	s13 =	simm.s32 $0x9  }
0x5: {  	s14 =	simm.s32 $0x80;
	s15 =	simm.s32 $0x100;
	s16 =	simm.s32 $0x180  }
0x6: {  	s17 =	simm.s32 $0x200;
	s18 =	simm.s32 $0x280;
	s19 =	simm.s32 $0x300  }
0x7: {  	s20 =	simm.s32 $0x380;
	s21 =	simm.s32 $0x1;
	s22 =	simm.s32 $0x2  }
0x8: {  	s23 =	simm.s32 $0x3;
	s24 =	simm.s32 $0x4;
	s25 =	simm.s32 $0x5  }
0x9: {  	s26 =	simm.s32 $0x6;
	s28 =	simm.s32 $0x7;
	s6 =	sand.u32 $0x1, s2  }
0xa: {  	s29 =	simm.s32 $0x8;
	s2 =	stileid.u32;
	s7 =	smul.u32 $0x5000, s6  }
0xb: {  	[smem:$0x7FF] =	sst s3;
	s8 =	smul.u32 $0x500, s2;
	s9 =	sshll.u32 s6, $0x4  }
0xc: {  	s10 =	smul.u32 $0xA000, s2;
	s6 =	ssub.s32 $0x2, s6;
	s30 =	sor.u32 s2, s9  }
0xd: {  	s31 =	sshrl.u32 s6, $0x1;
	s7 =	sadd.s32 s8, s7;
	s8 =	smul.u32 $0x500, s30  }
0xe: {  	_ =	strace $0x80000047;
	s10 =	sshrl.u32 s10, $0x2;
	s9 =	ssub.s32 s6, s31  }
0xf: {  	s7 =	sadd.s32 s7, s4;
	s4 =	sadd.s32 s10, s1;
	s5 =	sadd.s32 s5, s8  }
0x10: {  	s6 =	sadd.s32 $0xD400, s7;
	s7 =	smax.u32 s9, $0x1;
	s8 =	sadd.s32 $0x800, s4  }
0x11: {  	v0 =	vimm.f32 $0.0e+00;
	v1 =	vimm.f32 $1.000000000e+00;
	s9 =	sadd.s32 $0x1000, s4;
	s10 =	sadd.s32 $0x1800, s4;
	s11 =	sadd.s32 $0x2000, s4  }
.LBB2_1:
0x12: {  	s30 =	simm.s32 $0x40;
	s31 =	simm.s32 $0x0  }
.LBB2_2:
0x13: {  	p0 =	sne.s32 s30, $0x1FC0;
	[tilespmem:s31+$0x2800] =	vst v0;
	s31 =	smov.u32 s30;
	s30 =	sadd.s32 $0x40, s30  }
.Ltmp0:
0x14: {  	(pc) =	sbr.rel @p0 .LBB2_2-.Ltmp0, $2  }
0x15: {  	_ =	sdelay $0x2  }
0x16: {  	s31 =	sshra.s32 s31, $0x2  }
0x17: {  	[tilespmem:s31+$0x2800] =	vst v0  }
0x18: {  	[spmem:s4] =	stream.linear.scatter [tilespmem:s12], [sflag:$0x9], $0x800, $0x38;
	[tilespmem:$0x5800] =	vst v63  }
0x19: {  	_ =	swait.ge [sflag:s13], $0x800  }
0x1a: {  	[sflag:s13] =	ssyncset.done $0x0  }
0x1b: {  	[sflag:s13] =	ssyncadd.s32 $0xFFFFF800  }
0x1c: {  	[spmem:s8] =	stream.linear.scatter [tilespmem:s12], [sflag:$0x9], $0x800, $0x38;
	[tilespmem:$0x5800] =	vst v63  }
0x1d: {  	_ =	swait.ge [sflag:s13], $0x800  }
0x1e: {  	[sflag:s13] =	ssyncset.done $0x0  }
0x1f: {  	[sflag:s13] =	ssyncadd.s32 $0xFFFFF800  }
0x20: {  	[spmem:s9] =	stream.linear.scatter [tilespmem:s12], [sflag:$0x9], $0x800, $0x38;
	[tilespmem:$0x5800] =	vst v63  }
0x21: {  	_ =	swait.ge [sflag:s13], $0x800  }
0x22: {  	[sflag:s13] =	ssyncset.done $0x0  }
0x23: {  	[sflag:s13] =	ssyncadd.s32 $0xFFFFF800  }
0x24: {  	[spmem:s10] =	stream.linear.scatter [tilespmem:s12], [sflag:$0x9], $0x800, $0x38;
	[tilespmem:$0x5800] =	vst v63  }
0x25: {  	_ =	swait.ge [sflag:s13], $0x800  }
0x26: {  	[sflag:s13] =	ssyncset.done $0x0  }
0x27: {  	[sflag:s13] =	ssyncadd.s32 $0xFFFFF800  }
0x28: {  	[spmem:s11] =	stream.linear.scatter [tilespmem:s12], [sflag:$0x9], $0x800, $0x38;
	[tilespmem:$0x5800] =	vst v63  }
0x29: {  	_ =	swait.ge [sflag:s13], $0x800  }
0x2a: {  	[sflag:s13] =	ssyncset.done $0x0  }
0x2b: {  	s30 =	simm.s32 $0x40;
	s31 =	simm.s32 $0x0;
	[sflag:s13] =	ssyncadd.s32 $0xFFFFF800  }
.LBB2_4:
0x2c: {  	p0 =	sne.s32 s30, $0x1FC0;
	[tilespmem:s31+$0x2800] =	vst v1;
	s31 =	smov.u32 s30;
	s30 =	sadd.s32 $0x40, s30  }
.Ltmp1:
0x2d: {  	(pc) =	sbr.rel @p0 .LBB2_4-.Ltmp1, $2  }
0x2e: {  	_ =	sdelay $0x2  }
0x2f: {  	s31 =	sshra.s32 s31, $0x2  }
0x30: {  	[tilespmem:s31+$0x2800] =	vst v1;
	s30 =	simm.s32 $0x0  }
0x31: {  	[tilespmem:s30], [sflag:$0x9] =	stream.linear.gather [hbm4b:s5+s30], $0x2800, $0x38;
	[tilespmem:$0x5800] =	vst v63  }
0x32: {  	_ =	swait.ge [sflag:s13], $0x2800  }
0x33: {  	[sflag:s13] =	ssyncset.done $0x0  }
0x34: {  	[sflag:s13] =	ssyncadd.s32 $0xFFFFD800  }
0x35: {  	[bflag:$0x0] =	sbarrier.arrive $0xFFFF  }
0x36: {  	[spmem:s1] =	stream.indirect.scatter.add.f32 [tilespmem:s12], [sflag:$0x1], $0x10, s30, s14, $0xb8;
	[tilespmem:$0x5800] =	vst v63  }
0x37: {  	_ = 	snop  }
0x38: {  	[spmem:s1] =	stream.indirect.scatter.add.f32 [tilespmem:s12], [sflag:$0x2], $0x10, s14, s14, $0xb8;
	[tilespmem:$0x5800] =	vst v63  }
0x39: {  	_ = 	snop  }
0x3a: {  	[spmem:s1] =	stream.indirect.scatter.add.f32 [tilespmem:s12], [sflag:$0x3], $0x10, s15, s14, $0xb8;
	[tilespmem:$0x5800] =	vst v63  }
0x3b: {  	_ = 	snop  }
0x3c: {  	[spmem:s1] =	stream.indirect.scatter.add.f32 [tilespmem:s12], [sflag:$0x4], $0x10, s16, s14, $0xb8;
	[tilespmem:$0x5800] =	vst v63  }
0x3d: {  	_ = 	snop  }
0x3e: {  	[spmem:s1] =	stream.indirect.scatter.add.f32 [tilespmem:s12], [sflag:$0x5], $0x10, s17, s14, $0xb8;
	[tilespmem:$0x5800] =	vst v63  }
0x3f: {  	_ = 	snop  }
0x40: {  	[spmem:s1] =	stream.indirect.scatter.add.f32 [tilespmem:s12], [sflag:$0x6], $0x10, s18, s14, $0xb8;
	[tilespmem:$0x5800] =	vst v63  }
0x41: {  	_ = 	snop  }
0x42: {  	[spmem:s1] =	stream.indirect.scatter.add.f32 [tilespmem:s12], [sflag:$0x7], $0x10, s19, s14, $0xb8;
	[tilespmem:$0x5800] =	vst v63  }
0x43: {  	_ = 	snop  }
0x44: {  	[spmem:s1] =	stream.indirect.scatter.add.f32 [tilespmem:s12], [sflag:$0x8], $0x10, s20, s14, $0xb8;
	[tilespmem:$0x5800] =	vst v63  }
0x45: {  	_ =	swait.ge [sflag:s21], $0x800  }
0x46: {  	[sflag:s21] =	ssyncset.done $0x0  }
0x47: {  	s30 =	simm.s32 $0x400;
	[sflag:s21] =	ssyncadd.s32 $0xFFFFF800  }
0x48: {  	[spmem:s1] =	stream.indirect.scatter.add.f32 [tilespmem:s12], [sflag:$0x1], $0x10, s30, s14, $0xb8;
	[tilespmem:$0x5800] =	vst v63  }
0x49: {  	_ =	swait.ge [sflag:s22], $0x800  }
0x4a: {  	[sflag:s22] =	ssyncset.done $0x0  }
0x4b: {  	s30 =	simm.s32 $0x480;
	[sflag:s22] =	ssyncadd.s32 $0xFFFFF800  }
0x4c: {  	[spmem:s1] =	stream.indirect.scatter.add.f32 [tilespmem:s12], [sflag:$0x2], $0x10, s30, s14, $0xb8;
	[tilespmem:$0x5800] =	vst v63  }
0x4d: {  	_ =	swait.ge [sflag:s23], $0x800  }
0x4e: {  	[sflag:s23] =	ssyncset.done $0x0  }
0x4f: {  	s30 =	simm.s32 $0x500;
	[sflag:s23] =	ssyncadd.s32 $0xFFFFF800  }
0x50: {  	[spmem:s1] =	stream.indirect.scatter.add.f32 [tilespmem:s12], [sflag:$0x3], $0x10, s30, s14, $0xb8;
	[tilespmem:$0x5800] =	vst v63  }
0x51: {  	_ =	swait.ge [sflag:s24], $0x800  }
0x52: {  	[sflag:s24] =	ssyncset.done $0x0  }
0x53: {  	s30 =	simm.s32 $0x580;
	[sflag:s24] =	ssyncadd.s32 $0xFFFFF800  }
0x54: {  	[spmem:s1] =	stream.indirect.scatter.add.f32 [tilespmem:s12], [sflag:$0x4], $0x10, s30, s14, $0xb8;
	[tilespmem:$0x5800] =	vst v63  }
0x55: {  	_ =	swait.ge [sflag:s25], $0x800  }
0x56: {  	[sflag:s25] =	ssyncset.done $0x0  }
0x57: {  	s30 =	simm.s32 $0x600;
	[sflag:s25] =	ssyncadd.s32 $0xFFFFF800  }
0x58: {  	[spmem:s1] =	stream.indirect.scatter.add.f32 [tilespmem:s12], [sflag:$0x5], $0x10, s30, s14, $0xb8;
	[tilespmem:$0x5800] =	vst v63  }
0x59: {  	_ =	swait.ge [sflag:s26], $0x800  }
0x5a: {  	[sflag:s26] =	ssyncset.done $0x0  }
0x5b: {  	s30 =	simm.s32 $0x680;
	[sflag:s26] =	ssyncadd.s32 $0xFFFFF800  }
0x5c: {  	[spmem:s1] =	stream.indirect.scatter.add.f32 [tilespmem:s12], [sflag:$0x6], $0x10, s30, s14, $0xb8;
	[tilespmem:$0x5800] =	vst v63  }
0x5d: {  	_ =	swait.ge [sflag:s28], $0x800  }
0x5e: {  	[sflag:s28] =	ssyncset.done $0x0  }
0x5f: {  	s30 =	simm.s32 $0x700;
	[sflag:s28] =	ssyncadd.s32 $0xFFFFF800  }
0x60: {  	[spmem:s1] =	stream.indirect.scatter.add.f32 [tilespmem:s12], [sflag:$0x7], $0x10, s30, s14, $0xb8;
	[tilespmem:$0x5800] =	vst v63  }
0x61: {  	_ =	swait.ge [sflag:s29], $0x800  }
0x62: {  	[sflag:s29] =	ssyncset.done $0x0  }
0x63: {  	s31 =	simm.s32 $0x780;
	s30 =	simm.s32 $0x1000;
	[sflag:s29] =	ssyncadd.s32 $0xFFFFF800  }
.LBB2_6:
0x64: {  	[spmem:s1] =	stream.indirect.scatter.add.f32 [tilespmem:s12], [sflag:$0x8], $0x10, s31, s14, $0xb8;
	[tilespmem:$0x5800] =	vst v63  }
0x65: {  	s31 =	smov.u32 s30  }
0x66: {  	p0 =	sne.s32 s30, $0x8000;
	s30 =	sadd.s32 $0x1000, s30;
	_ =	swait.ge [sflag:s21], $0x800  }
0x67: {  	s31 =	sshra.s32 s31, $0x2;
	[sflag:s21] =	ssyncset.done $0x0  }
0x68: {  	s0 =	sadd.s32 $0x400, s31;
	[sflag:s21] =	ssyncadd.s32 $0xFFFFF800  }
0x69: {  	[spmem:s1] =	stream.indirect.scatter.add.f32 [tilespmem:s12], [sflag:$0x1], $0x10, s0, s14, $0xb8;
	[tilespmem:$0x5800] =	vst v63  }
0x6a: {  	_ =	swait.ge [sflag:s22], $0x800  }
0x6b: {  	[sflag:s22] =	ssyncset.done $0x0  }
0x6c: {  	s0 =	sadd.s32 $0x480, s31;
	[sflag:s22] =	ssyncadd.s32 $0xFFFFF800  }
0x6d: {  	[spmem:s1] =	stream.indirect.scatter.add.f32 [tilespmem:s12], [sflag:$0x2], $0x10, s0, s14, $0xb8;
	[tilespmem:$0x5800] =	vst v63  }
0x6e: {  	_ =	swait.ge [sflag:s23], $0x800  }
0x6f: {  	[sflag:s23] =	ssyncset.done $0x0  }
0x70: {  	s0 =	sadd.s32 $0x500, s31;
	[sflag:s23] =	ssyncadd.s32 $0xFFFFF800  }
0x71: {  	[spmem:s1] =	stream.indirect.scatter.add.f32 [tilespmem:s12], [sflag:$0x3], $0x10, s0, s14, $0xb8;
	[tilespmem:$0x5800] =	vst v63  }
0x72: {  	_ =	swait.ge [sflag:s24], $0x800  }
0x73: {  	[sflag:s24] =	ssyncset.done $0x0  }
0x74: {  	s0 =	sadd.s32 $0x580, s31;
	[sflag:s24] =	ssyncadd.s32 $0xFFFFF800  }
0x75: {  	[spmem:s1] =	stream.indirect.scatter.add.f32 [tilespmem:s12], [sflag:$0x4], $0x10, s0, s14, $0xb8;
	[tilespmem:$0x5800] =	vst v63  }
0x76: {  	_ =	swait.ge [sflag:s25], $0x800  }
0x77: {  	[sflag:s25] =	ssyncset.done $0x0  }
0x78: {  	s0 =	sadd.s32 $0x600, s31;
	[sflag:s25] =	ssyncadd.s32 $0xFFFFF800  }
0x79: {  	[spmem:s1] =	stream.indirect.scatter.add.f32 [tilespmem:s12], [sflag:$0x5], $0x10, s0, s14, $0xb8;
	[tilespmem:$0x5800] =	vst v63  }
0x7a: {  	_ =	swait.ge [sflag:s26], $0x800  }
0x7b: {  	[sflag:s26] =	ssyncset.done $0x0  }
0x7c: {  	s0 =	sadd.s32 $0x680, s31;
	[sflag:s26] =	ssyncadd.s32 $0xFFFFF800  }
0x7d: {  	[spmem:s1] =	stream.indirect.scatter.add.f32 [tilespmem:s12], [sflag:$0x6], $0x10, s0, s14, $0xb8;
	[tilespmem:$0x5800] =	vst v63  }
0x7e: {  	_ =	swait.ge [sflag:s28], $0x800  }
0x7f: {  	[sflag:s28] =	ssyncset.done $0x0  }
.Ltmp2:
0x80: {  	s0 =	sadd.s32 $0x700, s31;
	[sflag:s28] =	ssyncadd.s32 $0xFFFFF800;
	(pc) =	sbr.rel @p0 .LBB2_6-.Ltmp2, $4  }
0x81: {  	[spmem:s1] =	stream.indirect.scatter.add.f32 [tilespmem:s12], [sflag:$0x7], $0x10, s0, s14, $0xb8;
	[tilespmem:$0x5800] =	vst v63  }
0x82: {  	_ =	swait.ge [sflag:s29], $0x800  }
0x83: {  	[sflag:s29] =	ssyncset.done $0x0  }
0x84: {  	s31 =	sadd.s32 $0x780, s31;
	[sflag:s29] =	ssyncadd.s32 $0xFFFFF800  }
0x85: {  	[spmem:s1] =	stream.indirect.scatter.add.f32 [tilespmem:s12], [sflag:$0x8], $0x10, s31, s14, $0xb8;
	[tilespmem:$0x5800] =	vst v63  }
0x86: {  	_ =	swait.ge [sflag:s21], $0x800  }
0x87: {  	[sflag:s21] =	ssyncset.done $0x0  }
0x88: {  	[sflag:s21] =	ssyncadd.s32 $0xFFFFF800  }
0x89: {  	_ =	swait.ge [sflag:s22], $0x800  }
0x8a: {  	[sflag:s22] =	ssyncset.done $0x0  }
0x8b: {  	[sflag:s22] =	ssyncadd.s32 $0xFFFFF800  }
0x8c: {  	_ =	swait.ge [sflag:s23], $0x800  }
0x8d: {  	[sflag:s23] =	ssyncset.done $0x0  }
0x8e: {  	[sflag:s23] =	ssyncadd.s32 $0xFFFFF800  }
0x8f: {  	_ =	swait.ge [sflag:s24], $0x800  }
0x90: {  	[sflag:s24] =	ssyncset.done $0x0  }
0x91: {  	[sflag:s24] =	ssyncadd.s32 $0xFFFFF800  }
0x92: {  	_ =	swait.ge [sflag:s25], $0x800  }
0x93: {  	[sflag:s25] =	ssyncset.done $0x0  }
0x94: {  	[sflag:s25] =	ssyncadd.s32 $0xFFFFF800  }
0x95: {  	_ =	swait.ge [sflag:s26], $0x800  }
0x96: {  	[sflag:s26] =	ssyncset.done $0x0  }
0x97: {  	[sflag:s26] =	ssyncadd.s32 $0xFFFFF800  }
0x98: {  	_ =	swait.ge [sflag:s28], $0x800  }
0x99: {  	[sflag:s28] =	ssyncset.done $0x0  }
0x9a: {  	[sflag:s28] =	ssyncadd.s32 $0xFFFFF800  }
0x9b: {  	_ =	swait.ge [sflag:s29], $0x800  }
0x9c: {  	s0 =	sshll.u32 s2, $0x6;
	s3 =	sadd.s32 $0x1, s3;
	[sflag:s29] =	ssyncset.done $0x0  }
0x9d: {  	s30 =	sshrl.u32 s4, $0x3;
	p0 =	sne.s32 s3, s7;
	[sflag:s29] =	ssyncadd.s32 $0xFFFFF800  }
.Ltmp3:
0x9e: {  	s0 =	sor.u32 $0x1C09, s0;
	[bflag:$0x0] =	sbarrier.arrive $0xFFFF;
	(pc) =	sbr.rel @p0 .LBB2_1-.Ltmp3, $4  }
0x9f: {  	[hbm:s6], [sflag:s0] =	dma.local [spmem:s30], $0x500  }
0xa0: {  	_ =	swait.ge [sflag:s13], $0x500  }
0xa1: {  	[sflag:s13] =	ssyncset.done $0x0  }
0xa2: {  	[sflag:s13] =	ssyncadd.s32 $0xFFFFFB00  }
0xa3: {  	_ =	sfence.sel $0x180000  }
0xa4: {  	[bflag:$0x0] =	sbarrier.arrive $0xFFFF  }
0xa5: {  	_ =	strace $0x90000047  }
0xa6: {  	[bflag:$0x2] =	sbarrier.arrive $0xFFFF  }
0xa7: {  	p0 =	sne.s32 s2, $0x0;
	s0 =	rddreg [dreg:$0x3]  }
0xa8: {  	s0 =	sadd.s32 @!p0 $0x100000, s0  }
0xa9: {  	[sflag:s0] =	ssyncadd.tile.s32 @!p0 $0x1;
	_ =	shalt  }
.Lfunc_end2:
_tile_overlayer_lowered:
.L_overlay_start_2:
0xaa: {  	(tag) =	ssettag $0x2  }
0xab: {  	s0 =	rddreg [dreg:$0x0];
	s2 =	stileid.u32  }
0xac: {  	s1 =	rddreg [dreg:$0x1];
	p0 =	sne.s32 s2, $0x0  }
0xad: {  	s3 =	rddreg [dreg:$0x2];
	[bflag:$0x3] =	sbarrier.arrive $0xFFFF;
	s2 =	simm.s32 @!p0 $0x1C09  }
0xae: {  	[timem:s3], [sflag:s2] =	dma.local @!p0 [hbm:s0], s1  }
0xaf: {  	s0 =	simm.s32 @!p0 $0x9  }
0xb0: {  	_ =	swait.ge @!p0 [sflag:s0], s1  }
0xb1: {  	s1 =	ssub.s32 @!p0 $0x0, s1;
	[sflag:s0] =	ssyncset.done @!p0 $0x0  }
0xb2: {  	[sflag:s0] =	ssyncadd.s32 @!p0 s1  }
0xb3: {  	[bflag:$0x3] =	sbarrier.arrive $0xFFFF  }
0xb4: {  	_ =	shalt  }

// kernel: kernel.13.cloned.1.call-start
scs
__scs_entry_jumppad:
0x0: {  	(pc) =	sbr.rel $0x88, $3  }
0x1: {  	(tag) =	ssettag $0x0;
	lr =	simm.s32 $0x1  }
0x2: {  	[smem:$0x3F9B] =	sst lr;
	_ =	strace $0xD0000000  }
0x3: {  	_ = 	snop  }
0x4: {  	_ = 	snop  }
0x5: {  	_ = 	snop  }
0x6: {  	_ = 	snop  }
0x7: {  	_ = 	snop  }
__scs_overlays_trampoline_lowered:
0x8: {  	[smem:$0x3FAA] =	sst s0  }
0x9: {  	[smem:$0x3FAB] =	sst s1  }
0xa: {  	[smem:$0x3FAC] =	sst s2  }
0xb: {  	[smem:$0x3FAD] =	sst s3  }
0xc: {  	[smem:$0x3FAE] =	sst s4  }
0xd: {  	[smem:$0x3FAF] =	sst s5  }
0xe: {  	[smem:$0x3FB0] =	sst s6  }
0xf: {  	[smem:$0x3FB1] =	sst s7  }
0x10: {  	[smem:$0x3FB2] =	sst s8  }
0x11: {  	[smem:$0x3FB3] =	sst s9;
	s0 =	simm.s32 @!p0 $0x0  }
0x12: {  	s1 =	sld [smem:$0x3F99];
	s0 =	simm.s32 @p0 $0x1  }
0x13: {  	[smem:$0x3FB4] =	sst s0;
	s0 =	simm.s32 @!p1 $0x0  }
0x14: {  	s2 =	sld [smem:$0x3F98];
	s0 =	simm.s32 @p1 $0x1  }
0x15: {  	[smem:$0x3FB5] =	sst s0;
	s0 =	simm.s32 @!p2 $0x0  }
0x16: {  	s3 =	sld [smem:$0x3FDB];
	s0 =	simm.s32 @p2 $0x1  }
0x17: {  	s4 =	simm.s32 $0x1BF5;
	[smem:$0x3FB7] =	sst s0  }
0x18: {  	s0 =	sld [smem:$0x3F9A];
	_ =	swait.ge [sflag:s4], $0x0  }
0x19: {  	s7 =	sld [smem:$0x3F9B]  }
0x1a: {  	s8 =	sadd.s32 $0xFFFFE003, lr  }
0x1b: {  	s9 =	sadd.s32 $0xFFFFFEF7, lr;
	s5 =	simm.s32 $0xFFFFFFFF;
	p2 =	slt.u32 s8, $0xFFFFF086  }
0x1c: {  	p1 =	slt.u32 s9, $0xF7A;
	s5 =	simm.s32 @!p2 $0x0  }
0x1d: {  	s5 =	simm.s32 @p1 $0x1;
	p0 =	seq.s32 s7, s2  }
0x1e: {  	s7 =	smul.u32 @!p0 $0xF7A, s2;
	p2 =	seq.s32 @!p0 s5, $0x0  }
0x1f: {  	s9 =	smul.u32 $0xF7A, s1;
	s8 =	simm.s32 @!p0 $0x1BF5;
	p2 =	por !p2, p0  }
0x20: {  	[sflag:s8] =	ssyncset.s32 @!p0 $0xFFFFF086;
	s6 =	sadd.s32 @!p0 s3, s7;
	s7 =	simm.s32 @!p0 $0x108  }
0x21: {  	s3 =	sadd.s32 s3, s9;
	s6 =	sadd.s32 @!p0 $0x88, s6;
	s7 =	simm.s32 @p2 $0x1082  }
0x22: {  	[simem:s7], [sflag:s8] =	dma.local @!p0 [hbm:s6], $0xF7A  }
0x23: {  	s9 =	sor.u32 $0xD0000000, s2;
	s6 =	simm.s32 $0x108;
	_ =	swait.ge @!p0 [sflag:s8], $0x0  }
0x24: {  	s3 =	sadd.s32 $0x88, s3;
	s6 =	simm.s32 @!p1 $0x1082;
	[sflag:s4] =	ssyncset.s32 $0xFFFFF086  }
0x25: {  	[simem:s6], [sflag:s4] =	dma.local [hbm:s3], $0xF7A  }
0x26: {  	[smem:$0x3F9B] =	sst s1;
	(tag) =	ssettag s2;
	_ =	strace s9  }
0x27: {  	s1 =	sld [smem:$0x3FAB]  }
0x28: {  	s2 =	sld [smem:$0x3FAC]  }
0x29: {  	s4 =	sld [smem:$0x3FAE]  }
0x2a: {  	p0 =	seq.s32 s5, $0x0;
	s5 =	sld [smem:$0x3FAF]  }
0x2b: {  	s6 =	sld [smem:$0x3FB0]  }
0x2c: {  	s7 =	sld [smem:$0x3FB1]  }
0x2d: {  	s3 =	simm.s32 $0x108;
	s8 =	sld [smem:$0x3FB2]  }
0x2e: {  	s3 =	simm.s32 @!p0 $0x1082;
	s9 =	sld [smem:$0x3FB3]  }
0x2f: {  	lr =	sadd.s32 s0, s3;
	s0 =	sld [smem:$0x3FAA]  }
0x30: {  	s3 =	sld [smem:$0x3FAD]  }
0x31: {  	[smem:$0x3FB6] =	sst s10  }
0x32: {  	s10 =	sld [smem:$0x3FB4];
	_ =	sdelay $0x3  }
0x33: {  	p0 =	seq.s32 s10, $0x1;
	s10 =	sld [smem:$0x3FB6];
	_ =	sdelay $0x3  }
0x34: {  	[smem:$0x3FB6] =	sst s10  }
0x35: {  	s10 =	sld [smem:$0x3FB5];
	_ =	sdelay $0x3  }
0x36: {  	p1 =	seq.s32 s10, $0x1;
	s10 =	sld [smem:$0x3FB6];
	_ =	sdelay $0x3  }
0x37: {  	[smem:$0x3FB6] =	sst s10  }
0x38: {  	s10 =	sld [smem:$0x3FB7]  }
0x39: {  	_ = 	snop;
	(pc) =	sbr.ind lr, $3  }
0x3a: {  	_ = 	snop  }
0x3b: {  	_ = 	snop  }
0x3c: {  	p2 =	seq.s32 s10, $0x1;
	s10 =	sld [smem:$0x3FB6]  }
0x3d: {  	_ =	shalt  }
0x3e: {  	_ =	shalt  }
0x3f: {  	_ =	shalt  }
0x40: {  	_ =	shalt  }
0x41: {  	_ =	shalt  }
0x42: {  	_ =	shalt  }
0x43: {  	_ =	shalt  }
0x44: {  	_ =	shalt  }
0x45: {  	_ =	shalt  }
0x46: {  	_ =	shalt  }
0x47: {  	_ =	shalt  }
0x48: {  	_ =	shalt  }
0x49: {  	_ =	shalt  }
0x4a: {  	_ =	shalt  }
0x4b: {  	_ =	shalt  }
0x4c: {  	_ =	shalt  }
0x4d: {  	_ =	shalt  }
0x4e: {  	_ =	shalt  }
0x4f: {  	_ =	shalt  }
0x50: {  	_ =	shalt  }
0x51: {  	_ =	shalt  }
0x52: {  	_ =	shalt  }
0x53: {  	_ =	shalt  }
0x54: {  	_ =	shalt  }
0x55: {  	_ =	shalt  }
0x56: {  	_ =	shalt  }
0x57: {  	_ =	shalt  }
0x58: {  	_ =	shalt  }
0x59: {  	_ =	shalt  }
0x5a: {  	_ =	shalt  }
0x5b: {  	_ =	shalt  }
0x5c: {  	_ =	shalt  }
0x5d: {  	_ =	shalt  }
0x5e: {  	_ =	shalt  }
0x5f: {  	_ =	shalt  }
0x60: {  	_ =	shalt  }
0x61: {  	_ =	shalt  }
0x62: {  	_ =	shalt  }
0x63: {  	_ =	shalt  }
0x64: {  	_ =	shalt  }
0x65: {  	_ =	shalt  }
0x66: {  	_ =	shalt  }
0x67: {  	_ =	shalt  }
0x68: {  	_ =	shalt  }
0x69: {  	_ =	shalt  }
0x6a: {  	_ =	shalt  }
0x6b: {  	_ =	shalt  }
0x6c: {  	_ =	shalt  }
0x6d: {  	_ =	shalt  }
0x6e: {  	_ =	shalt  }
0x6f: {  	_ =	shalt  }
0x70: {  	_ =	shalt  }
0x71: {  	_ =	shalt  }
0x72: {  	_ =	shalt  }
0x73: {  	_ =	shalt  }
0x74: {  	_ =	shalt  }
0x75: {  	_ =	shalt  }
0x76: {  	_ =	shalt  }
0x77: {  	_ =	shalt  }
0x78: {  	_ =	shalt  }
0x79: {  	_ =	shalt  }
0x7a: {  	_ =	shalt  }
0x7b: {  	_ =	shalt  }
0x7c: {  	_ =	shalt  }
0x7d: {  	_ =	shalt  }
0x7e: {  	_ =	shalt  }
0x7f: {  	_ =	shalt  }
0x80: {  	_ =	shalt  }
0x81: {  	_ =	shalt  }
0x82: {  	_ =	shalt  }
0x83: {  	_ =	shalt  }
0x84: {  	_ =	shalt  }
0x85: {  	_ =	shalt  }
0x86: {  	_ =	shalt  }
0x87: {  	_ =	shalt  }
.Lfunc_end0:
.L_simem_size_0:
called_computation.1_lowered:
.L_overlay_start_0:
0x88: {  	s2 =	sld [smem:$0x3FD9]  }
0x89: {  	s3 =	sld [smem:$0x3FFE];
	_ =	sdelay $0x1  }
0x8a: {  	s1 =	srdreg.scid  }
0x8b: {  	s0 =	sand.u32 $0x1, s1  }
0x8c: {  	s17 =	sshll.u32 s0, $0xA;
	s2 =	sadd.s32 s3, s2  }
0x8d: {  	s2 =	sadd.s32 s2, s17  }
0x8e: {  	[smem:$0x3FC2] =	sst s2  }
0x8f: {  	_ = 	snop  }
0x90: {  	s2 =	sld [smem:$0x3FD0];
	(tm) =	ssettm $0x1  }
0x91: {  	s18 =	sld [smem:$0x3FFB];
	_ =	sdelay $0x3  }
0x92: {  	_ =	strace s18  }
0x93: {  	s3 =	sld [smem:$0x3FFC];
	_ =	sdelay $0x3  }
0x94: {  	_ =	strace s3  }
0x95: {  	s3 =	sld [smem:$0x3FFD];
	_ =	sdelay $0x3  }
0x96: {  	_ =	strace s3  }
0x97: {  	_ =	strace $0x8FFFFFFF  }
0x98: {  	s19 =	sld [smem:$0x3FDB];
	_ =	sdelay $0x1  }
0x99: {  	s4 =	simm.s32 $_scs_section_size  }
0x9a: {  	s5 =	simm.s32 $_size__tile_overlayer_lowered;
	s6 =	simm.s32 $_tile_overlayer_lowered  }
0x9b: {  	s22 =	simm.s32 $0x1BFF;
	s21 =	sshll.u32 s6, $0x1;
	s3 =	sadd.s32 s4, s19  }
0x9c: {  	s7 =	simm.s32 $0x0;
	s20 =	sshll.u32 s5, $0x1;
	s5 =	sadd.s32 s21, s3  }
0x9d: {  	[timem:s7], [sflag:s22] =	dma.local [hbm:s5], s20  }
0x9e: {  	_ =	swait.ge [sflag:s22], s20  }
0x9f: {  	s4 =	ssub.s32 $0x0, s20;
	[sflag:s22] =	ssyncset.done $0x0  }
0xa0: {  	[sflag:s22] =	ssyncadd.s32 s4;
	_ =	sdelay $0x1  }
0xa1: {  	s23 =	simm.s32 $0x1B8B  }
0xa2: {  	_ =	swait.ge [sflag:s23], $0x1  }
0xa3: {  	[sflag:s23] =	ssyncset.done $0x0  }
0xa4: {  	s25 =	simm.s32 $0x1B8E;
	s24 =	sld [smem:$0x3FFE];
	[sflag:s23] =	ssyncadd.s32 $0xFFFFFFFF  }
0xa5: {  	s26 =	simm.s32 $execute0_lowered;
	[smem:$0x3FD2] =	sst s25  }
0xa6: {  	s5 =	sshll.u32 s26, $0x1;
	_ =	strace $0x80000049;
	[dreg:$0x1] =	wrdreg $0xFFFFFFFF  }
0xa7: {  	s28 =	simm.s32 $_size_execute0_lowered;
	s3 =	sadd.s32 s3, s5;
	[dreg:$0x0] =	wrdreg $0x0  }
0xa8: {  	s5 =	sshll.u32 s28, $0x1;
	[dreg:$0x2] =	wrdreg s3  }
0xa9: {  	[dreg:$0x3] =	wrdreg s5  }
0xaa: {  	[dreg:$0x4] =	wrdreg $0xC0  }
0xab: {  	_ =	task [dreg:s7], $0x5FFFF  }
0xac: {  	[dreg:$0x1] =	wrdreg $0xFFFFFFFF  }
0xad: {  	[dreg:$0x0] =	wrdreg $0x60  }
0xae: {  	[dreg:$0x2] =	wrdreg s24  }
0xaf: {  	[dreg:$0x3] =	wrdreg s2  }
0xb0: {  	[dreg:$0x4] =	wrdreg $0xA0000  }
0xb1: {  	[dreg:$0x5] =	wrdreg $0x9  }
0xb2: {  	_ =	task.clear_ibuf [dreg:s7], $0x6FFFF;
	_ =	strace $0x90000049  }
0xb3: {  	s29 =	simm.s32 $0x9;
	_ =	strace $0x8000004B  }
0xb4: {  	_ =	swait.ge [sflag:s29], $0x1  }
0xb5: {  	[sflag:s29] =	ssyncadd.s32 $0xFFFFFFFF  }
0xb6: {  	_ =	strace $0x9000004B  }
0xb7: {  	_ =	sfence  }
0xb8: {  	s30 =	sld [smem:$0x0];
	_ =	sdelay $0x2  }
0xb9: {  	s31 =	sshll.u32 s1, $0xD;
	s1 =	sshrl.u32 s1, $0x2  }
0xba: {  	s3 =	sand.u32 $0x4000, s31;
	s1 =	sadd.s32 s1, s30  }
0xbb: {  	s0 =	sor.u32 s3, s0;
	s1 =	sshll.u32 s1, $0x11  }
0xbc: {  	s0 =	sor.u32 s1, s0  }
0xbd: {  	s0 =	sadd.s32 $0x8F2B, s0  }
0xbe: {  	[sflag:s0] =	ssyncadd.remote.s32 $0x1  }
0xbf: {  	_ =	sfence.sel $0xFFFF  }
0xc0: {  	[dreg:$0x0] =	wrdreg $0xFFFFFFFF;
	(pc) =	sbr.abs _section_cstart, $3  }
0xc1: {  	[dreg:$0x1] =	wrdreg $0xFFFFFFFF  }
0xc2: {  	_ =	task.clear_ibuf [dreg:s7], $0x2FFFF;
	_ =	strace $0x9FFFFFFF  }
0xc3: {  	(tm) =	ssettm $0x7FFFFFFF  }
tec
execute0_lowered:
.L_overlay_start_1:
0x0: {  	(tag) =	ssettag $0x1  }
0x1: {  	s0 =	srdreg.scid;
	s1 =	rddreg [dreg:$0x0]  }
0x2: {  	s8 =	stileid.u32;
	s3 =	rddreg [dreg:$0x1]  }
0x3: {  	s20 =	simm.s32 $0x0;
	s28 =	simm.s32 $0x15;
	s17 =	simm.s32 $0x80  }
0x4: {  	s29 =	simm.s32 $0x4;
	s30 =	simm.s32 $0x5;
	s10 =	simm.s32 $0xD  }
0x5: {  	s11 =	simm.s32 $0x9;
	s12 =	simm.s32 $0xE;
	s13 =	simm.s32 $0xA  }
0x6: {  	s15 =	simm.s32 $0x11;
	s14 =	simm.s32 $0x12;
	s16 =	simm.s32 $0x13  }
0x7: {  	s18 =	simm.s32 $0x14;
	s0 =	sand.u32 $0x1, s0;
	s7 =	smul.u32 $0x500, s8  }
0x8: {  	[smem:$0x7FF] =	sst s20;
	s2 =	sshll.u32 s0, $0x4;
	s6 =	smul.u32 $0x5000, s0  }
0x9: {  	s0 =	ssub.s32 $0x2, s0;
	s4 =	sor.u32 s8, s2;
	s2 =	rddreg [dreg:$0x2]  }
0xa: {  	_ =	strace $0x8000004A;
	s8 =	smul.u32 $0xA000, s8;
	s19 =	sshrl.u32 s0, $0x1  }
0xb: {  	s5 =	smul.u32 $0x500, s4;
	s4 =	sadd.s32 $0xD400, s1;
	s6 =	sadd.s32 s7, s6  }
0xc: {  	s0 =	ssub.s32 s0, s19;
	s19 =	simm.s32 $0x2;
	s7 =	simm.s32 $0x7  }
0xd: {  	s21 =	sshrl.u32 s8, $0x2;
	s0 =	smax.u32 s0, $0x1;
	s8 =	simm.s32 $0xC  }
0xe: {  	s9 =	sadd.s32 s5, s1;
	s3 =	sadd.s32 s3, s5;
	[dreg:$0x9] =	wrdreg s0  }
0xf: {  	s1 =	sadd.s32 s6, s1;
	s23 =	sadd.s32 s21, s2;
	[dreg:$0x7] =	wrdreg s3  }
0x10: {  	s21 =	simm.s32 $0x1;
	s22 =	sadd.s32 $0x3400, s9;
	[dreg:$0x5] =	wrdreg s23  }
0x11: {  	s0 =	simm.s32 $0x6;
	s1 =	sadd.s32 $0x12400, s1;
	[dreg:$0x6] =	wrdreg s22  }
0x12: {  	s6 =	simm.s32 $0xB;
	s24 =	sadd.s32 $0x800, s23;
	[dreg:$0x8] =	wrdreg s1  }
0x13: {  	s5 =	simm.s32 $0xF;
	s25 =	sadd.s32 $0x1000, s23;
	[dreg:$0xa] =	wrdreg s24  }
0x14: {  	s26 =	sadd.s32 $0x1800, s23;
	s31 =	sadd.s32 $0x2000, s23;
	[dreg:$0xb] =	wrdreg s25  }
0x15: {  	s9 =	simm.s32 $0x8;
	s3 =	simm.s32 $0x10;
	[dreg:$0xc] =	wrdreg s26  }
0x16: {  	v0 =	vimm.f32 $0.0e+00;
	[dreg:$0xd] =	wrdreg s31;
	s24 =	simm.s32 $0x5000;
	s25 =	simm.s32 $0x3  }
.LBB2_1:
0x17: {  	[dreg:$0x4] =	wrdreg s20;
	s20 =	simm.s32 $0x40;
	s22 =	simm.s32 $0x0  }
.LBB2_2:
0x18: {  	p0 =	sne.s32 s20, $0x1FC0;
	[tilespmem:s22+$0x5000] =	vst v0;
	s22 =	smov.u32 s20;
	s20 =	sadd.s32 $0x40, s20  }
.Ltmp0:
0x19: {  	(pc) =	sbr.rel @p0 .LBB2_2-.Ltmp0, $2  }
0x1a: {  	_ =	sdelay $0x2  }
0x1b: {  	s22 =	sshra.s32 s22, $0x2  }
0x1c: {  	[tilespmem:s22+$0x5000] =	vst v0  }
0x1d: {  	[spmem:s23] =	stream.linear.scatter [tilespmem:s24], [sflag:$0x15], $0x800, $0x38;
	[tilespmem:$0xC800] =	vst v63  }
0x1e: {  	_ =	swait.ge [sflag:s28], $0x800  }
0x1f: {  	[sflag:s28] =	ssyncset.done $0x0  }
0x20: {  	s20 =	rddreg [dreg:$0xa];
	[sflag:s28] =	ssyncadd.s32 $0xFFFFF800  }
0x21: {  	[spmem:s20] =	stream.linear.scatter [tilespmem:s24], [sflag:$0x15], $0x800, $0x38;
	[tilespmem:$0xC800] =	vst v63  }
0x22: {  	_ =	swait.ge [sflag:s28], $0x800  }
0x23: {  	[sflag:s28] =	ssyncset.done $0x0  }
0x24: {  	s22 =	rddreg [dreg:$0xb];
	[sflag:s28] =	ssyncadd.s32 $0xFFFFF800  }
0x25: {  	[spmem:s22] =	stream.linear.scatter [tilespmem:s24], [sflag:$0x15], $0x800, $0x38;
	[tilespmem:$0xC800] =	vst v63  }
0x26: {  	_ =	swait.ge [sflag:s28], $0x800  }
0x27: {  	[sflag:s28] =	ssyncset.done $0x0  }
0x28: {  	s23 =	rddreg [dreg:$0xc];
	[sflag:s28] =	ssyncadd.s32 $0xFFFFF800  }
0x29: {  	[spmem:s23] =	stream.linear.scatter [tilespmem:s24], [sflag:$0x15], $0x800, $0x38;
	[tilespmem:$0xC800] =	vst v63  }
0x2a: {  	_ =	swait.ge [sflag:s28], $0x800  }
0x2b: {  	[sflag:s28] =	ssyncset.done $0x0  }
0x2c: {  	s26 =	rddreg [dreg:$0xd];
	[sflag:s28] =	ssyncadd.s32 $0xFFFFF800  }
0x2d: {  	[spmem:s26] =	stream.linear.scatter [tilespmem:s24], [sflag:$0x15], $0x800, $0x38;
	[tilespmem:$0xC800] =	vst v63  }
0x2e: {  	_ =	swait.ge [sflag:s28], $0x800  }
0x2f: {  	[sflag:s28] =	ssyncset.done $0x0  }
0x30: {  	s1 =	simm.s32 $0x0;
	s23 =	rddreg [dreg:$0x6];
	[sflag:s28] =	ssyncadd.s32 $0xFFFFF800  }
0x31: {  	[tilespmem:s1], [sflag:$0x15] =	stream.linear.gather [hbm4b:s23+s1], $0x2800, $0x38;
	[tilespmem:$0xC800] =	vst v63  }
0x32: {  	_ =	swait.ge [sflag:s28], $0x2800  }
0x33: {  	[sflag:s28] =	ssyncset.done $0x0  }
0x34: {  	s23 =	simm.s32 $0x2800;
	s26 =	rddreg [dreg:$0x7];
	[sflag:s28] =	ssyncadd.s32 $0xFFFFD800  }
0x35: {  	[tilespmem:s23], [sflag:$0x15] =	stream.linear.gather [hbm4b:s26+s1], $0x2800, $0x38;
	[tilespmem:$0xC800] =	vst v63  }
0x36: {  	_ =	swait.ge [sflag:s28], $0x2800  }
0x37: {  	[sflag:s28] =	ssyncset.done $0x0  }
0x38: {  	[sflag:s28] =	ssyncadd.s32 $0xFFFFD800  }
0x39: {  	[bflag:$0x0] =	sbarrier.arrive $0xFFFF  }
0x3a: {  	[tilespmem:s24], [sflag:$0x1] =	stream.indirect.gather [hbm4b:s4+s17], $0x10, s1, s17, $0xb8;
	[tilespmem:$0xC800] =	vst v63  }
0x3b: {  	s22 =	simm.s32 $0x5800  }
0x3c: {  	[tilespmem:s22], [sflag:$0x2] =	stream.indirect.gather [hbm4b:s4+s17], $0x10, s17, s17, $0xb8;
	[tilespmem:$0xC800] =	vst v63  }
0x3d: {  	s26 =	simm.s32 $0x6000;
	s28 =	simm.s32 $0x100  }
0x3e: {  	[tilespmem:s26], [sflag:$0x3] =	stream.indirect.gather [hbm4b:s4+s17], $0x10, s28, s17, $0xb8;
	[tilespmem:$0xC800] =	vst v63  }
0x3f: {  	s1 =	simm.s32 $0x180;
	s28 =	simm.s32 $0x6800  }
0x40: {  	[tilespmem:s28], [sflag:$0x4] =	stream.indirect.gather [hbm4b:s4+s17], $0x10, s1, s17, $0xb8;
	[tilespmem:$0xC800] =	vst v63  }
0x41: {  	s20 =	simm.s32 $0x200;
	s1 =	simm.s32 $0x7000  }
0x42: {  	[tilespmem:s1], [sflag:$0x5] =	stream.indirect.gather [hbm4b:s4+s17], $0x10, s20, s17, $0xb8;
	[tilespmem:$0xC800] =	vst v63  }
0x43: {  	_ =	swait.ge [sflag:s21], $0x800  }
0x44: {  	[sflag:s21] =	ssyncset.done $0x0  }
0x45: {  	[sflag:s21] =	ssyncadd.s32 $0xFFFFF800  }
0x46: {  	[spmem:s2] =	stream.indirect.scatter.add.f32 [tilespmem:s24], [sflag:$0xB], $0x10, s23, s17, $0xb8;
	[tilespmem:$0xC800] =	vst v63  }
0x47: {  	s20 =	simm.s32 $0x280;
	s23 =	simm.s32 $0x7800  }
0x48: {  	[tilespmem:s23], [sflag:$0x6] =	stream.indirect.gather [hbm4b:s4+s17], $0x10, s20, s17, $0xb8;
	[tilespmem:$0xC800] =	vst v63  }
0x49: {  	_ =	swait.ge [sflag:s19], $0x800  }
0x4a: {  	[sflag:s19] =	ssyncset.done $0x0  }
0x4b: {  	s20 =	simm.s32 $0x2880;
	[sflag:s19] =	ssyncadd.s32 $0xFFFFF800  }
0x4c: {  	[spmem:s2] =	stream.indirect.scatter.add.f32 [tilespmem:s22], [sflag:$0xC], $0x10, s20, s17, $0xb8;
	[tilespmem:$0xC800] =	vst v63  }
0x4d: {  	s31 =	simm.s32 $0x8000;
	s20 =	simm.s32 $0x300  }
0x4e: {  	[tilespmem:s31], [sflag:$0x7] =	stream.indirect.gather [hbm4b:s4+s17], $0x10, s20, s17, $0xb8;
	[tilespmem:$0xC800] =	vst v63  }
0x4f: {  	_ =	swait.ge [sflag:s25], $0x800  }
0x50: {  	[sflag:s25] =	ssyncset.done $0x0  }
0x51: {  	s20 =	simm.s32 $0x2900;
	[sflag:s25] =	ssyncadd.s32 $0xFFFFF800  }
0x52: {  	[spmem:s2] =	stream.indirect.scatter.add.f32 [tilespmem:s26], [sflag:$0xD], $0x10, s20, s17, $0xb8;
	[tilespmem:$0xC800] =	vst v63  }
0x53: {  	s31 =	simm.s32 $0x8800;
	s20 =	simm.s32 $0x380  }
0x54: {  	[tilespmem:s31], [sflag:$0x8] =	stream.indirect.gather [hbm4b:s4+s17], $0x10, s20, s17, $0xb8;
	[tilespmem:$0xC800] =	vst v63  }
0x55: {  	_ =	swait.ge [sflag:s29], $0x800  }
0x56: {  	[sflag:s29] =	ssyncset.done $0x0  }
0x57: {  	s20 =	simm.s32 $0x2980;
	[sflag:s29] =	ssyncadd.s32 $0xFFFFF800  }
0x58: {  	[spmem:s2] =	stream.indirect.scatter.add.f32 [tilespmem:s28], [sflag:$0xE], $0x10, s20, s17, $0xb8;
	[tilespmem:$0xC800] =	vst v63  }
0x59: {  	s31 =	simm.s32 $0x9000;
	s20 =	simm.s32 $0x400  }
0x5a: {  	[tilespmem:s31], [sflag:$0x9] =	stream.indirect.gather [hbm4b:s4+s17], $0x10, s20, s17, $0xb8;
	[tilespmem:$0xC800] =	vst v63  }
0x5b: {  	_ =	swait.ge [sflag:s30], $0x800  }
0x5c: {  	[sflag:s30] =	ssyncset.done $0x0  }
0x5d: {  	s1 =	simm.s32 $0x7000;
	s20 =	simm.s32 $0x2A00;
	[sflag:s30] =	ssyncadd.s32 $0xFFFFF800  }
0x5e: {  	[spmem:s2] =	stream.indirect.scatter.add.f32 [tilespmem:s1], [sflag:$0xF], $0x10, s20, s17, $0xb8;
	[tilespmem:$0xC800] =	vst v63  }
0x5f: {  	s20 =	simm.s32 $0x480;
	s1 =	simm.s32 $0x9800  }
0x60: {  	[tilespmem:s1], [sflag:$0xA] =	stream.indirect.gather [hbm4b:s4+s17], $0x10, s20, s17, $0xb8;
	[tilespmem:$0xC800] =	vst v63  }
0x61: {  	_ =	swait.ge [sflag:s0], $0x800  }
0x62: {  	[sflag:s0] =	ssyncset.done $0x0  }
0x63: {  	[sflag:s0] =	ssyncadd.s32 $0xFFFFF800;
	s0 =	simm.s32 $0x2A80  }
0x64: {  	[spmem:s2] =	stream.indirect.scatter.add.f32 [tilespmem:s23], [sflag:$0x10], $0x10, s0, s17, $0xb8;
	[tilespmem:$0xC800] =	vst v63  }
0x65: {  	_ =	swait.ge [sflag:s6], $0x800  }
0x66: {  	[sflag:s6] =	ssyncset.done $0x0  }
0x67: {  	s0 =	simm.s32 $0x500;
	[sflag:s6] =	ssyncadd.s32 $0xFFFFF800  }
0x68: {  	[tilespmem:s24], [sflag:$0x1] =	stream.indirect.gather [hbm4b:s4+s17], $0x10, s0, s17, $0xb8;
	[tilespmem:$0xC800] =	vst v63  }
0x69: {  	_ =	swait.ge [sflag:s7], $0x800  }
0x6a: {  	[sflag:s7] =	ssyncset.done $0x0  }
0x6b: {  	s6 =	simm.s32 $0x2B00;
	[sflag:s7] =	ssyncadd.s32 $0xFFFFF800;
	s7 =	simm.s32 $0x8000  }
0x6c: {  	[spmem:s2] =	stream.indirect.scatter.add.f32 [tilespmem:s7], [sflag:$0x11], $0x10, s6, s17, $0xb8;
	[tilespmem:$0xC800] =	vst v63  }
0x6d: {  	_ =	swait.ge [sflag:s8], $0x800  }
0x6e: {  	[sflag:s8] =	ssyncset.done $0x0  }
0x6f: {  	s6 =	simm.s32 $0x580;
	[sflag:s8] =	ssyncadd.s32 $0xFFFFF800  }
0x70: {  	[tilespmem:s22], [sflag:$0x2] =	stream.indirect.gather [hbm4b:s4+s17], $0x10, s6, s17, $0xb8;
	[tilespmem:$0xC800] =	vst v63  }
0x71: {  	_ =	swait.ge [sflag:s9], $0x800  }
0x72: {  	[sflag:s9] =	ssyncset.done $0x0  }
0x73: {  	s8 =	simm.s32 $0x2B80;
	[sflag:s9] =	ssyncadd.s32 $0xFFFFF800;
	s9 =	simm.s32 $0x8800  }
0x74: {  	[spmem:s2] =	stream.indirect.scatter.add.f32 [tilespmem:s9], [sflag:$0x12], $0x10, s8, s17, $0xb8;
	[tilespmem:$0xC800] =	vst v63  }
0x75: {  	_ =	swait.ge [sflag:s10], $0x800  }
0x76: {  	[sflag:s10] =	ssyncset.done $0x0  }
0x77: {  	[sflag:s10] =	ssyncadd.s32 $0xFFFFF800;
	s10 =	simm.s32 $0x600  }
0x78: {  	[tilespmem:s26], [sflag:$0x3] =	stream.indirect.gather [hbm4b:s4+s17], $0x10, s10, s17, $0xb8;
	[tilespmem:$0xC800] =	vst v63  }
0x79: {  	_ =	swait.ge [sflag:s11], $0x800  }
0x7a: {  	[sflag:s11] =	ssyncset.done $0x0  }
0x7b: {  	s31 =	simm.s32 $0x9000;
	s0 =	simm.s32 $0x2C00;
	[sflag:s11] =	ssyncadd.s32 $0xFFFFF800  }
0x7c: {  	[spmem:s2] =	stream.indirect.scatter.add.f32 [tilespmem:s31], [sflag:$0x13], $0x10, s0, s17, $0xb8;
	[tilespmem:$0xC800] =	vst v63  }
0x7d: {  	_ =	swait.ge [sflag:s12], $0x800  }
0x7e: {  	[sflag:s12] =	ssyncset.done $0x0  }
0x7f: {  	s8 =	simm.s32 $0x680;
	[sflag:s12] =	ssyncadd.s32 $0xFFFFF800  }
0x80: {  	[tilespmem:s28], [sflag:$0x4] =	stream.indirect.gather [hbm4b:s4+s17], $0x10, s8, s17, $0xb8;
	[tilespmem:$0xC800] =	vst v63  }
0x81: {  	_ =	swait.ge [sflag:s13], $0x800  }
0x82: {  	[sflag:s13] =	ssyncset.done $0x0  }
0x83: {  	s9 =	simm.s32 $0x2C80;
	[sflag:s13] =	ssyncadd.s32 $0xFFFFF800  }
0x84: {  	[spmem:s2] =	stream.indirect.scatter.add.f32 [tilespmem:s1], [sflag:$0x14], $0x10, s9, s17, $0xb8;
	[tilespmem:$0xC800] =	vst v63  }
0x85: {  	_ =	swait.ge [sflag:s5], $0x800  }
0x86: {  	[sflag:s5] =	ssyncset.done $0x0  }
0x87: {  	s10 =	simm.s32 $0x700;
	s11 =	simm.s32 $0x7000;
	[sflag:s5] =	ssyncadd.s32 $0xFFFFF800  }
0x88: {  	[tilespmem:s11], [sflag:$0x5] =	stream.indirect.gather [hbm4b:s4+s17], $0x10, s10, s17, $0xb8;
	[tilespmem:$0xC800] =	vst v63  }
0x89: {  	_ =	swait.ge [sflag:s21], $0x800  }
0x8a: {  	[sflag:s21] =	ssyncset.done $0x0  }
0x8b: {  	s12 =	simm.s32 $0x2D00;
	[sflag:s21] =	ssyncadd.s32 $0xFFFFF800  }
0x8c: {  	[spmem:s2] =	stream.indirect.scatter.add.f32 [tilespmem:s24], [sflag:$0xB], $0x10, s12, s17, $0xb8;
	[tilespmem:$0xC800] =	vst v63  }
0x8d: {  	_ =	swait.ge [sflag:s3], $0x800  }
0x8e: {  	[sflag:s3] =	ssyncset.done $0x0  }
0x8f: {  	s13 =	simm.s32 $0x780;
	[sflag:s3] =	ssyncadd.s32 $0xFFFFF800  }
0x90: {  	[tilespmem:s23], [sflag:$0x6] =	stream.indirect.gather [hbm4b:s4+s17], $0x10, s13, s17, $0xb8;
	[tilespmem:$0xC800] =	vst v63  }
0x91: {  	_ =	swait.ge [sflag:s19], $0x800  }
0x92: {  	[sflag:s19] =	ssyncset.done $0x0  }
0x93: {  	s21 =	simm.s32 $0x2D80;
	[sflag:s19] =	ssyncadd.s32 $0xFFFFF800  }
0x94: {  	[spmem:s2] =	stream.indirect.scatter.add.f32 [tilespmem:s22], [sflag:$0xC], $0x10, s21, s17, $0xb8;
	[tilespmem:$0xC800] =	vst v63  }
0x95: {  	_ =	swait.ge [sflag:s15], $0x800  }
0x96: {  	[sflag:s15] =	ssyncset.done $0x0  }
0x97: {  	s7 =	simm.s32 $0x8000;
	s22 =	simm.s32 $0x800;
	[sflag:s15] =	ssyncadd.s32 $0xFFFFF800  }
0x98: {  	[tilespmem:s7], [sflag:$0x7] =	stream.indirect.gather [hbm4b:s4+s17], $0x10, s22, s17, $0xb8;
	[tilespmem:$0xC800] =	vst v63  }
0x99: {  	_ =	swait.ge [sflag:s25], $0x800  }
0x9a: {  	[sflag:s25] =	ssyncset.done $0x0  }
0x9b: {  	s23 =	simm.s32 $0x2E00;
	[sflag:s25] =	ssyncadd.s32 $0xFFFFF800  }
0x9c: {  	[spmem:s2] =	stream.indirect.scatter.add.f32 [tilespmem:s26], [sflag:$0xD], $0x10, s23, s17, $0xb8;
	[tilespmem:$0xC800] =	vst v63  }
0x9d: {  	_ =	swait.ge [sflag:s14], $0x800  }
0x9e: {  	[sflag:s14] =	ssyncset.done $0x0  }
0x9f: {  	s6 =	simm.s32 $0x8800;
	s24 =	simm.s32 $0x880;
	[sflag:s14] =	ssyncadd.s32 $0xFFFFF800  }
0xa0: {  	[tilespmem:s6], [sflag:$0x8] =	stream.indirect.gather [hbm4b:s4+s17], $0x10, s24, s17, $0xb8;
	[tilespmem:$0xC800] =	vst v63  }
0xa1: {  	_ =	swait.ge [sflag:s29], $0x800  }
0xa2: {  	[sflag:s29] =	ssyncset.done $0x0  }
0xa3: {  	s20 =	simm.s32 $0x1400;
	s25 =	simm.s32 $0x2E80;
	[sflag:s29] =	ssyncadd.s32 $0xFFFFF800  }
0xa4: {  	[spmem:s2] =	stream.indirect.scatter.add.f32 [tilespmem:s28], [sflag:$0xE], $0x10, s25, s17, $0xb8;
	[tilespmem:$0xC800] =	vst v63  }
0xa5: {  	s0 =	simm.s32 $0x5;
	s8 =	simm.s32 $0x7;
	_ =	swait.ge [sflag:s16], $0x800  }
0xa6: {  	s9 =	simm.s32 $0x8;
	s5 =	simm.s32 $0xF;
	[sflag:s16] =	ssyncset.done $0x0  }
0xa7: {  	s10 =	simm.s32 $0xD;
	s26 =	simm.s32 $0x900;
	[sflag:s16] =	ssyncadd.s32 $0xFFFFF800  }
0xa8: {  	[tilespmem:s31], [sflag:$0x9] =	stream.indirect.gather [hbm4b:s4+s17], $0x10, s26, s17, $0xb8;
	[tilespmem:$0xC800] =	vst v63  }
0xa9: {  	s12 =	simm.s32 $0xE;
	s13 =	simm.s32 $0xA;
	_ =	swait.ge [sflag:s30], $0x800  }
0xaa: {  	s19 =	simm.s32 $0x2;
	s22 =	simm.s32 $0x980;
	[sflag:s30] =	ssyncset.done $0x0  }
0xab: {  	s7 =	simm.s32 $0xB;
	s28 =	simm.s32 $0x2F00;
	[sflag:s30] =	ssyncadd.s32 $0xFFFFF800  }
0xac: {  	[spmem:s2] =	stream.indirect.scatter.add.f32 [tilespmem:s11], [sflag:$0xF], $0x10, s28, s17, $0xb8;
	[tilespmem:$0xC800] =	vst v63  }
0xad: {  	s6 =	simm.s32 $0x6;
	s29 =	simm.s32 $0x1;
	_ =	swait.ge [sflag:s18], $0x800  }
0xae: {  	s16 =	simm.s32 $0xC;
	s31 =	simm.s32 $0x4;
	[sflag:s18] =	ssyncset.done $0x0  }
0xaf: {  	s30 =	simm.s32 $0x3;
	s11 =	simm.s32 $0x9;
	[sflag:s18] =	ssyncadd.s32 $0xFFFFF800  }
.LBB2_4:
0xb0: {  	s25 =	simm.s32 $0x9800  }
0xb1: {  	[tilespmem:s25], [sflag:$0xA] =	stream.indirect.gather [hbm4b:s4+s17], $0x10, s22, s17, $0xb8;
	[tilespmem:$0xC800] =	vst v63  }
0xb2: {  	s22 =	smov.u32 s20  }
0xb3: {  	p0 =	sne.s32 s20, $0x7800;
	s20 =	sadd.s32 $0x1400, s20;
	_ =	swait.ge [sflag:s6], $0x800  }
0xb4: {  	s22 =	sshra.s32 s22, $0x2;
	[sflag:s6] =	ssyncset.done $0x0  }
0xb5: {  	s21 =	simm.s32 $0x7800;
	s24 =	sadd.s32 $0x2A80, s22;
	[sflag:s6] =	ssyncadd.s32 $0xFFFFF800  }
0xb6: {  	[spmem:s2] =	stream.indirect.scatter.add.f32 [tilespmem:s21], [sflag:$0x10], $0x10, s24, s17, $0xb8;
	[tilespmem:$0xC800] =	vst v63  }
0xb7: {  	_ =	swait.ge [sflag:s7], $0x800  }
0xb8: {  	[sflag:s7] =	ssyncset.done $0x0  }
0xb9: {  	s3 =	simm.s32 $0x5000;
	s24 =	sadd.s32 $0x500, s22;
	[sflag:s7] =	ssyncadd.s32 $0xFFFFF800  }
0xba: {  	[tilespmem:s3], [sflag:$0x1] =	stream.indirect.gather [hbm4b:s4+s17], $0x10, s24, s17, $0xb8;
	[tilespmem:$0xC800] =	vst v63  }
0xbb: {  	_ =	swait.ge [sflag:s8], $0x800  }
0xbc: {  	[sflag:s8] =	ssyncset.done $0x0  }
0xbd: {  	s18 =	simm.s32 $0x8000;
	s24 =	sadd.s32 $0x2B00, s22;
	[sflag:s8] =	ssyncadd.s32 $0xFFFFF800  }
0xbe: {  	[spmem:s2] =	stream.indirect.scatter.add.f32 [tilespmem:s18], [sflag:$0x11], $0x10, s24, s17, $0xb8;
	[tilespmem:$0xC800] =	vst v63  }
0xbf: {  	_ =	swait.ge [sflag:s16], $0x800  }
0xc0: {  	[sflag:s16] =	ssyncset.done $0x0  }
0xc1: {  	s26 =	simm.s32 $0x5800;
	s24 =	sadd.s32 $0x580, s22;
	[sflag:s16] =	ssyncadd.s32 $0xFFFFF800  }
0xc2: {  	[tilespmem:s26], [sflag:$0x2] =	stream.indirect.gather [hbm4b:s4+s17], $0x10, s24, s17, $0xb8;
	[tilespmem:$0xC800] =	vst v63  }
0xc3: {  	_ =	swait.ge [sflag:s9], $0x800  }
0xc4: {  	[sflag:s9] =	ssyncset.done $0x0  }
0xc5: {  	s14 =	simm.s32 $0x8800;
	s24 =	sadd.s32 $0x2B80, s22;
	[sflag:s9] =	ssyncadd.s32 $0xFFFFF800  }
0xc6: {  	[spmem:s2] =	stream.indirect.scatter.add.f32 [tilespmem:s14], [sflag:$0x12], $0x10, s24, s17, $0xb8;
	[tilespmem:$0xC800] =	vst v63  }
0xc7: {  	_ =	swait.ge [sflag:s10], $0x800  }
0xc8: {  	[sflag:s10] =	ssyncset.done $0x0  }
0xc9: {  	s23 =	simm.s32 $0x6000;
	s24 =	sadd.s32 $0x600, s22;
	[sflag:s10] =	ssyncadd.s32 $0xFFFFF800  }
0xca: {  	[tilespmem:s23], [sflag:$0x3] =	stream.indirect.gather [hbm4b:s4+s17], $0x10, s24, s17, $0xb8;
	[tilespmem:$0xC800] =	vst v63  }
0xcb: {  	_ =	swait.ge [sflag:s11], $0x800  }
0xcc: {  	[sflag:s11] =	ssyncset.done $0x0  }
0xcd: {  	s15 =	simm.s32 $0x9000;
	s24 =	sadd.s32 $0x2C00, s22;
	[sflag:s11] =	ssyncadd.s32 $0xFFFFF800  }
0xce: {  	[spmem:s2] =	stream.indirect.scatter.add.f32 [tilespmem:s15], [sflag:$0x13], $0x10, s24, s17, $0xb8;
	[tilespmem:$0xC800] =	vst v63  }
0xcf: {  	_ =	swait.ge [sflag:s12], $0x800  }
0xd0: {  	[sflag:s12] =	ssyncset.done $0x0  }
0xd1: {  	s1 =	simm.s32 $0x6800;
	s24 =	sadd.s32 $0x680, s22;
	[sflag:s12] =	ssyncadd.s32 $0xFFFFF800  }
0xd2: {  	[tilespmem:s1], [sflag:$0x4] =	stream.indirect.gather [hbm4b:s4+s17], $0x10, s24, s17, $0xb8;
	[tilespmem:$0xC800] =	vst v63  }
0xd3: {  	_ =	swait.ge [sflag:s13], $0x800  }
0xd4: {  	[sflag:s13] =	ssyncset.done $0x0  }
0xd5: {  	s24 =	sadd.s32 $0x2C80, s22;
	[sflag:s13] =	ssyncadd.s32 $0xFFFFF800  }
0xd6: {  	[spmem:s2] =	stream.indirect.scatter.add.f32 [tilespmem:s25], [sflag:$0x14], $0x10, s24, s17, $0xb8;
	[tilespmem:$0xC800] =	vst v63  }
0xd7: {  	_ =	swait.ge [sflag:s5], $0x800  }
0xd8: {  	[sflag:s5] =	ssyncset.done $0x0  }
0xd9: {  	s28 =	simm.s32 $0x7000;
	s24 =	sadd.s32 $0x700, s22;
	[sflag:s5] =	ssyncadd.s32 $0xFFFFF800  }
0xda: {  	[tilespmem:s28], [sflag:$0x5] =	stream.indirect.gather [hbm4b:s4+s17], $0x10, s24, s17, $0xb8;
	[tilespmem:$0xC800] =	vst v63  }
0xdb: {  	_ =	swait.ge [sflag:s29], $0x800  }
0xdc: {  	[sflag:s29] =	ssyncset.done $0x0  }
0xdd: {  	s24 =	sadd.s32 $0x2D00, s22;
	[sflag:s29] =	ssyncadd.s32 $0xFFFFF800  }
0xde: {  	[spmem:s2] =	stream.indirect.scatter.add.f32 [tilespmem:s3], [sflag:$0xB], $0x10, s24, s17, $0xb8;
	[tilespmem:$0xC800] =	vst v63  }
0xdf: {  	s3 =	simm.s32 $0x10  }
0xe0: {  	_ =	swait.ge [sflag:s3], $0x800  }
0xe1: {  	[sflag:s3] =	ssyncset.done $0x0  }
0xe2: {  	s25 =	simm.s32 $0x7800;
	s24 =	sadd.s32 $0x780, s22;
	[sflag:s3] =	ssyncadd.s32 $0xFFFFF800  }
0xe3: {  	[tilespmem:s21], [sflag:$0x6] =	stream.indirect.gather [hbm4b:s4+s17], $0x10, s24, s17, $0xb8;
	[tilespmem:$0xC800] =	vst v63  }
0xe4: {  	_ =	swait.ge [sflag:s19], $0x800  }
0xe5: {  	[sflag:s19] =	ssyncset.done $0x0  }
0xe6: {  	s24 =	sadd.s32 $0x2D80, s22;
	s21 =	simm.s32 $0x11;
	[sflag:s19] =	ssyncadd.s32 $0xFFFFF800  }
0xe7: {  	[spmem:s2] =	stream.indirect.scatter.add.f32 [tilespmem:s26], [sflag:$0xC], $0x10, s24, s17, $0xb8;
	[tilespmem:$0xC800] =	vst v63  }
0xe8: {  	_ =	swait.ge [sflag:s21], $0x800  }
0xe9: {  	[sflag:s21] =	ssyncset.done $0x0  }
0xea: {  	s24 =	sadd.s32 $0x800, s22;
	[sflag:s21] =	ssyncadd.s32 $0xFFFFF800;
	s21 =	simm.s32 $0x8000  }
0xeb: {  	[tilespmem:s18], [sflag:$0x7] =	stream.indirect.gather [hbm4b:s4+s17], $0x10, s24, s17, $0xb8;
	[tilespmem:$0xC800] =	vst v63  }
0xec: {  	_ =	swait.ge [sflag:s30], $0x800  }
0xed: {  	[sflag:s30] =	ssyncset.done $0x0  }
0xee: {  	s24 =	sadd.s32 $0x2E00, s22;
	s18 =	simm.s32 $0x12;
	[sflag:s30] =	ssyncadd.s32 $0xFFFFF800  }
0xef: {  	[spmem:s2] =	stream.indirect.scatter.add.f32 [tilespmem:s23], [sflag:$0xD], $0x10, s24, s17, $0xb8;
	[tilespmem:$0xC800] =	vst v63  }
0xf0: {  	_ =	swait.ge [sflag:s18], $0x800  }
0xf1: {  	[sflag:s18] =	ssyncset.done $0x0  }
0xf2: {  	s24 =	sadd.s32 $0x880, s22;
	[sflag:s18] =	ssyncadd.s32 $0xFFFFF800;
	s18 =	simm.s32 $0x8800  }
0xf3: {  	[tilespmem:s14], [sflag:$0x8] =	stream.indirect.gather [hbm4b:s4+s17], $0x10, s24, s17, $0xb8;
	[tilespmem:$0xC800] =	vst v63  }
0xf4: {  	_ =	swait.ge [sflag:s31], $0x800  }
0xf5: {  	[sflag:s31] =	ssyncset.done $0x0  }
0xf6: {  	s24 =	sadd.s32 $0x2E80, s22;
	[sflag:s31] =	ssyncadd.s32 $0xFFFFF800  }
0xf7: {  	[spmem:s2] =	stream.indirect.scatter.add.f32 [tilespmem:s1], [sflag:$0xE], $0x10, s24, s17, $0xb8;
	[tilespmem:$0xC800] =	vst v63  }
0xf8: {  	s1 =	simm.s32 $0x13  }
0xf9: {  	_ =	swait.ge [sflag:s1], $0x800  }
0xfa: {  	[sflag:s1] =	ssyncset.done $0x0  }
0xfb: {  	s24 =	sadd.s32 $0x900, s22;
	[sflag:s1] =	ssyncadd.s32 $0xFFFFF800;
	s1 =	simm.s32 $0x9000  }
0xfc: {  	[tilespmem:s15], [sflag:$0x9] =	stream.indirect.gather [hbm4b:s4+s17], $0x10, s24, s17, $0xb8;
	[tilespmem:$0xC800] =	vst v63  }
0xfd: {  	_ =	swait.ge [sflag:s0], $0x800  }
0xfe: {  	s14 =	simm.s32 $0x14;
	[sflag:s0] =	ssyncset.done $0x0  }
.Ltmp1:
0xff: {  	s24 =	sadd.s32 $0x2F00, s22;
	[sflag:s0] =	ssyncadd.s32 $0xFFFFF800;
	(pc) =	sbr.rel @p0 .LBB2_4-.Ltmp1, $4  }
0x100: {  	[spmem:s2] =	stream.indirect.scatter.add.f32 [tilespmem:s28], [sflag:$0xF], $0x10, s24, s17, $0xb8;
	[tilespmem:$0xC800] =	vst v63  }
0x101: {  	_ =	swait.ge [sflag:s14], $0x800  }
0x102: {  	[sflag:s14] =	ssyncset.done $0x0  }
0x103: {  	s22 =	sadd.s32 $0x980, s22;
	[sflag:s14] =	ssyncadd.s32 $0xFFFFF800  }
0x104: {  	s0 =	simm.s32 $0x9800  }
0x105: {  	[tilespmem:s0], [sflag:$0xA] =	stream.indirect.gather [hbm4b:s4+s17], $0x10, s22, s17, $0xb8;
	[tilespmem:$0xC800] =	vst v63  }
0x106: {  	_ =	swait.ge [sflag:s6], $0x800  }
0x107: {  	[sflag:s6] =	ssyncset.done $0x0  }
0x108: {  	s20 =	simm.s32 $0x4D80;
	[sflag:s6] =	ssyncadd.s32 $0xFFFFF800  }
0x109: {  	[spmem:s2] =	stream.indirect.scatter.add.f32 [tilespmem:s25], [sflag:$0x10], $0x10, s20, s17, $0xb8;
	[tilespmem:$0xC800] =	vst v63  }
0x10a: {  	_ =	swait.ge [sflag:s8], $0x800  }
0x10b: {  	[sflag:s8] =	ssyncset.done $0x0  }
0x10c: {  	[sflag:s8] =	ssyncadd.s32 $0xFFFFF800;
	s8 =	simm.s32 $0x4E00  }
0x10d: {  	[spmem:s2] =	stream.indirect.scatter.add.f32 [tilespmem:s21], [sflag:$0x11], $0x10, s8, s17, $0xb8;
	[tilespmem:$0xC800] =	vst v63  }
0x10e: {  	_ =	swait.ge [sflag:s9], $0x800  }
0x10f: {  	[sflag:s9] =	ssyncset.done $0x0  }
0x110: {  	s14 =	simm.s32 $0x4E80;
	[sflag:s9] =	ssyncadd.s32 $0xFFFFF800  }
0x111: {  	[spmem:s2] =	stream.indirect.scatter.add.f32 [tilespmem:s18], [sflag:$0x12], $0x10, s14, s17, $0xb8;
	[tilespmem:$0xC800] =	vst v63  }
0x112: {  	_ =	swait.ge [sflag:s11], $0x800  }
0x113: {  	[sflag:s11] =	ssyncset.done $0x0  }
0x114: {  	s15 =	simm.s32 $0x4F00;
	[sflag:s11] =	ssyncadd.s32 $0xFFFFF800  }
0x115: {  	[spmem:s2] =	stream.indirect.scatter.add.f32 [tilespmem:s1], [sflag:$0x13], $0x10, s15, s17, $0xb8;
	[tilespmem:$0xC800] =	vst v63  }
0x116: {  	_ =	swait.ge [sflag:s13], $0x800  }
0x117: {  	[sflag:s13] =	ssyncset.done $0x0  }
0x118: {  	s18 =	simm.s32 $0x4F80;
	[sflag:s13] =	ssyncadd.s32 $0xFFFFF800  }
0x119: {  	[spmem:s2] =	stream.indirect.scatter.add.f32 [tilespmem:s0], [sflag:$0x14], $0x10, s18, s17, $0xb8;
	[tilespmem:$0xC800] =	vst v63  }
0x11a: {  	_ =	swait.ge [sflag:s7], $0x800  }
0x11b: {  	[sflag:s7] =	ssyncset.done $0x0  }
0x11c: {  	[sflag:s7] =	ssyncadd.s32 $0xFFFFF800  }
0x11d: {  	_ =	swait.ge [sflag:s16], $0x800  }
0x11e: {  	[sflag:s16] =	ssyncset.done $0x0  }
0x11f: {  	[sflag:s16] =	ssyncadd.s32 $0xFFFFF800  }
0x120: {  	_ =	swait.ge [sflag:s10], $0x800  }
0x121: {  	[sflag:s10] =	ssyncset.done $0x0  }
0x122: {  	[sflag:s10] =	ssyncadd.s32 $0xFFFFF800  }
0x123: {  	_ =	swait.ge [sflag:s12], $0x800  }
0x124: {  	[sflag:s12] =	ssyncset.done $0x0  }
0x125: {  	[sflag:s12] =	ssyncadd.s32 $0xFFFFF800  }
0x126: {  	_ =	swait.ge [sflag:s5], $0x800  }
0x127: {  	[sflag:s5] =	ssyncset.done $0x0  }
0x128: {  	s19 =	simm.s32 $0x10;
	[sflag:s5] =	ssyncadd.s32 $0xFFFFF800  }
0x129: {  	_ =	swait.ge [sflag:s19], $0x800  }
0x12a: {  	[sflag:s19] =	ssyncset.done $0x0  }
0x12b: {  	s20 =	simm.s32 $0x11;
	[sflag:s19] =	ssyncadd.s32 $0xFFFFF800  }
0x12c: {  	_ =	swait.ge [sflag:s20], $0x800  }
0x12d: {  	[sflag:s20] =	ssyncset.done $0x0  }
0x12e: {  	s21 =	simm.s32 $0x12;
	[sflag:s20] =	ssyncadd.s32 $0xFFFFF800  }
0x12f: {  	_ =	swait.ge [sflag:s21], $0x800  }
0x130: {  	[sflag:s21] =	ssyncset.done $0x0  }
0x131: {  	s22 =	simm.s32 $0x13;
	[sflag:s21] =	ssyncadd.s32 $0xFFFFF800  }
0x132: {  	_ =	swait.ge [sflag:s22], $0x800  }
0x133: {  	[sflag:s22] =	ssyncset.done $0x0  }
0x134: {  	s23 =	simm.s32 $0x14;
	[sflag:s22] =	ssyncadd.s32 $0xFFFFF800  }
0x135: {  	_ =	swait.ge [sflag:s23], $0x800  }
0x136: {  	[sflag:s23] =	ssyncset.done $0x0  }
0x137: {  	s24 =	stileid.u32;
	[sflag:s23] =	ssyncadd.s32 $0xFFFFF800  }
0x138: {  	s28 =	simm.s32 $0x15;
	s29 =	simm.s32 $0x4;
	[bflag:$0x0] =	sbarrier.arrive $0xFFFF  }
0x139: {  	s30 =	simm.s32 $0x5;
	s20 =	sshll.u32 s24, $0x6;
	s23 =	rddreg [dreg:$0x5]  }
0x13a: {  	s20 =	sor.u32 $0x1C15, s20;
	s24 =	rddreg [dreg:$0x8];
	s25 =	sshrl.u32 s23, $0x3  }
0x13b: {  	[hbm:s24], [sflag:s20] =	dma.local [spmem:s25], $0x500  }
0x13c: {  	s3 =	simm.s32 $0x10;
	s6 =	simm.s32 $0xB;
	_ =	swait.ge [sflag:s28], $0x500  }
0x13d: {  	s8 =	simm.s32 $0xC;
	s9 =	simm.s32 $0x8;
	s26 =	rddreg [dreg:$0x4]  }
0x13e: {  	s14 =	simm.s32 $0x12;
	s31 =	rddreg [dreg:$0x9];
	s20 =	sadd.s32 $0x1, s26  }
0x13f: {  	s11 =	simm.s32 $0x9;
	s15 =	simm.s32 $0x11;
	p0 =	sne.s32 s20, s31  }
.Ltmp2:
0x140: {  	s13 =	simm.s32 $0xA;
	s0 =	simm.s32 $0x6;
	(pc) =	sbr.rel @p0 .LBB2_1-.Ltmp2, $4  }
0x141: {  	s18 =	simm.s32 $0x14;
	s7 =	simm.s32 $0x7;
	s16 =	simm.s32 $0x13  }
0x142: {  	s10 =	simm.s32 $0xD;
	s12 =	simm.s32 $0xE;
	s5 =	simm.s32 $0xF  }
0x143: {  	s19 =	simm.s32 $0x2;
	s21 =	simm.s32 $0x1;
	[sflag:s28] =	ssyncset.done $0x0  }
0x144: {  	s24 =	simm.s32 $0x5000;
	s25 =	simm.s32 $0x3;
	[sflag:s28] =	ssyncadd.s32 $0xFFFFFB00  }
0x145: {  	_ =	sfence.sel $0x180000  }
0x146: {  	[bflag:$0x0] =	sbarrier.arrive $0xFFFF  }
0x147: {  	_ =	strace $0x9000004A  }
0x148: {  	s0 =	stileid.u32;
	[bflag:$0x2] =	sbarrier.arrive $0xFFFF  }
0x149: {  	p0 =	sne.s32 s0, $0x0;
	s0 =	rddreg [dreg:$0x3]  }
0x14a: {  	s0 =	sadd.s32 @!p0 $0x100000, s0  }
0x14b: {  	[sflag:s0] =	ssyncadd.tile.s32 @!p0 $0x1;
	_ =	shalt  }
.Lfunc_end2:
_tile_overlayer_lowered:
.L_overlay_start_2:
0x14c: {  	(tag) =	ssettag $0x2  }
0x14d: {  	s0 =	rddreg [dreg:$0x0];
	s2 =	stileid.u32  }
0x14e: {  	s1 =	rddreg [dreg:$0x1];
	p0 =	sne.s32 s2, $0x0  }
0x14f: {  	s3 =	rddreg [dreg:$0x2];
	[bflag:$0x3] =	sbarrier.arrive $0xFFFF;
	s2 =	simm.s32 @!p0 $0x1C15  }
0x150: {  	[timem:s3], [sflag:s2] =	dma.local @!p0 [hbm:s0], s1  }
0x151: {  	s0 =	simm.s32 @!p0 $0x15  }
0x152: {  	_ =	swait.ge @!p0 [sflag:s0], s1  }
0x153: {  	s1 =	ssub.s32 @!p0 $0x0, s1;
	[sflag:s0] =	ssyncset.done @!p0 $0x0  }
0x154: {  	[sflag:s0] =	ssyncadd.s32 @!p0 s1  }
0x155: {  	[bflag:$0x3] =	sbarrier.arrive $0xFFFF  }
0x156: {  	_ =	shalt  }

// kernel: kernel.16.cloned.1.call-start
scs
__scs_entry_jumppad:
0x0: {  	(pc) =	sbr.rel $0x88, $3  }
0x1: {  	(tag) =	ssettag $0x0;
	lr =	simm.s32 $0x1  }
0x2: {  	[smem:$0x3F9B] =	sst lr;
	_ =	strace $0xD0000000  }
0x3: {  	_ = 	snop  }
0x4: {  	_ = 	snop  }
0x5: {  	_ = 	snop  }
0x6: {  	_ = 	snop  }
0x7: {  	_ = 	snop  }
__scs_overlays_trampoline_lowered:
0x8: {  	[smem:$0x3FAA] =	sst s0  }
0x9: {  	[smem:$0x3FAB] =	sst s1  }
0xa: {  	[smem:$0x3FAC] =	sst s2  }
0xb: {  	[smem:$0x3FAD] =	sst s3  }
0xc: {  	[smem:$0x3FAE] =	sst s4  }
0xd: {  	[smem:$0x3FAF] =	sst s5  }
0xe: {  	[smem:$0x3FB0] =	sst s6  }
0xf: {  	[smem:$0x3FB1] =	sst s7  }
0x10: {  	[smem:$0x3FB2] =	sst s8  }
0x11: {  	[smem:$0x3FB3] =	sst s9;
	s0 =	simm.s32 @!p0 $0x0  }
0x12: {  	s1 =	sld [smem:$0x3F99];
	s0 =	simm.s32 @p0 $0x1  }
0x13: {  	[smem:$0x3FB4] =	sst s0;
	s0 =	simm.s32 @!p1 $0x0  }
0x14: {  	s2 =	sld [smem:$0x3F98];
	s0 =	simm.s32 @p1 $0x1  }
0x15: {  	[smem:$0x3FB5] =	sst s0;
	s0 =	simm.s32 @!p2 $0x0  }
0x16: {  	s3 =	sld [smem:$0x3FDB];
	s0 =	simm.s32 @p2 $0x1  }
0x17: {  	s4 =	simm.s32 $0x1BF5;
	[smem:$0x3FB7] =	sst s0  }
0x18: {  	s0 =	sld [smem:$0x3F9A];
	_ =	swait.ge [sflag:s4], $0x0  }
0x19: {  	s7 =	sld [smem:$0x3F9B]  }
0x1a: {  	s8 =	sadd.s32 $0xFFFFE003, lr  }
0x1b: {  	s9 =	sadd.s32 $0xFFFFFEF7, lr;
	s5 =	simm.s32 $0xFFFFFFFF;
	p2 =	slt.u32 s8, $0xFFFFF086  }
0x1c: {  	p1 =	slt.u32 s9, $0xF7A;
	s5 =	simm.s32 @!p2 $0x0  }
0x1d: {  	s5 =	simm.s32 @p1 $0x1;
	p0 =	seq.s32 s7, s2  }
0x1e: {  	s7 =	smul.u32 @!p0 $0xF7A, s2;
	p2 =	seq.s32 @!p0 s5, $0x0  }
0x1f: {  	s9 =	smul.u32 $0xF7A, s1;
	s8 =	simm.s32 @!p0 $0x1BF5;
	p2 =	por !p2, p0  }
0x20: {  	[sflag:s8] =	ssyncset.s32 @!p0 $0xFFFFF086;
	s6 =	sadd.s32 @!p0 s3, s7;
	s7 =	simm.s32 @!p0 $0x108  }
0x21: {  	s3 =	sadd.s32 s3, s9;
	s6 =	sadd.s32 @!p0 $0x88, s6;
	s7 =	simm.s32 @p2 $0x1082  }
0x22: {  	[simem:s7], [sflag:s8] =	dma.local @!p0 [hbm:s6], $0xF7A  }
0x23: {  	s9 =	sor.u32 $0xD0000000, s2;
	s6 =	simm.s32 $0x108;
	_ =	swait.ge @!p0 [sflag:s8], $0x0  }
0x24: {  	s3 =	sadd.s32 $0x88, s3;
	s6 =	simm.s32 @!p1 $0x1082;
	[sflag:s4] =	ssyncset.s32 $0xFFFFF086  }
0x25: {  	[simem:s6], [sflag:s4] =	dma.local [hbm:s3], $0xF7A  }
0x26: {  	[smem:$0x3F9B] =	sst s1;
	(tag) =	ssettag s2;
	_ =	strace s9  }
0x27: {  	s1 =	sld [smem:$0x3FAB]  }
0x28: {  	s2 =	sld [smem:$0x3FAC]  }
0x29: {  	s4 =	sld [smem:$0x3FAE]  }
0x2a: {  	p0 =	seq.s32 s5, $0x0;
	s5 =	sld [smem:$0x3FAF]  }
0x2b: {  	s6 =	sld [smem:$0x3FB0]  }
0x2c: {  	s7 =	sld [smem:$0x3FB1]  }
0x2d: {  	s3 =	simm.s32 $0x108;
	s8 =	sld [smem:$0x3FB2]  }
0x2e: {  	s3 =	simm.s32 @!p0 $0x1082;
	s9 =	sld [smem:$0x3FB3]  }
0x2f: {  	lr =	sadd.s32 s0, s3;
	s0 =	sld [smem:$0x3FAA]  }
0x30: {  	s3 =	sld [smem:$0x3FAD]  }
0x31: {  	[smem:$0x3FB6] =	sst s10  }
0x32: {  	s10 =	sld [smem:$0x3FB4];
	_ =	sdelay $0x3  }
0x33: {  	p0 =	seq.s32 s10, $0x1;
	s10 =	sld [smem:$0x3FB6];
	_ =	sdelay $0x3  }
0x34: {  	[smem:$0x3FB6] =	sst s10  }
0x35: {  	s10 =	sld [smem:$0x3FB5];
	_ =	sdelay $0x3  }
0x36: {  	p1 =	seq.s32 s10, $0x1;
	s10 =	sld [smem:$0x3FB6];
	_ =	sdelay $0x3  }
0x37: {  	[smem:$0x3FB6] =	sst s10  }
0x38: {  	s10 =	sld [smem:$0x3FB7]  }
0x39: {  	_ = 	snop;
	(pc) =	sbr.ind lr, $3  }
0x3a: {  	_ = 	snop  }
0x3b: {  	_ = 	snop  }
0x3c: {  	p2 =	seq.s32 s10, $0x1;
	s10 =	sld [smem:$0x3FB6]  }
0x3d: {  	_ =	shalt  }
0x3e: {  	_ =	shalt  }
0x3f: {  	_ =	shalt  }
0x40: {  	_ =	shalt  }
0x41: {  	_ =	shalt  }
0x42: {  	_ =	shalt  }
0x43: {  	_ =	shalt  }
0x44: {  	_ =	shalt  }
0x45: {  	_ =	shalt  }
0x46: {  	_ =	shalt  }
0x47: {  	_ =	shalt  }
0x48: {  	_ =	shalt  }
0x49: {  	_ =	shalt  }
0x4a: {  	_ =	shalt  }
0x4b: {  	_ =	shalt  }
0x4c: {  	_ =	shalt  }
0x4d: {  	_ =	shalt  }
0x4e: {  	_ =	shalt  }
0x4f: {  	_ =	shalt  }
0x50: {  	_ =	shalt  }
0x51: {  	_ =	shalt  }
0x52: {  	_ =	shalt  }
0x53: {  	_ =	shalt  }
0x54: {  	_ =	shalt  }
0x55: {  	_ =	shalt  }
0x56: {  	_ =	shalt  }
0x57: {  	_ =	shalt  }
0x58: {  	_ =	shalt  }
0x59: {  	_ =	shalt  }
0x5a: {  	_ =	shalt  }
0x5b: {  	_ =	shalt  }
0x5c: {  	_ =	shalt  }
0x5d: {  	_ =	shalt  }
0x5e: {  	_ =	shalt  }
0x5f: {  	_ =	shalt  }
0x60: {  	_ =	shalt  }
0x61: {  	_ =	shalt  }
0x62: {  	_ =	shalt  }
0x63: {  	_ =	shalt  }
0x64: {  	_ =	shalt  }
0x65: {  	_ =	shalt  }
0x66: {  	_ =	shalt  }
0x67: {  	_ =	shalt  }
0x68: {  	_ =	shalt  }
0x69: {  	_ =	shalt  }
0x6a: {  	_ =	shalt  }
0x6b: {  	_ =	shalt  }
0x6c: {  	_ =	shalt  }
0x6d: {  	_ =	shalt  }
0x6e: {  	_ =	shalt  }
0x6f: {  	_ =	shalt  }
0x70: {  	_ =	shalt  }
0x71: {  	_ =	shalt  }
0x72: {  	_ =	shalt  }
0x73: {  	_ =	shalt  }
0x74: {  	_ =	shalt  }
0x75: {  	_ =	shalt  }
0x76: {  	_ =	shalt  }
0x77: {  	_ =	shalt  }
0x78: {  	_ =	shalt  }
0x79: {  	_ =	shalt  }
0x7a: {  	_ =	shalt  }
0x7b: {  	_ =	shalt  }
0x7c: {  	_ =	shalt  }
0x7d: {  	_ =	shalt  }
0x7e: {  	_ =	shalt  }
0x7f: {  	_ =	shalt  }
0x80: {  	_ =	shalt  }
0x81: {  	_ =	shalt  }
0x82: {  	_ =	shalt  }
0x83: {  	_ =	shalt  }
0x84: {  	_ =	shalt  }
0x85: {  	_ =	shalt  }
0x86: {  	_ =	shalt  }
0x87: {  	_ =	shalt  }
.Lfunc_end0:
.L_simem_size_0:
called_computation.2_lowered:
.L_overlay_start_0:
0x88: {  	s2 =	sld [smem:$0x3FD9]  }
0x89: {  	s3 =	sld [smem:$0x3FFE];
	_ =	sdelay $0x1  }
0x8a: {  	s1 =	srdreg.scid  }
0x8b: {  	s0 =	sand.u32 $0x1, s1  }
0x8c: {  	s17 =	sshll.u32 s0, $0xA;
	s2 =	sadd.s32 s3, s2  }
0x8d: {  	s2 =	sadd.s32 s2, s17  }
0x8e: {  	[smem:$0x3FC2] =	sst s2  }
0x8f: {  	_ = 	snop  }
0x90: {  	s2 =	sld [smem:$0x3FD0];
	(tm) =	ssettm $0x1  }
0x91: {  	s18 =	sld [smem:$0x3FFB];
	_ =	sdelay $0x3  }
0x92: {  	_ =	strace s18  }
0x93: {  	s3 =	sld [smem:$0x3FFC];
	_ =	sdelay $0x3  }
0x94: {  	_ =	strace s3  }
0x95: {  	s3 =	sld [smem:$0x3FFD];
	_ =	sdelay $0x3  }
0x96: {  	_ =	strace s3  }
0x97: {  	_ =	strace $0x8FFFFFFF  }
0x98: {  	s19 =	sld [smem:$0x3FDB];
	_ =	sdelay $0x1  }
0x99: {  	s4 =	simm.s32 $_scs_section_size  }
0x9a: {  	s5 =	simm.s32 $_size__tile_overlayer_lowered;
	s6 =	simm.s32 $_tile_overlayer_lowered  }
0x9b: {  	s22 =	simm.s32 $0x1BFF;
	s21 =	sshll.u32 s6, $0x1;
	s3 =	sadd.s32 s4, s19  }
0x9c: {  	s7 =	simm.s32 $0x0;
	s20 =	sshll.u32 s5, $0x1;
	s5 =	sadd.s32 s21, s3  }
0x9d: {  	[timem:s7], [sflag:s22] =	dma.local [hbm:s5], s20  }
0x9e: {  	_ =	swait.ge [sflag:s22], s20  }
0x9f: {  	s4 =	ssub.s32 $0x0, s20;
	[sflag:s22] =	ssyncset.done $0x0  }
0xa0: {  	[sflag:s22] =	ssyncadd.s32 s4;
	_ =	sdelay $0x1  }
0xa1: {  	s23 =	simm.s32 $0x1B8B  }
0xa2: {  	_ =	swait.ge [sflag:s23], $0x1  }
0xa3: {  	[sflag:s23] =	ssyncset.done $0x0  }
0xa4: {  	s25 =	simm.s32 $0x1B8E;
	s24 =	sld [smem:$0x3FFE];
	[sflag:s23] =	ssyncadd.s32 $0xFFFFFFFF  }
0xa5: {  	s26 =	simm.s32 $execute0_lowered;
	[smem:$0x3FD2] =	sst s25  }
0xa6: {  	s5 =	sshll.u32 s26, $0x1;
	_ =	strace $0x8000004C;
	[dreg:$0x1] =	wrdreg $0xFFFFFFFF  }
0xa7: {  	s28 =	simm.s32 $_size_execute0_lowered;
	s3 =	sadd.s32 s3, s5;
	[dreg:$0x0] =	wrdreg $0x0  }
0xa8: {  	s5 =	sshll.u32 s28, $0x1;
	[dreg:$0x2] =	wrdreg s3  }
0xa9: {  	[dreg:$0x3] =	wrdreg s5  }
0xaa: {  	[dreg:$0x4] =	wrdreg $0xC0  }
0xab: {  	_ =	task [dreg:s7], $0x5FFFF  }
0xac: {  	[dreg:$0x1] =	wrdreg $0xFFFFFFFF  }
0xad: {  	[dreg:$0x0] =	wrdreg $0x60  }
0xae: {  	[dreg:$0x2] =	wrdreg s24  }
0xaf: {  	[dreg:$0x3] =	wrdreg s2  }
0xb0: {  	[dreg:$0x4] =	wrdreg $0xA0000  }
0xb1: {  	[dreg:$0x5] =	wrdreg $0x9  }
0xb2: {  	_ =	task.clear_ibuf [dreg:s7], $0x6FFFF;
	_ =	strace $0x9000004C  }
0xb3: {  	s29 =	simm.s32 $0x9;
	_ =	strace $0x8000004E  }
0xb4: {  	_ =	swait.ge [sflag:s29], $0x1  }
0xb5: {  	[sflag:s29] =	ssyncadd.s32 $0xFFFFFFFF  }
0xb6: {  	_ =	strace $0x9000004E  }
0xb7: {  	_ =	sfence  }
0xb8: {  	s30 =	sld [smem:$0x0];
	_ =	sdelay $0x2  }
0xb9: {  	s31 =	sshll.u32 s1, $0xD;
	s1 =	sshrl.u32 s1, $0x2  }
0xba: {  	s3 =	sand.u32 $0x4000, s31;
	s1 =	sadd.s32 s1, s30  }
0xbb: {  	s0 =	sor.u32 s3, s0;
	s1 =	sshll.u32 s1, $0x11  }
0xbc: {  	s0 =	sor.u32 s1, s0  }
0xbd: {  	s0 =	sadd.s32 $0x8F2B, s0  }
0xbe: {  	[sflag:s0] =	ssyncadd.remote.s32 $0x1  }
0xbf: {  	_ =	sfence.sel $0xFFFF  }
0xc0: {  	[dreg:$0x0] =	wrdreg $0xFFFFFFFF;
	(pc) =	sbr.abs _section_cstart, $3  }
0xc1: {  	[dreg:$0x1] =	wrdreg $0xFFFFFFFF  }
0xc2: {  	_ =	task.clear_ibuf [dreg:s7], $0x2FFFF;
	_ =	strace $0x9FFFFFFF  }
0xc3: {  	(tm) =	ssettm $0x7FFFFFFF  }
tec
execute0_lowered:
.L_overlay_start_1:
0x0: {  	(tag) =	ssettag $0x1  }
0x1: {  	s0 =	srdreg.scid;
	s1 =	rddreg [dreg:$0x0]  }
0x2: {  	s8 =	stileid.u32;
	s3 =	rddreg [dreg:$0x1]  }
0x3: {  	s20 =	simm.s32 $0x0;
	s28 =	simm.s32 $0x15;
	s17 =	simm.s32 $0x80  }
0x4: {  	s29 =	simm.s32 $0x4;
	s30 =	simm.s32 $0x5;
	s10 =	simm.s32 $0xD  }
0x5: {  	s11 =	simm.s32 $0x9;
	s12 =	simm.s32 $0xE;
	s13 =	simm.s32 $0xA  }
0x6: {  	s15 =	simm.s32 $0x11;
	s14 =	simm.s32 $0x12;
	s16 =	simm.s32 $0x13  }
0x7: {  	s18 =	simm.s32 $0x14;
	s0 =	sand.u32 $0x1, s0;
	s7 =	smul.u32 $0x500, s8  }
0x8: {  	[smem:$0x7FF] =	sst s20;
	s2 =	sshll.u32 s0, $0x4;
	s6 =	smul.u32 $0x5000, s0  }
0x9: {  	s0 =	ssub.s32 $0x2, s0;
	s4 =	sor.u32 s8, s2;
	s2 =	rddreg [dreg:$0x2]  }
0xa: {  	_ =	strace $0x8000004D;
	s8 =	smul.u32 $0xA000, s8;
	s19 =	sshrl.u32 s0, $0x1  }
0xb: {  	s5 =	smul.u32 $0x500, s4;
	s4 =	sadd.s32 $0xD400, s1;
	s6 =	sadd.s32 s7, s6  }
0xc: {  	s0 =	ssub.s32 s0, s19;
	s19 =	simm.s32 $0x2;
	s7 =	simm.s32 $0x7  }
0xd: {  	s21 =	sshrl.u32 s8, $0x2;
	s0 =	smax.u32 s0, $0x1;
	s8 =	simm.s32 $0xC  }
0xe: {  	s9 =	sadd.s32 s5, s1;
	s3 =	sadd.s32 s3, s5;
	[dreg:$0x9] =	wrdreg s0  }
0xf: {  	s1 =	sadd.s32 s6, s1;
	s23 =	sadd.s32 s21, s2;
	[dreg:$0x7] =	wrdreg s3  }
0x10: {  	s21 =	simm.s32 $0x1;
	s22 =	sadd.s32 $0x3400, s9;
	[dreg:$0x5] =	wrdreg s23  }
0x11: {  	s0 =	simm.s32 $0x6;
	s1 =	sadd.s32 $0x12400, s1;
	[dreg:$0x6] =	wrdreg s22  }
0x12: {  	s6 =	simm.s32 $0xB;
	s24 =	sadd.s32 $0x800, s23;
	[dreg:$0x8] =	wrdreg s1  }
0x13: {  	s5 =	simm.s32 $0xF;
	s25 =	sadd.s32 $0x1000, s23;
	[dreg:$0xa] =	wrdreg s24  }
0x14: {  	s26 =	sadd.s32 $0x1800, s23;
	s31 =	sadd.s32 $0x2000, s23;
	[dreg:$0xb] =	wrdreg s25  }
0x15: {  	s9 =	simm.s32 $0x8;
	s3 =	simm.s32 $0x10;
	[dreg:$0xc] =	wrdreg s26  }
0x16: {  	v0 =	vimm.f32 $0.0e+00;
	[dreg:$0xd] =	wrdreg s31;
	s24 =	simm.s32 $0x5000;
	s25 =	simm.s32 $0x3  }
.LBB2_1:
0x17: {  	[dreg:$0x4] =	wrdreg s20;
	s20 =	simm.s32 $0x40;
	s22 =	simm.s32 $0x0  }
.LBB2_2:
0x18: {  	p0 =	sne.s32 s20, $0x1FC0;
	[tilespmem:s22+$0x5000] =	vst v0;
	s22 =	smov.u32 s20;
	s20 =	sadd.s32 $0x40, s20  }
.Ltmp0:
0x19: {  	(pc) =	sbr.rel @p0 .LBB2_2-.Ltmp0, $2  }
0x1a: {  	_ =	sdelay $0x2  }
0x1b: {  	s22 =	sshra.s32 s22, $0x2  }
0x1c: {  	[tilespmem:s22+$0x5000] =	vst v0  }
0x1d: {  	[spmem:s23] =	stream.linear.scatter [tilespmem:s24], [sflag:$0x15], $0x800, $0x38;
	[tilespmem:$0xC800] =	vst v63  }
0x1e: {  	_ =	swait.ge [sflag:s28], $0x800  }
0x1f: {  	[sflag:s28] =	ssyncset.done $0x0  }
0x20: {  	s20 =	rddreg [dreg:$0xa];
	[sflag:s28] =	ssyncadd.s32 $0xFFFFF800  }
0x21: {  	[spmem:s20] =	stream.linear.scatter [tilespmem:s24], [sflag:$0x15], $0x800, $0x38;
	[tilespmem:$0xC800] =	vst v63  }
0x22: {  	_ =	swait.ge [sflag:s28], $0x800  }
0x23: {  	[sflag:s28] =	ssyncset.done $0x0  }
0x24: {  	s22 =	rddreg [dreg:$0xb];
	[sflag:s28] =	ssyncadd.s32 $0xFFFFF800  }
0x25: {  	[spmem:s22] =	stream.linear.scatter [tilespmem:s24], [sflag:$0x15], $0x800, $0x38;
	[tilespmem:$0xC800] =	vst v63  }
0x26: {  	_ =	swait.ge [sflag:s28], $0x800  }
0x27: {  	[sflag:s28] =	ssyncset.done $0x0  }
0x28: {  	s23 =	rddreg [dreg:$0xc];
	[sflag:s28] =	ssyncadd.s32 $0xFFFFF800  }
0x29: {  	[spmem:s23] =	stream.linear.scatter [tilespmem:s24], [sflag:$0x15], $0x800, $0x38;
	[tilespmem:$0xC800] =	vst v63  }
0x2a: {  	_ =	swait.ge [sflag:s28], $0x800  }
0x2b: {  	[sflag:s28] =	ssyncset.done $0x0  }
0x2c: {  	s26 =	rddreg [dreg:$0xd];
	[sflag:s28] =	ssyncadd.s32 $0xFFFFF800  }
0x2d: {  	[spmem:s26] =	stream.linear.scatter [tilespmem:s24], [sflag:$0x15], $0x800, $0x38;
	[tilespmem:$0xC800] =	vst v63  }
0x2e: {  	_ =	swait.ge [sflag:s28], $0x800  }
0x2f: {  	[sflag:s28] =	ssyncset.done $0x0  }
0x30: {  	s1 =	simm.s32 $0x0;
	s23 =	rddreg [dreg:$0x6];
	[sflag:s28] =	ssyncadd.s32 $0xFFFFF800  }
0x31: {  	[tilespmem:s1], [sflag:$0x15] =	stream.linear.gather [hbm4b:s23+s1], $0x2800, $0x38;
	[tilespmem:$0xC800] =	vst v63  }
0x32: {  	_ =	swait.ge [sflag:s28], $0x2800  }
0x33: {  	[sflag:s28] =	ssyncset.done $0x0  }
0x34: {  	s23 =	simm.s32 $0x2800;
	s26 =	rddreg [dreg:$0x7];
	[sflag:s28] =	ssyncadd.s32 $0xFFFFD800  }
0x35: {  	[tilespmem:s23], [sflag:$0x15] =	stream.linear.gather [hbm4b:s26+s1], $0x2800, $0x38;
	[tilespmem:$0xC800] =	vst v63  }
0x36: {  	_ =	swait.ge [sflag:s28], $0x2800  }
0x37: {  	[sflag:s28] =	ssyncset.done $0x0  }
0x38: {  	[sflag:s28] =	ssyncadd.s32 $0xFFFFD800  }
0x39: {  	[bflag:$0x0] =	sbarrier.arrive $0xFFFF  }
0x3a: {  	[tilespmem:s24], [sflag:$0x1] =	stream.indirect.gather [hbm4b:s4+s17], $0x10, s1, s17, $0xb8;
	[tilespmem:$0xC800] =	vst v63  }
0x3b: {  	s22 =	simm.s32 $0x5800  }
0x3c: {  	[tilespmem:s22], [sflag:$0x2] =	stream.indirect.gather [hbm4b:s4+s17], $0x10, s17, s17, $0xb8;
	[tilespmem:$0xC800] =	vst v63  }
0x3d: {  	s26 =	simm.s32 $0x6000;
	s28 =	simm.s32 $0x100  }
0x3e: {  	[tilespmem:s26], [sflag:$0x3] =	stream.indirect.gather [hbm4b:s4+s17], $0x10, s28, s17, $0xb8;
	[tilespmem:$0xC800] =	vst v63  }
0x3f: {  	s1 =	simm.s32 $0x180;
	s28 =	simm.s32 $0x6800  }
0x40: {  	[tilespmem:s28], [sflag:$0x4] =	stream.indirect.gather [hbm4b:s4+s17], $0x10, s1, s17, $0xb8;
	[tilespmem:$0xC800] =	vst v63  }
0x41: {  	s20 =	simm.s32 $0x200;
	s1 =	simm.s32 $0x7000  }
0x42: {  	[tilespmem:s1], [sflag:$0x5] =	stream.indirect.gather [hbm4b:s4+s17], $0x10, s20, s17, $0xb8;
	[tilespmem:$0xC800] =	vst v63  }
0x43: {  	_ =	swait.ge [sflag:s21], $0x800  }
0x44: {  	[sflag:s21] =	ssyncset.done $0x0  }
0x45: {  	[sflag:s21] =	ssyncadd.s32 $0xFFFFF800  }
0x46: {  	[spmem:s2] =	stream.indirect.scatter.add.f32 [tilespmem:s24], [sflag:$0xB], $0x10, s23, s17, $0xb8;
	[tilespmem:$0xC800] =	vst v63  }
0x47: {  	s20 =	simm.s32 $0x280;
	s23 =	simm.s32 $0x7800  }
0x48: {  	[tilespmem:s23], [sflag:$0x6] =	stream.indirect.gather [hbm4b:s4+s17], $0x10, s20, s17, $0xb8;
	[tilespmem:$0xC800] =	vst v63  }
0x49: {  	_ =	swait.ge [sflag:s19], $0x800  }
0x4a: {  	[sflag:s19] =	ssyncset.done $0x0  }
0x4b: {  	s20 =	simm.s32 $0x2880;
	[sflag:s19] =	ssyncadd.s32 $0xFFFFF800  }
0x4c: {  	[spmem:s2] =	stream.indirect.scatter.add.f32 [tilespmem:s22], [sflag:$0xC], $0x10, s20, s17, $0xb8;
	[tilespmem:$0xC800] =	vst v63  }
0x4d: {  	s31 =	simm.s32 $0x8000;
	s20 =	simm.s32 $0x300  }
0x4e: {  	[tilespmem:s31], [sflag:$0x7] =	stream.indirect.gather [hbm4b:s4+s17], $0x10, s20, s17, $0xb8;
	[tilespmem:$0xC800] =	vst v63  }
0x4f: {  	_ =	swait.ge [sflag:s25], $0x800  }
0x50: {  	[sflag:s25] =	ssyncset.done $0x0  }
0x51: {  	s20 =	simm.s32 $0x2900;
	[sflag:s25] =	ssyncadd.s32 $0xFFFFF800  }
0x52: {  	[spmem:s2] =	stream.indirect.scatter.add.f32 [tilespmem:s26], [sflag:$0xD], $0x10, s20, s17, $0xb8;
	[tilespmem:$0xC800] =	vst v63  }
0x53: {  	s31 =	simm.s32 $0x8800;
	s20 =	simm.s32 $0x380  }
0x54: {  	[tilespmem:s31], [sflag:$0x8] =	stream.indirect.gather [hbm4b:s4+s17], $0x10, s20, s17, $0xb8;
	[tilespmem:$0xC800] =	vst v63  }
0x55: {  	_ =	swait.ge [sflag:s29], $0x800  }
0x56: {  	[sflag:s29] =	ssyncset.done $0x0  }
0x57: {  	s20 =	simm.s32 $0x2980;
	[sflag:s29] =	ssyncadd.s32 $0xFFFFF800  }
0x58: {  	[spmem:s2] =	stream.indirect.scatter.add.f32 [tilespmem:s28], [sflag:$0xE], $0x10, s20, s17, $0xb8;
	[tilespmem:$0xC800] =	vst v63  }
0x59: {  	s31 =	simm.s32 $0x9000;
	s20 =	simm.s32 $0x400  }
0x5a: {  	[tilespmem:s31], [sflag:$0x9] =	stream.indirect.gather [hbm4b:s4+s17], $0x10, s20, s17, $0xb8;
	[tilespmem:$0xC800] =	vst v63  }
0x5b: {  	_ =	swait.ge [sflag:s30], $0x800  }
0x5c: {  	[sflag:s30] =	ssyncset.done $0x0  }
0x5d: {  	s1 =	simm.s32 $0x7000;
	s20 =	simm.s32 $0x2A00;
	[sflag:s30] =	ssyncadd.s32 $0xFFFFF800  }
0x5e: {  	[spmem:s2] =	stream.indirect.scatter.add.f32 [tilespmem:s1], [sflag:$0xF], $0x10, s20, s17, $0xb8;
	[tilespmem:$0xC800] =	vst v63  }
0x5f: {  	s20 =	simm.s32 $0x480;
	s1 =	simm.s32 $0x9800  }
0x60: {  	[tilespmem:s1], [sflag:$0xA] =	stream.indirect.gather [hbm4b:s4+s17], $0x10, s20, s17, $0xb8;
	[tilespmem:$0xC800] =	vst v63  }
0x61: {  	_ =	swait.ge [sflag:s0], $0x800  }
0x62: {  	[sflag:s0] =	ssyncset.done $0x0  }
0x63: {  	[sflag:s0] =	ssyncadd.s32 $0xFFFFF800;
	s0 =	simm.s32 $0x2A80  }
0x64: {  	[spmem:s2] =	stream.indirect.scatter.add.f32 [tilespmem:s23], [sflag:$0x10], $0x10, s0, s17, $0xb8;
	[tilespmem:$0xC800] =	vst v63  }
0x65: {  	_ =	swait.ge [sflag:s6], $0x800  }
0x66: {  	[sflag:s6] =	ssyncset.done $0x0  }
0x67: {  	s0 =	simm.s32 $0x500;
	[sflag:s6] =	ssyncadd.s32 $0xFFFFF800  }
0x68: {  	[tilespmem:s24], [sflag:$0x1] =	stream.indirect.gather [hbm4b:s4+s17], $0x10, s0, s17, $0xb8;
	[tilespmem:$0xC800] =	vst v63  }
0x69: {  	_ =	swait.ge [sflag:s7], $0x800  }
0x6a: {  	[sflag:s7] =	ssyncset.done $0x0  }
0x6b: {  	s6 =	simm.s32 $0x2B00;
	[sflag:s7] =	ssyncadd.s32 $0xFFFFF800;
	s7 =	simm.s32 $0x8000  }
0x6c: {  	[spmem:s2] =	stream.indirect.scatter.add.f32 [tilespmem:s7], [sflag:$0x11], $0x10, s6, s17, $0xb8;
	[tilespmem:$0xC800] =	vst v63  }
0x6d: {  	_ =	swait.ge [sflag:s8], $0x800  }
0x6e: {  	[sflag:s8] =	ssyncset.done $0x0  }
0x6f: {  	s6 =	simm.s32 $0x580;
	[sflag:s8] =	ssyncadd.s32 $0xFFFFF800  }
0x70: {  	[tilespmem:s22], [sflag:$0x2] =	stream.indirect.gather [hbm4b:s4+s17], $0x10, s6, s17, $0xb8;
	[tilespmem:$0xC800] =	vst v63  }
0x71: {  	_ =	swait.ge [sflag:s9], $0x800  }
0x72: {  	[sflag:s9] =	ssyncset.done $0x0  }
0x73: {  	s8 =	simm.s32 $0x2B80;
	[sflag:s9] =	ssyncadd.s32 $0xFFFFF800;
	s9 =	simm.s32 $0x8800  }
0x74: {  	[spmem:s2] =	stream.indirect.scatter.add.f32 [tilespmem:s9], [sflag:$0x12], $0x10, s8, s17, $0xb8;
	[tilespmem:$0xC800] =	vst v63  }
0x75: {  	_ =	swait.ge [sflag:s10], $0x800  }
0x76: {  	[sflag:s10] =	ssyncset.done $0x0  }
0x77: {  	[sflag:s10] =	ssyncadd.s32 $0xFFFFF800;
	s10 =	simm.s32 $0x600  }
0x78: {  	[tilespmem:s26], [sflag:$0x3] =	stream.indirect.gather [hbm4b:s4+s17], $0x10, s10, s17, $0xb8;
	[tilespmem:$0xC800] =	vst v63  }
0x79: {  	_ =	swait.ge [sflag:s11], $0x800  }
0x7a: {  	[sflag:s11] =	ssyncset.done $0x0  }
0x7b: {  	s31 =	simm.s32 $0x9000;
	s0 =	simm.s32 $0x2C00;
	[sflag:s11] =	ssyncadd.s32 $0xFFFFF800  }
0x7c: {  	[spmem:s2] =	stream.indirect.scatter.add.f32 [tilespmem:s31], [sflag:$0x13], $0x10, s0, s17, $0xb8;
	[tilespmem:$0xC800] =	vst v63  }
0x7d: {  	_ =	swait.ge [sflag:s12], $0x800  }
0x7e: {  	[sflag:s12] =	ssyncset.done $0x0  }
0x7f: {  	s8 =	simm.s32 $0x680;
	[sflag:s12] =	ssyncadd.s32 $0xFFFFF800  }
0x80: {  	[tilespmem:s28], [sflag:$0x4] =	stream.indirect.gather [hbm4b:s4+s17], $0x10, s8, s17, $0xb8;
	[tilespmem:$0xC800] =	vst v63  }
0x81: {  	_ =	swait.ge [sflag:s13], $0x800  }
0x82: {  	[sflag:s13] =	ssyncset.done $0x0  }
0x83: {  	s9 =	simm.s32 $0x2C80;
	[sflag:s13] =	ssyncadd.s32 $0xFFFFF800  }
0x84: {  	[spmem:s2] =	stream.indirect.scatter.add.f32 [tilespmem:s1], [sflag:$0x14], $0x10, s9, s17, $0xb8;
	[tilespmem:$0xC800] =	vst v63  }
0x85: {  	_ =	swait.ge [sflag:s5], $0x800  }
0x86: {  	[sflag:s5] =	ssyncset.done $0x0  }
0x87: {  	s10 =	simm.s32 $0x700;
	s11 =	simm.s32 $0x7000;
	[sflag:s5] =	ssyncadd.s32 $0xFFFFF800  }
0x88: {  	[tilespmem:s11], [sflag:$0x5] =	stream.indirect.gather [hbm4b:s4+s17], $0x10, s10, s17, $0xb8;
	[tilespmem:$0xC800] =	vst v63  }
0x89: {  	_ =	swait.ge [sflag:s21], $0x800  }
0x8a: {  	[sflag:s21] =	ssyncset.done $0x0  }
0x8b: {  	s12 =	simm.s32 $0x2D00;
	[sflag:s21] =	ssyncadd.s32 $0xFFFFF800  }
0x8c: {  	[spmem:s2] =	stream.indirect.scatter.add.f32 [tilespmem:s24], [sflag:$0xB], $0x10, s12, s17, $0xb8;
	[tilespmem:$0xC800] =	vst v63  }
0x8d: {  	_ =	swait.ge [sflag:s3], $0x800  }
0x8e: {  	[sflag:s3] =	ssyncset.done $0x0  }
0x8f: {  	s13 =	simm.s32 $0x780;
	[sflag:s3] =	ssyncadd.s32 $0xFFFFF800  }
0x90: {  	[tilespmem:s23], [sflag:$0x6] =	stream.indirect.gather [hbm4b:s4+s17], $0x10, s13, s17, $0xb8;
	[tilespmem:$0xC800] =	vst v63  }
0x91: {  	_ =	swait.ge [sflag:s19], $0x800  }
0x92: {  	[sflag:s19] =	ssyncset.done $0x0  }
0x93: {  	s21 =	simm.s32 $0x2D80;
	[sflag:s19] =	ssyncadd.s32 $0xFFFFF800  }
0x94: {  	[spmem:s2] =	stream.indirect.scatter.add.f32 [tilespmem:s22], [sflag:$0xC], $0x10, s21, s17, $0xb8;
	[tilespmem:$0xC800] =	vst v63  }
0x95: {  	_ =	swait.ge [sflag:s15], $0x800  }
0x96: {  	[sflag:s15] =	ssyncset.done $0x0  }
0x97: {  	s7 =	simm.s32 $0x8000;
	s22 =	simm.s32 $0x800;
	[sflag:s15] =	ssyncadd.s32 $0xFFFFF800  }
0x98: {  	[tilespmem:s7], [sflag:$0x7] =	stream.indirect.gather [hbm4b:s4+s17], $0x10, s22, s17, $0xb8;
	[tilespmem:$0xC800] =	vst v63  }
0x99: {  	_ =	swait.ge [sflag:s25], $0x800  }
0x9a: {  	[sflag:s25] =	ssyncset.done $0x0  }
0x9b: {  	s23 =	simm.s32 $0x2E00;
	[sflag:s25] =	ssyncadd.s32 $0xFFFFF800  }
0x9c: {  	[spmem:s2] =	stream.indirect.scatter.add.f32 [tilespmem:s26], [sflag:$0xD], $0x10, s23, s17, $0xb8;
	[tilespmem:$0xC800] =	vst v63  }
0x9d: {  	_ =	swait.ge [sflag:s14], $0x800  }
0x9e: {  	[sflag:s14] =	ssyncset.done $0x0  }
0x9f: {  	s6 =	simm.s32 $0x8800;
	s24 =	simm.s32 $0x880;
	[sflag:s14] =	ssyncadd.s32 $0xFFFFF800  }
0xa0: {  	[tilespmem:s6], [sflag:$0x8] =	stream.indirect.gather [hbm4b:s4+s17], $0x10, s24, s17, $0xb8;
	[tilespmem:$0xC800] =	vst v63  }
0xa1: {  	_ =	swait.ge [sflag:s29], $0x800  }
0xa2: {  	[sflag:s29] =	ssyncset.done $0x0  }
0xa3: {  	s20 =	simm.s32 $0x1400;
	s25 =	simm.s32 $0x2E80;
	[sflag:s29] =	ssyncadd.s32 $0xFFFFF800  }
0xa4: {  	[spmem:s2] =	stream.indirect.scatter.add.f32 [tilespmem:s28], [sflag:$0xE], $0x10, s25, s17, $0xb8;
	[tilespmem:$0xC800] =	vst v63  }
0xa5: {  	s0 =	simm.s32 $0x5;
	s8 =	simm.s32 $0x7;
	_ =	swait.ge [sflag:s16], $0x800  }
0xa6: {  	s9 =	simm.s32 $0x8;
	s5 =	simm.s32 $0xF;
	[sflag:s16] =	ssyncset.done $0x0  }
0xa7: {  	s10 =	simm.s32 $0xD;
	s26 =	simm.s32 $0x900;
	[sflag:s16] =	ssyncadd.s32 $0xFFFFF800  }
0xa8: {  	[tilespmem:s31], [sflag:$0x9] =	stream.indirect.gather [hbm4b:s4+s17], $0x10, s26, s17, $0xb8;
	[tilespmem:$0xC800] =	vst v63  }
0xa9: {  	s12 =	simm.s32 $0xE;
	s13 =	simm.s32 $0xA;
	_ =	swait.ge [sflag:s30], $0x800  }
0xaa: {  	s19 =	simm.s32 $0x2;
	s22 =	simm.s32 $0x980;
	[sflag:s30] =	ssyncset.done $0x0  }
0xab: {  	s7 =	simm.s32 $0xB;
	s28 =	simm.s32 $0x2F00;
	[sflag:s30] =	ssyncadd.s32 $0xFFFFF800  }
0xac: {  	[spmem:s2] =	stream.indirect.scatter.add.f32 [tilespmem:s11], [sflag:$0xF], $0x10, s28, s17, $0xb8;
	[tilespmem:$0xC800] =	vst v63  }
0xad: {  	s6 =	simm.s32 $0x6;
	s29 =	simm.s32 $0x1;
	_ =	swait.ge [sflag:s18], $0x800  }
0xae: {  	s16 =	simm.s32 $0xC;
	s31 =	simm.s32 $0x4;
	[sflag:s18] =	ssyncset.done $0x0  }
0xaf: {  	s30 =	simm.s32 $0x3;
	s11 =	simm.s32 $0x9;
	[sflag:s18] =	ssyncadd.s32 $0xFFFFF800  }
.LBB2_4:
0xb0: {  	s25 =	simm.s32 $0x9800  }
0xb1: {  	[tilespmem:s25], [sflag:$0xA] =	stream.indirect.gather [hbm4b:s4+s17], $0x10, s22, s17, $0xb8;
	[tilespmem:$0xC800] =	vst v63  }
0xb2: {  	s22 =	smov.u32 s20  }
0xb3: {  	p0 =	sne.s32 s20, $0x7800;
	s20 =	sadd.s32 $0x1400, s20;
	_ =	swait.ge [sflag:s6], $0x800  }
0xb4: {  	s22 =	sshra.s32 s22, $0x2;
	[sflag:s6] =	ssyncset.done $0x0  }
0xb5: {  	s21 =	simm.s32 $0x7800;
	s24 =	sadd.s32 $0x2A80, s22;
	[sflag:s6] =	ssyncadd.s32 $0xFFFFF800  }
0xb6: {  	[spmem:s2] =	stream.indirect.scatter.add.f32 [tilespmem:s21], [sflag:$0x10], $0x10, s24, s17, $0xb8;
	[tilespmem:$0xC800] =	vst v63  }
0xb7: {  	_ =	swait.ge [sflag:s7], $0x800  }
0xb8: {  	[sflag:s7] =	ssyncset.done $0x0  }
0xb9: {  	s3 =	simm.s32 $0x5000;
	s24 =	sadd.s32 $0x500, s22;
	[sflag:s7] =	ssyncadd.s32 $0xFFFFF800  }
0xba: {  	[tilespmem:s3], [sflag:$0x1] =	stream.indirect.gather [hbm4b:s4+s17], $0x10, s24, s17, $0xb8;
	[tilespmem:$0xC800] =	vst v63  }
0xbb: {  	_ =	swait.ge [sflag:s8], $0x800  }
0xbc: {  	[sflag:s8] =	ssyncset.done $0x0  }
0xbd: {  	s18 =	simm.s32 $0x8000;
	s24 =	sadd.s32 $0x2B00, s22;
	[sflag:s8] =	ssyncadd.s32 $0xFFFFF800  }
0xbe: {  	[spmem:s2] =	stream.indirect.scatter.add.f32 [tilespmem:s18], [sflag:$0x11], $0x10, s24, s17, $0xb8;
	[tilespmem:$0xC800] =	vst v63  }
0xbf: {  	_ =	swait.ge [sflag:s16], $0x800  }
0xc0: {  	[sflag:s16] =	ssyncset.done $0x0  }
0xc1: {  	s26 =	simm.s32 $0x5800;
	s24 =	sadd.s32 $0x580, s22;
	[sflag:s16] =	ssyncadd.s32 $0xFFFFF800  }
0xc2: {  	[tilespmem:s26], [sflag:$0x2] =	stream.indirect.gather [hbm4b:s4+s17], $0x10, s24, s17, $0xb8;
	[tilespmem:$0xC800] =	vst v63  }
0xc3: {  	_ =	swait.ge [sflag:s9], $0x800  }
0xc4: {  	[sflag:s9] =	ssyncset.done $0x0  }
0xc5: {  	s14 =	simm.s32 $0x8800;
	s24 =	sadd.s32 $0x2B80, s22;
	[sflag:s9] =	ssyncadd.s32 $0xFFFFF800  }
0xc6: {  	[spmem:s2] =	stream.indirect.scatter.add.f32 [tilespmem:s14], [sflag:$0x12], $0x10, s24, s17, $0xb8;
	[tilespmem:$0xC800] =	vst v63  }
0xc7: {  	_ =	swait.ge [sflag:s10], $0x800  }
0xc8: {  	[sflag:s10] =	ssyncset.done $0x0  }
0xc9: {  	s23 =	simm.s32 $0x6000;
	s24 =	sadd.s32 $0x600, s22;
	[sflag:s10] =	ssyncadd.s32 $0xFFFFF800  }
0xca: {  	[tilespmem:s23], [sflag:$0x3] =	stream.indirect.gather [hbm4b:s4+s17], $0x10, s24, s17, $0xb8;
	[tilespmem:$0xC800] =	vst v63  }
0xcb: {  	_ =	swait.ge [sflag:s11], $0x800  }
0xcc: {  	[sflag:s11] =	ssyncset.done $0x0  }
0xcd: {  	s15 =	simm.s32 $0x9000;
	s24 =	sadd.s32 $0x2C00, s22;
	[sflag:s11] =	ssyncadd.s32 $0xFFFFF800  }
0xce: {  	[spmem:s2] =	stream.indirect.scatter.add.f32 [tilespmem:s15], [sflag:$0x13], $0x10, s24, s17, $0xb8;
	[tilespmem:$0xC800] =	vst v63  }
0xcf: {  	_ =	swait.ge [sflag:s12], $0x800  }
0xd0: {  	[sflag:s12] =	ssyncset.done $0x0  }
0xd1: {  	s1 =	simm.s32 $0x6800;
	s24 =	sadd.s32 $0x680, s22;
	[sflag:s12] =	ssyncadd.s32 $0xFFFFF800  }
0xd2: {  	[tilespmem:s1], [sflag:$0x4] =	stream.indirect.gather [hbm4b:s4+s17], $0x10, s24, s17, $0xb8;
	[tilespmem:$0xC800] =	vst v63  }
0xd3: {  	_ =	swait.ge [sflag:s13], $0x800  }
0xd4: {  	[sflag:s13] =	ssyncset.done $0x0  }
0xd5: {  	s24 =	sadd.s32 $0x2C80, s22;
	[sflag:s13] =	ssyncadd.s32 $0xFFFFF800  }
0xd6: {  	[spmem:s2] =	stream.indirect.scatter.add.f32 [tilespmem:s25], [sflag:$0x14], $0x10, s24, s17, $0xb8;
	[tilespmem:$0xC800] =	vst v63  }
0xd7: {  	_ =	swait.ge [sflag:s5], $0x800  }
0xd8: {  	[sflag:s5] =	ssyncset.done $0x0  }
0xd9: {  	s28 =	simm.s32 $0x7000;
	s24 =	sadd.s32 $0x700, s22;
	[sflag:s5] =	ssyncadd.s32 $0xFFFFF800  }
0xda: {  	[tilespmem:s28], [sflag:$0x5] =	stream.indirect.gather [hbm4b:s4+s17], $0x10, s24, s17, $0xb8;
	[tilespmem:$0xC800] =	vst v63  }
0xdb: {  	_ =	swait.ge [sflag:s29], $0x800  }
0xdc: {  	[sflag:s29] =	ssyncset.done $0x0  }
0xdd: {  	s24 =	sadd.s32 $0x2D00, s22;
	[sflag:s29] =	ssyncadd.s32 $0xFFFFF800  }
0xde: {  	[spmem:s2] =	stream.indirect.scatter.add.f32 [tilespmem:s3], [sflag:$0xB], $0x10, s24, s17, $0xb8;
	[tilespmem:$0xC800] =	vst v63  }
0xdf: {  	s3 =	simm.s32 $0x10  }
0xe0: {  	_ =	swait.ge [sflag:s3], $0x800  }
0xe1: {  	[sflag:s3] =	ssyncset.done $0x0  }
0xe2: {  	s25 =	simm.s32 $0x7800;
	s24 =	sadd.s32 $0x780, s22;
	[sflag:s3] =	ssyncadd.s32 $0xFFFFF800  }
0xe3: {  	[tilespmem:s21], [sflag:$0x6] =	stream.indirect.gather [hbm4b:s4+s17], $0x10, s24, s17, $0xb8;
	[tilespmem:$0xC800] =	vst v63  }
0xe4: {  	_ =	swait.ge [sflag:s19], $0x800  }
0xe5: {  	[sflag:s19] =	ssyncset.done $0x0  }
0xe6: {  	s24 =	sadd.s32 $0x2D80, s22;
	s21 =	simm.s32 $0x11;
	[sflag:s19] =	ssyncadd.s32 $0xFFFFF800  }
0xe7: {  	[spmem:s2] =	stream.indirect.scatter.add.f32 [tilespmem:s26], [sflag:$0xC], $0x10, s24, s17, $0xb8;
	[tilespmem:$0xC800] =	vst v63  }
0xe8: {  	_ =	swait.ge [sflag:s21], $0x800  }
0xe9: {  	[sflag:s21] =	ssyncset.done $0x0  }
0xea: {  	s24 =	sadd.s32 $0x800, s22;
	[sflag:s21] =	ssyncadd.s32 $0xFFFFF800;
	s21 =	simm.s32 $0x8000  }
0xeb: {  	[tilespmem:s18], [sflag:$0x7] =	stream.indirect.gather [hbm4b:s4+s17], $0x10, s24, s17, $0xb8;
	[tilespmem:$0xC800] =	vst v63  }
0xec: {  	_ =	swait.ge [sflag:s30], $0x800  }
0xed: {  	[sflag:s30] =	ssyncset.done $0x0  }
0xee: {  	s24 =	sadd.s32 $0x2E00, s22;
	s18 =	simm.s32 $0x12;
	[sflag:s30] =	ssyncadd.s32 $0xFFFFF800  }
0xef: {  	[spmem:s2] =	stream.indirect.scatter.add.f32 [tilespmem:s23], [sflag:$0xD], $0x10, s24, s17, $0xb8;
	[tilespmem:$0xC800] =	vst v63  }
0xf0: {  	_ =	swait.ge [sflag:s18], $0x800  }
0xf1: {  	[sflag:s18] =	ssyncset.done $0x0  }
0xf2: {  	s24 =	sadd.s32 $0x880, s22;
	[sflag:s18] =	ssyncadd.s32 $0xFFFFF800;
	s18 =	simm.s32 $0x8800  }
0xf3: {  	[tilespmem:s14], [sflag:$0x8] =	stream.indirect.gather [hbm4b:s4+s17], $0x10, s24, s17, $0xb8;
	[tilespmem:$0xC800] =	vst v63  }
0xf4: {  	_ =	swait.ge [sflag:s31], $0x800  }
0xf5: {  	[sflag:s31] =	ssyncset.done $0x0  }
0xf6: {  	s24 =	sadd.s32 $0x2E80, s22;
	[sflag:s31] =	ssyncadd.s32 $0xFFFFF800  }
0xf7: {  	[spmem:s2] =	stream.indirect.scatter.add.f32 [tilespmem:s1], [sflag:$0xE], $0x10, s24, s17, $0xb8;
	[tilespmem:$0xC800] =	vst v63  }
0xf8: {  	s1 =	simm.s32 $0x13  }
0xf9: {  	_ =	swait.ge [sflag:s1], $0x800  }
0xfa: {  	[sflag:s1] =	ssyncset.done $0x0  }
0xfb: {  	s24 =	sadd.s32 $0x900, s22;
	[sflag:s1] =	ssyncadd.s32 $0xFFFFF800;
	s1 =	simm.s32 $0x9000  }
0xfc: {  	[tilespmem:s15], [sflag:$0x9] =	stream.indirect.gather [hbm4b:s4+s17], $0x10, s24, s17, $0xb8;
	[tilespmem:$0xC800] =	vst v63  }
0xfd: {  	_ =	swait.ge [sflag:s0], $0x800  }
0xfe: {  	s14 =	simm.s32 $0x14;
	[sflag:s0] =	ssyncset.done $0x0  }
.Ltmp1:
0xff: {  	s24 =	sadd.s32 $0x2F00, s22;
	[sflag:s0] =	ssyncadd.s32 $0xFFFFF800;
	(pc) =	sbr.rel @p0 .LBB2_4-.Ltmp1, $4  }
0x100: {  	[spmem:s2] =	stream.indirect.scatter.add.f32 [tilespmem:s28], [sflag:$0xF], $0x10, s24, s17, $0xb8;
	[tilespmem:$0xC800] =	vst v63  }
0x101: {  	_ =	swait.ge [sflag:s14], $0x800  }
0x102: {  	[sflag:s14] =	ssyncset.done $0x0  }
0x103: {  	s22 =	sadd.s32 $0x980, s22;
	[sflag:s14] =	ssyncadd.s32 $0xFFFFF800  }
0x104: {  	s0 =	simm.s32 $0x9800  }
0x105: {  	[tilespmem:s0], [sflag:$0xA] =	stream.indirect.gather [hbm4b:s4+s17], $0x10, s22, s17, $0xb8;
	[tilespmem:$0xC800] =	vst v63  }
0x106: {  	_ =	swait.ge [sflag:s6], $0x800  }
0x107: {  	[sflag:s6] =	ssyncset.done $0x0  }
0x108: {  	s20 =	simm.s32 $0x4D80;
	[sflag:s6] =	ssyncadd.s32 $0xFFFFF800  }
0x109: {  	[spmem:s2] =	stream.indirect.scatter.add.f32 [tilespmem:s25], [sflag:$0x10], $0x10, s20, s17, $0xb8;
	[tilespmem:$0xC800] =	vst v63  }
0x10a: {  	_ =	swait.ge [sflag:s8], $0x800  }
0x10b: {  	[sflag:s8] =	ssyncset.done $0x0  }
0x10c: {  	[sflag:s8] =	ssyncadd.s32 $0xFFFFF800;
	s8 =	simm.s32 $0x4E00  }
0x10d: {  	[spmem:s2] =	stream.indirect.scatter.add.f32 [tilespmem:s21], [sflag:$0x11], $0x10, s8, s17, $0xb8;
	[tilespmem:$0xC800] =	vst v63  }
0x10e: {  	_ =	swait.ge [sflag:s9], $0x800  }
0x10f: {  	[sflag:s9] =	ssyncset.done $0x0  }
0x110: {  	s14 =	simm.s32 $0x4E80;
	[sflag:s9] =	ssyncadd.s32 $0xFFFFF800  }
0x111: {  	[spmem:s2] =	stream.indirect.scatter.add.f32 [tilespmem:s18], [sflag:$0x12], $0x10, s14, s17, $0xb8;
	[tilespmem:$0xC800] =	vst v63  }
0x112: {  	_ =	swait.ge [sflag:s11], $0x800  }
0x113: {  	[sflag:s11] =	ssyncset.done $0x0  }
0x114: {  	s15 =	simm.s32 $0x4F00;
	[sflag:s11] =	ssyncadd.s32 $0xFFFFF800  }
0x115: {  	[spmem:s2] =	stream.indirect.scatter.add.f32 [tilespmem:s1], [sflag:$0x13], $0x10, s15, s17, $0xb8;
	[tilespmem:$0xC800] =	vst v63  }
0x116: {  	_ =	swait.ge [sflag:s13], $0x800  }
0x117: {  	[sflag:s13] =	ssyncset.done $0x0  }
0x118: {  	s18 =	simm.s32 $0x4F80;
	[sflag:s13] =	ssyncadd.s32 $0xFFFFF800  }
0x119: {  	[spmem:s2] =	stream.indirect.scatter.add.f32 [tilespmem:s0], [sflag:$0x14], $0x10, s18, s17, $0xb8;
	[tilespmem:$0xC800] =	vst v63  }
0x11a: {  	_ =	swait.ge [sflag:s7], $0x800  }
0x11b: {  	[sflag:s7] =	ssyncset.done $0x0  }
0x11c: {  	[sflag:s7] =	ssyncadd.s32 $0xFFFFF800  }
0x11d: {  	_ =	swait.ge [sflag:s16], $0x800  }
0x11e: {  	[sflag:s16] =	ssyncset.done $0x0  }
0x11f: {  	[sflag:s16] =	ssyncadd.s32 $0xFFFFF800  }
0x120: {  	_ =	swait.ge [sflag:s10], $0x800  }
0x121: {  	[sflag:s10] =	ssyncset.done $0x0  }
0x122: {  	[sflag:s10] =	ssyncadd.s32 $0xFFFFF800  }
0x123: {  	_ =	swait.ge [sflag:s12], $0x800  }
0x124: {  	[sflag:s12] =	ssyncset.done $0x0  }
0x125: {  	[sflag:s12] =	ssyncadd.s32 $0xFFFFF800  }
0x126: {  	_ =	swait.ge [sflag:s5], $0x800  }
0x127: {  	[sflag:s5] =	ssyncset.done $0x0  }
0x128: {  	s19 =	simm.s32 $0x10;
	[sflag:s5] =	ssyncadd.s32 $0xFFFFF800  }
0x129: {  	_ =	swait.ge [sflag:s19], $0x800  }
0x12a: {  	[sflag:s19] =	ssyncset.done $0x0  }
0x12b: {  	s20 =	simm.s32 $0x11;
	[sflag:s19] =	ssyncadd.s32 $0xFFFFF800  }
0x12c: {  	_ =	swait.ge [sflag:s20], $0x800  }
0x12d: {  	[sflag:s20] =	ssyncset.done $0x0  }
0x12e: {  	s21 =	simm.s32 $0x12;
	[sflag:s20] =	ssyncadd.s32 $0xFFFFF800  }
0x12f: {  	_ =	swait.ge [sflag:s21], $0x800  }
0x130: {  	[sflag:s21] =	ssyncset.done $0x0  }
0x131: {  	s22 =	simm.s32 $0x13;
	[sflag:s21] =	ssyncadd.s32 $0xFFFFF800  }
0x132: {  	_ =	swait.ge [sflag:s22], $0x800  }
0x133: {  	[sflag:s22] =	ssyncset.done $0x0  }
0x134: {  	s23 =	simm.s32 $0x14;
	[sflag:s22] =	ssyncadd.s32 $0xFFFFF800  }
0x135: {  	_ =	swait.ge [sflag:s23], $0x800  }
0x136: {  	[sflag:s23] =	ssyncset.done $0x0  }
0x137: {  	s24 =	stileid.u32;
	[sflag:s23] =	ssyncadd.s32 $0xFFFFF800  }
0x138: {  	s28 =	simm.s32 $0x15;
	s29 =	simm.s32 $0x4;
	[bflag:$0x0] =	sbarrier.arrive $0xFFFF  }
0x139: {  	s30 =	simm.s32 $0x5;
	s20 =	sshll.u32 s24, $0x6;
	s23 =	rddreg [dreg:$0x5]  }
0x13a: {  	s20 =	sor.u32 $0x1C15, s20;
	s24 =	rddreg [dreg:$0x8];
	s25 =	sshrl.u32 s23, $0x3  }
0x13b: {  	[hbm:s24], [sflag:s20] =	dma.local [spmem:s25], $0x500  }
0x13c: {  	s3 =	simm.s32 $0x10;
	s6 =	simm.s32 $0xB;
	_ =	swait.ge [sflag:s28], $0x500  }
0x13d: {  	s8 =	simm.s32 $0xC;
	s9 =	simm.s32 $0x8;
	s26 =	rddreg [dreg:$0x4]  }
0x13e: {  	s14 =	simm.s32 $0x12;
	s31 =	rddreg [dreg:$0x9];
	s20 =	sadd.s32 $0x1, s26  }
0x13f: {  	s11 =	simm.s32 $0x9;
	s15 =	simm.s32 $0x11;
	p0 =	sne.s32 s20, s31  }
.Ltmp2:
0x140: {  	s13 =	simm.s32 $0xA;
	s0 =	simm.s32 $0x6;
	(pc) =	sbr.rel @p0 .LBB2_1-.Ltmp2, $4  }
0x141: {  	s18 =	simm.s32 $0x14;
	s7 =	simm.s32 $0x7;
	s16 =	simm.s32 $0x13  }
0x142: {  	s10 =	simm.s32 $0xD;
	s12 =	simm.s32 $0xE;
	s5 =	simm.s32 $0xF  }
0x143: {  	s19 =	simm.s32 $0x2;
	s21 =	simm.s32 $0x1;
	[sflag:s28] =	ssyncset.done $0x0  }
0x144: {  	s24 =	simm.s32 $0x5000;
	s25 =	simm.s32 $0x3;
	[sflag:s28] =	ssyncadd.s32 $0xFFFFFB00  }
0x145: {  	_ =	sfence.sel $0x180000  }
0x146: {  	[bflag:$0x0] =	sbarrier.arrive $0xFFFF  }
0x147: {  	_ =	strace $0x9000004D  }
0x148: {  	s0 =	stileid.u32;
	[bflag:$0x2] =	sbarrier.arrive $0xFFFF  }
0x149: {  	p0 =	sne.s32 s0, $0x0;
	s0 =	rddreg [dreg:$0x3]  }
0x14a: {  	s0 =	sadd.s32 @!p0 $0x100000, s0  }
0x14b: {  	[sflag:s0] =	ssyncadd.tile.s32 @!p0 $0x1;
	_ =	shalt  }
.Lfunc_end2:
_tile_overlayer_lowered:
.L_overlay_start_2:
0x14c: {  	(tag) =	ssettag $0x2  }
0x14d: {  	s0 =	rddreg [dreg:$0x0];
	s2 =	stileid.u32  }
0x14e: {  	s1 =	rddreg [dreg:$0x1];
	p0 =	sne.s32 s2, $0x0  }
0x14f: {  	s3 =	rddreg [dreg:$0x2];
	[bflag:$0x3] =	sbarrier.arrive $0xFFFF;
	s2 =	simm.s32 @!p0 $0x1C15  }
0x150: {  	[timem:s3], [sflag:s2] =	dma.local @!p0 [hbm:s0], s1  }
0x151: {  	s0 =	simm.s32 @!p0 $0x15  }
0x152: {  	_ =	swait.ge @!p0 [sflag:s0], s1  }
0x153: {  	s1 =	ssub.s32 @!p0 $0x0, s1;
	[sflag:s0] =	ssyncset.done @!p0 $0x0  }
0x154: {  	[sflag:s0] =	ssyncadd.s32 @!p0 s1  }
0x155: {  	[bflag:$0x3] =	sbarrier.arrive $0xFFFF  }
0x156: {  	_ =	shalt  }

</sc_bundles>
